<compile_context>
chip_gen: v7x
topology: tpu7x:2x2x1
jax: 0.10.2.dev20260603
libtpu: 0.0.44.dev20260713+nightly
codegen_flags: <defaults>
</compile_context>

<pallas_src>
import functools

import jax
import jax.numpy as jnp
from jax import lax
from jax.experimental import pallas as pl
from jax.experimental.pallas import tpu as pltpu
from jax.experimental.pallas import tpu_sc as plsc

def _b16(x):
    u = plsc.bitcast(x, jnp.int32)
    lsb = jax.lax.shift_right_logical(u, 16) & 1
    r = (u + (32767 + lsb)) & jnp.int32(-65536)
    return plsc.bitcast(r, jnp.float32)


NC = 2
NS = 16
LANES = 16
ROW_W = 8
CHUNK_ROWS = 16


@functools.lru_cache(maxsize=None)
def _make_kernel(n_rows: int):
    n_workers = NC * NS
    assert n_rows % CHUNK_ROWS == 0
    n_chunks = n_rows // CHUNK_ROWS
    ent = CHUNK_ROWS * 128
    steps = ent // (2 * LANES)
    max_mine = n_chunks // n_workers + (1 if n_chunks % n_workers else 0)
    n_it = (max_mine + 1) // 2

    mesh = plsc.VectorSubcoreMesh(core_axis_name="c", subcore_axis_name="s")

    @functools.partial(
        pl.kernel,
        out_type=jax.ShapeDtypeStruct((2 * 8,), jnp.float32),
        mesh=mesh,
        compiler_params=pltpu.CompilerParams(
            needs_layout_passes=False, use_tc_tiling_on_sc=False
        ),
        scratch_types=[
            pltpu.VMEM((2 * ent,), jnp.int32),
            pltpu.VMEM((2 * ent, ROW_W), jnp.float32),
            pltpu.VMEM((32,), jnp.float32),
            pltpu.VMEM((LANES,), jnp.float32),
            pltpu.VMEM_SHARED((NS * LANES,), jnp.float32),
            pltpu.VMEM((NS * LANES,), jnp.float32),
            pltpu.SemaphoreType.DMA,
            pltpu.SemaphoreType.DMA,
            pltpu.SemaphoreType.DMA,
            pltpu.SemaphoreType.DMA,
        ],
    )
    def lj(table, prows, params, out, idxv, rowsv, pv, accv, shared, redv,
           isem0, isem1, gsem0, gsem1):
        cid = lax.axis_index("c")
        sid = lax.axis_index("s")
        wid = sid * NC + cid
        isem = (isem0, isem1)
        gsem = (gsem0, gsem1)

        pltpu.sync_copy(params, pv)
        pva = pv[pl.ds(0, LANES)]
        pvb = pv[pl.ds(LANES, LANES)]
        bi = [pva[i] for i in range(9)]
        bx = [pva[9 + i] for i in range(7)] + [pvb[0], pvb[1]]
        c2 = pvb[2]

        iota = lax.iota(jnp.int32, LANES)

        n_mine = n_chunks // n_workers + jnp.where(
            wid < n_chunks % n_workers, 1, 0
        )

        def fire_idx(t, slot):
            @pl.when(t < n_mine)
            def _():
                g = wid + t * n_workers
                pltpu.async_copy(
                    prows.at[pl.ds(g * ent, ent)],
                    idxv.at[pl.ds(slot * ent, ent)],
                    isem[slot],
                )

        def fire_gath(t, slot):
            @pl.when(t < n_mine)
            def _():
                pltpu.make_async_copy(
                    prows.at[pl.ds(0, ent)],
                    idxv.at[pl.ds(slot * ent, ent)],
                    isem[slot],
                ).wait()
                for k in range(CHUNK_ROWS):
                    pltpu.async_copy(
                        table.at[idxv.at[pl.ds(slot * ent + k * 128, 128)]],
                        rowsv.at[pl.ds(slot * ent + k * 128, 128)],
                        gsem[slot],
                    )

        def wait_gath(t, slot):
            @pl.when(t < n_mine)
            def _():
                pltpu.make_async_copy(
                    table.at[pl.ds(0, ent)],
                    rowsv.at[pl.ds(slot * ent, ent)],
                    gsem[slot],
                ).wait()

        def compute(slot):
            base = slot * ent

            def block(m, accs):
                base_b = base + m * 256
                a0, a1 = accs
                for u in range(0, 8, 2):
                    a0 = step(base_b + u * LANES, a0)
                    a1 = step(base_b + (u + 1) * LANES, a1)
                return (a0, a1)

            def step(b0, a):
                ri = iota + b0
                rj = ri + 128
                c0 = jnp.zeros((LANES,), jnp.int32)
                xi = plsc.load_gather(rowsv, [ri, c0])
                yi = plsc.load_gather(rowsv, [ri, c0 + 1])
                zi = plsc.load_gather(rowsv, [ri, c0 + 2])
                si = plsc.load_gather(rowsv, [ri, c0 + 3])
                ei = plsc.load_gather(rowsv, [ri, c0 + 4])
                xj = plsc.load_gather(rowsv, [rj, c0])
                yj = plsc.load_gather(rowsv, [rj, c0 + 1])
                zj = plsc.load_gather(rowsv, [rj, c0 + 2])
                sj = plsc.load_gather(rowsv, [rj, c0 + 3])
                ej = plsc.load_gather(rowsv, [rj, c0 + 4])

                dx = _b16(xi - xj)
                dy = _b16(yi - yj)
                dz = _b16(zi - zj)
                d0 = dx * bi[0] + dy * bi[3] + dz * bi[6]
                d1 = dx * bi[1] + dy * bi[4] + dz * bi[7]
                d2 = dx * bi[2] + dy * bi[5] + dz * bi[8]

                def wrap(v):
                    y = v + 0.5
                    tf = y.astype(jnp.int32).astype(jnp.float32)
                    fl = tf - jnp.where(y < tf, 1.0, 0.0)
                    return v - fl

                w0 = _b16(wrap(d0))
                w1 = _b16(wrap(d1))
                w2 = _b16(wrap(d2))
                rx = w0 * bx[0] + w1 * bx[3] + w2 * bx[6]
                ry = w0 * bx[1] + w1 * bx[4] + w2 * bx[7]
                rz = w0 * bx[2] + w1 * bx[5] + w2 * bx[8]
                r2 = rx * rx + ry * ry + rz * rz

                sij = si + sj
                eij = ei * ej
                tq = (sij * sij) / r2
                t3 = tq * tq * tq
                ene = eij * t3 * (t3 - 1.0)
                return a + jnp.where(r2 <= c2, ene, 0.0)

            z = jnp.zeros((LANES,), jnp.float32)
            a0, a1 = lax.fori_loop(0, steps // 8, block, (z, z))
            return a0 + a1

        zero16 = jnp.zeros((LANES,), jnp.float32)

        fire_idx(jnp.int32(0), 0)
        fire_gath(jnp.int32(0), 0)
        fire_idx(jnp.int32(1), 1)

        def body(i, acc):
            t0 = 2 * i
            t1 = t0 + 1
            fire_gath(t1, 1)
            wait_gath(t0, 0)
            fire_idx(t0 + 2, 0)
            acc = acc + jnp.where(t0 < n_mine, compute(0), zero16)
            fire_gath(t0 + 2, 0)
            wait_gath(t1, 1)
            fire_idx(t1 + 2, 1)
            acc = acc + jnp.where(t1 < n_mine, compute(1), zero16)
            return acc

        acc = lax.fori_loop(0, n_it, body, zero16)

        accv[...] = acc
        pltpu.sync_copy(accv, shared.at[pl.ds(sid * LANES, LANES)])
        plsc.subcore_barrier()

        @pl.when(sid == 0)
        def _():
            pltpu.sync_copy(shared, redv)
            tot = redv[pl.ds(0, LANES)]
            for k in range(1, NS):
                tot = tot + redv[pl.ds(k * LANES, LANES)]
            s_val = jnp.sum(tot)
            accv[...] = jnp.where(iota == 0, s_val, 0.0)
            pltpu.sync_copy(accv.at[pl.ds(0, 8)], out.at[pl.ds(cid * 8, 8)])

    return lj


def kernel(coords, pairs, box, sigma, epsilon, cutoff):
    n_nodes = coords.shape[0]
    n_pairs = pairs.shape[0]
    half_sigma = (sigma * 0.5)[:, None]
    two_sqeps = (2.0 * jnp.sqrt(epsilon))[:, None]
    pad = jnp.zeros((n_nodes, ROW_W - 5), jnp.float32)
    table = jnp.concatenate(
        [coords.astype(jnp.float32), half_sigma, two_sqeps, pad], axis=1
    )
    box = box.astype(jnp.float32)
    box_inv = jnp.linalg.inv(box)
    def _b16_arr(x):
        u = lax.bitcast_convert_type(x, jnp.int32)
        lsb = lax.shift_right_logical(u, 16) & 1
        r = (u + (32767 + lsb)) & jnp.int32(-65536)
        return lax.bitcast_convert_type(r, jnp.float32)

    box_b16 = _b16_arr(box)
    box_inv_b16 = _b16_arr(box_inv)
    c2 = (jnp.asarray(cutoff, jnp.float32) ** 2).reshape(1)
    params = jnp.concatenate(
        [box_inv_b16.reshape(9), box_b16.reshape(9), c2,
         jnp.zeros(13, jnp.float32)]
    ).astype(jnp.float32)
    n_rows = n_pairs * 2 // 128
    prows = (
        pairs.astype(jnp.int32)
        .T.reshape(2, n_pairs // 128, 128)
        .transpose(1, 0, 2)
        .reshape(n_rows * 128)
    )
    out = _make_kernel(n_rows)(table, prows, params)
    return out[0] + out[8]

# --- scband reference (transcript-rebuilt; emitter-appended) ---
"""Pipeline reference for scband-lennard-jones-24610162606258 (READ-ONLY COPY).

The authoritative reference and input builder live on the scoring server;
editing this copy changes nothing except your own understanding.
"""

import jax, jax.numpy as jnp
import numpy as np

N_NODES = 100000
N_PAIRS = 6400000


def setup_inputs(seed: int = 0) -> dict:
    key = jax.random.key(seed)
    k1, k2, k3, k4, k5, k6 = jax.random.split(key, 6)
    coords = jax.random.normal(k1, (N_NODES, 3), dtype=jnp.float32)
    # pairs: avoid self-pairs (i == j) which would give dr = 0 -> inf/nan energies
    p0 = jax.random.randint(k2, (N_PAIRS,), 0, N_NODES)
    off = jax.random.randint(k3, (N_PAIRS,), 1, N_NODES)
    p1 = (p0 + off) % N_NODES
    pairs = jnp.stack([p0, p1], axis=1)
    # box: well-conditioned (near-diagonal) periodic box so inv(box) is stable
    box = jnp.diag(jnp.array([30.0, 30.0, 30.0], dtype=jnp.float32)) + 0.01 * jax.random.normal(k4, (3, 3), dtype=jnp.float32)
    sigma = jax.random.uniform(k5, (N_NODES,), dtype=jnp.float32)
    epsilon = jax.random.uniform(k6, (N_NODES,), dtype=jnp.float32)
    cutoff = 10.0
    return {"coords": coords, "pairs": pairs, "box": box, "sigma": sigma, "epsilon": epsilon, "cutoff": cutoff}


def reference(coords, pairs, box, sigma, epsilon, cutoff):
    # Faithful translation of compute_lennard_jones_energy_ref
    dr_vecs = coords[pairs[:, 0]] - coords[pairs[:, 1]]
    box_inv = jnp.linalg.inv(box)
    ds_vecs = jnp.matmul(dr_vecs, box_inv)
    ds_vecs_pbc = ds_vecs - jnp.floor(ds_vecs + 0.5)
    dr_vecs_pbc = jnp.matmul(ds_vecs_pbc, box)
    dr = jnp.linalg.norm(dr_vecs_pbc, axis=1)
    mask = dr <= cutoff
    sigma_ij = (sigma[pairs[:, 0]] + sigma[pairs[:, 1]]) / 2
    epsilon_ij = jnp.sqrt(epsilon[pairs[:, 0]] * epsilon[pairs[:, 1]])
    tmp = (sigma_ij / dr) ** 6
    ene = 4 * epsilon_ij * tmp * (tmp - 1)
    return jnp.sum(ene * mask)

if __name__ == "__main__":
    import jax
    _d = setup_inputs()
    print(jax.jit(kernel)(*tuple(_d.values())))

</pallas_src>

<mosaic_0001>
#map = affine_map<(d0, d1) -> (0, 0)>
#map1 = affine_map<(d0, d1) -> (0)>
module attributes {stable_mosaic.version = 14 : i64} {
  func.func @lj(%arg0: i32, %arg1: i32, %arg2: memref<100000x8xf32, #tpu.memory_space<hbm>>, %arg3: memref<12800000xi32, #tpu.memory_space<hbm>>, %arg4: memref<32xf32, #tpu.memory_space<hbm>>, %arg5: memref<16xf32, #tpu.memory_space<hbm>>, %arg6: memref<4096xi32, #tpu.memory_space<vmem>>, %arg7: memref<4096x8xf32, #tpu.memory_space<vmem>>, %arg8: memref<32xf32, #tpu.memory_space<vmem>>, %arg9: memref<16xf32, #tpu.memory_space<vmem>>, %arg10: memref<256xf32, #tpu.memory_space<vmem_shared>>, %arg11: memref<256xf32, #tpu.memory_space<vmem>>, %arg12: memref<!tpu.dma_semaphore, #tpu.memory_space<semaphore_mem>>, %arg13: memref<!tpu.dma_semaphore, #tpu.memory_space<semaphore_mem>>, %arg14: memref<!tpu.dma_semaphore, #tpu.memory_space<semaphore_mem>>, %arg15: memref<!tpu.dma_semaphore, #tpu.memory_space<semaphore_mem>>) attributes {dimension_semantics = [#tpu.dimension_semantics<core_parallel>, #tpu.dimension_semantics<subcore_parallel>], iteration_bounds = array<i64: 2, 16>, scalar_prefetch = 0 : i64, scratch_operands = 10 : i64, tpu.core_type = #tpu.core_type<sc_vector_subcore>, window_params = [{transform_indices = #map}, {transform_indices = #map1}, {transform_indices = #map1}, {transform_indices = #map1}]} {
    %mul3A = arith.constant 2 : i32
    %mul3A_0 = arith.muli %arg1, %mul3A : i32
    %add3A = arith.addi %mul3A_0, %arg0 : i32
    "tpu.region"() ({
      %run_scoped3A = tpu.sem_alloc : memref<!tpu.dma_semaphore, #tpu.memory_space<semaphore_mem>>
      tpu.enqueue_dma source(%arg4 : memref<32xf32, #tpu.memory_space<hbm>>) target(%arg8 : memref<32xf32, #tpu.memory_space<vmem>>) target_semaphore(%run_scoped3A : memref<!tpu.dma_semaphore, #tpu.memory_space<semaphore_mem>>)
      tpu.wait_dma2 semaphore(%run_scoped3A : memref<!tpu.dma_semaphore, #tpu.memory_space<semaphore_mem>>) src(%arg4 : memref<32xf32, #tpu.memory_space<hbm>>) dst(%arg8 : memref<32xf32, #tpu.memory_space<vmem>>)
      tpu.yield
    }) : () -> ()
    %get3A = arith.constant 0 : index
    %get3A_1 = tpu.vector_load %arg8[%get3A] {strides = array<i32>} : memref<32xf32, #tpu.memory_space<vmem>>, vector<16xf32>,
    %get3A_2 = arith.constant 16 : index
    %get3A_3 = tpu.vector_load %arg8[%get3A_2] {strides = array<i32>} : memref<32xf32, #tpu.memory_space<vmem>>, vector<16xf32>,
    %slice3A = vector.extract_strided_slice %get3A_1 {offsets = [0], sizes = [1], strides = [1]} : vector<16xf32> to vector<1xf32>
    %squeeze3A = vector.extract %slice3A[0] : f32 from vector<1xf32>
    %slice3A_4 = vector.extract_strided_slice %get3A_1 {offsets = [1], sizes = [1], strides = [1]} : vector<16xf32> to vector<1xf32>
    %squeeze3A_5 = vector.extract %slice3A_4[0] : f32 from vector<1xf32>
    %slice3A_6 = vector.extract_strided_slice %get3A_1 {offsets = [2], sizes = [1], strides = [1]} : vector<16xf32> to vector<1xf32>
    %squeeze3A_7 = vector.extract %slice3A_6[0] : f32 from vector<1xf32>
    %slice3A_8 = vector.extract_strided_slice %get3A_1 {offsets = [3], sizes = [1], strides = [1]} : vector<16xf32> to vector<1xf32>
    %squeeze3A_9 = vector.extract %slice3A_8[0] : f32 from vector<1xf32>
    %slice3A_10 = vector.extract_strided_slice %get3A_1 {offsets = [4], sizes = [1], strides = [1]} : vector<16xf32> to vector<1xf32>
    %squeeze3A_11 = vector.extract %slice3A_10[0] : f32 from vector<1xf32>
    %slice3A_12 = vector.extract_strided_slice %get3A_1 {offsets = [5], sizes = [1], strides = [1]} : vector<16xf32> to vector<1xf32>
    %squeeze3A_13 = vector.extract %slice3A_12[0] : f32 from vector<1xf32>
    %slice3A_14 = vector.extract_strided_slice %get3A_1 {offsets = [6], sizes = [1], strides = [1]} : vector<16xf32> to vector<1xf32>
    %squeeze3A_15 = vector.extract %slice3A_14[0] : f32 from vector<1xf32>
    %slice3A_16 = vector.extract_strided_slice %get3A_1 {offsets = [7], sizes = [1], strides = [1]} : vector<16xf32> to vector<1xf32>
    %squeeze3A_17 = vector.extract %slice3A_16[0] : f32 from vector<1xf32>
    %slice3A_18 = vector.extract_strided_slice %get3A_1 {offsets = [8], sizes = [1], strides = [1]} : vector<16xf32> to vector<1xf32>
    %squeeze3A_19 = vector.extract %slice3A_18[0] : f32 from vector<1xf32>
    %slice3A_20 = vector.extract_strided_slice %get3A_1 {offsets = [9], sizes = [1], strides = [1]} : vector<16xf32> to vector<1xf32>
    %squeeze3A_21 = vector.extract %slice3A_20[0] : f32 from vector<1xf32>
    %slice3A_22 = vector.extract_strided_slice %get3A_1 {offsets = [10], sizes = [1], strides = [1]} : vector<16xf32> to vector<1xf32>
    %squeeze3A_23 = vector.extract %slice3A_22[0] : f32 from vector<1xf32>
    %slice3A_24 = vector.extract_strided_slice %get3A_1 {offsets = [11], sizes = [1], strides = [1]} : vector<16xf32> to vector<1xf32>
    %squeeze3A_25 = vector.extract %slice3A_24[0] : f32 from vector<1xf32>
    %slice3A_26 = vector.extract_strided_slice %get3A_1 {offsets = [12], sizes = [1], strides = [1]} : vector<16xf32> to vector<1xf32>
    %squeeze3A_27 = vector.extract %slice3A_26[0] : f32 from vector<1xf32>
    %slice3A_28 = vector.extract_strided_slice %get3A_1 {offsets = [13], sizes = [1], strides = [1]} : vector<16xf32> to vector<1xf32>
    %squeeze3A_29 = vector.extract %slice3A_28[0] : f32 from vector<1xf32>
    %slice3A_30 = vector.extract_strided_slice %get3A_1 {offsets = [14], sizes = [1], strides = [1]} : vector<16xf32> to vector<1xf32>
    %squeeze3A_31 = vector.extract %slice3A_30[0] : f32 from vector<1xf32>
    %slice3A_32 = vector.extract_strided_slice %get3A_1 {offsets = [15], sizes = [1], strides = [1]} : vector<16xf32> to vector<1xf32>
    %squeeze3A_33 = vector.extract %slice3A_32[0] : f32 from vector<1xf32>
    %slice3A_34 = vector.extract_strided_slice %get3A_3 {offsets = [0], sizes = [1], strides = [1]} : vector<16xf32> to vector<1xf32>
    %squeeze3A_35 = vector.extract %slice3A_34[0] : f32 from vector<1xf32>
    %slice3A_36 = vector.extract_strided_slice %get3A_3 {offsets = [1], sizes = [1], strides = [1]} : vector<16xf32> to vector<1xf32>
    %squeeze3A_37 = vector.extract %slice3A_36[0] : f32 from vector<1xf32>
    %slice3A_38 = vector.extract_strided_slice %get3A_3 {offsets = [2], sizes = [1], strides = [1]} : vector<16xf32> to vector<1xf32>
    %squeeze3A_39 = vector.extract %slice3A_38[0] : f32 from vector<1xf32>
    %iota3A = tpu.iota {dimensions = array<i32: 0>} : vector<16xi32>
    %lt3A = arith.constant 10 : i32
    %lt3A_40 = arith.cmpi slt, %add3A, %lt3A : i32
    %jit3A = arith.constant 1 : i32
    %jit3A_41 = arith.constant 0 : i32
    %select_n3A = arith.select %lt3A_40, %jit3A, %jit3A_41 : i32
    %add3A_42 = arith.constant 195 : i32
    %add3A_43 = arith.addi %add3A_42, %select_n3A : i32
    %broadcast_in_dim3A = arith.constant 0.000000e+00 : f32
    %broadcast_in_dim3A_44 = vector.broadcast %broadcast_in_dim3A : f32 to vector<16xf32>
    %lt3A_45 = arith.constant 0 : i32
    %lt3A_46 = arith.cmpi slt, %lt3A_45, %add3A_43 : i32
    %convert_element_type3A = arith.extui %lt3A_46 : i1 to i32
    %cond3A = arith.constant 0 : i32
    %cond3A_47 = arith.constant 0 : i32
    %cond3A_48 = arith.cmpi ne, %convert_element_type3A, %cond3A_47 : i32
    scf.if %cond3A_48 {
      %mul3A_72 = arith.constant 32 : i32
      %mul3A_73 = arith.muli %cond3A, %mul3A_72 : i32
      %add3A_74 = arith.addi %add3A, %mul3A_73 : i32
      %mul3A_75 = arith.constant 2048 : i32
      %mul3A_76 = arith.muli %add3A_74, %mul3A_75 : i32
      %dma_start3A = arith.constant 0 : i32
      %dma_start3A_77 = tpu.memref_slice %arg6[%dma_start3A] : memref<4096xi32, #tpu.memory_space<vmem>> -> memref<2048xi32, #tpu.memory_space<vmem>>
      %dma_start3A_78 = tpu.memref_slice %arg3[%mul3A_76] : memref<12800000xi32, #tpu.memory_space<hbm>> -> memref<2048xi32, #tpu.memory_space<hbm>>
      %dma_start3A_79 = arith.constant 0 : i32
      %dma_start3A_80 = tpu.memref_slice %arg6[%dma_start3A_79] : memref<4096xi32, #tpu.memory_space<vmem>> -> memref<2048xi32, #tpu.memory_space<vmem>>
      %dma_start3A_81 = tpu.memref_slice %arg3[%mul3A_76] : memref<12800000xi32, #tpu.memory_space<hbm>> -> memref<2048xi32, #tpu.memory_space<hbm>>
      tpu.enqueue_dma source(%dma_start3A_81 : memref<2048xi32, #tpu.memory_space<hbm>>) target(%dma_start3A_80 : memref<2048xi32, #tpu.memory_space<vmem>>) target_semaphore(%arg12 : memref<!tpu.dma_semaphore, #tpu.memory_space<semaphore_mem>>)
    } else {
    }
    %lt3A_49 = arith.constant 0 : i32
    %lt3A_50 = arith.cmpi slt, %lt3A_49, %add3A_43 : i32
    %convert_element_type3A_51 = arith.extui %lt3A_50 : i1 to i32
    %cond3A_52 = arith.constant 0 : i32
    %cond3A_53 = arith.cmpi ne, %convert_element_type3A_51, %cond3A_52 : i32
    scf.if %cond3A_53 {
      %dma_wait3A = arith.constant 0 : i32
      %dma_wait3A_72 = tpu.memref_slice %arg6[%dma_wait3A] : memref<4096xi32, #tpu.memory_space<vmem>> -> memref<2048xi32, #tpu.memory_space<vmem>>
      %dma_wait3A_73 = arith.constant 0 : i32
      %dma_wait3A_74 = tpu.memref_slice %arg3[%dma_wait3A_73] : memref<12800000xi32, #tpu.memory_space<hbm>> -> memref<2048xi32, #tpu.memory_space<hbm>>
      %dma_wait3A_75 = arith.constant 0 : i32
      %dma_wait3A_76 = tpu.memref_slice %arg6[%dma_wait3A_75] : memref<4096xi32, #tpu.memory_space<vmem>> -> memref<2048xi32, #tpu.memory_space<vmem>>
      %dma_wait3A_77 = arith.constant 0 : i32
      %dma_wait3A_78 = tpu.memref_slice %arg3[%dma_wait3A_77] : memref<12800000xi32, #tpu.memory_space<hbm>> -> memref<2048xi32, #tpu.memory_space<hbm>>
      tpu.wait_dma2 semaphore(%arg12 : memref<!tpu.dma_semaphore, #tpu.memory_space<semaphore_mem>>) src(%dma_wait3A_78 : memref<2048xi32, #tpu.memory_space<hbm>>) dst(%dma_wait3A_76 : memref<2048xi32, #tpu.memory_space<vmem>>)
      %dma_start3A = arith.constant 0 : i32
      %dma_start3A_79 = arith.constant 0 : i32
      %dma_start3A_80 = tpu.memref_slice %arg7[%dma_start3A, %dma_start3A_79] : memref<4096x8xf32, #tpu.memory_space<vmem>> -> memref<128x8xf32, #tpu.memory_space<vmem>>
      %dma_start3A_81 = arith.constant 0 : i32
      %dma_start3A_82 = tpu.memref_slice %arg6[%dma_start3A_81] : memref<4096xi32, #tpu.memory_space<vmem>> -> memref<128xi32, #tpu.memory_space<vmem>>
      %dma_start3A_83 = arith.constant 0 : i32
      %dma_start3A_84 = arith.constant 0 : i32
      %dma_start3A_85 = tpu.memref_slice %arg2[%dma_start3A_83, %dma_start3A_84] : memref<100000x8xf32, #tpu.memory_space<hbm>> -> memref<100000x8xf32, #tpu.memory_space<hbm>>
      tpu.enqueue_indirect_dma source(%dma_start3A_85 : memref<100000x8xf32, #tpu.memory_space<hbm>>) target(%dma_start3A_80 : memref<128x8xf32, #tpu.memory_space<vmem>>) offsets(%dma_start3A_82 : memref<128xi32, #tpu.memory_space<vmem>>) semaphore(%arg14 : memref<!tpu.dma_semaphore, #tpu.memory_space<semaphore_mem>>)
      %dma_start3A_86 = arith.constant 128 : i32
      %dma_start3A_87 = arith.constant 0 : i32
      %dma_start3A_88 = tpu.memref_slice %arg7[%dma_start3A_86, %dma_start3A_87] : memref<4096x8xf32, #tpu.memory_space<vmem>> -> memref<128x8xf32, #tpu.memory_space<vmem>>
      %dma_start3A_89 = arith.constant 128 : i32
      %dma_start3A_90 = tpu.memref_slice %arg6[%dma_start3A_89] : memref<4096xi32, #tpu.memory_space<vmem>> -> memref<128xi32, #tpu.memory_space<vmem>>
      %dma_start3A_91 = arith.constant 0 : i32
      %dma_start3A_92 = arith.constant 0 : i32
      %dma_start3A_93 = tpu.memref_slice %arg2[%dma_start3A_91, %dma_start3A_92] : memref<100000x8xf32, #tpu.memory_space<hbm>> -> memref<100000x8xf32, #tpu.memory_space<hbm>>
      tpu.enqueue_indirect_dma source(%dma_start3A_93 : memref<100000x8xf32, #tpu.memory_space<hbm>>) target(%dma_start3A_88 : memref<128x8xf32, #tpu.memory_space<vmem>>) offsets(%dma_start3A_90 : memref<128xi32, #tpu.memory_space<vmem>>) semaphore(%arg14 : memref<!tpu.dma_semaphore, #tpu.memory_space<semaphore_mem>>)
      %dma_start3A_94 = arith.constant 256 : i32
      %dma_start3A_95 = arith.constant 0 : i32
      %dma_start3A_96 = tpu.memref_slice %arg7[%dma_start3A_94, %dma_start3A_95] : memref<4096x8xf32, #tpu.memory_space<vmem>> -> memref<128x8xf32, #tpu.memory_space<vmem>>
      %dma_start3A_97 = arith.constant 256 : i32
      %dma_start3A_98 = tpu.memref_slice %arg6[%dma_start3A_97] : memref<4096xi32, #tpu.memory_space<vmem>> -> memref<128xi32, #tpu.memory_space<vmem>>
      %dma_start3A_99 = arith.constant 0 : i32
      %dma_start3A_100 = arith.constant 0 : i32
      %dma_start3A_101 = tpu.memref_slice %arg2[%dma_start3A_99, %dma_start3A_100] : memref<100000x8xf32, #tpu.memory_space<hbm>> -> memref<100000x8xf32, #tpu.memory_space<hbm>>
      tpu.enqueue_indirect_dma source(%dma_start3A_101 : memref<100000x8xf32, #tpu.memory_space<hbm>>) target(%dma_start3A_96 : memref<128x8xf32, #tpu.memory_space<vmem>>) offsets(%dma_start3A_98 : memref<128xi32, #tpu.memory_space<vmem>>) semaphore(%arg14 : memref<!tpu.dma_semaphore, #tpu.memory_space<semaphore_mem>>)
      %dma_start3A_102 = arith.constant 384 : i32
      %dma_start3A_103 = arith.constant 0 : i32
      %dma_start3A_104 = tpu.memref_slice %arg7[%dma_start3A_102, %dma_start3A_103] : memref<4096x8xf32, #tpu.memory_space<vmem>> -> memref<128x8xf32, #tpu.memory_space<vmem>>
      %dma_start3A_105 = arith.constant 384 : i32
      %dma_start3A_106 = tpu.memref_slice %arg6[%dma_start3A_105] : memref<4096xi32, #tpu.memory_space<vmem>> -> memref<128xi32, #tpu.memory_space<vmem>>
      %dma_start3A_107 = arith.constant 0 : i32
      %dma_start3A_108 = arith.constant 0 : i32
      %dma_start3A_109 = tpu.memref_slice %arg2[%dma_start3A_107, %dma_start3A_108] : memref<100000x8xf32, #tpu.memory_space<hbm>> -> memref<100000x8xf32, #tpu.memory_space<hbm>>
      tpu.enqueue_indirect_dma source(%dma_start3A_109 : memref<100000x8xf32, #tpu.memory_space<hbm>>) target(%dma_start3A_104 : memref<128x8xf32, #tpu.memory_space<vmem>>) offsets(%dma_start3A_106 : memref<128xi32, #tpu.memory_space<vmem>>) semaphore(%arg14 : memref<!tpu.dma_semaphore, #tpu.memory_space<semaphore_mem>>)
      %dma_start3A_110 = arith.constant 512 : i32
      %dma_start3A_111 = arith.constant 0 : i32
      %dma_start3A_112 = tpu.memref_slice %arg7[%dma_start3A_110, %dma_start3A_111] : memref<4096x8xf32, #tpu.memory_space<vmem>> -> memref<128x8xf32, #tpu.memory_space<vmem>>
      %dma_start3A_113 = arith.constant 512 : i32
      %dma_start3A_114 = tpu.memref_slice %arg6[%dma_start3A_113] : memref<4096xi32, #tpu.memory_space<vmem>> -> memref<128xi32, #tpu.memory_space<vmem>>
      %dma_start3A_115 = arith.constant 0 : i32
      %dma_start3A_116 = arith.constant 0 : i32
      %dma_start3A_117 = tpu.memref_slice %arg2[%dma_start3A_115, %dma_start3A_116] : memref<100000x8xf32, #tpu.memory_space<hbm>> -> memref<100000x8xf32, #tpu.memory_space<hbm>>
      tpu.enqueue_indirect_dma source(%dma_start3A_117 : memref<100000x8xf32, #tpu.memory_space<hbm>>) target(%dma_start3A_112 : memref<128x8xf32, #tpu.memory_space<vmem>>) offsets(%dma_start3A_114 : memref<128xi32, #tpu.memory_space<vmem>>) semaphore(%arg14 : memref<!tpu.dma_semaphore, #tpu.memory_space<semaphore_mem>>)
      %dma_start3A_118 = arith.constant 640 : i32
      %dma_start3A_119 = arith.constant 0 : i32
      %dma_start3A_120 = tpu.memref_slice %arg7[%dma_start3A_118, %dma_start3A_119] : memref<4096x8xf32, #tpu.memory_space<vmem>> -> memref<128x8xf32, #tpu.memory_space<vmem>>
      %dma_start3A_121 = arith.constant 640 : i32
      %dma_start3A_122 = tpu.memref_slice %arg6[%dma_start3A_121] : memref<4096xi32, #tpu.memory_space<vmem>> -> memref<128xi32, #tpu.memory_space<vmem>>
      %dma_start3A_123 = arith.constant 0 : i32
      %dma_start3A_124 = arith.constant 0 : i32
      %dma_start3A_125 = tpu.memref_slice %arg2[%dma_start3A_123, %dma_start3A_124] : memref<100000x8xf32, #tpu.memory_space<hbm>> -> memref<100000x8xf32, #tpu.memory_space<hbm>>
      tpu.enqueue_indirect_dma source(%dma_start3A_125 : memref<100000x8xf32, #tpu.memory_space<hbm>>) target(%dma_start3A_120 : memref<128x8xf32, #tpu.memory_space<vmem>>) offsets(%dma_start3A_122 : memref<128xi32, #tpu.memory_space<vmem>>) semaphore(%arg14 : memref<!tpu.dma_semaphore, #tpu.memory_space<semaphore_mem>>)
      %dma_start3A_126 = arith.constant 768 : i32
      %dma_start3A_127 = arith.constant 0 : i32
      %dma_start3A_128 = tpu.memref_slice %arg7[%dma_start3A_126, %dma_start3A_127] : memref<4096x8xf32, #tpu.memory_space<vmem>> -> memref<128x8xf32, #tpu.memory_space<vmem>>
      %dma_start3A_129 = arith.constant 768 : i32
      %dma_start3A_130 = tpu.memref_slice %arg6[%dma_start3A_129] : memref<4096xi32, #tpu.memory_space<vmem>> -> memref<128xi32, #tpu.memory_space<vmem>>
      %dma_start3A_131 = arith.constant 0 : i32
      %dma_start3A_132 = arith.constant 0 : i32
      %dma_start3A_133 = tpu.memref_slice %arg2[%dma_start3A_131, %dma_start3A_132] : memref<100000x8xf32, #tpu.memory_space<hbm>> -> memref<100000x8xf32, #tpu.memory_space<hbm>>
      tpu.enqueue_indirect_dma source(%dma_start3A_133 : memref<100000x8xf32, #tpu.memory_space<hbm>>) target(%dma_start3A_128 : memref<128x8xf32, #tpu.memory_space<vmem>>) offsets(%dma_start3A_130 : memref<128xi32, #tpu.memory_space<vmem>>) semaphore(%arg14 : memref<!tpu.dma_semaphore, #tpu.memory_space<semaphore_mem>>)
      %dma_start3A_134 = arith.constant 896 : i32
      %dma_start3A_135 = arith.constant 0 : i32
      %dma_start3A_136 = tpu.memref_slice %arg7[%dma_start3A_134, %dma_start3A_135] : memref<4096x8xf32, #tpu.memory_space<vmem>> -> memref<128x8xf32, #tpu.memory_space<vmem>>
      %dma_start3A_137 = arith.constant 896 : i32
      %dma_start3A_138 = tpu.memref_slice %arg6[%dma_start3A_137] : memref<4096xi32, #tpu.memory_space<vmem>> -> memref<128xi32, #tpu.memory_space<vmem>>
      %dma_start3A_139 = arith.constant 0 : i32
      %dma_start3A_140 = arith.constant 0 : i32
      %dma_start3A_141 = tpu.memref_slice %arg2[%dma_start3A_139, %dma_start3A_140] : memref<100000x8xf32, #tpu.memory_space<hbm>> -> memref<100000x8xf32, #tpu.memory_space<hbm>>
      tpu.enqueue_indirect_dma source(%dma_start3A_141 : memref<100000x8xf32, #tpu.memory_space<hbm>>) target(%dma_start3A_136 : memref<128x8xf32, #tpu.memory_space<vmem>>) offsets(%dma_start3A_138 : memref<128xi32, #tpu.memory_space<vmem>>) semaphore(%arg14 : memref<!tpu.dma_semaphore, #tpu.memory_space<semaphore_mem>>)
      %dma_start3A_142 = arith.constant 1024 : i32
      %dma_start3A_143 = arith.constant 0 : i32
      %dma_start3A_144 = tpu.memref_slice %arg7[%dma_start3A_142, %dma_start3A_143] : memref<4096x8xf32, #tpu.memory_space<vmem>> -> memref<128x8xf32, #tpu.memory_space<vmem>>
      %dma_start3A_145 = arith.constant 1024 : i32
      %dma_start3A_146 = tpu.memref_slice %arg6[%dma_start3A_145] : memref<4096xi32, #tpu.memory_space<vmem>> -> memref<128xi32, #tpu.memory_space<vmem>>
      %dma_start3A_147 = arith.constant 0 : i32
      %dma_start3A_148 = arith.constant 0 : i32
      %dma_start3A_149 = tpu.memref_slice %arg2[%dma_start3A_147, %dma_start3A_148] : memref<100000x8xf32, #tpu.memory_space<hbm>> -> memref<100000x8xf32, #tpu.memory_space<hbm>>
      tpu.enqueue_indirect_dma source(%dma_start3A_149 : memref<100000x8xf32, #tpu.memory_space<hbm>>) target(%dma_start3A_144 : memref<128x8xf32, #tpu.memory_space<vmem>>) offsets(%dma_start3A_146 : memref<128xi32, #tpu.memory_space<vmem>>) semaphore(%arg14 : memref<!tpu.dma_semaphore, #tpu.memory_space<semaphore_mem>>)
      %dma_start3A_150 = arith.constant 1152 : i32
      %dma_start3A_151 = arith.constant 0 : i32
      %dma_start3A_152 = tpu.memref_slice %arg7[%dma_start3A_150, %dma_start3A_151] : memref<4096x8xf32, #tpu.memory_space<vmem>> -> memref<128x8xf32, #tpu.memory_space<vmem>>
      %dma_start3A_153 = arith.constant 1152 : i32
      %dma_start3A_154 = tpu.memref_slice %arg6[%dma_start3A_153] : memref<4096xi32, #tpu.memory_space<vmem>> -> memref<128xi32, #tpu.memory_space<vmem>>
      %dma_start3A_155 = arith.constant 0 : i32
      %dma_start3A_156 = arith.constant 0 : i32
      %dma_start3A_157 = tpu.memref_slice %arg2[%dma_start3A_155, %dma_start3A_156] : memref<100000x8xf32, #tpu.memory_space<hbm>> -> memref<100000x8xf32, #tpu.memory_space<hbm>>
      tpu.enqueue_indirect_dma source(%dma_start3A_157 : memref<100000x8xf32, #tpu.memory_space<hbm>>) target(%dma_start3A_152 : memref<128x8xf32, #tpu.memory_space<vmem>>) offsets(%dma_start3A_154 : memref<128xi32, #tpu.memory_space<vmem>>) semaphore(%arg14 : memref<!tpu.dma_semaphore, #tpu.memory_space<semaphore_mem>>)
      %dma_start3A_158 = arith.constant 1280 : i32
      %dma_start3A_159 = arith.constant 0 : i32
      %dma_start3A_160 = tpu.memref_slice %arg7[%dma_start3A_158, %dma_start3A_159] : memref<4096x8xf32, #tpu.memory_space<vmem>> -> memref<128x8xf32, #tpu.memory_space<vmem>>
      %dma_start3A_161 = arith.constant 1280 : i32
      %dma_start3A_162 = tpu.memref_slice %arg6[%dma_start3A_161] : memref<4096xi32, #tpu.memory_space<vmem>> -> memref<128xi32, #tpu.memory_space<vmem>>
      %dma_start3A_163 = arith.constant 0 : i32
      %dma_start3A_164 = arith.constant 0 : i32
      %dma_start3A_165 = tpu.memref_slice %arg2[%dma_start3A_163, %dma_start3A_164] : memref<100000x8xf32, #tpu.memory_space<hbm>> -> memref<100000x8xf32, #tpu.memory_space<hbm>>
      tpu.enqueue_indirect_dma source(%dma_start3A_165 : memref<100000x8xf32, #tpu.memory_space<hbm>>) target(%dma_start3A_160 : memref<128x8xf32, #tpu.memory_space<vmem>>) offsets(%dma_start3A_162 : memref<128xi32, #tpu.memory_space<vmem>>) semaphore(%arg14 : memref<!tpu.dma_semaphore, #tpu.memory_space<semaphore_mem>>)
      %dma_start3A_166 = arith.constant 1408 : i32
      %dma_start3A_167 = arith.constant 0 : i32
      %dma_start3A_168 = tpu.memref_slice %arg7[%dma_start3A_166, %dma_start3A_167] : memref<4096x8xf32, #tpu.memory_space<vmem>> -> memref<128x8xf32, #tpu.memory_space<vmem>>
      %dma_start3A_169 = arith.constant 1408 : i32
      %dma_start3A_170 = tpu.memref_slice %arg6[%dma_start3A_169] : memref<4096xi32, #tpu.memory_space<vmem>> -> memref<128xi32, #tpu.memory_space<vmem>>
      %dma_start3A_171 = arith.constant 0 : i32
      %dma_start3A_172 = arith.constant 0 : i32
      %dma_start3A_173 = tpu.memref_slice %arg2[%dma_start3A_171, %dma_start3A_172] : memref<100000x8xf32, #tpu.memory_space<hbm>> -> memref<100000x8xf32, #tpu.memory_space<hbm>>
      tpu.enqueue_indirect_dma source(%dma_start3A_173 : memref<100000x8xf32, #tpu.memory_space<hbm>>) target(%dma_start3A_168 : memref<128x8xf32, #tpu.memory_space<vmem>>) offsets(%dma_start3A_170 : memref<128xi32, #tpu.memory_space<vmem>>) semaphore(%arg14 : memref<!tpu.dma_semaphore, #tpu.memory_space<semaphore_mem>>)
      %dma_start3A_174 = arith.constant 1536 : i32
      %dma_start3A_175 = arith.constant 0 : i32
      %dma_start3A_176 = tpu.memref_slice %arg7[%dma_start3A_174, %dma_start3A_175] : memref<4096x8xf32, #tpu.memory_space<vmem>> -> memref<128x8xf32, #tpu.memory_space<vmem>>
      %dma_start3A_177 = arith.constant 1536 : i32
      %dma_start3A_178 = tpu.memref_slice %arg6[%dma_start3A_177] : memref<4096xi32, #tpu.memory_space<vmem>> -> memref<128xi32, #tpu.memory_space<vmem>>
      %dma_start3A_179 = arith.constant 0 : i32
      %dma_start3A_180 = arith.constant 0 : i32
      %dma_start3A_181 = tpu.memref_slice %arg2[%dma_start3A_179, %dma_start3A_180] : memref<100000x8xf32, #tpu.memory_space<hbm>> -> memref<100000x8xf32, #tpu.memory_space<hbm>>
      tpu.enqueue_indirect_dma source(%dma_start3A_181 : memref<100000x8xf32, #tpu.memory_space<hbm>>) target(%dma_start3A_176 : memref<128x8xf32, #tpu.memory_space<vmem>>) offsets(%dma_start3A_178 : memref<128xi32, #tpu.memory_space<vmem>>) semaphore(%arg14 : memref<!tpu.dma_semaphore, #tpu.memory_space<semaphore_mem>>)
      %dma_start3A_182 = arith.constant 1664 : i32
      %dma_start3A_183 = arith.constant 0 : i32
      %dma_start3A_184 = tpu.memref_slice %arg7[%dma_start3A_182, %dma_start3A_183] : memref<4096x8xf32, #tpu.memory_space<vmem>> -> memref<128x8xf32, #tpu.memory_space<vmem>>
      %dma_start3A_185 = arith.constant 1664 : i32
      %dma_start3A_186 = tpu.memref_slice %arg6[%dma_start3A_185] : memref<4096xi32, #tpu.memory_space<vmem>> -> memref<128xi32, #tpu.memory_space<vmem>>
      %dma_start3A_187 = arith.constant 0 : i32
      %dma_start3A_188 = arith.constant 0 : i32
      %dma_start3A_189 = tpu.memref_slice %arg2[%dma_start3A_187, %dma_start3A_188] : memref<100000x8xf32, #tpu.memory_space<hbm>> -> memref<100000x8xf32, #tpu.memory_space<hbm>>
      tpu.enqueue_indirect_dma source(%dma_start3A_189 : memref<100000x8xf32, #tpu.memory_space<hbm>>) target(%dma_start3A_184 : memref<128x8xf32, #tpu.memory_space<vmem>>) offsets(%dma_start3A_186 : memref<128xi32, #tpu.memory_space<vmem>>) semaphore(%arg14 : memref<!tpu.dma_semaphore, #tpu.memory_space<semaphore_mem>>)
      %dma_start3A_190 = arith.constant 1792 : i32
      %dma_start3A_191 = arith.constant 0 : i32
      %dma_start3A_192 = tpu.memref_slice %arg7[%dma_start3A_190, %dma_start3A_191] : memref<4096x8xf32, #tpu.memory_space<vmem>> -> memref<128x8xf32, #tpu.memory_space<vmem>>
      %dma_start3A_193 = arith.constant 1792 : i32
      %dma_start3A_194 = tpu.memref_slice %arg6[%dma_start3A_193] : memref<4096xi32, #tpu.memory_space<vmem>> -> memref<128xi32, #tpu.memory_space<vmem>>
      %dma_start3A_195 = arith.constant 0 : i32
      %dma_start3A_196 = arith.constant 0 : i32
      %dma_start3A_197 = tpu.memref_slice %arg2[%dma_start3A_195, %dma_start3A_196] : memref<100000x8xf32, #tpu.memory_space<hbm>> -> memref<100000x8xf32, #tpu.memory_space<hbm>>
      tpu.enqueue_indirect_dma source(%dma_start3A_197 : memref<100000x8xf32, #tpu.memory_space<hbm>>) target(%dma_start3A_192 : memref<128x8xf32, #tpu.memory_space<vmem>>) offsets(%dma_start3A_194 : memref<128xi32, #tpu.memory_space<vmem>>) semaphore(%arg14 : memref<!tpu.dma_semaphore, #tpu.memory_space<semaphore_mem>>)
      %dma_start3A_198 = arith.constant 1920 : i32
      %dma_start3A_199 = arith.constant 0 : i32
      %dma_start3A_200 = tpu.memref_slice %arg7[%dma_start3A_198, %dma_start3A_199] : memref<4096x8xf32, #tpu.memory_space<vmem>> -> memref<128x8xf32, #tpu.memory_space<vmem>>
      %dma_start3A_201 = arith.constant 1920 : i32
      %dma_start3A_202 = tpu.memref_slice %arg6[%dma_start3A_201] : memref<4096xi32, #tpu.memory_space<vmem>> -> memref<128xi32, #tpu.memory_space<vmem>>
      %dma_start3A_203 = arith.constant 0 : i32
      %dma_start3A_204 = arith.constant 0 : i32
      %dma_start3A_205 = tpu.memref_slice %arg2[%dma_start3A_203, %dma_start3A_204] : memref<100000x8xf32, #tpu.memory_space<hbm>> -> memref<100000x8xf32, #tpu.memory_space<hbm>>
      tpu.enqueue_indirect_dma source(%dma_start3A_205 : memref<100000x8xf32, #tpu.memory_space<hbm>>) target(%dma_start3A_200 : memref<128x8xf32, #tpu.memory_space<vmem>>) offsets(%dma_start3A_202 : memref<128xi32, #tpu.memory_space<vmem>>) semaphore(%arg14 : memref<!tpu.dma_semaphore, #tpu.memory_space<semaphore_mem>>)
    } else {
    }
    %lt3A_54 = arith.constant 1 : i32
    %lt3A_55 = arith.cmpi slt, %lt3A_54, %add3A_43 : i32
    %convert_element_type3A_56 = arith.extui %lt3A_55 : i1 to i32
    %cond3A_57 = arith.constant 1 : i32
    %cond3A_58 = arith.constant 0 : i32
    %cond3A_59 = arith.cmpi ne, %convert_element_type3A_56, %cond3A_58 : i32
    scf.if %cond3A_59 {
      %mul3A_72 = arith.constant 32 : i32
      %mul3A_73 = arith.muli %cond3A_57, %mul3A_72 : i32
      %add3A_74 = arith.addi %add3A, %mul3A_73 : i32
      %mul3A_75 = arith.constant 2048 : i32
      %mul3A_76 = arith.muli %add3A_74, %mul3A_75 : i32
      %dma_start3A = arith.constant 2048 : i32
      %dma_start3A_77 = tpu.memref_slice %arg6[%dma_start3A] : memref<4096xi32, #tpu.memory_space<vmem>> -> memref<2048xi32, #tpu.memory_space<vmem>>
      %dma_start3A_78 = tpu.memref_slice %arg3[%mul3A_76] : memref<12800000xi32, #tpu.memory_space<hbm>> -> memref<2048xi32, #tpu.memory_space<hbm>>
      %dma_start3A_79 = arith.constant 2048 : i32
      %dma_start3A_80 = tpu.memref_slice %arg6[%dma_start3A_79] : memref<4096xi32, #tpu.memory_space<vmem>> -> memref<2048xi32, #tpu.memory_space<vmem>>
      %dma_start3A_81 = tpu.memref_slice %arg3[%mul3A_76] : memref<12800000xi32, #tpu.memory_space<hbm>> -> memref<2048xi32, #tpu.memory_space<hbm>>
      tpu.enqueue_dma source(%dma_start3A_81 : memref<2048xi32, #tpu.memory_space<hbm>>) target(%dma_start3A_80 : memref<2048xi32, #tpu.memory_space<vmem>>) target_semaphore(%arg13 : memref<!tpu.dma_semaphore, #tpu.memory_space<semaphore_mem>>)
    } else {
    }
    %scan3A = arith.constant 0 : i32
    %scan3A_60 = arith.constant 98 : i32
    %scan3A_61 = arith.addi %scan3A, %scan3A_60 : i32
    %scan3A_62 = arith.constant 1 : i32
    %scan3A_63 = scf.for %scan3A_72 = %scan3A to %scan3A_61 step %scan3A_62 iter_args(%scan3A_73 = %broadcast_in_dim3A_44) -> (vector<16xf32>)  : i32 {
      %mul3A_74 = arith.constant 2 : i32
      %mul3A_75 = arith.muli %mul3A_74, %scan3A_72 : i32
      %add3A_76 = arith.constant 1 : i32
      %add3A_77 = arith.addi %mul3A_75, %add3A_76 : i32
      %lt3A_78 = arith.cmpi slt, %add3A_77, %add3A_43 : i32
      %convert_element_type3A_79 = arith.extui %lt3A_78 : i1 to i32
      %cond3A_80 = arith.constant 0 : i32
      %cond3A_81 = arith.cmpi ne, %convert_element_type3A_79, %cond3A_80 : i32
      scf.if %cond3A_81 {
        %dma_wait3A = arith.constant 2048 : i32
        %dma_wait3A_132 = tpu.memref_slice %arg6[%dma_wait3A] : memref<4096xi32, #tpu.memory_space<vmem>> -> memref<2048xi32, #tpu.memory_space<vmem>>
        %dma_wait3A_133 = arith.constant 0 : i32
        %dma_wait3A_134 = tpu.memref_slice %arg3[%dma_wait3A_133] : memref<12800000xi32, #tpu.memory_space<hbm>> -> memref<2048xi32, #tpu.memory_space<hbm>>
        %dma_wait3A_135 = arith.constant 2048 : i32
        %dma_wait3A_136 = tpu.memref_slice %arg6[%dma_wait3A_135] : memref<4096xi32, #tpu.memory_space<vmem>> -> memref<2048xi32, #tpu.memory_space<vmem>>
        %dma_wait3A_137 = arith.constant 0 : i32
        %dma_wait3A_138 = tpu.memref_slice %arg3[%dma_wait3A_137] : memref<12800000xi32, #tpu.memory_space<hbm>> -> memref<2048xi32, #tpu.memory_space<hbm>>
        tpu.wait_dma2 semaphore(%arg13 : memref<!tpu.dma_semaphore, #tpu.memory_space<semaphore_mem>>) src(%dma_wait3A_138 : memref<2048xi32, #tpu.memory_space<hbm>>) dst(%dma_wait3A_136 : memref<2048xi32, #tpu.memory_space<vmem>>)
        %dma_start3A = arith.constant 2048 : i32
        %dma_start3A_139 = arith.constant 0 : i32
        %dma_start3A_140 = tpu.memref_slice %arg7[%dma_start3A, %dma_start3A_139] : memref<4096x8xf32, #tpu.memory_space<vmem>> -> memref<128x8xf32, #tpu.memory_space<vmem>>
        %dma_start3A_141 = arith.constant 2048 : i32
        %dma_start3A_142 = tpu.memref_slice %arg6[%dma_start3A_141] : memref<4096xi32, #tpu.memory_space<vmem>> -> memref<128xi32, #tpu.memory_space<vmem>>
        %dma_start3A_143 = arith.constant 0 : i32
        %dma_start3A_144 = arith.constant 0 : i32
        %dma_start3A_145 = tpu.memref_slice %arg2[%dma_start3A_143, %dma_start3A_144] : memref<100000x8xf32, #tpu.memory_space<hbm>> -> memref<100000x8xf32, #tpu.memory_space<hbm>>
        tpu.enqueue_indirect_dma source(%dma_start3A_145 : memref<100000x8xf32, #tpu.memory_space<hbm>>) target(%dma_start3A_140 : memref<128x8xf32, #tpu.memory_space<vmem>>) offsets(%dma_start3A_142 : memref<128xi32, #tpu.memory_space<vmem>>) semaphore(%arg15 : memref<!tpu.dma_semaphore, #tpu.memory_space<semaphore_mem>>)
        %dma_start3A_146 = arith.constant 2176 : i32
        %dma_start3A_147 = arith.constant 0 : i32
        %dma_start3A_148 = tpu.memref_slice %arg7[%dma_start3A_146, %dma_start3A_147] : memref<4096x8xf32, #tpu.memory_space<vmem>> -> memref<128x8xf32, #tpu.memory_space<vmem>>
        %dma_start3A_149 = arith.constant 2176 : i32
        %dma_start3A_150 = tpu.memref_slice %arg6[%dma_start3A_149] : memref<4096xi32, #tpu.memory_space<vmem>> -> memref<128xi32, #tpu.memory_space<vmem>>
        %dma_start3A_151 = arith.constant 0 : i32
        %dma_start3A_152 = arith.constant 0 : i32
        %dma_start3A_153 = tpu.memref_slice %arg2[%dma_start3A_151, %dma_start3A_152] : memref<100000x8xf32, #tpu.memory_space<hbm>> -> memref<100000x8xf32, #tpu.memory_space<hbm>>
        tpu.enqueue_indirect_dma source(%dma_start3A_153 : memref<100000x8xf32, #tpu.memory_space<hbm>>) target(%dma_start3A_148 : memref<128x8xf32, #tpu.memory_space<vmem>>) offsets(%dma_start3A_150 : memref<128xi32, #tpu.memory_space<vmem>>) semaphore(%arg15 : memref<!tpu.dma_semaphore, #tpu.memory_space<semaphore_mem>>)
        %dma_start3A_154 = arith.constant 2304 : i32
        %dma_start3A_155 = arith.constant 0 : i32
        %dma_start3A_156 = tpu.memref_slice %arg7[%dma_start3A_154, %dma_start3A_155] : memref<4096x8xf32, #tpu.memory_space<vmem>> -> memref<128x8xf32, #tpu.memory_space<vmem>>
        %dma_start3A_157 = arith.constant 2304 : i32
        %dma_start3A_158 = tpu.memref_slice %arg6[%dma_start3A_157] : memref<4096xi32, #tpu.memory_space<vmem>> -> memref<128xi32, #tpu.memory_space<vmem>>
        %dma_start3A_159 = arith.constant 0 : i32
        %dma_start3A_160 = arith.constant 0 : i32
        %dma_start3A_161 = tpu.memref_slice %arg2[%dma_start3A_159, %dma_start3A_160] : memref<100000x8xf32, #tpu.memory_space<hbm>> -> memref<100000x8xf32, #tpu.memory_space<hbm>>
        tpu.enqueue_indirect_dma source(%dma_start3A_161 : memref<100000x8xf32, #tpu.memory_space<hbm>>) target(%dma_start3A_156 : memref<128x8xf32, #tpu.memory_space<vmem>>) offsets(%dma_start3A_158 : memref<128xi32, #tpu.memory_space<vmem>>) semaphore(%arg15 : memref<!tpu.dma_semaphore, #tpu.memory_space<semaphore_mem>>)
        %dma_start3A_162 = arith.constant 2432 : i32
        %dma_start3A_163 = arith.constant 0 : i32
        %dma_start3A_164 = tpu.memref_slice %arg7[%dma_start3A_162, %dma_start3A_163] : memref<4096x8xf32, #tpu.memory_space<vmem>> -> memref<128x8xf32, #tpu.memory_space<vmem>>
        %dma_start3A_165 = arith.constant 2432 : i32
        %dma_start3A_166 = tpu.memref_slice %arg6[%dma_start3A_165] : memref<4096xi32, #tpu.memory_space<vmem>> -> memref<128xi32, #tpu.memory_space<vmem>>
        %dma_start3A_167 = arith.constant 0 : i32
        %dma_start3A_168 = arith.constant 0 : i32
        %dma_start3A_169 = tpu.memref_slice %arg2[%dma_start3A_167, %dma_start3A_168] : memref<100000x8xf32, #tpu.memory_space<hbm>> -> memref<100000x8xf32, #tpu.memory_space<hbm>>
        tpu.enqueue_indirect_dma source(%dma_start3A_169 : memref<100000x8xf32, #tpu.memory_space<hbm>>) target(%dma_start3A_164 : memref<128x8xf32, #tpu.memory_space<vmem>>) offsets(%dma_start3A_166 : memref<128xi32, #tpu.memory_space<vmem>>) semaphore(%arg15 : memref<!tpu.dma_semaphore, #tpu.memory_space<semaphore_mem>>)
        %dma_start3A_170 = arith.constant 2560 : i32
        %dma_start3A_171 = arith.constant 0 : i32
        %dma_start3A_172 = tpu.memref_slice %arg7[%dma_start3A_170, %dma_start3A_171] : memref<4096x8xf32, #tpu.memory_space<vmem>> -> memref<128x8xf32, #tpu.memory_space<vmem>>
        %dma_start3A_173 = arith.constant 2560 : i32
        %dma_start3A_174 = tpu.memref_slice %arg6[%dma_start3A_173] : memref<4096xi32, #tpu.memory_space<vmem>> -> memref<128xi32, #tpu.memory_space<vmem>>
        %dma_start3A_175 = arith.constant 0 : i32
        %dma_start3A_176 = arith.constant 0 : i32
        %dma_start3A_177 = tpu.memref_slice %arg2[%dma_start3A_175, %dma_start3A_176] : memref<100000x8xf32, #tpu.memory_space<hbm>> -> memref<100000x8xf32, #tpu.memory_space<hbm>>
        tpu.enqueue_indirect_dma source(%dma_start3A_177 : memref<100000x8xf32, #tpu.memory_space<hbm>>) target(%dma_start3A_172 : memref<128x8xf32, #tpu.memory_space<vmem>>) offsets(%dma_start3A_174 : memref<128xi32, #tpu.memory_space<vmem>>) semaphore(%arg15 : memref<!tpu.dma_semaphore, #tpu.memory_space<semaphore_mem>>)
        %dma_start3A_178 = arith.constant 2688 : i32
        %dma_start3A_179 = arith.constant 0 : i32
        %dma_start3A_180 = tpu.memref_slice %arg7[%dma_start3A_178, %dma_start3A_179] : memref<4096x8xf32, #tpu.memory_space<vmem>> -> memref<128x8xf32, #tpu.memory_space<vmem>>
        %dma_start3A_181 = arith.constant 2688 : i32
        %dma_start3A_182 = tpu.memref_slice %arg6[%dma_start3A_181] : memref<4096xi32, #tpu.memory_space<vmem>> -> memref<128xi32, #tpu.memory_space<vmem>>
        %dma_start3A_183 = arith.constant 0 : i32
        %dma_start3A_184 = arith.constant 0 : i32
        %dma_start3A_185 = tpu.memref_slice %arg2[%dma_start3A_183, %dma_start3A_184] : memref<100000x8xf32, #tpu.memory_space<hbm>> -> memref<100000x8xf32, #tpu.memory_space<hbm>>
        tpu.enqueue_indirect_dma source(%dma_start3A_185 : memref<100000x8xf32, #tpu.memory_space<hbm>>) target(%dma_start3A_180 : memref<128x8xf32, #tpu.memory_space<vmem>>) offsets(%dma_start3A_182 : memref<128xi32, #tpu.memory_space<vmem>>) semaphore(%arg15 : memref<!tpu.dma_semaphore, #tpu.memory_space<semaphore_mem>>)
        %dma_start3A_186 = arith.constant 2816 : i32
        %dma_start3A_187 = arith.constant 0 : i32
        %dma_start3A_188 = tpu.memref_slice %arg7[%dma_start3A_186, %dma_start3A_187] : memref<4096x8xf32, #tpu.memory_space<vmem>> -> memref<128x8xf32, #tpu.memory_space<vmem>>
        %dma_start3A_189 = arith.constant 2816 : i32
        %dma_start3A_190 = tpu.memref_slice %arg6[%dma_start3A_189] : memref<4096xi32, #tpu.memory_space<vmem>> -> memref<128xi32, #tpu.memory_space<vmem>>
        %dma_start3A_191 = arith.constant 0 : i32
        %dma_start3A_192 = arith.constant 0 : i32
        %dma_start3A_193 = tpu.memref_slice %arg2[%dma_start3A_191, %dma_start3A_192] : memref<100000x8xf32, #tpu.memory_space<hbm>> -> memref<100000x8xf32, #tpu.memory_space<hbm>>
        tpu.enqueue_indirect_dma source(%dma_start3A_193 : memref<100000x8xf32, #tpu.memory_space<hbm>>) target(%dma_start3A_188 : memref<128x8xf32, #tpu.memory_space<vmem>>) offsets(%dma_start3A_190 : memref<128xi32, #tpu.memory_space<vmem>>) semaphore(%arg15 : memref<!tpu.dma_semaphore, #tpu.memory_space<semaphore_mem>>)
        %dma_start3A_194 = arith.constant 2944 : i32
        %dma_start3A_195 = arith.constant 0 : i32
        %dma_start3A_196 = tpu.memref_slice %arg7[%dma_start3A_194, %dma_start3A_195] : memref<4096x8xf32, #tpu.memory_space<vmem>> -> memref<128x8xf32, #tpu.memory_space<vmem>>
        %dma_start3A_197 = arith.constant 2944 : i32
        %dma_start3A_198 = tpu.memref_slice %arg6[%dma_start3A_197] : memref<4096xi32, #tpu.memory_space<vmem>> -> memref<128xi32, #tpu.memory_space<vmem>>
        %dma_start3A_199 = arith.constant 0 : i32
        %dma_start3A_200 = arith.constant 0 : i32
        %dma_start3A_201 = tpu.memref_slice %arg2[%dma_start3A_199, %dma_start3A_200] : memref<100000x8xf32, #tpu.memory_space<hbm>> -> memref<100000x8xf32, #tpu.memory_space<hbm>>
        tpu.enqueue_indirect_dma source(%dma_start3A_201 : memref<100000x8xf32, #tpu.memory_space<hbm>>) target(%dma_start3A_196 : memref<128x8xf32, #tpu.memory_space<vmem>>) offsets(%dma_start3A_198 : memref<128xi32, #tpu.memory_space<vmem>>) semaphore(%arg15 : memref<!tpu.dma_semaphore, #tpu.memory_space<semaphore_mem>>)
        %dma_start3A_202 = arith.constant 3072 : i32
        %dma_start3A_203 = arith.constant 0 : i32
        %dma_start3A_204 = tpu.memref_slice %arg7[%dma_start3A_202, %dma_start3A_203] : memref<4096x8xf32, #tpu.memory_space<vmem>> -> memref<128x8xf32, #tpu.memory_space<vmem>>
        %dma_start3A_205 = arith.constant 3072 : i32
        %dma_start3A_206 = tpu.memref_slice %arg6[%dma_start3A_205] : memref<4096xi32, #tpu.memory_space<vmem>> -> memref<128xi32, #tpu.memory_space<vmem>>
        %dma_start3A_207 = arith.constant 0 : i32
        %dma_start3A_208 = arith.constant 0 : i32
        %dma_start3A_209 = tpu.memref_slice %arg2[%dma_start3A_207, %dma_start3A_208] : memref<100000x8xf32, #tpu.memory_space<hbm>> -> memref<100000x8xf32, #tpu.memory_space<hbm>>
        tpu.enqueue_indirect_dma source(%dma_start3A_209 : memref<100000x8xf32, #tpu.memory_space<hbm>>) target(%dma_start3A_204 : memref<128x8xf32, #tpu.memory_space<vmem>>) offsets(%dma_start3A_206 : memref<128xi32, #tpu.memory_space<vmem>>) semaphore(%arg15 : memref<!tpu.dma_semaphore, #tpu.memory_space<semaphore_mem>>)
        %dma_start3A_210 = arith.constant 3200 : i32
        %dma_start3A_211 = arith.constant 0 : i32
        %dma_start3A_212 = tpu.memref_slice %arg7[%dma_start3A_210, %dma_start3A_211] : memref<4096x8xf32, #tpu.memory_space<vmem>> -> memref<128x8xf32, #tpu.memory_space<vmem>>
        %dma_start3A_213 = arith.constant 3200 : i32
        %dma_start3A_214 = tpu.memref_slice %arg6[%dma_start3A_213] : memref<4096xi32, #tpu.memory_space<vmem>> -> memref<128xi32, #tpu.memory_space<vmem>>
        %dma_start3A_215 = arith.constant 0 : i32
        %dma_start3A_216 = arith.constant 0 : i32
        %dma_start3A_217 = tpu.memref_slice %arg2[%dma_start3A_215, %dma_start3A_216] : memref<100000x8xf32, #tpu.memory_space<hbm>> -> memref<100000x8xf32, #tpu.memory_space<hbm>>
        tpu.enqueue_indirect_dma source(%dma_start3A_217 : memref<100000x8xf32, #tpu.memory_space<hbm>>) target(%dma_start3A_212 : memref<128x8xf32, #tpu.memory_space<vmem>>) offsets(%dma_start3A_214 : memref<128xi32, #tpu.memory_space<vmem>>) semaphore(%arg15 : memref<!tpu.dma_semaphore, #tpu.memory_space<semaphore_mem>>)
        %dma_start3A_218 = arith.constant 3328 : i32
        %dma_start3A_219 = arith.constant 0 : i32
        %dma_start3A_220 = tpu.memref_slice %arg7[%dma_start3A_218, %dma_start3A_219] : memref<4096x8xf32, #tpu.memory_space<vmem>> -> memref<128x8xf32, #tpu.memory_space<vmem>>
        %dma_start3A_221 = arith.constant 3328 : i32
        %dma_start3A_222 = tpu.memref_slice %arg6[%dma_start3A_221] : memref<4096xi32, #tpu.memory_space<vmem>> -> memref<128xi32, #tpu.memory_space<vmem>>
        %dma_start3A_223 = arith.constant 0 : i32
        %dma_start3A_224 = arith.constant 0 : i32
        %dma_start3A_225 = tpu.memref_slice %arg2[%dma_start3A_223, %dma_start3A_224] : memref<100000x8xf32, #tpu.memory_space<hbm>> -> memref<100000x8xf32, #tpu.memory_space<hbm>>
        tpu.enqueue_indirect_dma source(%dma_start3A_225 : memref<100000x8xf32, #tpu.memory_space<hbm>>) target(%dma_start3A_220 : memref<128x8xf32, #tpu.memory_space<vmem>>) offsets(%dma_start3A_222 : memref<128xi32, #tpu.memory_space<vmem>>) semaphore(%arg15 : memref<!tpu.dma_semaphore, #tpu.memory_space<semaphore_mem>>)
        %dma_start3A_226 = arith.constant 3456 : i32
        %dma_start3A_227 = arith.constant 0 : i32
        %dma_start3A_228 = tpu.memref_slice %arg7[%dma_start3A_226, %dma_start3A_227] : memref<4096x8xf32, #tpu.memory_space<vmem>> -> memref<128x8xf32, #tpu.memory_space<vmem>>
        %dma_start3A_229 = arith.constant 3456 : i32
        %dma_start3A_230 = tpu.memref_slice %arg6[%dma_start3A_229] : memref<4096xi32, #tpu.memory_space<vmem>> -> memref<128xi32, #tpu.memory_space<vmem>>
        %dma_start3A_231 = arith.constant 0 : i32
        %dma_start3A_232 = arith.constant 0 : i32
        %dma_start3A_233 = tpu.memref_slice %arg2[%dma_start3A_231, %dma_start3A_232] : memref<100000x8xf32, #tpu.memory_space<hbm>> -> memref<100000x8xf32, #tpu.memory_space<hbm>>
        tpu.enqueue_indirect_dma source(%dma_start3A_233 : memref<100000x8xf32, #tpu.memory_space<hbm>>) target(%dma_start3A_228 : memref<128x8xf32, #tpu.memory_space<vmem>>) offsets(%dma_start3A_230 : memref<128xi32, #tpu.memory_space<vmem>>) semaphore(%arg15 : memref<!tpu.dma_semaphore, #tpu.memory_space<semaphore_mem>>)
        %dma_start3A_234 = arith.constant 3584 : i32
        %dma_start3A_235 = arith.constant 0 : i32
        %dma_start3A_236 = tpu.memref_slice %arg7[%dma_start3A_234, %dma_start3A_235] : memref<4096x8xf32, #tpu.memory_space<vmem>> -> memref<128x8xf32, #tpu.memory_space<vmem>>
        %dma_start3A_237 = arith.constant 3584 : i32
        %dma_start3A_238 = tpu.memref_slice %arg6[%dma_start3A_237] : memref<4096xi32, #tpu.memory_space<vmem>> -> memref<128xi32, #tpu.memory_space<vmem>>
        %dma_start3A_239 = arith.constant 0 : i32
        %dma_start3A_240 = arith.constant 0 : i32
        %dma_start3A_241 = tpu.memref_slice %arg2[%dma_start3A_239, %dma_start3A_240] : memref<100000x8xf32, #tpu.memory_space<hbm>> -> memref<100000x8xf32, #tpu.memory_space<hbm>>
        tpu.enqueue_indirect_dma source(%dma_start3A_241 : memref<100000x8xf32, #tpu.memory_space<hbm>>) target(%dma_start3A_236 : memref<128x8xf32, #tpu.memory_space<vmem>>) offsets(%dma_start3A_238 : memref<128xi32, #tpu.memory_space<vmem>>) semaphore(%arg15 : memref<!tpu.dma_semaphore, #tpu.memory_space<semaphore_mem>>)
        %dma_start3A_242 = arith.constant 3712 : i32
        %dma_start3A_243 = arith.constant 0 : i32
        %dma_start3A_244 = tpu.memref_slice %arg7[%dma_start3A_242, %dma_start3A_243] : memref<4096x8xf32, #tpu.memory_space<vmem>> -> memref<128x8xf32, #tpu.memory_space<vmem>>
        %dma_start3A_245 = arith.constant 3712 : i32
        %dma_start3A_246 = tpu.memref_slice %arg6[%dma_start3A_245] : memref<4096xi32, #tpu.memory_space<vmem>> -> memref<128xi32, #tpu.memory_space<vmem>>
        %dma_start3A_247 = arith.constant 0 : i32
        %dma_start3A_248 = arith.constant 0 : i32
        %dma_start3A_249 = tpu.memref_slice %arg2[%dma_start3A_247, %dma_start3A_248] : memref<100000x8xf32, #tpu.memory_space<hbm>> -> memref<100000x8xf32, #tpu.memory_space<hbm>>
        tpu.enqueue_indirect_dma source(%dma_start3A_249 : memref<100000x8xf32, #tpu.memory_space<hbm>>) target(%dma_start3A_244 : memref<128x8xf32, #tpu.memory_space<vmem>>) offsets(%dma_start3A_246 : memref<128xi32, #tpu.memory_space<vmem>>) semaphore(%arg15 : memref<!tpu.dma_semaphore, #tpu.memory_space<semaphore_mem>>)
        %dma_start3A_250 = arith.constant 3840 : i32
        %dma_start3A_251 = arith.constant 0 : i32
        %dma_start3A_252 = tpu.memref_slice %arg7[%dma_start3A_250, %dma_start3A_251] : memref<4096x8xf32, #tpu.memory_space<vmem>> -> memref<128x8xf32, #tpu.memory_space<vmem>>
        %dma_start3A_253 = arith.constant 3840 : i32
        %dma_start3A_254 = tpu.memref_slice %arg6[%dma_start3A_253] : memref<4096xi32, #tpu.memory_space<vmem>> -> memref<128xi32, #tpu.memory_space<vmem>>
        %dma_start3A_255 = arith.constant 0 : i32
        %dma_start3A_256 = arith.constant 0 : i32
        %dma_start3A_257 = tpu.memref_slice %arg2[%dma_start3A_255, %dma_start3A_256] : memref<100000x8xf32, #tpu.memory_space<hbm>> -> memref<100000x8xf32, #tpu.memory_space<hbm>>
        tpu.enqueue_indirect_dma source(%dma_start3A_257 : memref<100000x8xf32, #tpu.memory_space<hbm>>) target(%dma_start3A_252 : memref<128x8xf32, #tpu.memory_space<vmem>>) offsets(%dma_start3A_254 : memref<128xi32, #tpu.memory_space<vmem>>) semaphore(%arg15 : memref<!tpu.dma_semaphore, #tpu.memory_space<semaphore_mem>>)
        %dma_start3A_258 = arith.constant 3968 : i32
        %dma_start3A_259 = arith.constant 0 : i32
        %dma_start3A_260 = tpu.memref_slice %arg7[%dma_start3A_258, %dma_start3A_259] : memref<4096x8xf32, #tpu.memory_space<vmem>> -> memref<128x8xf32, #tpu.memory_space<vmem>>
        %dma_start3A_261 = arith.constant 3968 : i32
        %dma_start3A_262 = tpu.memref_slice %arg6[%dma_start3A_261] : memref<4096xi32, #tpu.memory_space<vmem>> -> memref<128xi32, #tpu.memory_space<vmem>>
        %dma_start3A_263 = arith.constant 0 : i32
        %dma_start3A_264 = arith.constant 0 : i32
        %dma_start3A_265 = tpu.memref_slice %arg2[%dma_start3A_263, %dma_start3A_264] : memref<100000x8xf32, #tpu.memory_space<hbm>> -> memref<100000x8xf32, #tpu.memory_space<hbm>>
        tpu.enqueue_indirect_dma source(%dma_start3A_265 : memref<100000x8xf32, #tpu.memory_space<hbm>>) target(%dma_start3A_260 : memref<128x8xf32, #tpu.memory_space<vmem>>) offsets(%dma_start3A_262 : memref<128xi32, #tpu.memory_space<vmem>>) semaphore(%arg15 : memref<!tpu.dma_semaphore, #tpu.memory_space<semaphore_mem>>)
      } else {
      }
      %lt3A_82 = arith.cmpi slt, %mul3A_75, %add3A_43 : i32
      %convert_element_type3A_83 = arith.extui %lt3A_82 : i1 to i32
      %cond3A_84 = arith.constant 0 : i32
      %cond3A_85 = arith.cmpi ne, %convert_element_type3A_83, %cond3A_84 : i32
      scf.if %cond3A_85 {
        %dma_wait3A = arith.constant 0 : i32
        %dma_wait3A_132 = arith.constant 0 : i32
        %dma_wait3A_133 = tpu.memref_slice %arg7[%dma_wait3A, %dma_wait3A_132] : memref<4096x8xf32, #tpu.memory_space<vmem>> -> memref<2048x8xf32, #tpu.memory_space<vmem>>
        %dma_wait3A_134 = arith.constant 0 : i32
        %dma_wait3A_135 = arith.constant 0 : i32
        %dma_wait3A_136 = tpu.memref_slice %arg2[%dma_wait3A_134, %dma_wait3A_135] : memref<100000x8xf32, #tpu.memory_space<hbm>> -> memref<2048x8xf32, #tpu.memory_space<hbm>>
        %dma_wait3A_137 = arith.constant 0 : i32
        %dma_wait3A_138 = arith.constant 0 : i32
        %dma_wait3A_139 = tpu.memref_slice %arg7[%dma_wait3A_137, %dma_wait3A_138] : memref<4096x8xf32, #tpu.memory_space<vmem>> -> memref<2048x8xf32, #tpu.memory_space<vmem>>
        %dma_wait3A_140 = arith.constant 0 : i32
        %dma_wait3A_141 = arith.constant 0 : i32
        %dma_wait3A_142 = tpu.memref_slice %arg2[%dma_wait3A_140, %dma_wait3A_141] : memref<100000x8xf32, #tpu.memory_space<hbm>> -> memref<2048x8xf32, #tpu.memory_space<hbm>>
        tpu.wait_dma2 semaphore(%arg14 : memref<!tpu.dma_semaphore, #tpu.memory_space<semaphore_mem>>) src(%dma_wait3A_142 : memref<2048x8xf32, #tpu.memory_space<hbm>>) dst(%dma_wait3A_139 : memref<2048x8xf32, #tpu.memory_space<vmem>>)
      } else {
      }
      %add3A_86 = arith.constant 2 : i32
      %add3A_87 = arith.addi %mul3A_75, %add3A_86 : i32
      %lt3A_88 = arith.cmpi slt, %add3A_87, %add3A_43 : i32
      %convert_element_type3A_89 = arith.extui %lt3A_88 : i1 to i32
      %cond3A_90 = arith.constant 0 : i32
      %cond3A_91 = arith.cmpi ne, %convert_element_type3A_89, %cond3A_90 : i32
      scf.if %cond3A_91 {
        %mul3A_132 = arith.constant 32 : i32
        %mul3A_133 = arith.muli %add3A_87, %mul3A_132 : i32
        %add3A_134 = arith.addi %add3A, %mul3A_133 : i32
        %mul3A_135 = arith.constant 2048 : i32
        %mul3A_136 = arith.muli %add3A_134, %mul3A_135 : i32
        %dma_start3A = arith.constant 0 : i32
        %dma_start3A_137 = tpu.memref_slice %arg6[%dma_start3A] : memref<4096xi32, #tpu.memory_space<vmem>> -> memref<2048xi32, #tpu.memory_space<vmem>>
        %dma_start3A_138 = tpu.memref_slice %arg3[%mul3A_136] : memref<12800000xi32, #tpu.memory_space<hbm>> -> memref<2048xi32, #tpu.memory_space<hbm>>
        %dma_start3A_139 = arith.constant 0 : i32
        %dma_start3A_140 = tpu.memref_slice %arg6[%dma_start3A_139] : memref<4096xi32, #tpu.memory_space<vmem>> -> memref<2048xi32, #tpu.memory_space<vmem>>
        %dma_start3A_141 = tpu.memref_slice %arg3[%mul3A_136] : memref<12800000xi32, #tpu.memory_space<hbm>> -> memref<2048xi32, #tpu.memory_space<hbm>>
        tpu.enqueue_dma source(%dma_start3A_141 : memref<2048xi32, #tpu.memory_space<hbm>>) target(%dma_start3A_140 : memref<2048xi32, #tpu.memory_space<vmem>>) target_semaphore(%arg12 : memref<!tpu.dma_semaphore, #tpu.memory_space<semaphore_mem>>)
      } else {
      }
      %lt3A_92 = arith.cmpi slt, %mul3A_75, %add3A_43 : i32
      %broadcast_in_dim3A_93 = arith.constant 0.000000e+00 : f32
      %broadcast_in_dim3A_94 = vector.broadcast %broadcast_in_dim3A_93 : f32 to vector<16xf32>
      %scan3A_95 = arith.constant 0 : i32
      %scan3A_96 = arith.constant 8 : i32
      %scan3A_97 = arith.addi %scan3A_95, %scan3A_96 : i32
      %scan3A_98 = arith.constant 1 : i32
      %scan3A_99:2 = scf.for %scan3A_132 = %scan3A_95 to %scan3A_97 step %scan3A_98 iter_args(%scan3A_133 = %broadcast_in_dim3A_94, %scan3A_134 = %broadcast_in_dim3A_94) -> (vector<16xf32>, vector<16xf32>)  : i32 {
        %mul3A_135 = arith.constant 256 : i32
        %mul3A_136 = arith.muli %scan3A_132, %mul3A_135 : i32
        %add3A_137 = arith.constant 0 : i32
        %add3A_138 = arith.addi %add3A_137, %mul3A_136 : i32
        %add3A_139 = arith.constant 0 : i32
        %add3A_140 = arith.addi %add3A_138, %add3A_139 : i32
        %add3A_141 = vector.broadcast %add3A_140 : i32 to vector<16xi32>
        %add3A_142 = arith.addi %iota3A, %add3A_141 : vector<16xi32>
        %add3A_143 = arith.constant 128 : i32
        %add3A_144 = vector.broadcast %add3A_143 : i32 to vector<16xi32>
        %add3A_145 = arith.addi %add3A_142, %add3A_144 : vector<16xi32>
        %broadcast_in_dim3A_146 = arith.constant 0 : i32
        %broadcast_in_dim3A_147 = vector.broadcast %broadcast_in_dim3A_146 : i32 to vector<16xi32>
        %gather3A = tpu.vector_load_idx %arg7[%add3A_142, %broadcast_in_dim3A_147] : memref<4096x8xf32, #tpu.memory_space<vmem>>[vector<16xi32>, vector<16xi32>], vector<16xf32>,
        %add3A_148 = arith.constant 1 : i32
        %add3A_149 = vector.broadcast %add3A_148 : i32 to vector<16xi32>
        %add3A_150 = arith.addi %broadcast_in_dim3A_147, %add3A_149 : vector<16xi32>
        %gather3A_151 = tpu.vector_load_idx %arg7[%add3A_142, %add3A_150] : memref<4096x8xf32, #tpu.memory_space<vmem>>[vector<16xi32>, vector<16xi32>], vector<16xf32>,
        %add3A_152 = arith.constant 2 : i32
        %add3A_153 = vector.broadcast %add3A_152 : i32 to vector<16xi32>
        %add3A_154 = arith.addi %broadcast_in_dim3A_147, %add3A_153 : vector<16xi32>
        %gather3A_155 = tpu.vector_load_idx %arg7[%add3A_142, %add3A_154] : memref<4096x8xf32, #tpu.memory_space<vmem>>[vector<16xi32>, vector<16xi32>], vector<16xf32>,
        %add3A_156 = arith.constant 3 : i32
        %add3A_157 = vector.broadcast %add3A_156 : i32 to vector<16xi32>
        %add3A_158 = arith.addi %broadcast_in_dim3A_147, %add3A_157 : vector<16xi32>
        %gather3A_159 = tpu.vector_load_idx %arg7[%add3A_142, %add3A_158] : memref<4096x8xf32, #tpu.memory_space<vmem>>[vector<16xi32>, vector<16xi32>], vector<16xf32>,
        %add3A_160 = arith.constant 4 : i32
        %add3A_161 = vector.broadcast %add3A_160 : i32 to vector<16xi32>
        %add3A_162 = arith.addi %broadcast_in_dim3A_147, %add3A_161 : vector<16xi32>
        %gather3A_163 = tpu.vector_load_idx %arg7[%add3A_142, %add3A_162] : memref<4096x8xf32, #tpu.memory_space<vmem>>[vector<16xi32>, vector<16xi32>], vector<16xf32>,
        %gather3A_164 = tpu.vector_load_idx %arg7[%add3A_145, %broadcast_in_dim3A_147] : memref<4096x8xf32, #tpu.memory_space<vmem>>[vector<16xi32>, vector<16xi32>], vector<16xf32>,
        %add3A_165 = arith.constant 1 : i32
        %add3A_166 = vector.broadcast %add3A_165 : i32 to vector<16xi32>
        %add3A_167 = arith.addi %broadcast_in_dim3A_147, %add3A_166 : vector<16xi32>
        %gather3A_168 = tpu.vector_load_idx %arg7[%add3A_145, %add3A_167] : memref<4096x8xf32, #tpu.memory_space<vmem>>[vector<16xi32>, vector<16xi32>], vector<16xf32>,
        %add3A_169 = arith.constant 2 : i32
        %add3A_170 = vector.broadcast %add3A_169 : i32 to vector<16xi32>
        %add3A_171 = arith.addi %broadcast_in_dim3A_147, %add3A_170 : vector<16xi32>
        %gather3A_172 = tpu.vector_load_idx %arg7[%add3A_145, %add3A_171] : memref<4096x8xf32, #tpu.memory_space<vmem>>[vector<16xi32>, vector<16xi32>], vector<16xf32>,
        %add3A_173 = arith.constant 3 : i32
        %add3A_174 = vector.broadcast %add3A_173 : i32 to vector<16xi32>
        %add3A_175 = arith.addi %broadcast_in_dim3A_147, %add3A_174 : vector<16xi32>
        %gather3A_176 = tpu.vector_load_idx %arg7[%add3A_145, %add3A_175] : memref<4096x8xf32, #tpu.memory_space<vmem>>[vector<16xi32>, vector<16xi32>], vector<16xf32>,
        %add3A_177 = arith.constant 4 : i32
        %add3A_178 = vector.broadcast %add3A_177 : i32 to vector<16xi32>
        %add3A_179 = arith.addi %broadcast_in_dim3A_147, %add3A_178 : vector<16xi32>
        %gather3A_180 = tpu.vector_load_idx %arg7[%add3A_145, %add3A_179] : memref<4096x8xf32, #tpu.memory_space<vmem>>[vector<16xi32>, vector<16xi32>], vector<16xf32>,
        %sub3A = arith.subf %gather3A, %gather3A_164 : vector<16xf32>
        %bitcast3A = vector.bitcast %sub3A : vector<16xf32> to vector<16xi32>
        %shift_right_logical3A = arith.constant 16 : i32
        %shift_right_logical3A_181 = vector.broadcast %shift_right_logical3A : i32 to vector<16xi32>
        %shift_right_logical3A_182 = arith.shrui %bitcast3A, %shift_right_logical3A_181 : vector<16xi32>
        %and3A = arith.constant 1 : i32
        %and3A_183 = vector.broadcast %and3A : i32 to vector<16xi32>
        %and3A_184 = arith.andi %shift_right_logical3A_182, %and3A_183 : vector<16xi32>
        %add3A_185 = arith.constant 32767 : i32
        %add3A_186 = vector.broadcast %add3A_185 : i32 to vector<16xi32>
        %add3A_187 = arith.addi %add3A_186, %and3A_184 : vector<16xi32>
        %add3A_188 = arith.addi %bitcast3A, %add3A_187 : vector<16xi32>
        %and3A_189 = arith.constant -65536 : i32
        %and3A_190 = vector.broadcast %and3A_189 : i32 to vector<16xi32>
        %and3A_191 = arith.andi %add3A_188, %and3A_190 : vector<16xi32>
        %bitcast3A_192 = vector.bitcast %and3A_191 : vector<16xi32> to vector<16xf32>
        %sub3A_193 = arith.subf %gather3A_151, %gather3A_168 : vector<16xf32>
        %bitcast3A_194 = vector.bitcast %sub3A_193 : vector<16xf32> to vector<16xi32>
        %shift_right_logical3A_195 = arith.constant 16 : i32
        %shift_right_logical3A_196 = vector.broadcast %shift_right_logical3A_195 : i32 to vector<16xi32>
        %shift_right_logical3A_197 = arith.shrui %bitcast3A_194, %shift_right_logical3A_196 : vector<16xi32>
        %and3A_198 = arith.constant 1 : i32
        %and3A_199 = vector.broadcast %and3A_198 : i32 to vector<16xi32>
        %and3A_200 = arith.andi %shift_right_logical3A_197, %and3A_199 : vector<16xi32>
        %add3A_201 = arith.constant 32767 : i32
        %add3A_202 = vector.broadcast %add3A_201 : i32 to vector<16xi32>
        %add3A_203 = arith.addi %add3A_202, %and3A_200 : vector<16xi32>
        %add3A_204 = arith.addi %bitcast3A_194, %add3A_203 : vector<16xi32>
        %and3A_205 = arith.constant -65536 : i32
        %and3A_206 = vector.broadcast %and3A_205 : i32 to vector<16xi32>
        %and3A_207 = arith.andi %add3A_204, %and3A_206 : vector<16xi32>
        %bitcast3A_208 = vector.bitcast %and3A_207 : vector<16xi32> to vector<16xf32>
        %sub3A_209 = arith.subf %gather3A_155, %gather3A_172 : vector<16xf32>
        %bitcast3A_210 = vector.bitcast %sub3A_209 : vector<16xf32> to vector<16xi32>
        %shift_right_logical3A_211 = arith.constant 16 : i32
        %shift_right_logical3A_212 = vector.broadcast %shift_right_logical3A_211 : i32 to vector<16xi32>
        %shift_right_logical3A_213 = arith.shrui %bitcast3A_210, %shift_right_logical3A_212 : vector<16xi32>
        %and3A_214 = arith.constant 1 : i32
        %and3A_215 = vector.broadcast %and3A_214 : i32 to vector<16xi32>
        %and3A_216 = arith.andi %shift_right_logical3A_213, %and3A_215 : vector<16xi32>
        %add3A_217 = arith.constant 32767 : i32
        %add3A_218 = vector.broadcast %add3A_217 : i32 to vector<16xi32>
        %add3A_219 = arith.addi %add3A_218, %and3A_216 : vector<16xi32>
        %add3A_220 = arith.addi %bitcast3A_210, %add3A_219 : vector<16xi32>
        %and3A_221 = arith.constant -65536 : i32
        %and3A_222 = vector.broadcast %and3A_221 : i32 to vector<16xi32>
        %and3A_223 = arith.andi %add3A_220, %and3A_222 : vector<16xi32>
        %bitcast3A_224 = vector.bitcast %and3A_223 : vector<16xi32> to vector<16xf32>
        %mul3A_225 = vector.broadcast %squeeze3A : f32 to vector<16xf32>
        %mul3A_226 = arith.mulf %bitcast3A_192, %mul3A_225 : vector<16xf32>
        %mul3A_227 = vector.broadcast %squeeze3A_9 : f32 to vector<16xf32>
        %mul3A_228 = arith.mulf %bitcast3A_208, %mul3A_227 : vector<16xf32>
        %add3A_229 = arith.addf %mul3A_226, %mul3A_228 : vector<16xf32>
        %mul3A_230 = vector.broadcast %squeeze3A_15 : f32 to vector<16xf32>
        %mul3A_231 = arith.mulf %bitcast3A_224, %mul3A_230 : vector<16xf32>
        %add3A_232 = arith.addf %add3A_229, %mul3A_231 : vector<16xf32>
        %mul3A_233 = vector.broadcast %squeeze3A_5 : f32 to vector<16xf32>
        %mul3A_234 = arith.mulf %bitcast3A_192, %mul3A_233 : vector<16xf32>
        %mul3A_235 = vector.broadcast %squeeze3A_11 : f32 to vector<16xf32>
        %mul3A_236 = arith.mulf %bitcast3A_208, %mul3A_235 : vector<16xf32>
        %add3A_237 = arith.addf %mul3A_234, %mul3A_236 : vector<16xf32>
        %mul3A_238 = vector.broadcast %squeeze3A_17 : f32 to vector<16xf32>
        %mul3A_239 = arith.mulf %bitcast3A_224, %mul3A_238 : vector<16xf32>
        %add3A_240 = arith.addf %add3A_237, %mul3A_239 : vector<16xf32>
        %mul3A_241 = vector.broadcast %squeeze3A_7 : f32 to vector<16xf32>
        %mul3A_242 = arith.mulf %bitcast3A_192, %mul3A_241 : vector<16xf32>
        %mul3A_243 = vector.broadcast %squeeze3A_13 : f32 to vector<16xf32>
        %mul3A_244 = arith.mulf %bitcast3A_208, %mul3A_243 : vector<16xf32>
        %add3A_245 = arith.addf %mul3A_242, %mul3A_244 : vector<16xf32>
        %mul3A_246 = vector.broadcast %squeeze3A_19 : f32 to vector<16xf32>
        %mul3A_247 = arith.mulf %bitcast3A_224, %mul3A_246 : vector<16xf32>
        %add3A_248 = arith.addf %add3A_245, %mul3A_247 : vector<16xf32>
        %add3A_249 = arith.constant 5.000000e-01 : f32
        %add3A_250 = vector.broadcast %add3A_249 : f32 to vector<16xf32>
        %add3A_251 = arith.addf %add3A_232, %add3A_250 : vector<16xf32>
        %convert_element_type3A_252 = arith.fptosi %add3A_251 : vector<16xf32> to vector<16xi32>
        %convert_element_type3A_253 = arith.sitofp %convert_element_type3A_252 : vector<16xi32> to vector<16xf32>
        %lt3A_254 = arith.cmpf olt, %add3A_251, %convert_element_type3A_253 : vector<16xf32>
        %jit3A_255 = arith.constant 1.000000e+00 : f32
        %jit3A_256 = arith.constant 0.000000e+00 : f32
        %broadcast_in_dim3A_257 = vector.broadcast %jit3A_255 : f32 to vector<16xf32>
        %broadcast_in_dim3A_258 = vector.broadcast %jit3A_256 : f32 to vector<16xf32>
        %select_n3A_259 = arith.select %lt3A_254, %broadcast_in_dim3A_257, %broadcast_in_dim3A_258 : vector<16xi1>, vector<16xf32>
        %sub3A_260 = arith.subf %convert_element_type3A_253, %select_n3A_259 : vector<16xf32>
        %sub3A_261 = arith.subf %add3A_232, %sub3A_260 : vector<16xf32>
        %bitcast3A_262 = vector.bitcast %sub3A_261 : vector<16xf32> to vector<16xi32>
        %shift_right_logical3A_263 = arith.constant 16 : i32
        %shift_right_logical3A_264 = vector.broadcast %shift_right_logical3A_263 : i32 to vector<16xi32>
        %shift_right_logical3A_265 = arith.shrui %bitcast3A_262, %shift_right_logical3A_264 : vector<16xi32>
        %and3A_266 = arith.constant 1 : i32
        %and3A_267 = vector.broadcast %and3A_266 : i32 to vector<16xi32>
        %and3A_268 = arith.andi %shift_right_logical3A_265, %and3A_267 : vector<16xi32>
        %add3A_269 = arith.constant 32767 : i32
        %add3A_270 = vector.broadcast %add3A_269 : i32 to vector<16xi32>
        %add3A_271 = arith.addi %add3A_270, %and3A_268 : vector<16xi32>
        %add3A_272 = arith.addi %bitcast3A_262, %add3A_271 : vector<16xi32>
        %and3A_273 = arith.constant -65536 : i32
        %and3A_274 = vector.broadcast %and3A_273 : i32 to vector<16xi32>
        %and3A_275 = arith.andi %add3A_272, %and3A_274 : vector<16xi32>
        %bitcast3A_276 = vector.bitcast %and3A_275 : vector<16xi32> to vector<16xf32>
        %add3A_277 = arith.constant 5.000000e-01 : f32
        %add3A_278 = vector.broadcast %add3A_277 : f32 to vector<16xf32>
        %add3A_279 = arith.addf %add3A_240, %add3A_278 : vector<16xf32>
        %convert_element_type3A_280 = arith.fptosi %add3A_279 : vector<16xf32> to vector<16xi32>
        %convert_element_type3A_281 = arith.sitofp %convert_element_type3A_280 : vector<16xi32> to vector<16xf32>
        %lt3A_282 = arith.cmpf olt, %add3A_279, %convert_element_type3A_281 : vector<16xf32>
        %jit3A_283 = arith.constant 1.000000e+00 : f32
        %jit3A_284 = arith.constant 0.000000e+00 : f32
        %broadcast_in_dim3A_285 = vector.broadcast %jit3A_283 : f32 to vector<16xf32>
        %broadcast_in_dim3A_286 = vector.broadcast %jit3A_284 : f32 to vector<16xf32>
        %select_n3A_287 = arith.select %lt3A_282, %broadcast_in_dim3A_285, %broadcast_in_dim3A_286 : vector<16xi1>, vector<16xf32>
        %sub3A_288 = arith.subf %convert_element_type3A_281, %select_n3A_287 : vector<16xf32>
        %sub3A_289 = arith.subf %add3A_240, %sub3A_288 : vector<16xf32>
        %bitcast3A_290 = vector.bitcast %sub3A_289 : vector<16xf32> to vector<16xi32>
        %shift_right_logical3A_291 = arith.constant 16 : i32
        %shift_right_logical3A_292 = vector.broadcast %shift_right_logical3A_291 : i32 to vector<16xi32>
        %shift_right_logical3A_293 = arith.shrui %bitcast3A_290, %shift_right_logical3A_292 : vector<16xi32>
        %and3A_294 = arith.constant 1 : i32
        %and3A_295 = vector.broadcast %and3A_294 : i32 to vector<16xi32>
        %and3A_296 = arith.andi %shift_right_logical3A_293, %and3A_295 : vector<16xi32>
        %add3A_297 = arith.constant 32767 : i32
        %add3A_298 = vector.broadcast %add3A_297 : i32 to vector<16xi32>
        %add3A_299 = arith.addi %add3A_298, %and3A_296 : vector<16xi32>
        %add3A_300 = arith.addi %bitcast3A_290, %add3A_299 : vector<16xi32>
        %and3A_301 = arith.constant -65536 : i32
        %and3A_302 = vector.broadcast %and3A_301 : i32 to vector<16xi32>
        %and3A_303 = arith.andi %add3A_300, %and3A_302 : vector<16xi32>
        %bitcast3A_304 = vector.bitcast %and3A_303 : vector<16xi32> to vector<16xf32>
        %add3A_305 = arith.constant 5.000000e-01 : f32
        %add3A_306 = vector.broadcast %add3A_305 : f32 to vector<16xf32>
        %add3A_307 = arith.addf %add3A_248, %add3A_306 : vector<16xf32>
        %convert_element_type3A_308 = arith.fptosi %add3A_307 : vector<16xf32> to vector<16xi32>
        %convert_element_type3A_309 = arith.sitofp %convert_element_type3A_308 : vector<16xi32> to vector<16xf32>
        %lt3A_310 = arith.cmpf olt, %add3A_307, %convert_element_type3A_309 : vector<16xf32>
        %jit3A_311 = arith.constant 1.000000e+00 : f32
        %jit3A_312 = arith.constant 0.000000e+00 : f32
        %broadcast_in_dim3A_313 = vector.broadcast %jit3A_311 : f32 to vector<16xf32>
        %broadcast_in_dim3A_314 = vector.broadcast %jit3A_312 : f32 to vector<16xf32>
        %select_n3A_315 = arith.select %lt3A_310, %broadcast_in_dim3A_313, %broadcast_in_dim3A_314 : vector<16xi1>, vector<16xf32>
        %sub3A_316 = arith.subf %convert_element_type3A_309, %select_n3A_315 : vector<16xf32>
        %sub3A_317 = arith.subf %add3A_248, %sub3A_316 : vector<16xf32>
        %bitcast3A_318 = vector.bitcast %sub3A_317 : vector<16xf32> to vector<16xi32>
        %shift_right_logical3A_319 = arith.constant 16 : i32
        %shift_right_logical3A_320 = vector.broadcast %shift_right_logical3A_319 : i32 to vector<16xi32>
        %shift_right_logical3A_321 = arith.shrui %bitcast3A_318, %shift_right_logical3A_320 : vector<16xi32>
        %and3A_322 = arith.constant 1 : i32
        %and3A_323 = vector.broadcast %and3A_322 : i32 to vector<16xi32>
        %and3A_324 = arith.andi %shift_right_logical3A_321, %and3A_323 : vector<16xi32>
        %add3A_325 = arith.constant 32767 : i32
        %add3A_326 = vector.broadcast %add3A_325 : i32 to vector<16xi32>
        %add3A_327 = arith.addi %add3A_326, %and3A_324 : vector<16xi32>
        %add3A_328 = arith.addi %bitcast3A_318, %add3A_327 : vector<16xi32>
        %and3A_329 = arith.constant -65536 : i32
        %and3A_330 = vector.broadcast %and3A_329 : i32 to vector<16xi32>
        %and3A_331 = arith.andi %add3A_328, %and3A_330 : vector<16xi32>
        %bitcast3A_332 = vector.bitcast %and3A_331 : vector<16xi32> to vector<16xf32>
        %mul3A_333 = vector.broadcast %squeeze3A_21 : f32 to vector<16xf32>
        %mul3A_334 = arith.mulf %bitcast3A_276, %mul3A_333 : vector<16xf32>
        %mul3A_335 = vector.broadcast %squeeze3A_27 : f32 to vector<16xf32>
        %mul3A_336 = arith.mulf %bitcast3A_304, %mul3A_335 : vector<16xf32>
        %add3A_337 = arith.addf %mul3A_334, %mul3A_336 : vector<16xf32>
        %mul3A_338 = vector.broadcast %squeeze3A_33 : f32 to vector<16xf32>
        %mul3A_339 = arith.mulf %bitcast3A_332, %mul3A_338 : vector<16xf32>
        %add3A_340 = arith.addf %add3A_337, %mul3A_339 : vector<16xf32>
        %mul3A_341 = vector.broadcast %squeeze3A_23 : f32 to vector<16xf32>
        %mul3A_342 = arith.mulf %bitcast3A_276, %mul3A_341 : vector<16xf32>
        %mul3A_343 = vector.broadcast %squeeze3A_29 : f32 to vector<16xf32>
        %mul3A_344 = arith.mulf %bitcast3A_304, %mul3A_343 : vector<16xf32>
        %add3A_345 = arith.addf %mul3A_342, %mul3A_344 : vector<16xf32>
        %mul3A_346 = vector.broadcast %squeeze3A_35 : f32 to vector<16xf32>
        %mul3A_347 = arith.mulf %bitcast3A_332, %mul3A_346 : vector<16xf32>
        %add3A_348 = arith.addf %add3A_345, %mul3A_347 : vector<16xf32>
        %mul3A_349 = vector.broadcast %squeeze3A_25 : f32 to vector<16xf32>
        %mul3A_350 = arith.mulf %bitcast3A_276, %mul3A_349 : vector<16xf32>
        %mul3A_351 = vector.broadcast %squeeze3A_31 : f32 to vector<16xf32>
        %mul3A_352 = arith.mulf %bitcast3A_304, %mul3A_351 : vector<16xf32>
        %add3A_353 = arith.addf %mul3A_350, %mul3A_352 : vector<16xf32>
        %mul3A_354 = vector.broadcast %squeeze3A_37 : f32 to vector<16xf32>
        %mul3A_355 = arith.mulf %bitcast3A_332, %mul3A_354 : vector<16xf32>
        %add3A_356 = arith.addf %add3A_353, %mul3A_355 : vector<16xf32>
        %mul3A_357 = arith.mulf %add3A_340, %add3A_340 : vector<16xf32>
        %mul3A_358 = arith.mulf %add3A_348, %add3A_348 : vector<16xf32>
        %add3A_359 = arith.addf %mul3A_357, %mul3A_358 : vector<16xf32>
        %mul3A_360 = arith.mulf %add3A_356, %add3A_356 : vector<16xf32>
        %add3A_361 = arith.addf %add3A_359, %mul3A_360 : vector<16xf32>
        %add3A_362 = arith.addf %gather3A_159, %gather3A_176 : vector<16xf32>
        %mul3A_363 = arith.mulf %gather3A_163, %gather3A_180 : vector<16xf32>
        %mul3A_364 = arith.mulf %add3A_362, %add3A_362 : vector<16xf32>
        %div3A = arith.divf %mul3A_364, %add3A_361 : vector<16xf32>
        %mul3A_365 = arith.mulf %div3A, %div3A : vector<16xf32>
        %mul3A_366 = arith.mulf %mul3A_365, %div3A : vector<16xf32>
        %mul3A_367 = arith.mulf %mul3A_363, %mul3A_366 : vector<16xf32>
        %sub3A_368 = arith.constant 1.000000e+00 : f32
        %sub3A_369 = vector.broadcast %sub3A_368 : f32 to vector<16xf32>
        %sub3A_370 = arith.subf %mul3A_366, %sub3A_369 : vector<16xf32>
        %mul3A_371 = arith.mulf %mul3A_367, %sub3A_370 : vector<16xf32>
        %le3A = vector.broadcast %squeeze3A_39 : f32 to vector<16xf32>
        %le3A_372 = arith.cmpf ole, %add3A_361, %le3A : vector<16xf32>
        %jit3A_373 = arith.constant 0.000000e+00 : f32
        %broadcast_in_dim3A_374 = vector.broadcast %jit3A_373 : f32 to vector<16xf32>
        %select_n3A_375 = arith.select %le3A_372, %mul3A_371, %broadcast_in_dim3A_374 : vector<16xi1>, vector<16xf32>
        %add3A_376 = arith.addf %scan3A_133, %select_n3A_375 : vector<16xf32>
        %add3A_377 = arith.constant 16 : i32
        %add3A_378 = arith.addi %add3A_138, %add3A_377 : i32
        %add3A_379 = vector.broadcast %add3A_378 : i32 to vector<16xi32>
        %add3A_380 = arith.addi %iota3A, %add3A_379 : vector<16xi32>
        %add3A_381 = arith.constant 128 : i32
        %add3A_382 = vector.broadcast %add3A_381 : i32 to vector<16xi32>
        %add3A_383 = arith.addi %add3A_380, %add3A_382 : vector<16xi32>
        %broadcast_in_dim3A_384 = arith.constant 0 : i32
        %broadcast_in_dim3A_385 = vector.broadcast %broadcast_in_dim3A_384 : i32 to vector<16xi32>
        %gather3A_386 = tpu.vector_load_idx %arg7[%add3A_380, %broadcast_in_dim3A_385] : memref<4096x8xf32, #tpu.memory_space<vmem>>[vector<16xi32>, vector<16xi32>], vector<16xf32>,
        %add3A_387 = arith.constant 1 : i32
        %add3A_388 = vector.broadcast %add3A_387 : i32 to vector<16xi32>
        %add3A_389 = arith.addi %broadcast_in_dim3A_385, %add3A_388 : vector<16xi32>
        %gather3A_390 = tpu.vector_load_idx %arg7[%add3A_380, %add3A_389] : memref<4096x8xf32, #tpu.memory_space<vmem>>[vector<16xi32>, vector<16xi32>], vector<16xf32>,
        %add3A_391 = arith.constant 2 : i32
        %add3A_392 = vector.broadcast %add3A_391 : i32 to vector<16xi32>
        %add3A_393 = arith.addi %broadcast_in_dim3A_385, %add3A_392 : vector<16xi32>
        %gather3A_394 = tpu.vector_load_idx %arg7[%add3A_380, %add3A_393] : memref<4096x8xf32, #tpu.memory_space<vmem>>[vector<16xi32>, vector<16xi32>], vector<16xf32>,
        %add3A_395 = arith.constant 3 : i32
        %add3A_396 = vector.broadcast %add3A_395 : i32 to vector<16xi32>
        %add3A_397 = arith.addi %broadcast_in_dim3A_385, %add3A_396 : vector<16xi32>
        %gather3A_398 = tpu.vector_load_idx %arg7[%add3A_380, %add3A_397] : memref<4096x8xf32, #tpu.memory_space<vmem>>[vector<16xi32>, vector<16xi32>], vector<16xf32>,
        %add3A_399 = arith.constant 4 : i32
        %add3A_400 = vector.broadcast %add3A_399 : i32 to vector<16xi32>
        %add3A_401 = arith.addi %broadcast_in_dim3A_385, %add3A_400 : vector<16xi32>
        %gather3A_402 = tpu.vector_load_idx %arg7[%add3A_380, %add3A_401] : memref<4096x8xf32, #tpu.memory_space<vmem>>[vector<16xi32>, vector<16xi32>], vector<16xf32>,
        %gather3A_403 = tpu.vector_load_idx %arg7[%add3A_383, %broadcast_in_dim3A_385] : memref<4096x8xf32, #tpu.memory_space<vmem>>[vector<16xi32>, vector<16xi32>], vector<16xf32>,
        %add3A_404 = arith.constant 1 : i32
        %add3A_405 = vector.broadcast %add3A_404 : i32 to vector<16xi32>
        %add3A_406 = arith.addi %broadcast_in_dim3A_385, %add3A_405 : vector<16xi32>
        %gather3A_407 = tpu.vector_load_idx %arg7[%add3A_383, %add3A_406] : memref<4096x8xf32, #tpu.memory_space<vmem>>[vector<16xi32>, vector<16xi32>], vector<16xf32>,
        %add3A_408 = arith.constant 2 : i32
        %add3A_409 = vector.broadcast %add3A_408 : i32 to vector<16xi32>
        %add3A_410 = arith.addi %broadcast_in_dim3A_385, %add3A_409 : vector<16xi32>
        %gather3A_411 = tpu.vector_load_idx %arg7[%add3A_383, %add3A_410] : memref<4096x8xf32, #tpu.memory_space<vmem>>[vector<16xi32>, vector<16xi32>], vector<16xf32>,
        %add3A_412 = arith.constant 3 : i32
        %add3A_413 = vector.broadcast %add3A_412 : i32 to vector<16xi32>
        %add3A_414 = arith.addi %broadcast_in_dim3A_385, %add3A_413 : vector<16xi32>
        %gather3A_415 = tpu.vector_load_idx %arg7[%add3A_383, %add3A_414] : memref<4096x8xf32, #tpu.memory_space<vmem>>[vector<16xi32>, vector<16xi32>], vector<16xf32>,
        %add3A_416 = arith.constant 4 : i32
        %add3A_417 = vector.broadcast %add3A_416 : i32 to vector<16xi32>
        %add3A_418 = arith.addi %broadcast_in_dim3A_385, %add3A_417 : vector<16xi32>
        %gather3A_419 = tpu.vector_load_idx %arg7[%add3A_383, %add3A_418] : memref<4096x8xf32, #tpu.memory_space<vmem>>[vector<16xi32>, vector<16xi32>], vector<16xf32>,
        %sub3A_420 = arith.subf %gather3A_386, %gather3A_403 : vector<16xf32>
        %bitcast3A_421 = vector.bitcast %sub3A_420 : vector<16xf32> to vector<16xi32>
        %shift_right_logical3A_422 = arith.constant 16 : i32
        %shift_right_logical3A_423 = vector.broadcast %shift_right_logical3A_422 : i32 to vector<16xi32>
        %shift_right_logical3A_424 = arith.shrui %bitcast3A_421, %shift_right_logical3A_423 : vector<16xi32>
        %and3A_425 = arith.constant 1 : i32
        %and3A_426 = vector.broadcast %and3A_425 : i32 to vector<16xi32>
        %and3A_427 = arith.andi %shift_right_logical3A_424, %and3A_426 : vector<16xi32>
        %add3A_428 = arith.constant 32767 : i32
        %add3A_429 = vector.broadcast %add3A_428 : i32 to vector<16xi32>
        %add3A_430 = arith.addi %add3A_429, %and3A_427 : vector<16xi32>
        %add3A_431 = arith.addi %bitcast3A_421, %add3A_430 : vector<16xi32>
        %and3A_432 = arith.constant -65536 : i32
        %and3A_433 = vector.broadcast %and3A_432 : i32 to vector<16xi32>
        %and3A_434 = arith.andi %add3A_431, %and3A_433 : vector<16xi32>
        %bitcast3A_435 = vector.bitcast %and3A_434 : vector<16xi32> to vector<16xf32>
        %sub3A_436 = arith.subf %gather3A_390, %gather3A_407 : vector<16xf32>
        %bitcast3A_437 = vector.bitcast %sub3A_436 : vector<16xf32> to vector<16xi32>
        %shift_right_logical3A_438 = arith.constant 16 : i32
        %shift_right_logical3A_439 = vector.broadcast %shift_right_logical3A_438 : i32 to vector<16xi32>
        %shift_right_logical3A_440 = arith.shrui %bitcast3A_437, %shift_right_logical3A_439 : vector<16xi32>
        %and3A_441 = arith.constant 1 : i32
        %and3A_442 = vector.broadcast %and3A_441 : i32 to vector<16xi32>
        %and3A_443 = arith.andi %shift_right_logical3A_440, %and3A_442 : vector<16xi32>
        %add3A_444 = arith.constant 32767 : i32
        %add3A_445 = vector.broadcast %add3A_444 : i32 to vector<16xi32>
        %add3A_446 = arith.addi %add3A_445, %and3A_443 : vector<16xi32>
        %add3A_447 = arith.addi %bitcast3A_437, %add3A_446 : vector<16xi32>
        %and3A_448 = arith.constant -65536 : i32
        %and3A_449 = vector.broadcast %and3A_448 : i32 to vector<16xi32>
        %and3A_450 = arith.andi %add3A_447, %and3A_449 : vector<16xi32>
        %bitcast3A_451 = vector.bitcast %and3A_450 : vector<16xi32> to vector<16xf32>
        %sub3A_452 = arith.subf %gather3A_394, %gather3A_411 : vector<16xf32>
        %bitcast3A_453 = vector.bitcast %sub3A_452 : vector<16xf32> to vector<16xi32>
        %shift_right_logical3A_454 = arith.constant 16 : i32
        %shift_right_logical3A_455 = vector.broadcast %shift_right_logical3A_454 : i32 to vector<16xi32>
        %shift_right_logical3A_456 = arith.shrui %bitcast3A_453, %shift_right_logical3A_455 : vector<16xi32>
        %and3A_457 = arith.constant 1 : i32
        %and3A_458 = vector.broadcast %and3A_457 : i32 to vector<16xi32>
        %and3A_459 = arith.andi %shift_right_logical3A_456, %and3A_458 : vector<16xi32>
        %add3A_460 = arith.constant 32767 : i32
        %add3A_461 = vector.broadcast %add3A_460 : i32 to vector<16xi32>
        %add3A_462 = arith.addi %add3A_461, %and3A_459 : vector<16xi32>
        %add3A_463 = arith.addi %bitcast3A_453, %add3A_462 : vector<16xi32>
        %and3A_464 = arith.constant -65536 : i32
        %and3A_465 = vector.broadcast %and3A_464 : i32 to vector<16xi32>
        %and3A_466 = arith.andi %add3A_463, %and3A_465 : vector<16xi32>
        %bitcast3A_467 = vector.bitcast %and3A_466 : vector<16xi32> to vector<16xf32>
        %mul3A_468 = vector.broadcast %squeeze3A : f32 to vector<16xf32>
        %mul3A_469 = arith.mulf %bitcast3A_435, %mul3A_468 : vector<16xf32>
        %mul3A_470 = vector.broadcast %squeeze3A_9 : f32 to vector<16xf32>
        %mul3A_471 = arith.mulf %bitcast3A_451, %mul3A_470 : vector<16xf32>
        %add3A_472 = arith.addf %mul3A_469, %mul3A_471 : vector<16xf32>
        %mul3A_473 = vector.broadcast %squeeze3A_15 : f32 to vector<16xf32>
        %mul3A_474 = arith.mulf %bitcast3A_467, %mul3A_473 : vector<16xf32>
        %add3A_475 = arith.addf %add3A_472, %mul3A_474 : vector<16xf32>
        %mul3A_476 = vector.broadcast %squeeze3A_5 : f32 to vector<16xf32>
        %mul3A_477 = arith.mulf %bitcast3A_435, %mul3A_476 : vector<16xf32>
        %mul3A_478 = vector.broadcast %squeeze3A_11 : f32 to vector<16xf32>
        %mul3A_479 = arith.mulf %bitcast3A_451, %mul3A_478 : vector<16xf32>
        %add3A_480 = arith.addf %mul3A_477, %mul3A_479 : vector<16xf32>
        %mul3A_481 = vector.broadcast %squeeze3A_17 : f32 to vector<16xf32>
        %mul3A_482 = arith.mulf %bitcast3A_467, %mul3A_481 : vector<16xf32>
        %add3A_483 = arith.addf %add3A_480, %mul3A_482 : vector<16xf32>
        %mul3A_484 = vector.broadcast %squeeze3A_7 : f32 to vector<16xf32>
        %mul3A_485 = arith.mulf %bitcast3A_435, %mul3A_484 : vector<16xf32>
        %mul3A_486 = vector.broadcast %squeeze3A_13 : f32 to vector<16xf32>
        %mul3A_487 = arith.mulf %bitcast3A_451, %mul3A_486 : vector<16xf32>
        %add3A_488 = arith.addf %mul3A_485, %mul3A_487 : vector<16xf32>
        %mul3A_489 = vector.broadcast %squeeze3A_19 : f32 to vector<16xf32>
        %mul3A_490 = arith.mulf %bitcast3A_467, %mul3A_489 : vector<16xf32>
        %add3A_491 = arith.addf %add3A_488, %mul3A_490 : vector<16xf32>
        %add3A_492 = arith.constant 5.000000e-01 : f32
        %add3A_493 = vector.broadcast %add3A_492 : f32 to vector<16xf32>
        %add3A_494 = arith.addf %add3A_475, %add3A_493 : vector<16xf32>
        %convert_element_type3A_495 = arith.fptosi %add3A_494 : vector<16xf32> to vector<16xi32>
        %convert_element_type3A_496 = arith.sitofp %convert_element_type3A_495 : vector<16xi32> to vector<16xf32>
        %lt3A_497 = arith.cmpf olt, %add3A_494, %convert_element_type3A_496 : vector<16xf32>
        %jit3A_498 = arith.constant 1.000000e+00 : f32
        %jit3A_499 = arith.constant 0.000000e+00 : f32
        %broadcast_in_dim3A_500 = vector.broadcast %jit3A_498 : f32 to vector<16xf32>
        %broadcast_in_dim3A_501 = vector.broadcast %jit3A_499 : f32 to vector<16xf32>
        %select_n3A_502 = arith.select %lt3A_497, %broadcast_in_dim3A_500, %broadcast_in_dim3A_501 : vector<16xi1>, vector<16xf32>
        %sub3A_503 = arith.subf %convert_element_type3A_496, %select_n3A_502 : vector<16xf32>
        %sub3A_504 = arith.subf %add3A_475, %sub3A_503 : vector<16xf32>
        %bitcast3A_505 = vector.bitcast %sub3A_504 : vector<16xf32> to vector<16xi32>
        %shift_right_logical3A_506 = arith.constant 16 : i32
        %shift_right_logical3A_507 = vector.broadcast %shift_right_logical3A_506 : i32 to vector<16xi32>
        %shift_right_logical3A_508 = arith.shrui %bitcast3A_505, %shift_right_logical3A_507 : vector<16xi32>
        %and3A_509 = arith.constant 1 : i32
        %and3A_510 = vector.broadcast %and3A_509 : i32 to vector<16xi32>
        %and3A_511 = arith.andi %shift_right_logical3A_508, %and3A_510 : vector<16xi32>
        %add3A_512 = arith.constant 32767 : i32
        %add3A_513 = vector.broadcast %add3A_512 : i32 to vector<16xi32>
        %add3A_514 = arith.addi %add3A_513, %and3A_511 : vector<16xi32>
        %add3A_515 = arith.addi %bitcast3A_505, %add3A_514 : vector<16xi32>
        %and3A_516 = arith.constant -65536 : i32
        %and3A_517 = vector.broadcast %and3A_516 : i32 to vector<16xi32>
        %and3A_518 = arith.andi %add3A_515, %and3A_517 : vector<16xi32>
        %bitcast3A_519 = vector.bitcast %and3A_518 : vector<16xi32> to vector<16xf32>
        %add3A_520 = arith.constant 5.000000e-01 : f32
        %add3A_521 = vector.broadcast %add3A_520 : f32 to vector<16xf32>
        %add3A_522 = arith.addf %add3A_483, %add3A_521 : vector<16xf32>
        %convert_element_type3A_523 = arith.fptosi %add3A_522 : vector<16xf32> to vector<16xi32>
        %convert_element_type3A_524 = arith.sitofp %convert_element_type3A_523 : vector<16xi32> to vector<16xf32>
        %lt3A_525 = arith.cmpf olt, %add3A_522, %convert_element_type3A_524 : vector<16xf32>
        %jit3A_526 = arith.constant 1.000000e+00 : f32
        %jit3A_527 = arith.constant 0.000000e+00 : f32
        %broadcast_in_dim3A_528 = vector.broadcast %jit3A_526 : f32 to vector<16xf32>
        %broadcast_in_dim3A_529 = vector.broadcast %jit3A_527 : f32 to vector<16xf32>
        %select_n3A_530 = arith.select %lt3A_525, %broadcast_in_dim3A_528, %broadcast_in_dim3A_529 : vector<16xi1>, vector<16xf32>
        %sub3A_531 = arith.subf %convert_element_type3A_524, %select_n3A_530 : vector<16xf32>
        %sub3A_532 = arith.subf %add3A_483, %sub3A_531 : vector<16xf32>
        %bitcast3A_533 = vector.bitcast %sub3A_532 : vector<16xf32> to vector<16xi32>
        %shift_right_logical3A_534 = arith.constant 16 : i32
        %shift_right_logical3A_535 = vector.broadcast %shift_right_logical3A_534 : i32 to vector<16xi32>
        %shift_right_logical3A_536 = arith.shrui %bitcast3A_533, %shift_right_logical3A_535 : vector<16xi32>
        %and3A_537 = arith.constant 1 : i32
        %and3A_538 = vector.broadcast %and3A_537 : i32 to vector<16xi32>
        %and3A_539 = arith.andi %shift_right_logical3A_536, %and3A_538 : vector<16xi32>
        %add3A_540 = arith.constant 32767 : i32
        %add3A_541 = vector.broadcast %add3A_540 : i32 to vector<16xi32>
        %add3A_542 = arith.addi %add3A_541, %and3A_539 : vector<16xi32>
        %add3A_543 = arith.addi %bitcast3A_533, %add3A_542 : vector<16xi32>
        %and3A_544 = arith.constant -65536 : i32
        %and3A_545 = vector.broadcast %and3A_544 : i32 to vector<16xi32>
        %and3A_546 = arith.andi %add3A_543, %and3A_545 : vector<16xi32>
        %bitcast3A_547 = vector.bitcast %and3A_546 : vector<16xi32> to vector<16xf32>
        %add3A_548 = arith.constant 5.000000e-01 : f32
        %add3A_549 = vector.broadcast %add3A_548 : f32 to vector<16xf32>
        %add3A_550 = arith.addf %add3A_491, %add3A_549 : vector<16xf32>
        %convert_element_type3A_551 = arith.fptosi %add3A_550 : vector<16xf32> to vector<16xi32>
        %convert_element_type3A_552 = arith.sitofp %convert_element_type3A_551 : vector<16xi32> to vector<16xf32>
        %lt3A_553 = arith.cmpf olt, %add3A_550, %convert_element_type3A_552 : vector<16xf32>
        %jit3A_554 = arith.constant 1.000000e+00 : f32
        %jit3A_555 = arith.constant 0.000000e+00 : f32
        %broadcast_in_dim3A_556 = vector.broadcast %jit3A_554 : f32 to vector<16xf32>
        %broadcast_in_dim3A_557 = vector.broadcast %jit3A_555 : f32 to vector<16xf32>
        %select_n3A_558 = arith.select %lt3A_553, %broadcast_in_dim3A_556, %broadcast_in_dim3A_557 : vector<16xi1>, vector<16xf32>
        %sub3A_559 = arith.subf %convert_element_type3A_552, %select_n3A_558 : vector<16xf32>
        %sub3A_560 = arith.subf %add3A_491, %sub3A_559 : vector<16xf32>
        %bitcast3A_561 = vector.bitcast %sub3A_560 : vector<16xf32> to vector<16xi32>
        %shift_right_logical3A_562 = arith.constant 16 : i32
        %shift_right_logical3A_563 = vector.broadcast %shift_right_logical3A_562 : i32 to vector<16xi32>
        %shift_right_logical3A_564 = arith.shrui %bitcast3A_561, %shift_right_logical3A_563 : vector<16xi32>
        %and3A_565 = arith.constant 1 : i32
        %and3A_566 = vector.broadcast %and3A_565 : i32 to vector<16xi32>
        %and3A_567 = arith.andi %shift_right_logical3A_564, %and3A_566 : vector<16xi32>
        %add3A_568 = arith.constant 32767 : i32
        %add3A_569 = vector.broadcast %add3A_568 : i32 to vector<16xi32>
        %add3A_570 = arith.addi %add3A_569, %and3A_567 : vector<16xi32>
        %add3A_571 = arith.addi %bitcast3A_561, %add3A_570 : vector<16xi32>
        %and3A_572 = arith.constant -65536 : i32
        %and3A_573 = vector.broadcast %and3A_572 : i32 to vector<16xi32>
        %and3A_574 = arith.andi %add3A_571, %and3A_573 : vector<16xi32>
        %bitcast3A_575 = vector.bitcast %and3A_574 : vector<16xi32> to vector<16xf32>
        %mul3A_576 = vector.broadcast %squeeze3A_21 : f32 to vector<16xf32>
        %mul3A_577 = arith.mulf %bitcast3A_519, %mul3A_576 : vector<16xf32>
        %mul3A_578 = vector.broadcast %squeeze3A_27 : f32 to vector<16xf32>
        %mul3A_579 = arith.mulf %bitcast3A_547, %mul3A_578 : vector<16xf32>
        %add3A_580 = arith.addf %mul3A_577, %mul3A_579 : vector<16xf32>
        %mul3A_581 = vector.broadcast %squeeze3A_33 : f32 to vector<16xf32>
        %mul3A_582 = arith.mulf %bitcast3A_575, %mul3A_581 : vector<16xf32>
        %add3A_583 = arith.addf %add3A_580, %mul3A_582 : vector<16xf32>
        %mul3A_584 = vector.broadcast %squeeze3A_23 : f32 to vector<16xf32>
        %mul3A_585 = arith.mulf %bitcast3A_519, %mul3A_584 : vector<16xf32>
        %mul3A_586 = vector.broadcast %squeeze3A_29 : f32 to vector<16xf32>
        %mul3A_587 = arith.mulf %bitcast3A_547, %mul3A_586 : vector<16xf32>
        %add3A_588 = arith.addf %mul3A_585, %mul3A_587 : vector<16xf32>
        %mul3A_589 = vector.broadcast %squeeze3A_35 : f32 to vector<16xf32>
        %mul3A_590 = arith.mulf %bitcast3A_575, %mul3A_589 : vector<16xf32>
        %add3A_591 = arith.addf %add3A_588, %mul3A_590 : vector<16xf32>
        %mul3A_592 = vector.broadcast %squeeze3A_25 : f32 to vector<16xf32>
        %mul3A_593 = arith.mulf %bitcast3A_519, %mul3A_592 : vector<16xf32>
        %mul3A_594 = vector.broadcast %squeeze3A_31 : f32 to vector<16xf32>
        %mul3A_595 = arith.mulf %bitcast3A_547, %mul3A_594 : vector<16xf32>
        %add3A_596 = arith.addf %mul3A_593, %mul3A_595 : vector<16xf32>
        %mul3A_597 = vector.broadcast %squeeze3A_37 : f32 to vector<16xf32>
        %mul3A_598 = arith.mulf %bitcast3A_575, %mul3A_597 : vector<16xf32>
        %add3A_599 = arith.addf %add3A_596, %mul3A_598 : vector<16xf32>
        %mul3A_600 = arith.mulf %add3A_583, %add3A_583 : vector<16xf32>
        %mul3A_601 = arith.mulf %add3A_591, %add3A_591 : vector<16xf32>
        %add3A_602 = arith.addf %mul3A_600, %mul3A_601 : vector<16xf32>
        %mul3A_603 = arith.mulf %add3A_599, %add3A_599 : vector<16xf32>
        %add3A_604 = arith.addf %add3A_602, %mul3A_603 : vector<16xf32>
        %add3A_605 = arith.addf %gather3A_398, %gather3A_415 : vector<16xf32>
        %mul3A_606 = arith.mulf %gather3A_402, %gather3A_419 : vector<16xf32>
        %mul3A_607 = arith.mulf %add3A_605, %add3A_605 : vector<16xf32>
        %div3A_608 = arith.divf %mul3A_607, %add3A_604 : vector<16xf32>
        %mul3A_609 = arith.mulf %div3A_608, %div3A_608 : vector<16xf32>
        %mul3A_610 = arith.mulf %mul3A_609, %div3A_608 : vector<16xf32>
        %mul3A_611 = arith.mulf %mul3A_606, %mul3A_610 : vector<16xf32>
        %sub3A_612 = arith.constant 1.000000e+00 : f32
        %sub3A_613 = vector.broadcast %sub3A_612 : f32 to vector<16xf32>
        %sub3A_614 = arith.subf %mul3A_610, %sub3A_613 : vector<16xf32>
        %mul3A_615 = arith.mulf %mul3A_611, %sub3A_614 : vector<16xf32>
        %le3A_616 = vector.broadcast %squeeze3A_39 : f32 to vector<16xf32>
        %le3A_617 = arith.cmpf ole, %add3A_604, %le3A_616 : vector<16xf32>
        %jit3A_618 = arith.constant 0.000000e+00 : f32
        %broadcast_in_dim3A_619 = vector.broadcast %jit3A_618 : f32 to vector<16xf32>
        %select_n3A_620 = arith.select %le3A_617, %mul3A_615, %broadcast_in_dim3A_619 : vector<16xi1>, vector<16xf32>
        %add3A_621 = arith.addf %scan3A_134, %select_n3A_620 : vector<16xf32>
        %add3A_622 = arith.constant 32 : i32
        %add3A_623 = arith.addi %add3A_138, %add3A_622 : i32
        %add3A_624 = vector.broadcast %add3A_623 : i32 to vector<16xi32>
        %add3A_625 = arith.addi %iota3A, %add3A_624 : vector<16xi32>
        %add3A_626 = arith.constant 128 : i32
        %add3A_627 = vector.broadcast %add3A_626 : i32 to vector<16xi32>
        %add3A_628 = arith.addi %add3A_625, %add3A_627 : vector<16xi32>
        %broadcast_in_dim3A_629 = arith.constant 0 : i32
        %broadcast_in_dim3A_630 = vector.broadcast %broadcast_in_dim3A_629 : i32 to vector<16xi32>
        %gather3A_631 = tpu.vector_load_idx %arg7[%add3A_625, %broadcast_in_dim3A_630] : memref<4096x8xf32, #tpu.memory_space<vmem>>[vector<16xi32>, vector<16xi32>], vector<16xf32>,
        %add3A_632 = arith.constant 1 : i32
        %add3A_633 = vector.broadcast %add3A_632 : i32 to vector<16xi32>
        %add3A_634 = arith.addi %broadcast_in_dim3A_630, %add3A_633 : vector<16xi32>
        %gather3A_635 = tpu.vector_load_idx %arg7[%add3A_625, %add3A_634] : memref<4096x8xf32, #tpu.memory_space<vmem>>[vector<16xi32>, vector<16xi32>], vector<16xf32>,
        %add3A_636 = arith.constant 2 : i32
        %add3A_637 = vector.broadcast %add3A_636 : i32 to vector<16xi32>
        %add3A_638 = arith.addi %broadcast_in_dim3A_630, %add3A_637 : vector<16xi32>
        %gather3A_639 = tpu.vector_load_idx %arg7[%add3A_625, %add3A_638] : memref<4096x8xf32, #tpu.memory_space<vmem>>[vector<16xi32>, vector<16xi32>], vector<16xf32>,
        %add3A_640 = arith.constant 3 : i32
        %add3A_641 = vector.broadcast %add3A_640 : i32 to vector<16xi32>
        %add3A_642 = arith.addi %broadcast_in_dim3A_630, %add3A_641 : vector<16xi32>
        %gather3A_643 = tpu.vector_load_idx %arg7[%add3A_625, %add3A_642] : memref<4096x8xf32, #tpu.memory_space<vmem>>[vector<16xi32>, vector<16xi32>], vector<16xf32>,
        %add3A_644 = arith.constant 4 : i32
        %add3A_645 = vector.broadcast %add3A_644 : i32 to vector<16xi32>
        %add3A_646 = arith.addi %broadcast_in_dim3A_630, %add3A_645 : vector<16xi32>
        %gather3A_647 = tpu.vector_load_idx %arg7[%add3A_625, %add3A_646] : memref<4096x8xf32, #tpu.memory_space<vmem>>[vector<16xi32>, vector<16xi32>], vector<16xf32>,
        %gather3A_648 = tpu.vector_load_idx %arg7[%add3A_628, %broadcast_in_dim3A_630] : memref<4096x8xf32, #tpu.memory_space<vmem>>[vector<16xi32>, vector<16xi32>], vector<16xf32>,
        %add3A_649 = arith.constant 1 : i32
        %add3A_650 = vector.broadcast %add3A_649 : i32 to vector<16xi32>
        %add3A_651 = arith.addi %broadcast_in_dim3A_630, %add3A_650 : vector<16xi32>
        %gather3A_652 = tpu.vector_load_idx %arg7[%add3A_628, %add3A_651] : memref<4096x8xf32, #tpu.memory_space<vmem>>[vector<16xi32>, vector<16xi32>], vector<16xf32>,
        %add3A_653 = arith.constant 2 : i32
        %add3A_654 = vector.broadcast %add3A_653 : i32 to vector<16xi32>
        %add3A_655 = arith.addi %broadcast_in_dim3A_630, %add3A_654 : vector<16xi32>
        %gather3A_656 = tpu.vector_load_idx %arg7[%add3A_628, %add3A_655] : memref<4096x8xf32, #tpu.memory_space<vmem>>[vector<16xi32>, vector<16xi32>], vector<16xf32>,
        %add3A_657 = arith.constant 3 : i32
        %add3A_658 = vector.broadcast %add3A_657 : i32 to vector<16xi32>
        %add3A_659 = arith.addi %broadcast_in_dim3A_630, %add3A_658 : vector<16xi32>
        %gather3A_660 = tpu.vector_load_idx %arg7[%add3A_628, %add3A_659] : memref<4096x8xf32, #tpu.memory_space<vmem>>[vector<16xi32>, vector<16xi32>], vector<16xf32>,
        %add3A_661 = arith.constant 4 : i32
        %add3A_662 = vector.broadcast %add3A_661 : i32 to vector<16xi32>
        %add3A_663 = arith.addi %broadcast_in_dim3A_630, %add3A_662 : vector<16xi32>
        %gather3A_664 = tpu.vector_load_idx %arg7[%add3A_628, %add3A_663] : memref<4096x8xf32, #tpu.memory_space<vmem>>[vector<16xi32>, vector<16xi32>], vector<16xf32>,
        %sub3A_665 = arith.subf %gather3A_631, %gather3A_648 : vector<16xf32>
        %bitcast3A_666 = vector.bitcast %sub3A_665 : vector<16xf32> to vector<16xi32>
        %shift_right_logical3A_667 = arith.constant 16 : i32
        %shift_right_logical3A_668 = vector.broadcast %shift_right_logical3A_667 : i32 to vector<16xi32>
        %shift_right_logical3A_669 = arith.shrui %bitcast3A_666, %shift_right_logical3A_668 : vector<16xi32>
        %and3A_670 = arith.constant 1 : i32
        %and3A_671 = vector.broadcast %and3A_670 : i32 to vector<16xi32>
        %and3A_672 = arith.andi %shift_right_logical3A_669, %and3A_671 : vector<16xi32>
        %add3A_673 = arith.constant 32767 : i32
        %add3A_674 = vector.broadcast %add3A_673 : i32 to vector<16xi32>
        %add3A_675 = arith.addi %add3A_674, %and3A_672 : vector<16xi32>
        %add3A_676 = arith.addi %bitcast3A_666, %add3A_675 : vector<16xi32>
        %and3A_677 = arith.constant -65536 : i32
        %and3A_678 = vector.broadcast %and3A_677 : i32 to vector<16xi32>
        %and3A_679 = arith.andi %add3A_676, %and3A_678 : vector<16xi32>
        %bitcast3A_680 = vector.bitcast %and3A_679 : vector<16xi32> to vector<16xf32>
        %sub3A_681 = arith.subf %gather3A_635, %gather3A_652 : vector<16xf32>
        %bitcast3A_682 = vector.bitcast %sub3A_681 : vector<16xf32> to vector<16xi32>
        %shift_right_logical3A_683 = arith.constant 16 : i32
        %shift_right_logical3A_684 = vector.broadcast %shift_right_logical3A_683 : i32 to vector<16xi32>
        %shift_right_logical3A_685 = arith.shrui %bitcast3A_682, %shift_right_logical3A_684 : vector<16xi32>
        %and3A_686 = arith.constant 1 : i32
        %and3A_687 = vector.broadcast %and3A_686 : i32 to vector<16xi32>
        %and3A_688 = arith.andi %shift_right_logical3A_685, %and3A_687 : vector<16xi32>
        %add3A_689 = arith.constant 32767 : i32
        %add3A_690 = vector.broadcast %add3A_689 : i32 to vector<16xi32>
        %add3A_691 = arith.addi %add3A_690, %and3A_688 : vector<16xi32>
        %add3A_692 = arith.addi %bitcast3A_682, %add3A_691 : vector<16xi32>
        %and3A_693 = arith.constant -65536 : i32
        %and3A_694 = vector.broadcast %and3A_693 : i32 to vector<16xi32>
        %and3A_695 = arith.andi %add3A_692, %and3A_694 : vector<16xi32>
        %bitcast3A_696 = vector.bitcast %and3A_695 : vector<16xi32> to vector<16xf32>
        %sub3A_697 = arith.subf %gather3A_639, %gather3A_656 : vector<16xf32>
        %bitcast3A_698 = vector.bitcast %sub3A_697 : vector<16xf32> to vector<16xi32>
        %shift_right_logical3A_699 = arith.constant 16 : i32
        %shift_right_logical3A_700 = vector.broadcast %shift_right_logical3A_699 : i32 to vector<16xi32>
        %shift_right_logical3A_701 = arith.shrui %bitcast3A_698, %shift_right_logical3A_700 : vector<16xi32>
        %and3A_702 = arith.constant 1 : i32
        %and3A_703 = vector.broadcast %and3A_702 : i32 to vector<16xi32>
        %and3A_704 = arith.andi %shift_right_logical3A_701, %and3A_703 : vector<16xi32>
        %add3A_705 = arith.constant 32767 : i32
        %add3A_706 = vector.broadcast %add3A_705 : i32 to vector<16xi32>
        %add3A_707 = arith.addi %add3A_706, %and3A_704 : vector<16xi32>
        %add3A_708 = arith.addi %bitcast3A_698, %add3A_707 : vector<16xi32>
        %and3A_709 = arith.constant -65536 : i32
        %and3A_710 = vector.broadcast %and3A_709 : i32 to vector<16xi32>
        %and3A_711 = arith.andi %add3A_708, %and3A_710 : vector<16xi32>
        %bitcast3A_712 = vector.bitcast %and3A_711 : vector<16xi32> to vector<16xf32>
        %mul3A_713 = vector.broadcast %squeeze3A : f32 to vector<16xf32>
        %mul3A_714 = arith.mulf %bitcast3A_680, %mul3A_713 : vector<16xf32>
        %mul3A_715 = vector.broadcast %squeeze3A_9 : f32 to vector<16xf32>
        %mul3A_716 = arith.mulf %bitcast3A_696, %mul3A_715 : vector<16xf32>
        %add3A_717 = arith.addf %mul3A_714, %mul3A_716 : vector<16xf32>
        %mul3A_718 = vector.broadcast %squeeze3A_15 : f32 to vector<16xf32>
        %mul3A_719 = arith.mulf %bitcast3A_712, %mul3A_718 : vector<16xf32>
        %add3A_720 = arith.addf %add3A_717, %mul3A_719 : vector<16xf32>
        %mul3A_721 = vector.broadcast %squeeze3A_5 : f32 to vector<16xf32>
        %mul3A_722 = arith.mulf %bitcast3A_680, %mul3A_721 : vector<16xf32>
        %mul3A_723 = vector.broadcast %squeeze3A_11 : f32 to vector<16xf32>
        %mul3A_724 = arith.mulf %bitcast3A_696, %mul3A_723 : vector<16xf32>
        %add3A_725 = arith.addf %mul3A_722, %mul3A_724 : vector<16xf32>
        %mul3A_726 = vector.broadcast %squeeze3A_17 : f32 to vector<16xf32>
        %mul3A_727 = arith.mulf %bitcast3A_712, %mul3A_726 : vector<16xf32>
        %add3A_728 = arith.addf %add3A_725, %mul3A_727 : vector<16xf32>
        %mul3A_729 = vector.broadcast %squeeze3A_7 : f32 to vector<16xf32>
        %mul3A_730 = arith.mulf %bitcast3A_680, %mul3A_729 : vector<16xf32>
        %mul3A_731 = vector.broadcast %squeeze3A_13 : f32 to vector<16xf32>
        %mul3A_732 = arith.mulf %bitcast3A_696, %mul3A_731 : vector<16xf32>
        %add3A_733 = arith.addf %mul3A_730, %mul3A_732 : vector<16xf32>
        %mul3A_734 = vector.broadcast %squeeze3A_19 : f32 to vector<16xf32>
        %mul3A_735 = arith.mulf %bitcast3A_712, %mul3A_734 : vector<16xf32>
        %add3A_736 = arith.addf %add3A_733, %mul3A_735 : vector<16xf32>
        %add3A_737 = arith.constant 5.000000e-01 : f32
        %add3A_738 = vector.broadcast %add3A_737 : f32 to vector<16xf32>
        %add3A_739 = arith.addf %add3A_720, %add3A_738 : vector<16xf32>
        %convert_element_type3A_740 = arith.fptosi %add3A_739 : vector<16xf32> to vector<16xi32>
        %convert_element_type3A_741 = arith.sitofp %convert_element_type3A_740 : vector<16xi32> to vector<16xf32>
        %lt3A_742 = arith.cmpf olt, %add3A_739, %convert_element_type3A_741 : vector<16xf32>
        %jit3A_743 = arith.constant 1.000000e+00 : f32
        %jit3A_744 = arith.constant 0.000000e+00 : f32
        %broadcast_in_dim3A_745 = vector.broadcast %jit3A_743 : f32 to vector<16xf32>
        %broadcast_in_dim3A_746 = vector.broadcast %jit3A_744 : f32 to vector<16xf32>
        %select_n3A_747 = arith.select %lt3A_742, %broadcast_in_dim3A_745, %broadcast_in_dim3A_746 : vector<16xi1>, vector<16xf32>
        %sub3A_748 = arith.subf %convert_element_type3A_741, %select_n3A_747 : vector<16xf32>
        %sub3A_749 = arith.subf %add3A_720, %sub3A_748 : vector<16xf32>
        %bitcast3A_750 = vector.bitcast %sub3A_749 : vector<16xf32> to vector<16xi32>
        %shift_right_logical3A_751 = arith.constant 16 : i32
        %shift_right_logical3A_752 = vector.broadcast %shift_right_logical3A_751 : i32 to vector<16xi32>
        %shift_right_logical3A_753 = arith.shrui %bitcast3A_750, %shift_right_logical3A_752 : vector<16xi32>
        %and3A_754 = arith.constant 1 : i32
        %and3A_755 = vector.broadcast %and3A_754 : i32 to vector<16xi32>
        %and3A_756 = arith.andi %shift_right_logical3A_753, %and3A_755 : vector<16xi32>
        %add3A_757 = arith.constant 32767 : i32
        %add3A_758 = vector.broadcast %add3A_757 : i32 to vector<16xi32>
        %add3A_759 = arith.addi %add3A_758, %and3A_756 : vector<16xi32>
        %add3A_760 = arith.addi %bitcast3A_750, %add3A_759 : vector<16xi32>
        %and3A_761 = arith.constant -65536 : i32
        %and3A_762 = vector.broadcast %and3A_761 : i32 to vector<16xi32>
        %and3A_763 = arith.andi %add3A_760, %and3A_762 : vector<16xi32>
        %bitcast3A_764 = vector.bitcast %and3A_763 : vector<16xi32> to vector<16xf32>
        %add3A_765 = arith.constant 5.000000e-01 : f32
        %add3A_766 = vector.broadcast %add3A_765 : f32 to vector<16xf32>
        %add3A_767 = arith.addf %add3A_728, %add3A_766 : vector<16xf32>
        %convert_element_type3A_768 = arith.fptosi %add3A_767 : vector<16xf32> to vector<16xi32>
        %convert_element_type3A_769 = arith.sitofp %convert_element_type3A_768 : vector<16xi32> to vector<16xf32>
        %lt3A_770 = arith.cmpf olt, %add3A_767, %convert_element_type3A_769 : vector<16xf32>
        %jit3A_771 = arith.constant 1.000000e+00 : f32
        %jit3A_772 = arith.constant 0.000000e+00 : f32
        %broadcast_in_dim3A_773 = vector.broadcast %jit3A_771 : f32 to vector<16xf32>
        %broadcast_in_dim3A_774 = vector.broadcast %jit3A_772 : f32 to vector<16xf32>
        %select_n3A_775 = arith.select %lt3A_770, %broadcast_in_dim3A_773, %broadcast_in_dim3A_774 : vector<16xi1>, vector<16xf32>
        %sub3A_776 = arith.subf %convert_element_type3A_769, %select_n3A_775 : vector<16xf32>
        %sub3A_777 = arith.subf %add3A_728, %sub3A_776 : vector<16xf32>
        %bitcast3A_778 = vector.bitcast %sub3A_777 : vector<16xf32> to vector<16xi32>
        %shift_right_logical3A_779 = arith.constant 16 : i32
        %shift_right_logical3A_780 = vector.broadcast %shift_right_logical3A_779 : i32 to vector<16xi32>
        %shift_right_logical3A_781 = arith.shrui %bitcast3A_778, %shift_right_logical3A_780 : vector<16xi32>
        %and3A_782 = arith.constant 1 : i32
        %and3A_783 = vector.broadcast %and3A_782 : i32 to vector<16xi32>
        %and3A_784 = arith.andi %shift_right_logical3A_781, %and3A_783 : vector<16xi32>
        %add3A_785 = arith.constant 32767 : i32
        %add3A_786 = vector.broadcast %add3A_785 : i32 to vector<16xi32>
        %add3A_787 = arith.addi %add3A_786, %and3A_784 : vector<16xi32>
        %add3A_788 = arith.addi %bitcast3A_778, %add3A_787 : vector<16xi32>
        %and3A_789 = arith.constant -65536 : i32
        %and3A_790 = vector.broadcast %and3A_789 : i32 to vector<16xi32>
        %and3A_791 = arith.andi %add3A_788, %and3A_790 : vector<16xi32>
        %bitcast3A_792 = vector.bitcast %and3A_791 : vector<16xi32> to vector<16xf32>
        %add3A_793 = arith.constant 5.000000e-01 : f32
        %add3A_794 = vector.broadcast %add3A_793 : f32 to vector<16xf32>
        %add3A_795 = arith.addf %add3A_736, %add3A_794 : vector<16xf32>
        %convert_element_type3A_796 = arith.fptosi %add3A_795 : vector<16xf32> to vector<16xi32>
        %convert_element_type3A_797 = arith.sitofp %convert_element_type3A_796 : vector<16xi32> to vector<16xf32>
        %lt3A_798 = arith.cmpf olt, %add3A_795, %convert_element_type3A_797 : vector<16xf32>
        %jit3A_799 = arith.constant 1.000000e+00 : f32
        %jit3A_800 = arith.constant 0.000000e+00 : f32
        %broadcast_in_dim3A_801 = vector.broadcast %jit3A_799 : f32 to vector<16xf32>
        %broadcast_in_dim3A_802 = vector.broadcast %jit3A_800 : f32 to vector<16xf32>
        %select_n3A_803 = arith.select %lt3A_798, %broadcast_in_dim3A_801, %broadcast_in_dim3A_802 : vector<16xi1>, vector<16xf32>
        %sub3A_804 = arith.subf %convert_element_type3A_797, %select_n3A_803 : vector<16xf32>
        %sub3A_805 = arith.subf %add3A_736, %sub3A_804 : vector<16xf32>
        %bitcast3A_806 = vector.bitcast %sub3A_805 : vector<16xf32> to vector<16xi32>
        %shift_right_logical3A_807 = arith.constant 16 : i32
        %shift_right_logical3A_808 = vector.broadcast %shift_right_logical3A_807 : i32 to vector<16xi32>
        %shift_right_logical3A_809 = arith.shrui %bitcast3A_806, %shift_right_logical3A_808 : vector<16xi32>
        %and3A_810 = arith.constant 1 : i32
        %and3A_811 = vector.broadcast %and3A_810 : i32 to vector<16xi32>
        %and3A_812 = arith.andi %shift_right_logical3A_809, %and3A_811 : vector<16xi32>
        %add3A_813 = arith.constant 32767 : i32
        %add3A_814 = vector.broadcast %add3A_813 : i32 to vector<16xi32>
        %add3A_815 = arith.addi %add3A_814, %and3A_812 : vector<16xi32>
        %add3A_816 = arith.addi %bitcast3A_806, %add3A_815 : vector<16xi32>
        %and3A_817 = arith.constant -65536 : i32
        %and3A_818 = vector.broadcast %and3A_817 : i32 to vector<16xi32>
        %and3A_819 = arith.andi %add3A_816, %and3A_818 : vector<16xi32>
        %bitcast3A_820 = vector.bitcast %and3A_819 : vector<16xi32> to vector<16xf32>
        %mul3A_821 = vector.broadcast %squeeze3A_21 : f32 to vector<16xf32>
        %mul3A_822 = arith.mulf %bitcast3A_764, %mul3A_821 : vector<16xf32>
        %mul3A_823 = vector.broadcast %squeeze3A_27 : f32 to vector<16xf32>
        %mul3A_824 = arith.mulf %bitcast3A_792, %mul3A_823 : vector<16xf32>
        %add3A_825 = arith.addf %mul3A_822, %mul3A_824 : vector<16xf32>
        %mul3A_826 = vector.broadcast %squeeze3A_33 : f32 to vector<16xf32>
        %mul3A_827 = arith.mulf %bitcast3A_820, %mul3A_826 : vector<16xf32>
        %add3A_828 = arith.addf %add3A_825, %mul3A_827 : vector<16xf32>
        %mul3A_829 = vector.broadcast %squeeze3A_23 : f32 to vector<16xf32>
        %mul3A_830 = arith.mulf %bitcast3A_764, %mul3A_829 : vector<16xf32>
        %mul3A_831 = vector.broadcast %squeeze3A_29 : f32 to vector<16xf32>
        %mul3A_832 = arith.mulf %bitcast3A_792, %mul3A_831 : vector<16xf32>
        %add3A_833 = arith.addf %mul3A_830, %mul3A_832 : vector<16xf32>
        %mul3A_834 = vector.broadcast %squeeze3A_35 : f32 to vector<16xf32>
        %mul3A_835 = arith.mulf %bitcast3A_820, %mul3A_834 : vector<16xf32>
        %add3A_836 = arith.addf %add3A_833, %mul3A_835 : vector<16xf32>
        %mul3A_837 = vector.broadcast %squeeze3A_25 : f32 to vector<16xf32>
        %mul3A_838 = arith.mulf %bitcast3A_764, %mul3A_837 : vector<16xf32>
        %mul3A_839 = vector.broadcast %squeeze3A_31 : f32 to vector<16xf32>
        %mul3A_840 = arith.mulf %bitcast3A_792, %mul3A_839 : vector<16xf32>
        %add3A_841 = arith.addf %mul3A_838, %mul3A_840 : vector<16xf32>
        %mul3A_842 = vector.broadcast %squeeze3A_37 : f32 to vector<16xf32>
        %mul3A_843 = arith.mulf %bitcast3A_820, %mul3A_842 : vector<16xf32>
        %add3A_844 = arith.addf %add3A_841, %mul3A_843 : vector<16xf32>
        %mul3A_845 = arith.mulf %add3A_828, %add3A_828 : vector<16xf32>
        %mul3A_846 = arith.mulf %add3A_836, %add3A_836 : vector<16xf32>
        %add3A_847 = arith.addf %mul3A_845, %mul3A_846 : vector<16xf32>
        %mul3A_848 = arith.mulf %add3A_844, %add3A_844 : vector<16xf32>
        %add3A_849 = arith.addf %add3A_847, %mul3A_848 : vector<16xf32>
        %add3A_850 = arith.addf %gather3A_643, %gather3A_660 : vector<16xf32>
        %mul3A_851 = arith.mulf %gather3A_647, %gather3A_664 : vector<16xf32>
        %mul3A_852 = arith.mulf %add3A_850, %add3A_850 : vector<16xf32>
        %div3A_853 = arith.divf %mul3A_852, %add3A_849 : vector<16xf32>
        %mul3A_854 = arith.mulf %div3A_853, %div3A_853 : vector<16xf32>
        %mul3A_855 = arith.mulf %mul3A_854, %div3A_853 : vector<16xf32>
        %mul3A_856 = arith.mulf %mul3A_851, %mul3A_855 : vector<16xf32>
        %sub3A_857 = arith.constant 1.000000e+00 : f32
        %sub3A_858 = vector.broadcast %sub3A_857 : f32 to vector<16xf32>
        %sub3A_859 = arith.subf %mul3A_855, %sub3A_858 : vector<16xf32>
        %mul3A_860 = arith.mulf %mul3A_856, %sub3A_859 : vector<16xf32>
        %le3A_861 = vector.broadcast %squeeze3A_39 : f32 to vector<16xf32>
        %le3A_862 = arith.cmpf ole, %add3A_849, %le3A_861 : vector<16xf32>
        %jit3A_863 = arith.constant 0.000000e+00 : f32
        %broadcast_in_dim3A_864 = vector.broadcast %jit3A_863 : f32 to vector<16xf32>
        %select_n3A_865 = arith.select %le3A_862, %mul3A_860, %broadcast_in_dim3A_864 : vector<16xi1>, vector<16xf32>
        %add3A_866 = arith.addf %add3A_376, %select_n3A_865 : vector<16xf32>
        %add3A_867 = arith.constant 48 : i32
        %add3A_868 = arith.addi %add3A_138, %add3A_867 : i32
        %add3A_869 = vector.broadcast %add3A_868 : i32 to vector<16xi32>
        %add3A_870 = arith.addi %iota3A, %add3A_869 : vector<16xi32>
        %add3A_871 = arith.constant 128 : i32
        %add3A_872 = vector.broadcast %add3A_871 : i32 to vector<16xi32>
        %add3A_873 = arith.addi %add3A_870, %add3A_872 : vector<16xi32>
        %broadcast_in_dim3A_874 = arith.constant 0 : i32
        %broadcast_in_dim3A_875 = vector.broadcast %broadcast_in_dim3A_874 : i32 to vector<16xi32>
        %gather3A_876 = tpu.vector_load_idx %arg7[%add3A_870, %broadcast_in_dim3A_875] : memref<4096x8xf32, #tpu.memory_space<vmem>>[vector<16xi32>, vector<16xi32>], vector<16xf32>,
        %add3A_877 = arith.constant 1 : i32
        %add3A_878 = vector.broadcast %add3A_877 : i32 to vector<16xi32>
        %add3A_879 = arith.addi %broadcast_in_dim3A_875, %add3A_878 : vector<16xi32>
        %gather3A_880 = tpu.vector_load_idx %arg7[%add3A_870, %add3A_879] : memref<4096x8xf32, #tpu.memory_space<vmem>>[vector<16xi32>, vector<16xi32>], vector<16xf32>,
        %add3A_881 = arith.constant 2 : i32
        %add3A_882 = vector.broadcast %add3A_881 : i32 to vector<16xi32>
        %add3A_883 = arith.addi %broadcast_in_dim3A_875, %add3A_882 : vector<16xi32>
        %gather3A_884 = tpu.vector_load_idx %arg7[%add3A_870, %add3A_883] : memref<4096x8xf32, #tpu.memory_space<vmem>>[vector<16xi32>, vector<16xi32>], vector<16xf32>,
        %add3A_885 = arith.constant 3 : i32
        %add3A_886 = vector.broadcast %add3A_885 : i32 to vector<16xi32>
        %add3A_887 = arith.addi %broadcast_in_dim3A_875, %add3A_886 : vector<16xi32>
        %gather3A_888 = tpu.vector_load_idx %arg7[%add3A_870, %add3A_887] : memref<4096x8xf32, #tpu.memory_space<vmem>>[vector<16xi32>, vector<16xi32>], vector<16xf32>,
        %add3A_889 = arith.constant 4 : i32
        %add3A_890 = vector.broadcast %add3A_889 : i32 to vector<16xi32>
        %add3A_891 = arith.addi %broadcast_in_dim3A_875, %add3A_890 : vector<16xi32>
        %gather3A_892 = tpu.vector_load_idx %arg7[%add3A_870, %add3A_891] : memref<4096x8xf32, #tpu.memory_space<vmem>>[vector<16xi32>, vector<16xi32>], vector<16xf32>,
        %gather3A_893 = tpu.vector_load_idx %arg7[%add3A_873, %broadcast_in_dim3A_875] : memref<4096x8xf32, #tpu.memory_space<vmem>>[vector<16xi32>, vector<16xi32>], vector<16xf32>,
        %add3A_894 = arith.constant 1 : i32
        %add3A_895 = vector.broadcast %add3A_894 : i32 to vector<16xi32>
        %add3A_896 = arith.addi %broadcast_in_dim3A_875, %add3A_895 : vector<16xi32>
        %gather3A_897 = tpu.vector_load_idx %arg7[%add3A_873, %add3A_896] : memref<4096x8xf32, #tpu.memory_space<vmem>>[vector<16xi32>, vector<16xi32>], vector<16xf32>,
        %add3A_898 = arith.constant 2 : i32
        %add3A_899 = vector.broadcast %add3A_898 : i32 to vector<16xi32>
        %add3A_900 = arith.addi %broadcast_in_dim3A_875, %add3A_899 : vector<16xi32>
        %gather3A_901 = tpu.vector_load_idx %arg7[%add3A_873, %add3A_900] : memref<4096x8xf32, #tpu.memory_space<vmem>>[vector<16xi32>, vector<16xi32>], vector<16xf32>,
        %add3A_902 = arith.constant 3 : i32
        %add3A_903 = vector.broadcast %add3A_902 : i32 to vector<16xi32>
        %add3A_904 = arith.addi %broadcast_in_dim3A_875, %add3A_903 : vector<16xi32>
        %gather3A_905 = tpu.vector_load_idx %arg7[%add3A_873, %add3A_904] : memref<4096x8xf32, #tpu.memory_space<vmem>>[vector<16xi32>, vector<16xi32>], vector<16xf32>,
        %add3A_906 = arith.constant 4 : i32
        %add3A_907 = vector.broadcast %add3A_906 : i32 to vector<16xi32>
        %add3A_908 = arith.addi %broadcast_in_dim3A_875, %add3A_907 : vector<16xi32>
        %gather3A_909 = tpu.vector_load_idx %arg7[%add3A_873, %add3A_908] : memref<4096x8xf32, #tpu.memory_space<vmem>>[vector<16xi32>, vector<16xi32>], vector<16xf32>,
        %sub3A_910 = arith.subf %gather3A_876, %gather3A_893 : vector<16xf32>
        %bitcast3A_911 = vector.bitcast %sub3A_910 : vector<16xf32> to vector<16xi32>
        %shift_right_logical3A_912 = arith.constant 16 : i32
        %shift_right_logical3A_913 = vector.broadcast %shift_right_logical3A_912 : i32 to vector<16xi32>
        %shift_right_logical3A_914 = arith.shrui %bitcast3A_911, %shift_right_logical3A_913 : vector<16xi32>
        %and3A_915 = arith.constant 1 : i32
        %and3A_916 = vector.broadcast %and3A_915 : i32 to vector<16xi32>
        %and3A_917 = arith.andi %shift_right_logical3A_914, %and3A_916 : vector<16xi32>
        %add3A_918 = arith.constant 32767 : i32
        %add3A_919 = vector.broadcast %add3A_918 : i32 to vector<16xi32>
        %add3A_920 = arith.addi %add3A_919, %and3A_917 : vector<16xi32>
        %add3A_921 = arith.addi %bitcast3A_911, %add3A_920 : vector<16xi32>
        %and3A_922 = arith.constant -65536 : i32
        %and3A_923 = vector.broadcast %and3A_922 : i32 to vector<16xi32>
        %and3A_924 = arith.andi %add3A_921, %and3A_923 : vector<16xi32>
        %bitcast3A_925 = vector.bitcast %and3A_924 : vector<16xi32> to vector<16xf32>
        %sub3A_926 = arith.subf %gather3A_880, %gather3A_897 : vector<16xf32>
        %bitcast3A_927 = vector.bitcast %sub3A_926 : vector<16xf32> to vector<16xi32>
        %shift_right_logical3A_928 = arith.constant 16 : i32
        %shift_right_logical3A_929 = vector.broadcast %shift_right_logical3A_928 : i32 to vector<16xi32>
        %shift_right_logical3A_930 = arith.shrui %bitcast3A_927, %shift_right_logical3A_929 : vector<16xi32>
        %and3A_931 = arith.constant 1 : i32
        %and3A_932 = vector.broadcast %and3A_931 : i32 to vector<16xi32>
        %and3A_933 = arith.andi %shift_right_logical3A_930, %and3A_932 : vector<16xi32>
        %add3A_934 = arith.constant 32767 : i32
        %add3A_935 = vector.broadcast %add3A_934 : i32 to vector<16xi32>
        %add3A_936 = arith.addi %add3A_935, %and3A_933 : vector<16xi32>
        %add3A_937 = arith.addi %bitcast3A_927, %add3A_936 : vector<16xi32>
        %and3A_938 = arith.constant -65536 : i32
        %and3A_939 = vector.broadcast %and3A_938 : i32 to vector<16xi32>
        %and3A_940 = arith.andi %add3A_937, %and3A_939 : vector<16xi32>
        %bitcast3A_941 = vector.bitcast %and3A_940 : vector<16xi32> to vector<16xf32>
        %sub3A_942 = arith.subf %gather3A_884, %gather3A_901 : vector<16xf32>
        %bitcast3A_943 = vector.bitcast %sub3A_942 : vector<16xf32> to vector<16xi32>
        %shift_right_logical3A_944 = arith.constant 16 : i32
        %shift_right_logical3A_945 = vector.broadcast %shift_right_logical3A_944 : i32 to vector<16xi32>
        %shift_right_logical3A_946 = arith.shrui %bitcast3A_943, %shift_right_logical3A_945 : vector<16xi32>
        %and3A_947 = arith.constant 1 : i32
        %and3A_948 = vector.broadcast %and3A_947 : i32 to vector<16xi32>
        %and3A_949 = arith.andi %shift_right_logical3A_946, %and3A_948 : vector<16xi32>
        %add3A_950 = arith.constant 32767 : i32
        %add3A_951 = vector.broadcast %add3A_950 : i32 to vector<16xi32>
        %add3A_952 = arith.addi %add3A_951, %and3A_949 : vector<16xi32>
        %add3A_953 = arith.addi %bitcast3A_943, %add3A_952 : vector<16xi32>
        %and3A_954 = arith.constant -65536 : i32
        %and3A_955 = vector.broadcast %and3A_954 : i32 to vector<16xi32>
        %and3A_956 = arith.andi %add3A_953, %and3A_955 : vector<16xi32>
        %bitcast3A_957 = vector.bitcast %and3A_956 : vector<16xi32> to vector<16xf32>
        %mul3A_958 = vector.broadcast %squeeze3A : f32 to vector<16xf32>
        %mul3A_959 = arith.mulf %bitcast3A_925, %mul3A_958 : vector<16xf32>
        %mul3A_960 = vector.broadcast %squeeze3A_9 : f32 to vector<16xf32>
        %mul3A_961 = arith.mulf %bitcast3A_941, %mul3A_960 : vector<16xf32>
        %add3A_962 = arith.addf %mul3A_959, %mul3A_961 : vector<16xf32>
        %mul3A_963 = vector.broadcast %squeeze3A_15 : f32 to vector<16xf32>
        %mul3A_964 = arith.mulf %bitcast3A_957, %mul3A_963 : vector<16xf32>
        %add3A_965 = arith.addf %add3A_962, %mul3A_964 : vector<16xf32>
        %mul3A_966 = vector.broadcast %squeeze3A_5 : f32 to vector<16xf32>
        %mul3A_967 = arith.mulf %bitcast3A_925, %mul3A_966 : vector<16xf32>
        %mul3A_968 = vector.broadcast %squeeze3A_11 : f32 to vector<16xf32>
        %mul3A_969 = arith.mulf %bitcast3A_941, %mul3A_968 : vector<16xf32>
        %add3A_970 = arith.addf %mul3A_967, %mul3A_969 : vector<16xf32>
        %mul3A_971 = vector.broadcast %squeeze3A_17 : f32 to vector<16xf32>
        %mul3A_972 = arith.mulf %bitcast3A_957, %mul3A_971 : vector<16xf32>
        %add3A_973 = arith.addf %add3A_970, %mul3A_972 : vector<16xf32>
        %mul3A_974 = vector.broadcast %squeeze3A_7 : f32 to vector<16xf32>
        %mul3A_975 = arith.mulf %bitcast3A_925, %mul3A_974 : vector<16xf32>
        %mul3A_976 = vector.broadcast %squeeze3A_13 : f32 to vector<16xf32>
        %mul3A_977 = arith.mulf %bitcast3A_941, %mul3A_976 : vector<16xf32>
        %add3A_978 = arith.addf %mul3A_975, %mul3A_977 : vector<16xf32>
        %mul3A_979 = vector.broadcast %squeeze3A_19 : f32 to vector<16xf32>
        %mul3A_980 = arith.mulf %bitcast3A_957, %mul3A_979 : vector<16xf32>
        %add3A_981 = arith.addf %add3A_978, %mul3A_980 : vector<16xf32>
        %add3A_982 = arith.constant 5.000000e-01 : f32
        %add3A_983 = vector.broadcast %add3A_982 : f32 to vector<16xf32>
        %add3A_984 = arith.addf %add3A_965, %add3A_983 : vector<16xf32>
        %convert_element_type3A_985 = arith.fptosi %add3A_984 : vector<16xf32> to vector<16xi32>
        %convert_element_type3A_986 = arith.sitofp %convert_element_type3A_985 : vector<16xi32> to vector<16xf32>
        %lt3A_987 = arith.cmpf olt, %add3A_984, %convert_element_type3A_986 : vector<16xf32>
        %jit3A_988 = arith.constant 1.000000e+00 : f32
        %jit3A_989 = arith.constant 0.000000e+00 : f32
        %broadcast_in_dim3A_990 = vector.broadcast %jit3A_988 : f32 to vector<16xf32>
        %broadcast_in_dim3A_991 = vector.broadcast %jit3A_989 : f32 to vector<16xf32>
        %select_n3A_992 = arith.select %lt3A_987, %broadcast_in_dim3A_990, %broadcast_in_dim3A_991 : vector<16xi1>, vector<16xf32>
        %sub3A_993 = arith.subf %convert_element_type3A_986, %select_n3A_992 : vector<16xf32>
        %sub3A_994 = arith.subf %add3A_965, %sub3A_993 : vector<16xf32>
        %bitcast3A_995 = vector.bitcast %sub3A_994 : vector<16xf32> to vector<16xi32>
        %shift_right_logical3A_996 = arith.constant 16 : i32
        %shift_right_logical3A_997 = vector.broadcast %shift_right_logical3A_996 : i32 to vector<16xi32>
        %shift_right_logical3A_998 = arith.shrui %bitcast3A_995, %shift_right_logical3A_997 : vector<16xi32>
        %and3A_999 = arith.constant 1 : i32
        %and3A_1000 = vector.broadcast %and3A_999 : i32 to vector<16xi32>
        %and3A_1001 = arith.andi %shift_right_logical3A_998, %and3A_1000 : vector<16xi32>
        %add3A_1002 = arith.constant 32767 : i32
        %add3A_1003 = vector.broadcast %add3A_1002 : i32 to vector<16xi32>
        %add3A_1004 = arith.addi %add3A_1003, %and3A_1001 : vector<16xi32>
        %add3A_1005 = arith.addi %bitcast3A_995, %add3A_1004 : vector<16xi32>
        %and3A_1006 = arith.constant -65536 : i32
        %and3A_1007 = vector.broadcast %and3A_1006 : i32 to vector<16xi32>
        %and3A_1008 = arith.andi %add3A_1005, %and3A_1007 : vector<16xi32>
        %bitcast3A_1009 = vector.bitcast %and3A_1008 : vector<16xi32> to vector<16xf32>
        %add3A_1010 = arith.constant 5.000000e-01 : f32
        %add3A_1011 = vector.broadcast %add3A_1010 : f32 to vector<16xf32>
        %add3A_1012 = arith.addf %add3A_973, %add3A_1011 : vector<16xf32>
        %convert_element_type3A_1013 = arith.fptosi %add3A_1012 : vector<16xf32> to vector<16xi32>
        %convert_element_type3A_1014 = arith.sitofp %convert_element_type3A_1013 : vector<16xi32> to vector<16xf32>
        %lt3A_1015 = arith.cmpf olt, %add3A_1012, %convert_element_type3A_1014 : vector<16xf32>
        %jit3A_1016 = arith.constant 1.000000e+00 : f32
        %jit3A_1017 = arith.constant 0.000000e+00 : f32
        %broadcast_in_dim3A_1018 = vector.broadcast %jit3A_1016 : f32 to vector<16xf32>
        %broadcast_in_dim3A_1019 = vector.broadcast %jit3A_1017 : f32 to vector<16xf32>
        %select_n3A_1020 = arith.select %lt3A_1015, %broadcast_in_dim3A_1018, %broadcast_in_dim3A_1019 : vector<16xi1>, vector<16xf32>
        %sub3A_1021 = arith.subf %convert_element_type3A_1014, %select_n3A_1020 : vector<16xf32>
        %sub3A_1022 = arith.subf %add3A_973, %sub3A_1021 : vector<16xf32>
        %bitcast3A_1023 = vector.bitcast %sub3A_1022 : vector<16xf32> to vector<16xi32>
        %shift_right_logical3A_1024 = arith.constant 16 : i32
        %shift_right_logical3A_1025 = vector.broadcast %shift_right_logical3A_1024 : i32 to vector<16xi32>
        %shift_right_logical3A_1026 = arith.shrui %bitcast3A_1023, %shift_right_logical3A_1025 : vector<16xi32>
        %and3A_1027 = arith.constant 1 : i32
        %and3A_1028 = vector.broadcast %and3A_1027 : i32 to vector<16xi32>
        %and3A_1029 = arith.andi %shift_right_logical3A_1026, %and3A_1028 : vector<16xi32>
        %add3A_1030 = arith.constant 32767 : i32
        %add3A_1031 = vector.broadcast %add3A_1030 : i32 to vector<16xi32>
        %add3A_1032 = arith.addi %add3A_1031, %and3A_1029 : vector<16xi32>
        %add3A_1033 = arith.addi %bitcast3A_1023, %add3A_1032 : vector<16xi32>
        %and3A_1034 = arith.constant -65536 : i32
        %and3A_1035 = vector.broadcast %and3A_1034 : i32 to vector<16xi32>
        %and3A_1036 = arith.andi %add3A_1033, %and3A_1035 : vector<16xi32>
        %bitcast3A_1037 = vector.bitcast %and3A_1036 : vector<16xi32> to vector<16xf32>
        %add3A_1038 = arith.constant 5.000000e-01 : f32
        %add3A_1039 = vector.broadcast %add3A_1038 : f32 to vector<16xf32>
        %add3A_1040 = arith.addf %add3A_981, %add3A_1039 : vector<16xf32>
        %convert_element_type3A_1041 = arith.fptosi %add3A_1040 : vector<16xf32> to vector<16xi32>
        %convert_element_type3A_1042 = arith.sitofp %convert_element_type3A_1041 : vector<16xi32> to vector<16xf32>
        %lt3A_1043 = arith.cmpf olt, %add3A_1040, %convert_element_type3A_1042 : vector<16xf32>
        %jit3A_1044 = arith.constant 1.000000e+00 : f32
        %jit3A_1045 = arith.constant 0.000000e+00 : f32
        %broadcast_in_dim3A_1046 = vector.broadcast %jit3A_1044 : f32 to vector<16xf32>
        %broadcast_in_dim3A_1047 = vector.broadcast %jit3A_1045 : f32 to vector<16xf32>
        %select_n3A_1048 = arith.select %lt3A_1043, %broadcast_in_dim3A_1046, %broadcast_in_dim3A_1047 : vector<16xi1>, vector<16xf32>
        %sub3A_1049 = arith.subf %convert_element_type3A_1042, %select_n3A_1048 : vector<16xf32>
        %sub3A_1050 = arith.subf %add3A_981, %sub3A_1049 : vector<16xf32>
        %bitcast3A_1051 = vector.bitcast %sub3A_1050 : vector<16xf32> to vector<16xi32>
        %shift_right_logical3A_1052 = arith.constant 16 : i32
        %shift_right_logical3A_1053 = vector.broadcast %shift_right_logical3A_1052 : i32 to vector<16xi32>
        %shift_right_logical3A_1054 = arith.shrui %bitcast3A_1051, %shift_right_logical3A_1053 : vector<16xi32>
        %and3A_1055 = arith.constant 1 : i32
        %and3A_1056 = vector.broadcast %and3A_1055 : i32 to vector<16xi32>
        %and3A_1057 = arith.andi %shift_right_logical3A_1054, %and3A_1056 : vector<16xi32>
        %add3A_1058 = arith.constant 32767 : i32
        %add3A_1059 = vector.broadcast %add3A_1058 : i32 to vector<16xi32>
        %add3A_1060 = arith.addi %add3A_1059, %and3A_1057 : vector<16xi32>
        %add3A_1061 = arith.addi %bitcast3A_1051, %add3A_1060 : vector<16xi32>
        %and3A_1062 = arith.constant -65536 : i32
        %and3A_1063 = vector.broadcast %and3A_1062 : i32 to vector<16xi32>
        %and3A_1064 = arith.andi %add3A_1061, %and3A_1063 : vector<16xi32>
        %bitcast3A_1065 = vector.bitcast %and3A_1064 : vector<16xi32> to vector<16xf32>
        %mul3A_1066 = vector.broadcast %squeeze3A_21 : f32 to vector<16xf32>
        %mul3A_1067 = arith.mulf %bitcast3A_1009, %mul3A_1066 : vector<16xf32>
        %mul3A_1068 = vector.broadcast %squeeze3A_27 : f32 to vector<16xf32>
        %mul3A_1069 = arith.mulf %bitcast3A_1037, %mul3A_1068 : vector<16xf32>
        %add3A_1070 = arith.addf %mul3A_1067, %mul3A_1069 : vector<16xf32>
        %mul3A_1071 = vector.broadcast %squeeze3A_33 : f32 to vector<16xf32>
        %mul3A_1072 = arith.mulf %bitcast3A_1065, %mul3A_1071 : vector<16xf32>
        %add3A_1073 = arith.addf %add3A_1070, %mul3A_1072 : vector<16xf32>
        %mul3A_1074 = vector.broadcast %squeeze3A_23 : f32 to vector<16xf32>
        %mul3A_1075 = arith.mulf %bitcast3A_1009, %mul3A_1074 : vector<16xf32>
        %mul3A_1076 = vector.broadcast %squeeze3A_29 : f32 to vector<16xf32>
        %mul3A_1077 = arith.mulf %bitcast3A_1037, %mul3A_1076 : vector<16xf32>
        %add3A_1078 = arith.addf %mul3A_1075, %mul3A_1077 : vector<16xf32>
        %mul3A_1079 = vector.broadcast %squeeze3A_35 : f32 to vector<16xf32>
        %mul3A_1080 = arith.mulf %bitcast3A_1065, %mul3A_1079 : vector<16xf32>
        %add3A_1081 = arith.addf %add3A_1078, %mul3A_1080 : vector<16xf32>
        %mul3A_1082 = vector.broadcast %squeeze3A_25 : f32 to vector<16xf32>
        %mul3A_1083 = arith.mulf %bitcast3A_1009, %mul3A_1082 : vector<16xf32>
        %mul3A_1084 = vector.broadcast %squeeze3A_31 : f32 to vector<16xf32>
        %mul3A_1085 = arith.mulf %bitcast3A_1037, %mul3A_1084 : vector<16xf32>
        %add3A_1086 = arith.addf %mul3A_1083, %mul3A_1085 : vector<16xf32>
        %mul3A_1087 = vector.broadcast %squeeze3A_37 : f32 to vector<16xf32>
        %mul3A_1088 = arith.mulf %bitcast3A_1065, %mul3A_1087 : vector<16xf32>
        %add3A_1089 = arith.addf %add3A_1086, %mul3A_1088 : vector<16xf32>
        %mul3A_1090 = arith.mulf %add3A_1073, %add3A_1073 : vector<16xf32>
        %mul3A_1091 = arith.mulf %add3A_1081, %add3A_1081 : vector<16xf32>
        %add3A_1092 = arith.addf %mul3A_1090, %mul3A_1091 : vector<16xf32>
        %mul3A_1093 = arith.mulf %add3A_1089, %add3A_1089 : vector<16xf32>
        %add3A_1094 = arith.addf %add3A_1092, %mul3A_1093 : vector<16xf32>
        %add3A_1095 = arith.addf %gather3A_888, %gather3A_905 : vector<16xf32>
        %mul3A_1096 = arith.mulf %gather3A_892, %gather3A_909 : vector<16xf32>
        %mul3A_1097 = arith.mulf %add3A_1095, %add3A_1095 : vector<16xf32>
        %div3A_1098 = arith.divf %mul3A_1097, %add3A_1094 : vector<16xf32>
        %mul3A_1099 = arith.mulf %div3A_1098, %div3A_1098 : vector<16xf32>
        %mul3A_1100 = arith.mulf %mul3A_1099, %div3A_1098 : vector<16xf32>
        %mul3A_1101 = arith.mulf %mul3A_1096, %mul3A_1100 : vector<16xf32>
        %sub3A_1102 = arith.constant 1.000000e+00 : f32
        %sub3A_1103 = vector.broadcast %sub3A_1102 : f32 to vector<16xf32>
        %sub3A_1104 = arith.subf %mul3A_1100, %sub3A_1103 : vector<16xf32>
        %mul3A_1105 = arith.mulf %mul3A_1101, %sub3A_1104 : vector<16xf32>
        %le3A_1106 = vector.broadcast %squeeze3A_39 : f32 to vector<16xf32>
        %le3A_1107 = arith.cmpf ole, %add3A_1094, %le3A_1106 : vector<16xf32>
        %jit3A_1108 = arith.constant 0.000000e+00 : f32
        %broadcast_in_dim3A_1109 = vector.broadcast %jit3A_1108 : f32 to vector<16xf32>
        %select_n3A_1110 = arith.select %le3A_1107, %mul3A_1105, %broadcast_in_dim3A_1109 : vector<16xi1>, vector<16xf32>
        %add3A_1111 = arith.addf %add3A_621, %select_n3A_1110 : vector<16xf32>
        %add3A_1112 = arith.constant 64 : i32
        %add3A_1113 = arith.addi %add3A_138, %add3A_1112 : i32
        %add3A_1114 = vector.broadcast %add3A_1113 : i32 to vector<16xi32>
        %add3A_1115 = arith.addi %iota3A, %add3A_1114 : vector<16xi32>
        %add3A_1116 = arith.constant 128 : i32
        %add3A_1117 = vector.broadcast %add3A_1116 : i32 to vector<16xi32>
        %add3A_1118 = arith.addi %add3A_1115, %add3A_1117 : vector<16xi32>
        %broadcast_in_dim3A_1119 = arith.constant 0 : i32
        %broadcast_in_dim3A_1120 = vector.broadcast %broadcast_in_dim3A_1119 : i32 to vector<16xi32>
        %gather3A_1121 = tpu.vector_load_idx %arg7[%add3A_1115, %broadcast_in_dim3A_1120] : memref<4096x8xf32, #tpu.memory_space<vmem>>[vector<16xi32>, vector<16xi32>], vector<16xf32>,
        %add3A_1122 = arith.constant 1 : i32
        %add3A_1123 = vector.broadcast %add3A_1122 : i32 to vector<16xi32>
        %add3A_1124 = arith.addi %broadcast_in_dim3A_1120, %add3A_1123 : vector<16xi32>
        %gather3A_1125 = tpu.vector_load_idx %arg7[%add3A_1115, %add3A_1124] : memref<4096x8xf32, #tpu.memory_space<vmem>>[vector<16xi32>, vector<16xi32>], vector<16xf32>,
        %add3A_1126 = arith.constant 2 : i32
        %add3A_1127 = vector.broadcast %add3A_1126 : i32 to vector<16xi32>
        %add3A_1128 = arith.addi %broadcast_in_dim3A_1120, %add3A_1127 : vector<16xi32>
        %gather3A_1129 = tpu.vector_load_idx %arg7[%add3A_1115, %add3A_1128] : memref<4096x8xf32, #tpu.memory_space<vmem>>[vector<16xi32>, vector<16xi32>], vector<16xf32>,
        %add3A_1130 = arith.constant 3 : i32
        %add3A_1131 = vector.broadcast %add3A_1130 : i32 to vector<16xi32>
        %add3A_1132 = arith.addi %broadcast_in_dim3A_1120, %add3A_1131 : vector<16xi32>
        %gather3A_1133 = tpu.vector_load_idx %arg7[%add3A_1115, %add3A_1132] : memref<4096x8xf32, #tpu.memory_space<vmem>>[vector<16xi32>, vector<16xi32>], vector<16xf32>,
        %add3A_1134 = arith.constant 4 : i32
        %add3A_1135 = vector.broadcast %add3A_1134 : i32 to vector<16xi32>
        %add3A_1136 = arith.addi %broadcast_in_dim3A_1120, %add3A_1135 : vector<16xi32>
        %gather3A_1137 = tpu.vector_load_idx %arg7[%add3A_1115, %add3A_1136] : memref<4096x8xf32, #tpu.memory_space<vmem>>[vector<16xi32>, vector<16xi32>], vector<16xf32>,
        %gather3A_1138 = tpu.vector_load_idx %arg7[%add3A_1118, %broadcast_in_dim3A_1120] : memref<4096x8xf32, #tpu.memory_space<vmem>>[vector<16xi32>, vector<16xi32>], vector<16xf32>,
        %add3A_1139 = arith.constant 1 : i32
        %add3A_1140 = vector.broadcast %add3A_1139 : i32 to vector<16xi32>
        %add3A_1141 = arith.addi %broadcast_in_dim3A_1120, %add3A_1140 : vector<16xi32>
        %gather3A_1142 = tpu.vector_load_idx %arg7[%add3A_1118, %add3A_1141] : memref<4096x8xf32, #tpu.memory_space<vmem>>[vector<16xi32>, vector<16xi32>], vector<16xf32>,
        %add3A_1143 = arith.constant 2 : i32
        %add3A_1144 = vector.broadcast %add3A_1143 : i32 to vector<16xi32>
        %add3A_1145 = arith.addi %broadcast_in_dim3A_1120, %add3A_1144 : vector<16xi32>
        %gather3A_1146 = tpu.vector_load_idx %arg7[%add3A_1118, %add3A_1145] : memref<4096x8xf32, #tpu.memory_space<vmem>>[vector<16xi32>, vector<16xi32>], vector<16xf32>,
        %add3A_1147 = arith.constant 3 : i32
        %add3A_1148 = vector.broadcast %add3A_1147 : i32 to vector<16xi32>
        %add3A_1149 = arith.addi %broadcast_in_dim3A_1120, %add3A_1148 : vector<16xi32>
        %gather3A_1150 = tpu.vector_load_idx %arg7[%add3A_1118, %add3A_1149] : memref<4096x8xf32, #tpu.memory_space<vmem>>[vector<16xi32>, vector<16xi32>], vector<16xf32>,
        %add3A_1151 = arith.constant 4 : i32
        %add3A_1152 = vector.broadcast %add3A_1151 : i32 to vector<16xi32>
        %add3A_1153 = arith.addi %broadcast_in_dim3A_1120, %add3A_1152 : vector<16xi32>
        %gather3A_1154 = tpu.vector_load_idx %arg7[%add3A_1118, %add3A_1153] : memref<4096x8xf32, #tpu.memory_space<vmem>>[vector<16xi32>, vector<16xi32>], vector<16xf32>,
        %sub3A_1155 = arith.subf %gather3A_1121, %gather3A_1138 : vector<16xf32>
        %bitcast3A_1156 = vector.bitcast %sub3A_1155 : vector<16xf32> to vector<16xi32>
        %shift_right_logical3A_1157 = arith.constant 16 : i32
        %shift_right_logical3A_1158 = vector.broadcast %shift_right_logical3A_1157 : i32 to vector<16xi32>
        %shift_right_logical3A_1159 = arith.shrui %bitcast3A_1156, %shift_right_logical3A_1158 : vector<16xi32>
        %and3A_1160 = arith.constant 1 : i32
        %and3A_1161 = vector.broadcast %and3A_1160 : i32 to vector<16xi32>
        %and3A_1162 = arith.andi %shift_right_logical3A_1159, %and3A_1161 : vector<16xi32>
        %add3A_1163 = arith.constant 32767 : i32
        %add3A_1164 = vector.broadcast %add3A_1163 : i32 to vector<16xi32>
        %add3A_1165 = arith.addi %add3A_1164, %and3A_1162 : vector<16xi32>
        %add3A_1166 = arith.addi %bitcast3A_1156, %add3A_1165 : vector<16xi32>
        %and3A_1167 = arith.constant -65536 : i32
        %and3A_1168 = vector.broadcast %and3A_1167 : i32 to vector<16xi32>
        %and3A_1169 = arith.andi %add3A_1166, %and3A_1168 : vector<16xi32>
        %bitcast3A_1170 = vector.bitcast %and3A_1169 : vector<16xi32> to vector<16xf32>
        %sub3A_1171 = arith.subf %gather3A_1125, %gather3A_1142 : vector<16xf32>
        %bitcast3A_1172 = vector.bitcast %sub3A_1171 : vector<16xf32> to vector<16xi32>
        %shift_right_logical3A_1173 = arith.constant 16 : i32
        %shift_right_logical3A_1174 = vector.broadcast %shift_right_logical3A_1173 : i32 to vector<16xi32>
        %shift_right_logical3A_1175 = arith.shrui %bitcast3A_1172, %shift_right_logical3A_1174 : vector<16xi32>
        %and3A_1176 = arith.constant 1 : i32
        %and3A_1177 = vector.broadcast %and3A_1176 : i32 to vector<16xi32>
        %and3A_1178 = arith.andi %shift_right_logical3A_1175, %and3A_1177 : vector<16xi32>
        %add3A_1179 = arith.constant 32767 : i32
        %add3A_1180 = vector.broadcast %add3A_1179 : i32 to vector<16xi32>
        %add3A_1181 = arith.addi %add3A_1180, %and3A_1178 : vector<16xi32>
        %add3A_1182 = arith.addi %bitcast3A_1172, %add3A_1181 : vector<16xi32>
        %and3A_1183 = arith.constant -65536 : i32
        %and3A_1184 = vector.broadcast %and3A_1183 : i32 to vector<16xi32>
        %and3A_1185 = arith.andi %add3A_1182, %and3A_1184 : vector<16xi32>
        %bitcast3A_1186 = vector.bitcast %and3A_1185 : vector<16xi32> to vector<16xf32>
        %sub3A_1187 = arith.subf %gather3A_1129, %gather3A_1146 : vector<16xf32>
        %bitcast3A_1188 = vector.bitcast %sub3A_1187 : vector<16xf32> to vector<16xi32>
        %shift_right_logical3A_1189 = arith.constant 16 : i32
        %shift_right_logical3A_1190 = vector.broadcast %shift_right_logical3A_1189 : i32 to vector<16xi32>
        %shift_right_logical3A_1191 = arith.shrui %bitcast3A_1188, %shift_right_logical3A_1190 : vector<16xi32>
        %and3A_1192 = arith.constant 1 : i32
        %and3A_1193 = vector.broadcast %and3A_1192 : i32 to vector<16xi32>
        %and3A_1194 = arith.andi %shift_right_logical3A_1191, %and3A_1193 : vector<16xi32>
        %add3A_1195 = arith.constant 32767 : i32
        %add3A_1196 = vector.broadcast %add3A_1195 : i32 to vector<16xi32>
        %add3A_1197 = arith.addi %add3A_1196, %and3A_1194 : vector<16xi32>
        %add3A_1198 = arith.addi %bitcast3A_1188, %add3A_1197 : vector<16xi32>
        %and3A_1199 = arith.constant -65536 : i32
        %and3A_1200 = vector.broadcast %and3A_1199 : i32 to vector<16xi32>
        %and3A_1201 = arith.andi %add3A_1198, %and3A_1200 : vector<16xi32>
        %bitcast3A_1202 = vector.bitcast %and3A_1201 : vector<16xi32> to vector<16xf32>
        %mul3A_1203 = vector.broadcast %squeeze3A : f32 to vector<16xf32>
        %mul3A_1204 = arith.mulf %bitcast3A_1170, %mul3A_1203 : vector<16xf32>
        %mul3A_1205 = vector.broadcast %squeeze3A_9 : f32 to vector<16xf32>
        %mul3A_1206 = arith.mulf %bitcast3A_1186, %mul3A_1205 : vector<16xf32>
        %add3A_1207 = arith.addf %mul3A_1204, %mul3A_1206 : vector<16xf32>
        %mul3A_1208 = vector.broadcast %squeeze3A_15 : f32 to vector<16xf32>
        %mul3A_1209 = arith.mulf %bitcast3A_1202, %mul3A_1208 : vector<16xf32>
        %add3A_1210 = arith.addf %add3A_1207, %mul3A_1209 : vector<16xf32>
        %mul3A_1211 = vector.broadcast %squeeze3A_5 : f32 to vector<16xf32>
        %mul3A_1212 = arith.mulf %bitcast3A_1170, %mul3A_1211 : vector<16xf32>
        %mul3A_1213 = vector.broadcast %squeeze3A_11 : f32 to vector<16xf32>
        %mul3A_1214 = arith.mulf %bitcast3A_1186, %mul3A_1213 : vector<16xf32>
        %add3A_1215 = arith.addf %mul3A_1212, %mul3A_1214 : vector<16xf32>
        %mul3A_1216 = vector.broadcast %squeeze3A_17 : f32 to vector<16xf32>
        %mul3A_1217 = arith.mulf %bitcast3A_1202, %mul3A_1216 : vector<16xf32>
        %add3A_1218 = arith.addf %add3A_1215, %mul3A_1217 : vector<16xf32>
        %mul3A_1219 = vector.broadcast %squeeze3A_7 : f32 to vector<16xf32>
        %mul3A_1220 = arith.mulf %bitcast3A_1170, %mul3A_1219 : vector<16xf32>
        %mul3A_1221 = vector.broadcast %squeeze3A_13 : f32 to vector<16xf32>
        %mul3A_1222 = arith.mulf %bitcast3A_1186, %mul3A_1221 : vector<16xf32>
        %add3A_1223 = arith.addf %mul3A_1220, %mul3A_1222 : vector<16xf32>
        %mul3A_1224 = vector.broadcast %squeeze3A_19 : f32 to vector<16xf32>
        %mul3A_1225 = arith.mulf %bitcast3A_1202, %mul3A_1224 : vector<16xf32>
        %add3A_1226 = arith.addf %add3A_1223, %mul3A_1225 : vector<16xf32>
        %add3A_1227 = arith.constant 5.000000e-01 : f32
        %add3A_1228 = vector.broadcast %add3A_1227 : f32 to vector<16xf32>
        %add3A_1229 = arith.addf %add3A_1210, %add3A_1228 : vector<16xf32>
        %convert_element_type3A_1230 = arith.fptosi %add3A_1229 : vector<16xf32> to vector<16xi32>
        %convert_element_type3A_1231 = arith.sitofp %convert_element_type3A_1230 : vector<16xi32> to vector<16xf32>
        %lt3A_1232 = arith.cmpf olt, %add3A_1229, %convert_element_type3A_1231 : vector<16xf32>
        %jit3A_1233 = arith.constant 1.000000e+00 : f32
        %jit3A_1234 = arith.constant 0.000000e+00 : f32
        %broadcast_in_dim3A_1235 = vector.broadcast %jit3A_1233 : f32 to vector<16xf32>
        %broadcast_in_dim3A_1236 = vector.broadcast %jit3A_1234 : f32 to vector<16xf32>
        %select_n3A_1237 = arith.select %lt3A_1232, %broadcast_in_dim3A_1235, %broadcast_in_dim3A_1236 : vector<16xi1>, vector<16xf32>
        %sub3A_1238 = arith.subf %convert_element_type3A_1231, %select_n3A_1237 : vector<16xf32>
        %sub3A_1239 = arith.subf %add3A_1210, %sub3A_1238 : vector<16xf32>
        %bitcast3A_1240 = vector.bitcast %sub3A_1239 : vector<16xf32> to vector<16xi32>
        %shift_right_logical3A_1241 = arith.constant 16 : i32
        %shift_right_logical3A_1242 = vector.broadcast %shift_right_logical3A_1241 : i32 to vector<16xi32>
        %shift_right_logical3A_1243 = arith.shrui %bitcast3A_1240, %shift_right_logical3A_1242 : vector<16xi32>
        %and3A_1244 = arith.constant 1 : i32
        %and3A_1245 = vector.broadcast %and3A_1244 : i32 to vector<16xi32>
        %and3A_1246 = arith.andi %shift_right_logical3A_1243, %and3A_1245 : vector<16xi32>
        %add3A_1247 = arith.constant 32767 : i32
        %add3A_1248 = vector.broadcast %add3A_1247 : i32 to vector<16xi32>
        %add3A_1249 = arith.addi %add3A_1248, %and3A_1246 : vector<16xi32>
        %add3A_1250 = arith.addi %bitcast3A_1240, %add3A_1249 : vector<16xi32>
        %and3A_1251 = arith.constant -65536 : i32
        %and3A_1252 = vector.broadcast %and3A_1251 : i32 to vector<16xi32>
        %and3A_1253 = arith.andi %add3A_1250, %and3A_1252 : vector<16xi32>
        %bitcast3A_1254 = vector.bitcast %and3A_1253 : vector<16xi32> to vector<16xf32>
        %add3A_1255 = arith.constant 5.000000e-01 : f32
        %add3A_1256 = vector.broadcast %add3A_1255 : f32 to vector<16xf32>
        %add3A_1257 = arith.addf %add3A_1218, %add3A_1256 : vector<16xf32>
        %convert_element_type3A_1258 = arith.fptosi %add3A_1257 : vector<16xf32> to vector<16xi32>
        %convert_element_type3A_1259 = arith.sitofp %convert_element_type3A_1258 : vector<16xi32> to vector<16xf32>
        %lt3A_1260 = arith.cmpf olt, %add3A_1257, %convert_element_type3A_1259 : vector<16xf32>
        %jit3A_1261 = arith.constant 1.000000e+00 : f32
        %jit3A_1262 = arith.constant 0.000000e+00 : f32
        %broadcast_in_dim3A_1263 = vector.broadcast %jit3A_1261 : f32 to vector<16xf32>
        %broadcast_in_dim3A_1264 = vector.broadcast %jit3A_1262 : f32 to vector<16xf32>
        %select_n3A_1265 = arith.select %lt3A_1260, %broadcast_in_dim3A_1263, %broadcast_in_dim3A_1264 : vector<16xi1>, vector<16xf32>
        %sub3A_1266 = arith.subf %convert_element_type3A_1259, %select_n3A_1265 : vector<16xf32>
        %sub3A_1267 = arith.subf %add3A_1218, %sub3A_1266 : vector<16xf32>
        %bitcast3A_1268 = vector.bitcast %sub3A_1267 : vector<16xf32> to vector<16xi32>
        %shift_right_logical3A_1269 = arith.constant 16 : i32
        %shift_right_logical3A_1270 = vector.broadcast %shift_right_logical3A_1269 : i32 to vector<16xi32>
        %shift_right_logical3A_1271 = arith.shrui %bitcast3A_1268, %shift_right_logical3A_1270 : vector<16xi32>
        %and3A_1272 = arith.constant 1 : i32
        %and3A_1273 = vector.broadcast %and3A_1272 : i32 to vector<16xi32>
        %and3A_1274 = arith.andi %shift_right_logical3A_1271, %and3A_1273 : vector<16xi32>
        %add3A_1275 = arith.constant 32767 : i32
        %add3A_1276 = vector.broadcast %add3A_1275 : i32 to vector<16xi32>
        %add3A_1277 = arith.addi %add3A_1276, %and3A_1274 : vector<16xi32>
        %add3A_1278 = arith.addi %bitcast3A_1268, %add3A_1277 : vector<16xi32>
        %and3A_1279 = arith.constant -65536 : i32
        %and3A_1280 = vector.broadcast %and3A_1279 : i32 to vector<16xi32>
        %and3A_1281 = arith.andi %add3A_1278, %and3A_1280 : vector<16xi32>
        %bitcast3A_1282 = vector.bitcast %and3A_1281 : vector<16xi32> to vector<16xf32>
        %add3A_1283 = arith.constant 5.000000e-01 : f32
        %add3A_1284 = vector.broadcast %add3A_1283 : f32 to vector<16xf32>
        %add3A_1285 = arith.addf %add3A_1226, %add3A_1284 : vector<16xf32>
        %convert_element_type3A_1286 = arith.fptosi %add3A_1285 : vector<16xf32> to vector<16xi32>
        %convert_element_type3A_1287 = arith.sitofp %convert_element_type3A_1286 : vector<16xi32> to vector<16xf32>
        %lt3A_1288 = arith.cmpf olt, %add3A_1285, %convert_element_type3A_1287 : vector<16xf32>
        %jit3A_1289 = arith.constant 1.000000e+00 : f32
        %jit3A_1290 = arith.constant 0.000000e+00 : f32
        %broadcast_in_dim3A_1291 = vector.broadcast %jit3A_1289 : f32 to vector<16xf32>
        %broadcast_in_dim3A_1292 = vector.broadcast %jit3A_1290 : f32 to vector<16xf32>
        %select_n3A_1293 = arith.select %lt3A_1288, %broadcast_in_dim3A_1291, %broadcast_in_dim3A_1292 : vector<16xi1>, vector<16xf32>
        %sub3A_1294 = arith.subf %convert_element_type3A_1287, %select_n3A_1293 : vector<16xf32>
        %sub3A_1295 = arith.subf %add3A_1226, %sub3A_1294 : vector<16xf32>
        %bitcast3A_1296 = vector.bitcast %sub3A_1295 : vector<16xf32> to vector<16xi32>
        %shift_right_logical3A_1297 = arith.constant 16 : i32
        %shift_right_logical3A_1298 = vector.broadcast %shift_right_logical3A_1297 : i32 to vector<16xi32>
        %shift_right_logical3A_1299 = arith.shrui %bitcast3A_1296, %shift_right_logical3A_1298 : vector<16xi32>
        %and3A_1300 = arith.constant 1 : i32
        %and3A_1301 = vector.broadcast %and3A_1300 : i32 to vector<16xi32>
        %and3A_1302 = arith.andi %shift_right_logical3A_1299, %and3A_1301 : vector<16xi32>
        %add3A_1303 = arith.constant 32767 : i32
        %add3A_1304 = vector.broadcast %add3A_1303 : i32 to vector<16xi32>
        %add3A_1305 = arith.addi %add3A_1304, %and3A_1302 : vector<16xi32>
        %add3A_1306 = arith.addi %bitcast3A_1296, %add3A_1305 : vector<16xi32>
        %and3A_1307 = arith.constant -65536 : i32
        %and3A_1308 = vector.broadcast %and3A_1307 : i32 to vector<16xi32>
        %and3A_1309 = arith.andi %add3A_1306, %and3A_1308 : vector<16xi32>
        %bitcast3A_1310 = vector.bitcast %and3A_1309 : vector<16xi32> to vector<16xf32>
        %mul3A_1311 = vector.broadcast %squeeze3A_21 : f32 to vector<16xf32>
        %mul3A_1312 = arith.mulf %bitcast3A_1254, %mul3A_1311 : vector<16xf32>
        %mul3A_1313 = vector.broadcast %squeeze3A_27 : f32 to vector<16xf32>
        %mul3A_1314 = arith.mulf %bitcast3A_1282, %mul3A_1313 : vector<16xf32>
        %add3A_1315 = arith.addf %mul3A_1312, %mul3A_1314 : vector<16xf32>
        %mul3A_1316 = vector.broadcast %squeeze3A_33 : f32 to vector<16xf32>
        %mul3A_1317 = arith.mulf %bitcast3A_1310, %mul3A_1316 : vector<16xf32>
        %add3A_1318 = arith.addf %add3A_1315, %mul3A_1317 : vector<16xf32>
        %mul3A_1319 = vector.broadcast %squeeze3A_23 : f32 to vector<16xf32>
        %mul3A_1320 = arith.mulf %bitcast3A_1254, %mul3A_1319 : vector<16xf32>
        %mul3A_1321 = vector.broadcast %squeeze3A_29 : f32 to vector<16xf32>
        %mul3A_1322 = arith.mulf %bitcast3A_1282, %mul3A_1321 : vector<16xf32>
        %add3A_1323 = arith.addf %mul3A_1320, %mul3A_1322 : vector<16xf32>
        %mul3A_1324 = vector.broadcast %squeeze3A_35 : f32 to vector<16xf32>
        %mul3A_1325 = arith.mulf %bitcast3A_1310, %mul3A_1324 : vector<16xf32>
        %add3A_1326 = arith.addf %add3A_1323, %mul3A_1325 : vector<16xf32>
        %mul3A_1327 = vector.broadcast %squeeze3A_25 : f32 to vector<16xf32>
        %mul3A_1328 = arith.mulf %bitcast3A_1254, %mul3A_1327 : vector<16xf32>
        %mul3A_1329 = vector.broadcast %squeeze3A_31 : f32 to vector<16xf32>
        %mul3A_1330 = arith.mulf %bitcast3A_1282, %mul3A_1329 : vector<16xf32>
        %add3A_1331 = arith.addf %mul3A_1328, %mul3A_1330 : vector<16xf32>
        %mul3A_1332 = vector.broadcast %squeeze3A_37 : f32 to vector<16xf32>
        %mul3A_1333 = arith.mulf %bitcast3A_1310, %mul3A_1332 : vector<16xf32>
        %add3A_1334 = arith.addf %add3A_1331, %mul3A_1333 : vector<16xf32>
        %mul3A_1335 = arith.mulf %add3A_1318, %add3A_1318 : vector<16xf32>
        %mul3A_1336 = arith.mulf %add3A_1326, %add3A_1326 : vector<16xf32>
        %add3A_1337 = arith.addf %mul3A_1335, %mul3A_1336 : vector<16xf32>
        %mul3A_1338 = arith.mulf %add3A_1334, %add3A_1334 : vector<16xf32>
        %add3A_1339 = arith.addf %add3A_1337, %mul3A_1338 : vector<16xf32>
        %add3A_1340 = arith.addf %gather3A_1133, %gather3A_1150 : vector<16xf32>
        %mul3A_1341 = arith.mulf %gather3A_1137, %gather3A_1154 : vector<16xf32>
        %mul3A_1342 = arith.mulf %add3A_1340, %add3A_1340 : vector<16xf32>
        %div3A_1343 = arith.divf %mul3A_1342, %add3A_1339 : vector<16xf32>
        %mul3A_1344 = arith.mulf %div3A_1343, %div3A_1343 : vector<16xf32>
        %mul3A_1345 = arith.mulf %mul3A_1344, %div3A_1343 : vector<16xf32>
        %mul3A_1346 = arith.mulf %mul3A_1341, %mul3A_1345 : vector<16xf32>
        %sub3A_1347 = arith.constant 1.000000e+00 : f32
        %sub3A_1348 = vector.broadcast %sub3A_1347 : f32 to vector<16xf32>
        %sub3A_1349 = arith.subf %mul3A_1345, %sub3A_1348 : vector<16xf32>
        %mul3A_1350 = arith.mulf %mul3A_1346, %sub3A_1349 : vector<16xf32>
        %le3A_1351 = vector.broadcast %squeeze3A_39 : f32 to vector<16xf32>
        %le3A_1352 = arith.cmpf ole, %add3A_1339, %le3A_1351 : vector<16xf32>
        %jit3A_1353 = arith.constant 0.000000e+00 : f32
        %broadcast_in_dim3A_1354 = vector.broadcast %jit3A_1353 : f32 to vector<16xf32>
        %select_n3A_1355 = arith.select %le3A_1352, %mul3A_1350, %broadcast_in_dim3A_1354 : vector<16xi1>, vector<16xf32>
        %add3A_1356 = arith.addf %add3A_866, %select_n3A_1355 : vector<16xf32>
        %add3A_1357 = arith.constant 80 : i32
        %add3A_1358 = arith.addi %add3A_138, %add3A_1357 : i32
        %add3A_1359 = vector.broadcast %add3A_1358 : i32 to vector<16xi32>
        %add3A_1360 = arith.addi %iota3A, %add3A_1359 : vector<16xi32>
        %add3A_1361 = arith.constant 128 : i32
        %add3A_1362 = vector.broadcast %add3A_1361 : i32 to vector<16xi32>
        %add3A_1363 = arith.addi %add3A_1360, %add3A_1362 : vector<16xi32>
        %broadcast_in_dim3A_1364 = arith.constant 0 : i32
        %broadcast_in_dim3A_1365 = vector.broadcast %broadcast_in_dim3A_1364 : i32 to vector<16xi32>
        %gather3A_1366 = tpu.vector_load_idx %arg7[%add3A_1360, %broadcast_in_dim3A_1365] : memref<4096x8xf32, #tpu.memory_space<vmem>>[vector<16xi32>, vector<16xi32>], vector<16xf32>,
        %add3A_1367 = arith.constant 1 : i32
        %add3A_1368 = vector.broadcast %add3A_1367 : i32 to vector<16xi32>
        %add3A_1369 = arith.addi %broadcast_in_dim3A_1365, %add3A_1368 : vector<16xi32>
        %gather3A_1370 = tpu.vector_load_idx %arg7[%add3A_1360, %add3A_1369] : memref<4096x8xf32, #tpu.memory_space<vmem>>[vector<16xi32>, vector<16xi32>], vector<16xf32>,
        %add3A_1371 = arith.constant 2 : i32
        %add3A_1372 = vector.broadcast %add3A_1371 : i32 to vector<16xi32>
        %add3A_1373 = arith.addi %broadcast_in_dim3A_1365, %add3A_1372 : vector<16xi32>
        %gather3A_1374 = tpu.vector_load_idx %arg7[%add3A_1360, %add3A_1373] : memref<4096x8xf32, #tpu.memory_space<vmem>>[vector<16xi32>, vector<16xi32>], vector<16xf32>,
        %add3A_1375 = arith.constant 3 : i32
        %add3A_1376 = vector.broadcast %add3A_1375 : i32 to vector<16xi32>
        %add3A_1377 = arith.addi %broadcast_in_dim3A_1365, %add3A_1376 : vector<16xi32>
        %gather3A_1378 = tpu.vector_load_idx %arg7[%add3A_1360, %add3A_1377] : memref<4096x8xf32, #tpu.memory_space<vmem>>[vector<16xi32>, vector<16xi32>], vector<16xf32>,
        %add3A_1379 = arith.constant 4 : i32
        %add3A_1380 = vector.broadcast %add3A_1379 : i32 to vector<16xi32>
        %add3A_1381 = arith.addi %broadcast_in_dim3A_1365, %add3A_1380 : vector<16xi32>
        %gather3A_1382 = tpu.vector_load_idx %arg7[%add3A_1360, %add3A_1381] : memref<4096x8xf32, #tpu.memory_space<vmem>>[vector<16xi32>, vector<16xi32>], vector<16xf32>,
        %gather3A_1383 = tpu.vector_load_idx %arg7[%add3A_1363, %broadcast_in_dim3A_1365] : memref<4096x8xf32, #tpu.memory_space<vmem>>[vector<16xi32>, vector<16xi32>], vector<16xf32>,
        %add3A_1384 = arith.constant 1 : i32
        %add3A_1385 = vector.broadcast %add3A_1384 : i32 to vector<16xi32>
        %add3A_1386 = arith.addi %broadcast_in_dim3A_1365, %add3A_1385 : vector<16xi32>
        %gather3A_1387 = tpu.vector_load_idx %arg7[%add3A_1363, %add3A_1386] : memref<4096x8xf32, #tpu.memory_space<vmem>>[vector<16xi32>, vector<16xi32>], vector<16xf32>,
        %add3A_1388 = arith.constant 2 : i32
        %add3A_1389 = vector.broadcast %add3A_1388 : i32 to vector<16xi32>
        %add3A_1390 = arith.addi %broadcast_in_dim3A_1365, %add3A_1389 : vector<16xi32>
        %gather3A_1391 = tpu.vector_load_idx %arg7[%add3A_1363, %add3A_1390] : memref<4096x8xf32, #tpu.memory_space<vmem>>[vector<16xi32>, vector<16xi32>], vector<16xf32>,
        %add3A_1392 = arith.constant 3 : i32
        %add3A_1393 = vector.broadcast %add3A_1392 : i32 to vector<16xi32>
        %add3A_1394 = arith.addi %broadcast_in_dim3A_1365, %add3A_1393 : vector<16xi32>
        %gather3A_1395 = tpu.vector_load_idx %arg7[%add3A_1363, %add3A_1394] : memref<4096x8xf32, #tpu.memory_space<vmem>>[vector<16xi32>, vector<16xi32>], vector<16xf32>,
        %add3A_1396 = arith.constant 4 : i32
        %add3A_1397 = vector.broadcast %add3A_1396 : i32 to vector<16xi32>
        %add3A_1398 = arith.addi %broadcast_in_dim3A_1365, %add3A_1397 : vector<16xi32>
        %gather3A_1399 = tpu.vector_load_idx %arg7[%add3A_1363, %add3A_1398] : memref<4096x8xf32, #tpu.memory_space<vmem>>[vector<16xi32>, vector<16xi32>], vector<16xf32>,
        %sub3A_1400 = arith.subf %gather3A_1366, %gather3A_1383 : vector<16xf32>
        %bitcast3A_1401 = vector.bitcast %sub3A_1400 : vector<16xf32> to vector<16xi32>
        %shift_right_logical3A_1402 = arith.constant 16 : i32
        %shift_right_logical3A_1403 = vector.broadcast %shift_right_logical3A_1402 : i32 to vector<16xi32>
        %shift_right_logical3A_1404 = arith.shrui %bitcast3A_1401, %shift_right_logical3A_1403 : vector<16xi32>
        %and3A_1405 = arith.constant 1 : i32
        %and3A_1406 = vector.broadcast %and3A_1405 : i32 to vector<16xi32>
        %and3A_1407 = arith.andi %shift_right_logical3A_1404, %and3A_1406 : vector<16xi32>
        %add3A_1408 = arith.constant 32767 : i32
        %add3A_1409 = vector.broadcast %add3A_1408 : i32 to vector<16xi32>
        %add3A_1410 = arith.addi %add3A_1409, %and3A_1407 : vector<16xi32>
        %add3A_1411 = arith.addi %bitcast3A_1401, %add3A_1410 : vector<16xi32>
        %and3A_1412 = arith.constant -65536 : i32
        %and3A_1413 = vector.broadcast %and3A_1412 : i32 to vector<16xi32>
        %and3A_1414 = arith.andi %add3A_1411, %and3A_1413 : vector<16xi32>
        %bitcast3A_1415 = vector.bitcast %and3A_1414 : vector<16xi32> to vector<16xf32>
        %sub3A_1416 = arith.subf %gather3A_1370, %gather3A_1387 : vector<16xf32>
        %bitcast3A_1417 = vector.bitcast %sub3A_1416 : vector<16xf32> to vector<16xi32>
        %shift_right_logical3A_1418 = arith.constant 16 : i32
        %shift_right_logical3A_1419 = vector.broadcast %shift_right_logical3A_1418 : i32 to vector<16xi32>
        %shift_right_logical3A_1420 = arith.shrui %bitcast3A_1417, %shift_right_logical3A_1419 : vector<16xi32>
        %and3A_1421 = arith.constant 1 : i32
        %and3A_1422 = vector.broadcast %and3A_1421 : i32 to vector<16xi32>
        %and3A_1423 = arith.andi %shift_right_logical3A_1420, %and3A_1422 : vector<16xi32>
        %add3A_1424 = arith.constant 32767 : i32
        %add3A_1425 = vector.broadcast %add3A_1424 : i32 to vector<16xi32>
        %add3A_1426 = arith.addi %add3A_1425, %and3A_1423 : vector<16xi32>
        %add3A_1427 = arith.addi %bitcast3A_1417, %add3A_1426 : vector<16xi32>
        %and3A_1428 = arith.constant -65536 : i32
        %and3A_1429 = vector.broadcast %and3A_1428 : i32 to vector<16xi32>
        %and3A_1430 = arith.andi %add3A_1427, %and3A_1429 : vector<16xi32>
        %bitcast3A_1431 = vector.bitcast %and3A_1430 : vector<16xi32> to vector<16xf32>
        %sub3A_1432 = arith.subf %gather3A_1374, %gather3A_1391 : vector<16xf32>
        %bitcast3A_1433 = vector.bitcast %sub3A_1432 : vector<16xf32> to vector<16xi32>
        %shift_right_logical3A_1434 = arith.constant 16 : i32
        %shift_right_logical3A_1435 = vector.broadcast %shift_right_logical3A_1434 : i32 to vector<16xi32>
        %shift_right_logical3A_1436 = arith.shrui %bitcast3A_1433, %shift_right_logical3A_1435 : vector<16xi32>
        %and3A_1437 = arith.constant 1 : i32
        %and3A_1438 = vector.broadcast %and3A_1437 : i32 to vector<16xi32>
        %and3A_1439 = arith.andi %shift_right_logical3A_1436, %and3A_1438 : vector<16xi32>
        %add3A_1440 = arith.constant 32767 : i32
        %add3A_1441 = vector.broadcast %add3A_1440 : i32 to vector<16xi32>
        %add3A_1442 = arith.addi %add3A_1441, %and3A_1439 : vector<16xi32>
        %add3A_1443 = arith.addi %bitcast3A_1433, %add3A_1442 : vector<16xi32>
        %and3A_1444 = arith.constant -65536 : i32
        %and3A_1445 = vector.broadcast %and3A_1444 : i32 to vector<16xi32>
        %and3A_1446 = arith.andi %add3A_1443, %and3A_1445 : vector<16xi32>
        %bitcast3A_1447 = vector.bitcast %and3A_1446 : vector<16xi32> to vector<16xf32>
        %mul3A_1448 = vector.broadcast %squeeze3A : f32 to vector<16xf32>
        %mul3A_1449 = arith.mulf %bitcast3A_1415, %mul3A_1448 : vector<16xf32>
        %mul3A_1450 = vector.broadcast %squeeze3A_9 : f32 to vector<16xf32>
        %mul3A_1451 = arith.mulf %bitcast3A_1431, %mul3A_1450 : vector<16xf32>
        %add3A_1452 = arith.addf %mul3A_1449, %mul3A_1451 : vector<16xf32>
        %mul3A_1453 = vector.broadcast %squeeze3A_15 : f32 to vector<16xf32>
        %mul3A_1454 = arith.mulf %bitcast3A_1447, %mul3A_1453 : vector<16xf32>
        %add3A_1455 = arith.addf %add3A_1452, %mul3A_1454 : vector<16xf32>
        %mul3A_1456 = vector.broadcast %squeeze3A_5 : f32 to vector<16xf32>
        %mul3A_1457 = arith.mulf %bitcast3A_1415, %mul3A_1456 : vector<16xf32>
        %mul3A_1458 = vector.broadcast %squeeze3A_11 : f32 to vector<16xf32>
        %mul3A_1459 = arith.mulf %bitcast3A_1431, %mul3A_1458 : vector<16xf32>
        %add3A_1460 = arith.addf %mul3A_1457, %mul3A_1459 : vector<16xf32>
        %mul3A_1461 = vector.broadcast %squeeze3A_17 : f32 to vector<16xf32>
        %mul3A_1462 = arith.mulf %bitcast3A_1447, %mul3A_1461 : vector<16xf32>
        %add3A_1463 = arith.addf %add3A_1460, %mul3A_1462 : vector<16xf32>
        %mul3A_1464 = vector.broadcast %squeeze3A_7 : f32 to vector<16xf32>
        %mul3A_1465 = arith.mulf %bitcast3A_1415, %mul3A_1464 : vector<16xf32>
        %mul3A_1466 = vector.broadcast %squeeze3A_13 : f32 to vector<16xf32>
        %mul3A_1467 = arith.mulf %bitcast3A_1431, %mul3A_1466 : vector<16xf32>
        %add3A_1468 = arith.addf %mul3A_1465, %mul3A_1467 : vector<16xf32>
        %mul3A_1469 = vector.broadcast %squeeze3A_19 : f32 to vector<16xf32>
        %mul3A_1470 = arith.mulf %bitcast3A_1447, %mul3A_1469 : vector<16xf32>
        %add3A_1471 = arith.addf %add3A_1468, %mul3A_1470 : vector<16xf32>
        %add3A_1472 = arith.constant 5.000000e-01 : f32
        %add3A_1473 = vector.broadcast %add3A_1472 : f32 to vector<16xf32>
        %add3A_1474 = arith.addf %add3A_1455, %add3A_1473 : vector<16xf32>
        %convert_element_type3A_1475 = arith.fptosi %add3A_1474 : vector<16xf32> to vector<16xi32>
        %convert_element_type3A_1476 = arith.sitofp %convert_element_type3A_1475 : vector<16xi32> to vector<16xf32>
        %lt3A_1477 = arith.cmpf olt, %add3A_1474, %convert_element_type3A_1476 : vector<16xf32>
        %jit3A_1478 = arith.constant 1.000000e+00 : f32
        %jit3A_1479 = arith.constant 0.000000e+00 : f32
        %broadcast_in_dim3A_1480 = vector.broadcast %jit3A_1478 : f32 to vector<16xf32>
        %broadcast_in_dim3A_1481 = vector.broadcast %jit3A_1479 : f32 to vector<16xf32>
        %select_n3A_1482 = arith.select %lt3A_1477, %broadcast_in_dim3A_1480, %broadcast_in_dim3A_1481 : vector<16xi1>, vector<16xf32>
        %sub3A_1483 = arith.subf %convert_element_type3A_1476, %select_n3A_1482 : vector<16xf32>
        %sub3A_1484 = arith.subf %add3A_1455, %sub3A_1483 : vector<16xf32>
        %bitcast3A_1485 = vector.bitcast %sub3A_1484 : vector<16xf32> to vector<16xi32>
        %shift_right_logical3A_1486 = arith.constant 16 : i32
        %shift_right_logical3A_1487 = vector.broadcast %shift_right_logical3A_1486 : i32 to vector<16xi32>
        %shift_right_logical3A_1488 = arith.shrui %bitcast3A_1485, %shift_right_logical3A_1487 : vector<16xi32>
        %and3A_1489 = arith.constant 1 : i32
        %and3A_1490 = vector.broadcast %and3A_1489 : i32 to vector<16xi32>
        %and3A_1491 = arith.andi %shift_right_logical3A_1488, %and3A_1490 : vector<16xi32>
        %add3A_1492 = arith.constant 32767 : i32
        %add3A_1493 = vector.broadcast %add3A_1492 : i32 to vector<16xi32>
        %add3A_1494 = arith.addi %add3A_1493, %and3A_1491 : vector<16xi32>
        %add3A_1495 = arith.addi %bitcast3A_1485, %add3A_1494 : vector<16xi32>
        %and3A_1496 = arith.constant -65536 : i32
        %and3A_1497 = vector.broadcast %and3A_1496 : i32 to vector<16xi32>
        %and3A_1498 = arith.andi %add3A_1495, %and3A_1497 : vector<16xi32>
        %bitcast3A_1499 = vector.bitcast %and3A_1498 : vector<16xi32> to vector<16xf32>
        %add3A_1500 = arith.constant 5.000000e-01 : f32
        %add3A_1501 = vector.broadcast %add3A_1500 : f32 to vector<16xf32>
        %add3A_1502 = arith.addf %add3A_1463, %add3A_1501 : vector<16xf32>
        %convert_element_type3A_1503 = arith.fptosi %add3A_1502 : vector<16xf32> to vector<16xi32>
        %convert_element_type3A_1504 = arith.sitofp %convert_element_type3A_1503 : vector<16xi32> to vector<16xf32>
        %lt3A_1505 = arith.cmpf olt, %add3A_1502, %convert_element_type3A_1504 : vector<16xf32>
        %jit3A_1506 = arith.constant 1.000000e+00 : f32
        %jit3A_1507 = arith.constant 0.000000e+00 : f32
        %broadcast_in_dim3A_1508 = vector.broadcast %jit3A_1506 : f32 to vector<16xf32>
        %broadcast_in_dim3A_1509 = vector.broadcast %jit3A_1507 : f32 to vector<16xf32>
        %select_n3A_1510 = arith.select %lt3A_1505, %broadcast_in_dim3A_1508, %broadcast_in_dim3A_1509 : vector<16xi1>, vector<16xf32>
        %sub3A_1511 = arith.subf %convert_element_type3A_1504, %select_n3A_1510 : vector<16xf32>
        %sub3A_1512 = arith.subf %add3A_1463, %sub3A_1511 : vector<16xf32>
        %bitcast3A_1513 = vector.bitcast %sub3A_1512 : vector<16xf32> to vector<16xi32>
        %shift_right_logical3A_1514 = arith.constant 16 : i32
        %shift_right_logical3A_1515 = vector.broadcast %shift_right_logical3A_1514 : i32 to vector<16xi32>
        %shift_right_logical3A_1516 = arith.shrui %bitcast3A_1513, %shift_right_logical3A_1515 : vector<16xi32>
        %and3A_1517 = arith.constant 1 : i32
        %and3A_1518 = vector.broadcast %and3A_1517 : i32 to vector<16xi32>
        %and3A_1519 = arith.andi %shift_right_logical3A_1516, %and3A_1518 : vector<16xi32>
        %add3A_1520 = arith.constant 32767 : i32
        %add3A_1521 = vector.broadcast %add3A_1520 : i32 to vector<16xi32>
        %add3A_1522 = arith.addi %add3A_1521, %and3A_1519 : vector<16xi32>
        %add3A_1523 = arith.addi %bitcast3A_1513, %add3A_1522 : vector<16xi32>
        %and3A_1524 = arith.constant -65536 : i32
        %and3A_1525 = vector.broadcast %and3A_1524 : i32 to vector<16xi32>
        %and3A_1526 = arith.andi %add3A_1523, %and3A_1525 : vector<16xi32>
        %bitcast3A_1527 = vector.bitcast %and3A_1526 : vector<16xi32> to vector<16xf32>
        %add3A_1528 = arith.constant 5.000000e-01 : f32
        %add3A_1529 = vector.broadcast %add3A_1528 : f32 to vector<16xf32>
        %add3A_1530 = arith.addf %add3A_1471, %add3A_1529 : vector<16xf32>
        %convert_element_type3A_1531 = arith.fptosi %add3A_1530 : vector<16xf32> to vector<16xi32>
        %convert_element_type3A_1532 = arith.sitofp %convert_element_type3A_1531 : vector<16xi32> to vector<16xf32>
        %lt3A_1533 = arith.cmpf olt, %add3A_1530, %convert_element_type3A_1532 : vector<16xf32>
        %jit3A_1534 = arith.constant 1.000000e+00 : f32
        %jit3A_1535 = arith.constant 0.000000e+00 : f32
        %broadcast_in_dim3A_1536 = vector.broadcast %jit3A_1534 : f32 to vector<16xf32>
        %broadcast_in_dim3A_1537 = vector.broadcast %jit3A_1535 : f32 to vector<16xf32>
        %select_n3A_1538 = arith.select %lt3A_1533, %broadcast_in_dim3A_1536, %broadcast_in_dim3A_1537 : vector<16xi1>, vector<16xf32>
        %sub3A_1539 = arith.subf %convert_element_type3A_1532, %select_n3A_1538 : vector<16xf32>
        %sub3A_1540 = arith.subf %add3A_1471, %sub3A_1539 : vector<16xf32>
        %bitcast3A_1541 = vector.bitcast %sub3A_1540 : vector<16xf32> to vector<16xi32>
        %shift_right_logical3A_1542 = arith.constant 16 : i32
        %shift_right_logical3A_1543 = vector.broadcast %shift_right_logical3A_1542 : i32 to vector<16xi32>
        %shift_right_logical3A_1544 = arith.shrui %bitcast3A_1541, %shift_right_logical3A_1543 : vector<16xi32>
        %and3A_1545 = arith.constant 1 : i32
        %and3A_1546 = vector.broadcast %and3A_1545 : i32 to vector<16xi32>
        %and3A_1547 = arith.andi %shift_right_logical3A_1544, %and3A_1546 : vector<16xi32>
        %add3A_1548 = arith.constant 32767 : i32
        %add3A_1549 = vector.broadcast %add3A_1548 : i32 to vector<16xi32>
        %add3A_1550 = arith.addi %add3A_1549, %and3A_1547 : vector<16xi32>
        %add3A_1551 = arith.addi %bitcast3A_1541, %add3A_1550 : vector<16xi32>
        %and3A_1552 = arith.constant -65536 : i32
        %and3A_1553 = vector.broadcast %and3A_1552 : i32 to vector<16xi32>
        %and3A_1554 = arith.andi %add3A_1551, %and3A_1553 : vector<16xi32>
        %bitcast3A_1555 = vector.bitcast %and3A_1554 : vector<16xi32> to vector<16xf32>
        %mul3A_1556 = vector.broadcast %squeeze3A_21 : f32 to vector<16xf32>
        %mul3A_1557 = arith.mulf %bitcast3A_1499, %mul3A_1556 : vector<16xf32>
        %mul3A_1558 = vector.broadcast %squeeze3A_27 : f32 to vector<16xf32>
        %mul3A_1559 = arith.mulf %bitcast3A_1527, %mul3A_1558 : vector<16xf32>
        %add3A_1560 = arith.addf %mul3A_1557, %mul3A_1559 : vector<16xf32>
        %mul3A_1561 = vector.broadcast %squeeze3A_33 : f32 to vector<16xf32>
        %mul3A_1562 = arith.mulf %bitcast3A_1555, %mul3A_1561 : vector<16xf32>
        %add3A_1563 = arith.addf %add3A_1560, %mul3A_1562 : vector<16xf32>
        %mul3A_1564 = vector.broadcast %squeeze3A_23 : f32 to vector<16xf32>
        %mul3A_1565 = arith.mulf %bitcast3A_1499, %mul3A_1564 : vector<16xf32>
        %mul3A_1566 = vector.broadcast %squeeze3A_29 : f32 to vector<16xf32>
        %mul3A_1567 = arith.mulf %bitcast3A_1527, %mul3A_1566 : vector<16xf32>
        %add3A_1568 = arith.addf %mul3A_1565, %mul3A_1567 : vector<16xf32>
        %mul3A_1569 = vector.broadcast %squeeze3A_35 : f32 to vector<16xf32>
        %mul3A_1570 = arith.mulf %bitcast3A_1555, %mul3A_1569 : vector<16xf32>
        %add3A_1571 = arith.addf %add3A_1568, %mul3A_1570 : vector<16xf32>
        %mul3A_1572 = vector.broadcast %squeeze3A_25 : f32 to vector<16xf32>
        %mul3A_1573 = arith.mulf %bitcast3A_1499, %mul3A_1572 : vector<16xf32>
        %mul3A_1574 = vector.broadcast %squeeze3A_31 : f32 to vector<16xf32>
        %mul3A_1575 = arith.mulf %bitcast3A_1527, %mul3A_1574 : vector<16xf32>
        %add3A_1576 = arith.addf %mul3A_1573, %mul3A_1575 : vector<16xf32>
        %mul3A_1577 = vector.broadcast %squeeze3A_37 : f32 to vector<16xf32>
        %mul3A_1578 = arith.mulf %bitcast3A_1555, %mul3A_1577 : vector<16xf32>
        %add3A_1579 = arith.addf %add3A_1576, %mul3A_1578 : vector<16xf32>
        %mul3A_1580 = arith.mulf %add3A_1563, %add3A_1563 : vector<16xf32>
        %mul3A_1581 = arith.mulf %add3A_1571, %add3A_1571 : vector<16xf32>
        %add3A_1582 = arith.addf %mul3A_1580, %mul3A_1581 : vector<16xf32>
        %mul3A_1583 = arith.mulf %add3A_1579, %add3A_1579 : vector<16xf32>
        %add3A_1584 = arith.addf %add3A_1582, %mul3A_1583 : vector<16xf32>
        %add3A_1585 = arith.addf %gather3A_1378, %gather3A_1395 : vector<16xf32>
        %mul3A_1586 = arith.mulf %gather3A_1382, %gather3A_1399 : vector<16xf32>
        %mul3A_1587 = arith.mulf %add3A_1585, %add3A_1585 : vector<16xf32>
        %div3A_1588 = arith.divf %mul3A_1587, %add3A_1584 : vector<16xf32>
        %mul3A_1589 = arith.mulf %div3A_1588, %div3A_1588 : vector<16xf32>
        %mul3A_1590 = arith.mulf %mul3A_1589, %div3A_1588 : vector<16xf32>
        %mul3A_1591 = arith.mulf %mul3A_1586, %mul3A_1590 : vector<16xf32>
        %sub3A_1592 = arith.constant 1.000000e+00 : f32
        %sub3A_1593 = vector.broadcast %sub3A_1592 : f32 to vector<16xf32>
        %sub3A_1594 = arith.subf %mul3A_1590, %sub3A_1593 : vector<16xf32>
        %mul3A_1595 = arith.mulf %mul3A_1591, %sub3A_1594 : vector<16xf32>
        %le3A_1596 = vector.broadcast %squeeze3A_39 : f32 to vector<16xf32>
        %le3A_1597 = arith.cmpf ole, %add3A_1584, %le3A_1596 : vector<16xf32>
        %jit3A_1598 = arith.constant 0.000000e+00 : f32
        %broadcast_in_dim3A_1599 = vector.broadcast %jit3A_1598 : f32 to vector<16xf32>
        %select_n3A_1600 = arith.select %le3A_1597, %mul3A_1595, %broadcast_in_dim3A_1599 : vector<16xi1>, vector<16xf32>
        %add3A_1601 = arith.addf %add3A_1111, %select_n3A_1600 : vector<16xf32>
        %add3A_1602 = arith.constant 96 : i32
        %add3A_1603 = arith.addi %add3A_138, %add3A_1602 : i32
        %add3A_1604 = vector.broadcast %add3A_1603 : i32 to vector<16xi32>
        %add3A_1605 = arith.addi %iota3A, %add3A_1604 : vector<16xi32>
        %add3A_1606 = arith.constant 128 : i32
        %add3A_1607 = vector.broadcast %add3A_1606 : i32 to vector<16xi32>
        %add3A_1608 = arith.addi %add3A_1605, %add3A_1607 : vector<16xi32>
        %broadcast_in_dim3A_1609 = arith.constant 0 : i32
        %broadcast_in_dim3A_1610 = vector.broadcast %broadcast_in_dim3A_1609 : i32 to vector<16xi32>
        %gather3A_1611 = tpu.vector_load_idx %arg7[%add3A_1605, %broadcast_in_dim3A_1610] : memref<4096x8xf32, #tpu.memory_space<vmem>>[vector<16xi32>, vector<16xi32>], vector<16xf32>,
        %add3A_1612 = arith.constant 1 : i32
        %add3A_1613 = vector.broadcast %add3A_1612 : i32 to vector<16xi32>
        %add3A_1614 = arith.addi %broadcast_in_dim3A_1610, %add3A_1613 : vector<16xi32>
        %gather3A_1615 = tpu.vector_load_idx %arg7[%add3A_1605, %add3A_1614] : memref<4096x8xf32, #tpu.memory_space<vmem>>[vector<16xi32>, vector<16xi32>], vector<16xf32>,
        %add3A_1616 = arith.constant 2 : i32
        %add3A_1617 = vector.broadcast %add3A_1616 : i32 to vector<16xi32>
        %add3A_1618 = arith.addi %broadcast_in_dim3A_1610, %add3A_1617 : vector<16xi32>
        %gather3A_1619 = tpu.vector_load_idx %arg7[%add3A_1605, %add3A_1618] : memref<4096x8xf32, #tpu.memory_space<vmem>>[vector<16xi32>, vector<16xi32>], vector<16xf32>,
        %add3A_1620 = arith.constant 3 : i32
        %add3A_1621 = vector.broadcast %add3A_1620 : i32 to vector<16xi32>
        %add3A_1622 = arith.addi %broadcast_in_dim3A_1610, %add3A_1621 : vector<16xi32>
        %gather3A_1623 = tpu.vector_load_idx %arg7[%add3A_1605, %add3A_1622] : memref<4096x8xf32, #tpu.memory_space<vmem>>[vector<16xi32>, vector<16xi32>], vector<16xf32>,
        %add3A_1624 = arith.constant 4 : i32
        %add3A_1625 = vector.broadcast %add3A_1624 : i32 to vector<16xi32>
        %add3A_1626 = arith.addi %broadcast_in_dim3A_1610, %add3A_1625 : vector<16xi32>
        %gather3A_1627 = tpu.vector_load_idx %arg7[%add3A_1605, %add3A_1626] : memref<4096x8xf32, #tpu.memory_space<vmem>>[vector<16xi32>, vector<16xi32>], vector<16xf32>,
        %gather3A_1628 = tpu.vector_load_idx %arg7[%add3A_1608, %broadcast_in_dim3A_1610] : memref<4096x8xf32, #tpu.memory_space<vmem>>[vector<16xi32>, vector<16xi32>], vector<16xf32>,
        %add3A_1629 = arith.constant 1 : i32
        %add3A_1630 = vector.broadcast %add3A_1629 : i32 to vector<16xi32>
        %add3A_1631 = arith.addi %broadcast_in_dim3A_1610, %add3A_1630 : vector<16xi32>
        %gather3A_1632 = tpu.vector_load_idx %arg7[%add3A_1608, %add3A_1631] : memref<4096x8xf32, #tpu.memory_space<vmem>>[vector<16xi32>, vector<16xi32>], vector<16xf32>,
        %add3A_1633 = arith.constant 2 : i32
        %add3A_1634 = vector.broadcast %add3A_1633 : i32 to vector<16xi32>
        %add3A_1635 = arith.addi %broadcast_in_dim3A_1610, %add3A_1634 : vector<16xi32>
        %gather3A_1636 = tpu.vector_load_idx %arg7[%add3A_1608, %add3A_1635] : memref<4096x8xf32, #tpu.memory_space<vmem>>[vector<16xi32>, vector<16xi32>], vector<16xf32>,
        %add3A_1637 = arith.constant 3 : i32
        %add3A_1638 = vector.broadcast %add3A_1637 : i32 to vector<16xi32>
        %add3A_1639 = arith.addi %broadcast_in_dim3A_1610, %add3A_1638 : vector<16xi32>
        %gather3A_1640 = tpu.vector_load_idx %arg7[%add3A_1608, %add3A_1639] : memref<4096x8xf32, #tpu.memory_space<vmem>>[vector<16xi32>, vector<16xi32>], vector<16xf32>,
        %add3A_1641 = arith.constant 4 : i32
        %add3A_1642 = vector.broadcast %add3A_1641 : i32 to vector<16xi32>
        %add3A_1643 = arith.addi %broadcast_in_dim3A_1610, %add3A_1642 : vector<16xi32>
        %gather3A_1644 = tpu.vector_load_idx %arg7[%add3A_1608, %add3A_1643] : memref<4096x8xf32, #tpu.memory_space<vmem>>[vector<16xi32>, vector<16xi32>], vector<16xf32>,
        %sub3A_1645 = arith.subf %gather3A_1611, %gather3A_1628 : vector<16xf32>
        %bitcast3A_1646 = vector.bitcast %sub3A_1645 : vector<16xf32> to vector<16xi32>
        %shift_right_logical3A_1647 = arith.constant 16 : i32
        %shift_right_logical3A_1648 = vector.broadcast %shift_right_logical3A_1647 : i32 to vector<16xi32>
        %shift_right_logical3A_1649 = arith.shrui %bitcast3A_1646, %shift_right_logical3A_1648 : vector<16xi32>
        %and3A_1650 = arith.constant 1 : i32
        %and3A_1651 = vector.broadcast %and3A_1650 : i32 to vector<16xi32>
        %and3A_1652 = arith.andi %shift_right_logical3A_1649, %and3A_1651 : vector<16xi32>
        %add3A_1653 = arith.constant 32767 : i32
        %add3A_1654 = vector.broadcast %add3A_1653 : i32 to vector<16xi32>
        %add3A_1655 = arith.addi %add3A_1654, %and3A_1652 : vector<16xi32>
        %add3A_1656 = arith.addi %bitcast3A_1646, %add3A_1655 : vector<16xi32>
        %and3A_1657 = arith.constant -65536 : i32
        %and3A_1658 = vector.broadcast %and3A_1657 : i32 to vector<16xi32>
        %and3A_1659 = arith.andi %add3A_1656, %and3A_1658 : vector<16xi32>
        %bitcast3A_1660 = vector.bitcast %and3A_1659 : vector<16xi32> to vector<16xf32>
        %sub3A_1661 = arith.subf %gather3A_1615, %gather3A_1632 : vector<16xf32>
        %bitcast3A_1662 = vector.bitcast %sub3A_1661 : vector<16xf32> to vector<16xi32>
        %shift_right_logical3A_1663 = arith.constant 16 : i32
        %shift_right_logical3A_1664 = vector.broadcast %shift_right_logical3A_1663 : i32 to vector<16xi32>
        %shift_right_logical3A_1665 = arith.shrui %bitcast3A_1662, %shift_right_logical3A_1664 : vector<16xi32>
        %and3A_1666 = arith.constant 1 : i32
        %and3A_1667 = vector.broadcast %and3A_1666 : i32 to vector<16xi32>
        %and3A_1668 = arith.andi %shift_right_logical3A_1665, %and3A_1667 : vector<16xi32>
        %add3A_1669 = arith.constant 32767 : i32
        %add3A_1670 = vector.broadcast %add3A_1669 : i32 to vector<16xi32>
        %add3A_1671 = arith.addi %add3A_1670, %and3A_1668 : vector<16xi32>
        %add3A_1672 = arith.addi %bitcast3A_1662, %add3A_1671 : vector<16xi32>
        %and3A_1673 = arith.constant -65536 : i32
        %and3A_1674 = vector.broadcast %and3A_1673 : i32 to vector<16xi32>
        %and3A_1675 = arith.andi %add3A_1672, %and3A_1674 : vector<16xi32>
        %bitcast3A_1676 = vector.bitcast %and3A_1675 : vector<16xi32> to vector<16xf32>
        %sub3A_1677 = arith.subf %gather3A_1619, %gather3A_1636 : vector<16xf32>
        %bitcast3A_1678 = vector.bitcast %sub3A_1677 : vector<16xf32> to vector<16xi32>
        %shift_right_logical3A_1679 = arith.constant 16 : i32
        %shift_right_logical3A_1680 = vector.broadcast %shift_right_logical3A_1679 : i32 to vector<16xi32>
        %shift_right_logical3A_1681 = arith.shrui %bitcast3A_1678, %shift_right_logical3A_1680 : vector<16xi32>
        %and3A_1682 = arith.constant 1 : i32
        %and3A_1683 = vector.broadcast %and3A_1682 : i32 to vector<16xi32>
        %and3A_1684 = arith.andi %shift_right_logical3A_1681, %and3A_1683 : vector<16xi32>
        %add3A_1685 = arith.constant 32767 : i32
        %add3A_1686 = vector.broadcast %add3A_1685 : i32 to vector<16xi32>
        %add3A_1687 = arith.addi %add3A_1686, %and3A_1684 : vector<16xi32>
        %add3A_1688 = arith.addi %bitcast3A_1678, %add3A_1687 : vector<16xi32>
        %and3A_1689 = arith.constant -65536 : i32
        %and3A_1690 = vector.broadcast %and3A_1689 : i32 to vector<16xi32>
        %and3A_1691 = arith.andi %add3A_1688, %and3A_1690 : vector<16xi32>
        %bitcast3A_1692 = vector.bitcast %and3A_1691 : vector<16xi32> to vector<16xf32>
        %mul3A_1693 = vector.broadcast %squeeze3A : f32 to vector<16xf32>
        %mul3A_1694 = arith.mulf %bitcast3A_1660, %mul3A_1693 : vector<16xf32>
        %mul3A_1695 = vector.broadcast %squeeze3A_9 : f32 to vector<16xf32>
        %mul3A_1696 = arith.mulf %bitcast3A_1676, %mul3A_1695 : vector<16xf32>
        %add3A_1697 = arith.addf %mul3A_1694, %mul3A_1696 : vector<16xf32>
        %mul3A_1698 = vector.broadcast %squeeze3A_15 : f32 to vector<16xf32>
        %mul3A_1699 = arith.mulf %bitcast3A_1692, %mul3A_1698 : vector<16xf32>
        %add3A_1700 = arith.addf %add3A_1697, %mul3A_1699 : vector<16xf32>
        %mul3A_1701 = vector.broadcast %squeeze3A_5 : f32 to vector<16xf32>
        %mul3A_1702 = arith.mulf %bitcast3A_1660, %mul3A_1701 : vector<16xf32>
        %mul3A_1703 = vector.broadcast %squeeze3A_11 : f32 to vector<16xf32>
        %mul3A_1704 = arith.mulf %bitcast3A_1676, %mul3A_1703 : vector<16xf32>
        %add3A_1705 = arith.addf %mul3A_1702, %mul3A_1704 : vector<16xf32>
        %mul3A_1706 = vector.broadcast %squeeze3A_17 : f32 to vector<16xf32>
        %mul3A_1707 = arith.mulf %bitcast3A_1692, %mul3A_1706 : vector<16xf32>
        %add3A_1708 = arith.addf %add3A_1705, %mul3A_1707 : vector<16xf32>
        %mul3A_1709 = vector.broadcast %squeeze3A_7 : f32 to vector<16xf32>
        %mul3A_1710 = arith.mulf %bitcast3A_1660, %mul3A_1709 : vector<16xf32>
        %mul3A_1711 = vector.broadcast %squeeze3A_13 : f32 to vector<16xf32>
        %mul3A_1712 = arith.mulf %bitcast3A_1676, %mul3A_1711 : vector<16xf32>
        %add3A_1713 = arith.addf %mul3A_1710, %mul3A_1712 : vector<16xf32>
        %mul3A_1714 = vector.broadcast %squeeze3A_19 : f32 to vector<16xf32>
        %mul3A_1715 = arith.mulf %bitcast3A_1692, %mul3A_1714 : vector<16xf32>
        %add3A_1716 = arith.addf %add3A_1713, %mul3A_1715 : vector<16xf32>
        %add3A_1717 = arith.constant 5.000000e-01 : f32
        %add3A_1718 = vector.broadcast %add3A_1717 : f32 to vector<16xf32>
        %add3A_1719 = arith.addf %add3A_1700, %add3A_1718 : vector<16xf32>
        %convert_element_type3A_1720 = arith.fptosi %add3A_1719 : vector<16xf32> to vector<16xi32>
        %convert_element_type3A_1721 = arith.sitofp %convert_element_type3A_1720 : vector<16xi32> to vector<16xf32>
        %lt3A_1722 = arith.cmpf olt, %add3A_1719, %convert_element_type3A_1721 : vector<16xf32>
        %jit3A_1723 = arith.constant 1.000000e+00 : f32
        %jit3A_1724 = arith.constant 0.000000e+00 : f32
        %broadcast_in_dim3A_1725 = vector.broadcast %jit3A_1723 : f32 to vector<16xf32>
        %broadcast_in_dim3A_1726 = vector.broadcast %jit3A_1724 : f32 to vector<16xf32>
        %select_n3A_1727 = arith.select %lt3A_1722, %broadcast_in_dim3A_1725, %broadcast_in_dim3A_1726 : vector<16xi1>, vector<16xf32>
        %sub3A_1728 = arith.subf %convert_element_type3A_1721, %select_n3A_1727 : vector<16xf32>
        %sub3A_1729 = arith.subf %add3A_1700, %sub3A_1728 : vector<16xf32>
        %bitcast3A_1730 = vector.bitcast %sub3A_1729 : vector<16xf32> to vector<16xi32>
        %shift_right_logical3A_1731 = arith.constant 16 : i32
        %shift_right_logical3A_1732 = vector.broadcast %shift_right_logical3A_1731 : i32 to vector<16xi32>
        %shift_right_logical3A_1733 = arith.shrui %bitcast3A_1730, %shift_right_logical3A_1732 : vector<16xi32>
        %and3A_1734 = arith.constant 1 : i32
        %and3A_1735 = vector.broadcast %and3A_1734 : i32 to vector<16xi32>
        %and3A_1736 = arith.andi %shift_right_logical3A_1733, %and3A_1735 : vector<16xi32>
        %add3A_1737 = arith.constant 32767 : i32
        %add3A_1738 = vector.broadcast %add3A_1737 : i32 to vector<16xi32>
        %add3A_1739 = arith.addi %add3A_1738, %and3A_1736 : vector<16xi32>
        %add3A_1740 = arith.addi %bitcast3A_1730, %add3A_1739 : vector<16xi32>
        %and3A_1741 = arith.constant -65536 : i32
        %and3A_1742 = vector.broadcast %and3A_1741 : i32 to vector<16xi32>
        %and3A_1743 = arith.andi %add3A_1740, %and3A_1742 : vector<16xi32>
        %bitcast3A_1744 = vector.bitcast %and3A_1743 : vector<16xi32> to vector<16xf32>
        %add3A_1745 = arith.constant 5.000000e-01 : f32
        %add3A_1746 = vector.broadcast %add3A_1745 : f32 to vector<16xf32>
        %add3A_1747 = arith.addf %add3A_1708, %add3A_1746 : vector<16xf32>
        %convert_element_type3A_1748 = arith.fptosi %add3A_1747 : vector<16xf32> to vector<16xi32>
        %convert_element_type3A_1749 = arith.sitofp %convert_element_type3A_1748 : vector<16xi32> to vector<16xf32>
        %lt3A_1750 = arith.cmpf olt, %add3A_1747, %convert_element_type3A_1749 : vector<16xf32>
        %jit3A_1751 = arith.constant 1.000000e+00 : f32
        %jit3A_1752 = arith.constant 0.000000e+00 : f32
        %broadcast_in_dim3A_1753 = vector.broadcast %jit3A_1751 : f32 to vector<16xf32>
        %broadcast_in_dim3A_1754 = vector.broadcast %jit3A_1752 : f32 to vector<16xf32>
        %select_n3A_1755 = arith.select %lt3A_1750, %broadcast_in_dim3A_1753, %broadcast_in_dim3A_1754 : vector<16xi1>, vector<16xf32>
        %sub3A_1756 = arith.subf %convert_element_type3A_1749, %select_n3A_1755 : vector<16xf32>
        %sub3A_1757 = arith.subf %add3A_1708, %sub3A_1756 : vector<16xf32>
        %bitcast3A_1758 = vector.bitcast %sub3A_1757 : vector<16xf32> to vector<16xi32>
        %shift_right_logical3A_1759 = arith.constant 16 : i32
        %shift_right_logical3A_1760 = vector.broadcast %shift_right_logical3A_1759 : i32 to vector<16xi32>
        %shift_right_logical3A_1761 = arith.shrui %bitcast3A_1758, %shift_right_logical3A_1760 : vector<16xi32>
        %and3A_1762 = arith.constant 1 : i32
        %and3A_1763 = vector.broadcast %and3A_1762 : i32 to vector<16xi32>
        %and3A_1764 = arith.andi %shift_right_logical3A_1761, %and3A_1763 : vector<16xi32>
        %add3A_1765 = arith.constant 32767 : i32
        %add3A_1766 = vector.broadcast %add3A_1765 : i32 to vector<16xi32>
        %add3A_1767 = arith.addi %add3A_1766, %and3A_1764 : vector<16xi32>
        %add3A_1768 = arith.addi %bitcast3A_1758, %add3A_1767 : vector<16xi32>
        %and3A_1769 = arith.constant -65536 : i32
        %and3A_1770 = vector.broadcast %and3A_1769 : i32 to vector<16xi32>
        %and3A_1771 = arith.andi %add3A_1768, %and3A_1770 : vector<16xi32>
        %bitcast3A_1772 = vector.bitcast %and3A_1771 : vector<16xi32> to vector<16xf32>
        %add3A_1773 = arith.constant 5.000000e-01 : f32
        %add3A_1774 = vector.broadcast %add3A_1773 : f32 to vector<16xf32>
        %add3A_1775 = arith.addf %add3A_1716, %add3A_1774 : vector<16xf32>
        %convert_element_type3A_1776 = arith.fptosi %add3A_1775 : vector<16xf32> to vector<16xi32>
        %convert_element_type3A_1777 = arith.sitofp %convert_element_type3A_1776 : vector<16xi32> to vector<16xf32>
        %lt3A_1778 = arith.cmpf olt, %add3A_1775, %convert_element_type3A_1777 : vector<16xf32>
        %jit3A_1779 = arith.constant 1.000000e+00 : f32
        %jit3A_1780 = arith.constant 0.000000e+00 : f32
        %broadcast_in_dim3A_1781 = vector.broadcast %jit3A_1779 : f32 to vector<16xf32>
        %broadcast_in_dim3A_1782 = vector.broadcast %jit3A_1780 : f32 to vector<16xf32>
        %select_n3A_1783 = arith.select %lt3A_1778, %broadcast_in_dim3A_1781, %broadcast_in_dim3A_1782 : vector<16xi1>, vector<16xf32>
        %sub3A_1784 = arith.subf %convert_element_type3A_1777, %select_n3A_1783 : vector<16xf32>
        %sub3A_1785 = arith.subf %add3A_1716, %sub3A_1784 : vector<16xf32>
        %bitcast3A_1786 = vector.bitcast %sub3A_1785 : vector<16xf32> to vector<16xi32>
        %shift_right_logical3A_1787 = arith.constant 16 : i32
        %shift_right_logical3A_1788 = vector.broadcast %shift_right_logical3A_1787 : i32 to vector<16xi32>
        %shift_right_logical3A_1789 = arith.shrui %bitcast3A_1786, %shift_right_logical3A_1788 : vector<16xi32>
        %and3A_1790 = arith.constant 1 : i32
        %and3A_1791 = vector.broadcast %and3A_1790 : i32 to vector<16xi32>
        %and3A_1792 = arith.andi %shift_right_logical3A_1789, %and3A_1791 : vector<16xi32>
        %add3A_1793 = arith.constant 32767 : i32
        %add3A_1794 = vector.broadcast %add3A_1793 : i32 to vector<16xi32>
        %add3A_1795 = arith.addi %add3A_1794, %and3A_1792 : vector<16xi32>
        %add3A_1796 = arith.addi %bitcast3A_1786, %add3A_1795 : vector<16xi32>
        %and3A_1797 = arith.constant -65536 : i32
        %and3A_1798 = vector.broadcast %and3A_1797 : i32 to vector<16xi32>
        %and3A_1799 = arith.andi %add3A_1796, %and3A_1798 : vector<16xi32>
        %bitcast3A_1800 = vector.bitcast %and3A_1799 : vector<16xi32> to vector<16xf32>
        %mul3A_1801 = vector.broadcast %squeeze3A_21 : f32 to vector<16xf32>
        %mul3A_1802 = arith.mulf %bitcast3A_1744, %mul3A_1801 : vector<16xf32>
        %mul3A_1803 = vector.broadcast %squeeze3A_27 : f32 to vector<16xf32>
        %mul3A_1804 = arith.mulf %bitcast3A_1772, %mul3A_1803 : vector<16xf32>
        %add3A_1805 = arith.addf %mul3A_1802, %mul3A_1804 : vector<16xf32>
        %mul3A_1806 = vector.broadcast %squeeze3A_33 : f32 to vector<16xf32>
        %mul3A_1807 = arith.mulf %bitcast3A_1800, %mul3A_1806 : vector<16xf32>
        %add3A_1808 = arith.addf %add3A_1805, %mul3A_1807 : vector<16xf32>
        %mul3A_1809 = vector.broadcast %squeeze3A_23 : f32 to vector<16xf32>
        %mul3A_1810 = arith.mulf %bitcast3A_1744, %mul3A_1809 : vector<16xf32>
        %mul3A_1811 = vector.broadcast %squeeze3A_29 : f32 to vector<16xf32>
        %mul3A_1812 = arith.mulf %bitcast3A_1772, %mul3A_1811 : vector<16xf32>
        %add3A_1813 = arith.addf %mul3A_1810, %mul3A_1812 : vector<16xf32>
        %mul3A_1814 = vector.broadcast %squeeze3A_35 : f32 to vector<16xf32>
        %mul3A_1815 = arith.mulf %bitcast3A_1800, %mul3A_1814 : vector<16xf32>
        %add3A_1816 = arith.addf %add3A_1813, %mul3A_1815 : vector<16xf32>
        %mul3A_1817 = vector.broadcast %squeeze3A_25 : f32 to vector<16xf32>
        %mul3A_1818 = arith.mulf %bitcast3A_1744, %mul3A_1817 : vector<16xf32>
        %mul3A_1819 = vector.broadcast %squeeze3A_31 : f32 to vector<16xf32>
        %mul3A_1820 = arith.mulf %bitcast3A_1772, %mul3A_1819 : vector<16xf32>
        %add3A_1821 = arith.addf %mul3A_1818, %mul3A_1820 : vector<16xf32>
        %mul3A_1822 = vector.broadcast %squeeze3A_37 : f32 to vector<16xf32>
        %mul3A_1823 = arith.mulf %bitcast3A_1800, %mul3A_1822 : vector<16xf32>
        %add3A_1824 = arith.addf %add3A_1821, %mul3A_1823 : vector<16xf32>
        %mul3A_1825 = arith.mulf %add3A_1808, %add3A_1808 : vector<16xf32>
        %mul3A_1826 = arith.mulf %add3A_1816, %add3A_1816 : vector<16xf32>
        %add3A_1827 = arith.addf %mul3A_1825, %mul3A_1826 : vector<16xf32>
        %mul3A_1828 = arith.mulf %add3A_1824, %add3A_1824 : vector<16xf32>
        %add3A_1829 = arith.addf %add3A_1827, %mul3A_1828 : vector<16xf32>
        %add3A_1830 = arith.addf %gather3A_1623, %gather3A_1640 : vector<16xf32>
        %mul3A_1831 = arith.mulf %gather3A_1627, %gather3A_1644 : vector<16xf32>
        %mul3A_1832 = arith.mulf %add3A_1830, %add3A_1830 : vector<16xf32>
        %div3A_1833 = arith.divf %mul3A_1832, %add3A_1829 : vector<16xf32>
        %mul3A_1834 = arith.mulf %div3A_1833, %div3A_1833 : vector<16xf32>
        %mul3A_1835 = arith.mulf %mul3A_1834, %div3A_1833 : vector<16xf32>
        %mul3A_1836 = arith.mulf %mul3A_1831, %mul3A_1835 : vector<16xf32>
        %sub3A_1837 = arith.constant 1.000000e+00 : f32
        %sub3A_1838 = vector.broadcast %sub3A_1837 : f32 to vector<16xf32>
        %sub3A_1839 = arith.subf %mul3A_1835, %sub3A_1838 : vector<16xf32>
        %mul3A_1840 = arith.mulf %mul3A_1836, %sub3A_1839 : vector<16xf32>
        %le3A_1841 = vector.broadcast %squeeze3A_39 : f32 to vector<16xf32>
        %le3A_1842 = arith.cmpf ole, %add3A_1829, %le3A_1841 : vector<16xf32>
        %jit3A_1843 = arith.constant 0.000000e+00 : f32
        %broadcast_in_dim3A_1844 = vector.broadcast %jit3A_1843 : f32 to vector<16xf32>
        %select_n3A_1845 = arith.select %le3A_1842, %mul3A_1840, %broadcast_in_dim3A_1844 : vector<16xi1>, vector<16xf32>
        %add3A_1846 = arith.addf %add3A_1356, %select_n3A_1845 : vector<16xf32>
        %add3A_1847 = arith.constant 112 : i32
        %add3A_1848 = arith.addi %add3A_138, %add3A_1847 : i32
        %add3A_1849 = vector.broadcast %add3A_1848 : i32 to vector<16xi32>
        %add3A_1850 = arith.addi %iota3A, %add3A_1849 : vector<16xi32>
        %add3A_1851 = arith.constant 128 : i32
        %add3A_1852 = vector.broadcast %add3A_1851 : i32 to vector<16xi32>
        %add3A_1853 = arith.addi %add3A_1850, %add3A_1852 : vector<16xi32>
        %broadcast_in_dim3A_1854 = arith.constant 0 : i32
        %broadcast_in_dim3A_1855 = vector.broadcast %broadcast_in_dim3A_1854 : i32 to vector<16xi32>
        %gather3A_1856 = tpu.vector_load_idx %arg7[%add3A_1850, %broadcast_in_dim3A_1855] : memref<4096x8xf32, #tpu.memory_space<vmem>>[vector<16xi32>, vector<16xi32>], vector<16xf32>,
        %add3A_1857 = arith.constant 1 : i32
        %add3A_1858 = vector.broadcast %add3A_1857 : i32 to vector<16xi32>
        %add3A_1859 = arith.addi %broadcast_in_dim3A_1855, %add3A_1858 : vector<16xi32>
        %gather3A_1860 = tpu.vector_load_idx %arg7[%add3A_1850, %add3A_1859] : memref<4096x8xf32, #tpu.memory_space<vmem>>[vector<16xi32>, vector<16xi32>], vector<16xf32>,
        %add3A_1861 = arith.constant 2 : i32
        %add3A_1862 = vector.broadcast %add3A_1861 : i32 to vector<16xi32>
        %add3A_1863 = arith.addi %broadcast_in_dim3A_1855, %add3A_1862 : vector<16xi32>
        %gather3A_1864 = tpu.vector_load_idx %arg7[%add3A_1850, %add3A_1863] : memref<4096x8xf32, #tpu.memory_space<vmem>>[vector<16xi32>, vector<16xi32>], vector<16xf32>,
        %add3A_1865 = arith.constant 3 : i32
        %add3A_1866 = vector.broadcast %add3A_1865 : i32 to vector<16xi32>
        %add3A_1867 = arith.addi %broadcast_in_dim3A_1855, %add3A_1866 : vector<16xi32>
        %gather3A_1868 = tpu.vector_load_idx %arg7[%add3A_1850, %add3A_1867] : memref<4096x8xf32, #tpu.memory_space<vmem>>[vector<16xi32>, vector<16xi32>], vector<16xf32>,
        %add3A_1869 = arith.constant 4 : i32
        %add3A_1870 = vector.broadcast %add3A_1869 : i32 to vector<16xi32>
        %add3A_1871 = arith.addi %broadcast_in_dim3A_1855, %add3A_1870 : vector<16xi32>
        %gather3A_1872 = tpu.vector_load_idx %arg7[%add3A_1850, %add3A_1871] : memref<4096x8xf32, #tpu.memory_space<vmem>>[vector<16xi32>, vector<16xi32>], vector<16xf32>,
        %gather3A_1873 = tpu.vector_load_idx %arg7[%add3A_1853, %broadcast_in_dim3A_1855] : memref<4096x8xf32, #tpu.memory_space<vmem>>[vector<16xi32>, vector<16xi32>], vector<16xf32>,
        %add3A_1874 = arith.constant 1 : i32
        %add3A_1875 = vector.broadcast %add3A_1874 : i32 to vector<16xi32>
        %add3A_1876 = arith.addi %broadcast_in_dim3A_1855, %add3A_1875 : vector<16xi32>
        %gather3A_1877 = tpu.vector_load_idx %arg7[%add3A_1853, %add3A_1876] : memref<4096x8xf32, #tpu.memory_space<vmem>>[vector<16xi32>, vector<16xi32>], vector<16xf32>,
        %add3A_1878 = arith.constant 2 : i32
        %add3A_1879 = vector.broadcast %add3A_1878 : i32 to vector<16xi32>
        %add3A_1880 = arith.addi %broadcast_in_dim3A_1855, %add3A_1879 : vector<16xi32>
        %gather3A_1881 = tpu.vector_load_idx %arg7[%add3A_1853, %add3A_1880] : memref<4096x8xf32, #tpu.memory_space<vmem>>[vector<16xi32>, vector<16xi32>], vector<16xf32>,
        %add3A_1882 = arith.constant 3 : i32
        %add3A_1883 = vector.broadcast %add3A_1882 : i32 to vector<16xi32>
        %add3A_1884 = arith.addi %broadcast_in_dim3A_1855, %add3A_1883 : vector<16xi32>
        %gather3A_1885 = tpu.vector_load_idx %arg7[%add3A_1853, %add3A_1884] : memref<4096x8xf32, #tpu.memory_space<vmem>>[vector<16xi32>, vector<16xi32>], vector<16xf32>,
        %add3A_1886 = arith.constant 4 : i32
        %add3A_1887 = vector.broadcast %add3A_1886 : i32 to vector<16xi32>
        %add3A_1888 = arith.addi %broadcast_in_dim3A_1855, %add3A_1887 : vector<16xi32>
        %gather3A_1889 = tpu.vector_load_idx %arg7[%add3A_1853, %add3A_1888] : memref<4096x8xf32, #tpu.memory_space<vmem>>[vector<16xi32>, vector<16xi32>], vector<16xf32>,
        %sub3A_1890 = arith.subf %gather3A_1856, %gather3A_1873 : vector<16xf32>
        %bitcast3A_1891 = vector.bitcast %sub3A_1890 : vector<16xf32> to vector<16xi32>
        %shift_right_logical3A_1892 = arith.constant 16 : i32
        %shift_right_logical3A_1893 = vector.broadcast %shift_right_logical3A_1892 : i32 to vector<16xi32>
        %shift_right_logical3A_1894 = arith.shrui %bitcast3A_1891, %shift_right_logical3A_1893 : vector<16xi32>
        %and3A_1895 = arith.constant 1 : i32
        %and3A_1896 = vector.broadcast %and3A_1895 : i32 to vector<16xi32>
        %and3A_1897 = arith.andi %shift_right_logical3A_1894, %and3A_1896 : vector<16xi32>
        %add3A_1898 = arith.constant 32767 : i32
        %add3A_1899 = vector.broadcast %add3A_1898 : i32 to vector<16xi32>
        %add3A_1900 = arith.addi %add3A_1899, %and3A_1897 : vector<16xi32>
        %add3A_1901 = arith.addi %bitcast3A_1891, %add3A_1900 : vector<16xi32>
        %and3A_1902 = arith.constant -65536 : i32
        %and3A_1903 = vector.broadcast %and3A_1902 : i32 to vector<16xi32>
        %and3A_1904 = arith.andi %add3A_1901, %and3A_1903 : vector<16xi32>
        %bitcast3A_1905 = vector.bitcast %and3A_1904 : vector<16xi32> to vector<16xf32>
        %sub3A_1906 = arith.subf %gather3A_1860, %gather3A_1877 : vector<16xf32>
        %bitcast3A_1907 = vector.bitcast %sub3A_1906 : vector<16xf32> to vector<16xi32>
        %shift_right_logical3A_1908 = arith.constant 16 : i32
        %shift_right_logical3A_1909 = vector.broadcast %shift_right_logical3A_1908 : i32 to vector<16xi32>
        %shift_right_logical3A_1910 = arith.shrui %bitcast3A_1907, %shift_right_logical3A_1909 : vector<16xi32>
        %and3A_1911 = arith.constant 1 : i32
        %and3A_1912 = vector.broadcast %and3A_1911 : i32 to vector<16xi32>
        %and3A_1913 = arith.andi %shift_right_logical3A_1910, %and3A_1912 : vector<16xi32>
        %add3A_1914 = arith.constant 32767 : i32
        %add3A_1915 = vector.broadcast %add3A_1914 : i32 to vector<16xi32>
        %add3A_1916 = arith.addi %add3A_1915, %and3A_1913 : vector<16xi32>
        %add3A_1917 = arith.addi %bitcast3A_1907, %add3A_1916 : vector<16xi32>
        %and3A_1918 = arith.constant -65536 : i32
        %and3A_1919 = vector.broadcast %and3A_1918 : i32 to vector<16xi32>
        %and3A_1920 = arith.andi %add3A_1917, %and3A_1919 : vector<16xi32>
        %bitcast3A_1921 = vector.bitcast %and3A_1920 : vector<16xi32> to vector<16xf32>
        %sub3A_1922 = arith.subf %gather3A_1864, %gather3A_1881 : vector<16xf32>
        %bitcast3A_1923 = vector.bitcast %sub3A_1922 : vector<16xf32> to vector<16xi32>
        %shift_right_logical3A_1924 = arith.constant 16 : i32
        %shift_right_logical3A_1925 = vector.broadcast %shift_right_logical3A_1924 : i32 to vector<16xi32>
        %shift_right_logical3A_1926 = arith.shrui %bitcast3A_1923, %shift_right_logical3A_1925 : vector<16xi32>
        %and3A_1927 = arith.constant 1 : i32
        %and3A_1928 = vector.broadcast %and3A_1927 : i32 to vector<16xi32>
        %and3A_1929 = arith.andi %shift_right_logical3A_1926, %and3A_1928 : vector<16xi32>
        %add3A_1930 = arith.constant 32767 : i32
        %add3A_1931 = vector.broadcast %add3A_1930 : i32 to vector<16xi32>
        %add3A_1932 = arith.addi %add3A_1931, %and3A_1929 : vector<16xi32>
        %add3A_1933 = arith.addi %bitcast3A_1923, %add3A_1932 : vector<16xi32>
        %and3A_1934 = arith.constant -65536 : i32
        %and3A_1935 = vector.broadcast %and3A_1934 : i32 to vector<16xi32>
        %and3A_1936 = arith.andi %add3A_1933, %and3A_1935 : vector<16xi32>
        %bitcast3A_1937 = vector.bitcast %and3A_1936 : vector<16xi32> to vector<16xf32>
        %mul3A_1938 = vector.broadcast %squeeze3A : f32 to vector<16xf32>
        %mul3A_1939 = arith.mulf %bitcast3A_1905, %mul3A_1938 : vector<16xf32>
        %mul3A_1940 = vector.broadcast %squeeze3A_9 : f32 to vector<16xf32>
        %mul3A_1941 = arith.mulf %bitcast3A_1921, %mul3A_1940 : vector<16xf32>
        %add3A_1942 = arith.addf %mul3A_1939, %mul3A_1941 : vector<16xf32>
        %mul3A_1943 = vector.broadcast %squeeze3A_15 : f32 to vector<16xf32>
        %mul3A_1944 = arith.mulf %bitcast3A_1937, %mul3A_1943 : vector<16xf32>
        %add3A_1945 = arith.addf %add3A_1942, %mul3A_1944 : vector<16xf32>
        %mul3A_1946 = vector.broadcast %squeeze3A_5 : f32 to vector<16xf32>
        %mul3A_1947 = arith.mulf %bitcast3A_1905, %mul3A_1946 : vector<16xf32>
        %mul3A_1948 = vector.broadcast %squeeze3A_11 : f32 to vector<16xf32>
        %mul3A_1949 = arith.mulf %bitcast3A_1921, %mul3A_1948 : vector<16xf32>
        %add3A_1950 = arith.addf %mul3A_1947, %mul3A_1949 : vector<16xf32>
        %mul3A_1951 = vector.broadcast %squeeze3A_17 : f32 to vector<16xf32>
        %mul3A_1952 = arith.mulf %bitcast3A_1937, %mul3A_1951 : vector<16xf32>
        %add3A_1953 = arith.addf %add3A_1950, %mul3A_1952 : vector<16xf32>
        %mul3A_1954 = vector.broadcast %squeeze3A_7 : f32 to vector<16xf32>
        %mul3A_1955 = arith.mulf %bitcast3A_1905, %mul3A_1954 : vector<16xf32>
        %mul3A_1956 = vector.broadcast %squeeze3A_13 : f32 to vector<16xf32>
        %mul3A_1957 = arith.mulf %bitcast3A_1921, %mul3A_1956 : vector<16xf32>
        %add3A_1958 = arith.addf %mul3A_1955, %mul3A_1957 : vector<16xf32>
        %mul3A_1959 = vector.broadcast %squeeze3A_19 : f32 to vector<16xf32>
        %mul3A_1960 = arith.mulf %bitcast3A_1937, %mul3A_1959 : vector<16xf32>
        %add3A_1961 = arith.addf %add3A_1958, %mul3A_1960 : vector<16xf32>
        %add3A_1962 = arith.constant 5.000000e-01 : f32
        %add3A_1963 = vector.broadcast %add3A_1962 : f32 to vector<16xf32>
        %add3A_1964 = arith.addf %add3A_1945, %add3A_1963 : vector<16xf32>
        %convert_element_type3A_1965 = arith.fptosi %add3A_1964 : vector<16xf32> to vector<16xi32>
        %convert_element_type3A_1966 = arith.sitofp %convert_element_type3A_1965 : vector<16xi32> to vector<16xf32>
        %lt3A_1967 = arith.cmpf olt, %add3A_1964, %convert_element_type3A_1966 : vector<16xf32>
        %jit3A_1968 = arith.constant 1.000000e+00 : f32
        %jit3A_1969 = arith.constant 0.000000e+00 : f32
        %broadcast_in_dim3A_1970 = vector.broadcast %jit3A_1968 : f32 to vector<16xf32>
        %broadcast_in_dim3A_1971 = vector.broadcast %jit3A_1969 : f32 to vector<16xf32>
        %select_n3A_1972 = arith.select %lt3A_1967, %broadcast_in_dim3A_1970, %broadcast_in_dim3A_1971 : vector<16xi1>, vector<16xf32>
        %sub3A_1973 = arith.subf %convert_element_type3A_1966, %select_n3A_1972 : vector<16xf32>
        %sub3A_1974 = arith.subf %add3A_1945, %sub3A_1973 : vector<16xf32>
        %bitcast3A_1975 = vector.bitcast %sub3A_1974 : vector<16xf32> to vector<16xi32>
        %shift_right_logical3A_1976 = arith.constant 16 : i32
        %shift_right_logical3A_1977 = vector.broadcast %shift_right_logical3A_1976 : i32 to vector<16xi32>
        %shift_right_logical3A_1978 = arith.shrui %bitcast3A_1975, %shift_right_logical3A_1977 : vector<16xi32>
        %and3A_1979 = arith.constant 1 : i32
        %and3A_1980 = vector.broadcast %and3A_1979 : i32 to vector<16xi32>
        %and3A_1981 = arith.andi %shift_right_logical3A_1978, %and3A_1980 : vector<16xi32>
        %add3A_1982 = arith.constant 32767 : i32
        %add3A_1983 = vector.broadcast %add3A_1982 : i32 to vector<16xi32>
        %add3A_1984 = arith.addi %add3A_1983, %and3A_1981 : vector<16xi32>
        %add3A_1985 = arith.addi %bitcast3A_1975, %add3A_1984 : vector<16xi32>
        %and3A_1986 = arith.constant -65536 : i32
        %and3A_1987 = vector.broadcast %and3A_1986 : i32 to vector<16xi32>
        %and3A_1988 = arith.andi %add3A_1985, %and3A_1987 : vector<16xi32>
        %bitcast3A_1989 = vector.bitcast %and3A_1988 : vector<16xi32> to vector<16xf32>
        %add3A_1990 = arith.constant 5.000000e-01 : f32
        %add3A_1991 = vector.broadcast %add3A_1990 : f32 to vector<16xf32>
        %add3A_1992 = arith.addf %add3A_1953, %add3A_1991 : vector<16xf32>
        %convert_element_type3A_1993 = arith.fptosi %add3A_1992 : vector<16xf32> to vector<16xi32>
        %convert_element_type3A_1994 = arith.sitofp %convert_element_type3A_1993 : vector<16xi32> to vector<16xf32>
        %lt3A_1995 = arith.cmpf olt, %add3A_1992, %convert_element_type3A_1994 : vector<16xf32>
        %jit3A_1996 = arith.constant 1.000000e+00 : f32
        %jit3A_1997 = arith.constant 0.000000e+00 : f32
        %broadcast_in_dim3A_1998 = vector.broadcast %jit3A_1996 : f32 to vector<16xf32>
        %broadcast_in_dim3A_1999 = vector.broadcast %jit3A_1997 : f32 to vector<16xf32>
        %select_n3A_2000 = arith.select %lt3A_1995, %broadcast_in_dim3A_1998, %broadcast_in_dim3A_1999 : vector<16xi1>, vector<16xf32>
        %sub3A_2001 = arith.subf %convert_element_type3A_1994, %select_n3A_2000 : vector<16xf32>
        %sub3A_2002 = arith.subf %add3A_1953, %sub3A_2001 : vector<16xf32>
        %bitcast3A_2003 = vector.bitcast %sub3A_2002 : vector<16xf32> to vector<16xi32>
        %shift_right_logical3A_2004 = arith.constant 16 : i32
        %shift_right_logical3A_2005 = vector.broadcast %shift_right_logical3A_2004 : i32 to vector<16xi32>
        %shift_right_logical3A_2006 = arith.shrui %bitcast3A_2003, %shift_right_logical3A_2005 : vector<16xi32>
        %and3A_2007 = arith.constant 1 : i32
        %and3A_2008 = vector.broadcast %and3A_2007 : i32 to vector<16xi32>
        %and3A_2009 = arith.andi %shift_right_logical3A_2006, %and3A_2008 : vector<16xi32>
        %add3A_2010 = arith.constant 32767 : i32
        %add3A_2011 = vector.broadcast %add3A_2010 : i32 to vector<16xi32>
        %add3A_2012 = arith.addi %add3A_2011, %and3A_2009 : vector<16xi32>
        %add3A_2013 = arith.addi %bitcast3A_2003, %add3A_2012 : vector<16xi32>
        %and3A_2014 = arith.constant -65536 : i32
        %and3A_2015 = vector.broadcast %and3A_2014 : i32 to vector<16xi32>
        %and3A_2016 = arith.andi %add3A_2013, %and3A_2015 : vector<16xi32>
        %bitcast3A_2017 = vector.bitcast %and3A_2016 : vector<16xi32> to vector<16xf32>
        %add3A_2018 = arith.constant 5.000000e-01 : f32
        %add3A_2019 = vector.broadcast %add3A_2018 : f32 to vector<16xf32>
        %add3A_2020 = arith.addf %add3A_1961, %add3A_2019 : vector<16xf32>
        %convert_element_type3A_2021 = arith.fptosi %add3A_2020 : vector<16xf32> to vector<16xi32>
        %convert_element_type3A_2022 = arith.sitofp %convert_element_type3A_2021 : vector<16xi32> to vector<16xf32>
        %lt3A_2023 = arith.cmpf olt, %add3A_2020, %convert_element_type3A_2022 : vector<16xf32>
        %jit3A_2024 = arith.constant 1.000000e+00 : f32
        %jit3A_2025 = arith.constant 0.000000e+00 : f32
        %broadcast_in_dim3A_2026 = vector.broadcast %jit3A_2024 : f32 to vector<16xf32>
        %broadcast_in_dim3A_2027 = vector.broadcast %jit3A_2025 : f32 to vector<16xf32>
        %select_n3A_2028 = arith.select %lt3A_2023, %broadcast_in_dim3A_2026, %broadcast_in_dim3A_2027 : vector<16xi1>, vector<16xf32>
        %sub3A_2029 = arith.subf %convert_element_type3A_2022, %select_n3A_2028 : vector<16xf32>
        %sub3A_2030 = arith.subf %add3A_1961, %sub3A_2029 : vector<16xf32>
        %bitcast3A_2031 = vector.bitcast %sub3A_2030 : vector<16xf32> to vector<16xi32>
        %shift_right_logical3A_2032 = arith.constant 16 : i32
        %shift_right_logical3A_2033 = vector.broadcast %shift_right_logical3A_2032 : i32 to vector<16xi32>
        %shift_right_logical3A_2034 = arith.shrui %bitcast3A_2031, %shift_right_logical3A_2033 : vector<16xi32>
        %and3A_2035 = arith.constant 1 : i32
        %and3A_2036 = vector.broadcast %and3A_2035 : i32 to vector<16xi32>
        %and3A_2037 = arith.andi %shift_right_logical3A_2034, %and3A_2036 : vector<16xi32>
        %add3A_2038 = arith.constant 32767 : i32
        %add3A_2039 = vector.broadcast %add3A_2038 : i32 to vector<16xi32>
        %add3A_2040 = arith.addi %add3A_2039, %and3A_2037 : vector<16xi32>
        %add3A_2041 = arith.addi %bitcast3A_2031, %add3A_2040 : vector<16xi32>
        %and3A_2042 = arith.constant -65536 : i32
        %and3A_2043 = vector.broadcast %and3A_2042 : i32 to vector<16xi32>
        %and3A_2044 = arith.andi %add3A_2041, %and3A_2043 : vector<16xi32>
        %bitcast3A_2045 = vector.bitcast %and3A_2044 : vector<16xi32> to vector<16xf32>
        %mul3A_2046 = vector.broadcast %squeeze3A_21 : f32 to vector<16xf32>
        %mul3A_2047 = arith.mulf %bitcast3A_1989, %mul3A_2046 : vector<16xf32>
        %mul3A_2048 = vector.broadcast %squeeze3A_27 : f32 to vector<16xf32>
        %mul3A_2049 = arith.mulf %bitcast3A_2017, %mul3A_2048 : vector<16xf32>
        %add3A_2050 = arith.addf %mul3A_2047, %mul3A_2049 : vector<16xf32>
        %mul3A_2051 = vector.broadcast %squeeze3A_33 : f32 to vector<16xf32>
        %mul3A_2052 = arith.mulf %bitcast3A_2045, %mul3A_2051 : vector<16xf32>
        %add3A_2053 = arith.addf %add3A_2050, %mul3A_2052 : vector<16xf32>
        %mul3A_2054 = vector.broadcast %squeeze3A_23 : f32 to vector<16xf32>
        %mul3A_2055 = arith.mulf %bitcast3A_1989, %mul3A_2054 : vector<16xf32>
        %mul3A_2056 = vector.broadcast %squeeze3A_29 : f32 to vector<16xf32>
        %mul3A_2057 = arith.mulf %bitcast3A_2017, %mul3A_2056 : vector<16xf32>
        %add3A_2058 = arith.addf %mul3A_2055, %mul3A_2057 : vector<16xf32>
        %mul3A_2059 = vector.broadcast %squeeze3A_35 : f32 to vector<16xf32>
        %mul3A_2060 = arith.mulf %bitcast3A_2045, %mul3A_2059 : vector<16xf32>
        %add3A_2061 = arith.addf %add3A_2058, %mul3A_2060 : vector<16xf32>
        %mul3A_2062 = vector.broadcast %squeeze3A_25 : f32 to vector<16xf32>
        %mul3A_2063 = arith.mulf %bitcast3A_1989, %mul3A_2062 : vector<16xf32>
        %mul3A_2064 = vector.broadcast %squeeze3A_31 : f32 to vector<16xf32>
        %mul3A_2065 = arith.mulf %bitcast3A_2017, %mul3A_2064 : vector<16xf32>
        %add3A_2066 = arith.addf %mul3A_2063, %mul3A_2065 : vector<16xf32>
        %mul3A_2067 = vector.broadcast %squeeze3A_37 : f32 to vector<16xf32>
        %mul3A_2068 = arith.mulf %bitcast3A_2045, %mul3A_2067 : vector<16xf32>
        %add3A_2069 = arith.addf %add3A_2066, %mul3A_2068 : vector<16xf32>
        %mul3A_2070 = arith.mulf %add3A_2053, %add3A_2053 : vector<16xf32>
        %mul3A_2071 = arith.mulf %add3A_2061, %add3A_2061 : vector<16xf32>
        %add3A_2072 = arith.addf %mul3A_2070, %mul3A_2071 : vector<16xf32>
        %mul3A_2073 = arith.mulf %add3A_2069, %add3A_2069 : vector<16xf32>
        %add3A_2074 = arith.addf %add3A_2072, %mul3A_2073 : vector<16xf32>
        %add3A_2075 = arith.addf %gather3A_1868, %gather3A_1885 : vector<16xf32>
        %mul3A_2076 = arith.mulf %gather3A_1872, %gather3A_1889 : vector<16xf32>
        %mul3A_2077 = arith.mulf %add3A_2075, %add3A_2075 : vector<16xf32>
        %div3A_2078 = arith.divf %mul3A_2077, %add3A_2074 : vector<16xf32>
        %mul3A_2079 = arith.mulf %div3A_2078, %div3A_2078 : vector<16xf32>
        %mul3A_2080 = arith.mulf %mul3A_2079, %div3A_2078 : vector<16xf32>
        %mul3A_2081 = arith.mulf %mul3A_2076, %mul3A_2080 : vector<16xf32>
        %sub3A_2082 = arith.constant 1.000000e+00 : f32
        %sub3A_2083 = vector.broadcast %sub3A_2082 : f32 to vector<16xf32>
        %sub3A_2084 = arith.subf %mul3A_2080, %sub3A_2083 : vector<16xf32>
        %mul3A_2085 = arith.mulf %mul3A_2081, %sub3A_2084 : vector<16xf32>
        %le3A_2086 = vector.broadcast %squeeze3A_39 : f32 to vector<16xf32>
        %le3A_2087 = arith.cmpf ole, %add3A_2074, %le3A_2086 : vector<16xf32>
        %jit3A_2088 = arith.constant 0.000000e+00 : f32
        %broadcast_in_dim3A_2089 = vector.broadcast %jit3A_2088 : f32 to vector<16xf32>
        %select_n3A_2090 = arith.select %le3A_2087, %mul3A_2085, %broadcast_in_dim3A_2089 : vector<16xi1>, vector<16xf32>
        %add3A_2091 = arith.addf %add3A_1601, %select_n3A_2090 : vector<16xf32>
        scf.yield %add3A_1846, %add3A_2091 : vector<16xf32>, vector<16xf32>
      }
      %scan3A_100 = arith.constant 8 : i32
      %add3A_101 = arith.addf %scan3A_99#0, %scan3A_99#1 : vector<16xf32>
      %select_n3A_102 = arith.select %lt3A_92, %add3A_101, %broadcast_in_dim3A_44 : vector<16xf32>
      %add3A_103 = arith.addf %scan3A_73, %select_n3A_102 : vector<16xf32>
      %add3A_104 = arith.constant 2 : i32
      %add3A_105 = arith.addi %mul3A_75, %add3A_104 : i32
      %lt3A_106 = arith.cmpi slt, %add3A_105, %add3A_43 : i32
      %convert_element_type3A_107 = arith.extui %lt3A_106 : i1 to i32
      %cond3A_108 = arith.constant 0 : i32
      %cond3A_109 = arith.cmpi ne, %convert_element_type3A_107, %cond3A_108 : i32
      scf.if %cond3A_109 {
        %dma_wait3A = arith.constant 0 : i32
        %dma_wait3A_132 = tpu.memref_slice %arg6[%dma_wait3A] : memref<4096xi32, #tpu.memory_space<vmem>> -> memref<2048xi32, #tpu.memory_space<vmem>>
        %dma_wait3A_133 = arith.constant 0 : i32
        %dma_wait3A_134 = tpu.memref_slice %arg3[%dma_wait3A_133] : memref<12800000xi32, #tpu.memory_space<hbm>> -> memref<2048xi32, #tpu.memory_space<hbm>>
        %dma_wait3A_135 = arith.constant 0 : i32
        %dma_wait3A_136 = tpu.memref_slice %arg6[%dma_wait3A_135] : memref<4096xi32, #tpu.memory_space<vmem>> -> memref<2048xi32, #tpu.memory_space<vmem>>
        %dma_wait3A_137 = arith.constant 0 : i32
        %dma_wait3A_138 = tpu.memref_slice %arg3[%dma_wait3A_137] : memref<12800000xi32, #tpu.memory_space<hbm>> -> memref<2048xi32, #tpu.memory_space<hbm>>
        tpu.wait_dma2 semaphore(%arg12 : memref<!tpu.dma_semaphore, #tpu.memory_space<semaphore_mem>>) src(%dma_wait3A_138 : memref<2048xi32, #tpu.memory_space<hbm>>) dst(%dma_wait3A_136 : memref<2048xi32, #tpu.memory_space<vmem>>)
        %dma_start3A = arith.constant 0 : i32
        %dma_start3A_139 = arith.constant 0 : i32
        %dma_start3A_140 = tpu.memref_slice %arg7[%dma_start3A, %dma_start3A_139] : memref<4096x8xf32, #tpu.memory_space<vmem>> -> memref<128x8xf32, #tpu.memory_space<vmem>>
        %dma_start3A_141 = arith.constant 0 : i32
        %dma_start3A_142 = tpu.memref_slice %arg6[%dma_start3A_141] : memref<4096xi32, #tpu.memory_space<vmem>> -> memref<128xi32, #tpu.memory_space<vmem>>
        %dma_start3A_143 = arith.constant 0 : i32
        %dma_start3A_144 = arith.constant 0 : i32
        %dma_start3A_145 = tpu.memref_slice %arg2[%dma_start3A_143, %dma_start3A_144] : memref<100000x8xf32, #tpu.memory_space<hbm>> -> memref<100000x8xf32, #tpu.memory_space<hbm>>
        tpu.enqueue_indirect_dma source(%dma_start3A_145 : memref<100000x8xf32, #tpu.memory_space<hbm>>) target(%dma_start3A_140 : memref<128x8xf32, #tpu.memory_space<vmem>>) offsets(%dma_start3A_142 : memref<128xi32, #tpu.memory_space<vmem>>) semaphore(%arg14 : memref<!tpu.dma_semaphore, #tpu.memory_space<semaphore_mem>>)
        %dma_start3A_146 = arith.constant 128 : i32
        %dma_start3A_147 = arith.constant 0 : i32
        %dma_start3A_148 = tpu.memref_slice %arg7[%dma_start3A_146, %dma_start3A_147] : memref<4096x8xf32, #tpu.memory_space<vmem>> -> memref<128x8xf32, #tpu.memory_space<vmem>>
        %dma_start3A_149 = arith.constant 128 : i32
        %dma_start3A_150 = tpu.memref_slice %arg6[%dma_start3A_149] : memref<4096xi32, #tpu.memory_space<vmem>> -> memref<128xi32, #tpu.memory_space<vmem>>
        %dma_start3A_151 = arith.constant 0 : i32
        %dma_start3A_152 = arith.constant 0 : i32
        %dma_start3A_153 = tpu.memref_slice %arg2[%dma_start3A_151, %dma_start3A_152] : memref<100000x8xf32, #tpu.memory_space<hbm>> -> memref<100000x8xf32, #tpu.memory_space<hbm>>
        tpu.enqueue_indirect_dma source(%dma_start3A_153 : memref<100000x8xf32, #tpu.memory_space<hbm>>) target(%dma_start3A_148 : memref<128x8xf32, #tpu.memory_space<vmem>>) offsets(%dma_start3A_150 : memref<128xi32, #tpu.memory_space<vmem>>) semaphore(%arg14 : memref<!tpu.dma_semaphore, #tpu.memory_space<semaphore_mem>>)
        %dma_start3A_154 = arith.constant 256 : i32
        %dma_start3A_155 = arith.constant 0 : i32
        %dma_start3A_156 = tpu.memref_slice %arg7[%dma_start3A_154, %dma_start3A_155] : memref<4096x8xf32, #tpu.memory_space<vmem>> -> memref<128x8xf32, #tpu.memory_space<vmem>>
        %dma_start3A_157 = arith.constant 256 : i32
        %dma_start3A_158 = tpu.memref_slice %arg6[%dma_start3A_157] : memref<4096xi32, #tpu.memory_space<vmem>> -> memref<128xi32, #tpu.memory_space<vmem>>
        %dma_start3A_159 = arith.constant 0 : i32
        %dma_start3A_160 = arith.constant 0 : i32
        %dma_start3A_161 = tpu.memref_slice %arg2[%dma_start3A_159, %dma_start3A_160] : memref<100000x8xf32, #tpu.memory_space<hbm>> -> memref<100000x8xf32, #tpu.memory_space<hbm>>
        tpu.enqueue_indirect_dma source(%dma_start3A_161 : memref<100000x8xf32, #tpu.memory_space<hbm>>) target(%dma_start3A_156 : memref<128x8xf32, #tpu.memory_space<vmem>>) offsets(%dma_start3A_158 : memref<128xi32, #tpu.memory_space<vmem>>) semaphore(%arg14 : memref<!tpu.dma_semaphore, #tpu.memory_space<semaphore_mem>>)
        %dma_start3A_162 = arith.constant 384 : i32
        %dma_start3A_163 = arith.constant 0 : i32
        %dma_start3A_164 = tpu.memref_slice %arg7[%dma_start3A_162, %dma_start3A_163] : memref<4096x8xf32, #tpu.memory_space<vmem>> -> memref<128x8xf32, #tpu.memory_space<vmem>>
        %dma_start3A_165 = arith.constant 384 : i32
        %dma_start3A_166 = tpu.memref_slice %arg6[%dma_start3A_165] : memref<4096xi32, #tpu.memory_space<vmem>> -> memref<128xi32, #tpu.memory_space<vmem>>
        %dma_start3A_167 = arith.constant 0 : i32
        %dma_start3A_168 = arith.constant 0 : i32
        %dma_start3A_169 = tpu.memref_slice %arg2[%dma_start3A_167, %dma_start3A_168] : memref<100000x8xf32, #tpu.memory_space<hbm>> -> memref<100000x8xf32, #tpu.memory_space<hbm>>
        tpu.enqueue_indirect_dma source(%dma_start3A_169 : memref<100000x8xf32, #tpu.memory_space<hbm>>) target(%dma_start3A_164 : memref<128x8xf32, #tpu.memory_space<vmem>>) offsets(%dma_start3A_166 : memref<128xi32, #tpu.memory_space<vmem>>) semaphore(%arg14 : memref<!tpu.dma_semaphore, #tpu.memory_space<semaphore_mem>>)
        %dma_start3A_170 = arith.constant 512 : i32
        %dma_start3A_171 = arith.constant 0 : i32
        %dma_start3A_172 = tpu.memref_slice %arg7[%dma_start3A_170, %dma_start3A_171] : memref<4096x8xf32, #tpu.memory_space<vmem>> -> memref<128x8xf32, #tpu.memory_space<vmem>>
        %dma_start3A_173 = arith.constant 512 : i32
        %dma_start3A_174 = tpu.memref_slice %arg6[%dma_start3A_173] : memref<4096xi32, #tpu.memory_space<vmem>> -> memref<128xi32, #tpu.memory_space<vmem>>
        %dma_start3A_175 = arith.constant 0 : i32
        %dma_start3A_176 = arith.constant 0 : i32
        %dma_start3A_177 = tpu.memref_slice %arg2[%dma_start3A_175, %dma_start3A_176] : memref<100000x8xf32, #tpu.memory_space<hbm>> -> memref<100000x8xf32, #tpu.memory_space<hbm>>
        tpu.enqueue_indirect_dma source(%dma_start3A_177 : memref<100000x8xf32, #tpu.memory_space<hbm>>) target(%dma_start3A_172 : memref<128x8xf32, #tpu.memory_space<vmem>>) offsets(%dma_start3A_174 : memref<128xi32, #tpu.memory_space<vmem>>) semaphore(%arg14 : memref<!tpu.dma_semaphore, #tpu.memory_space<semaphore_mem>>)
        %dma_start3A_178 = arith.constant 640 : i32
        %dma_start3A_179 = arith.constant 0 : i32
        %dma_start3A_180 = tpu.memref_slice %arg7[%dma_start3A_178, %dma_start3A_179] : memref<4096x8xf32, #tpu.memory_space<vmem>> -> memref<128x8xf32, #tpu.memory_space<vmem>>
        %dma_start3A_181 = arith.constant 640 : i32
        %dma_start3A_182 = tpu.memref_slice %arg6[%dma_start3A_181] : memref<4096xi32, #tpu.memory_space<vmem>> -> memref<128xi32, #tpu.memory_space<vmem>>
        %dma_start3A_183 = arith.constant 0 : i32
        %dma_start3A_184 = arith.constant 0 : i32
        %dma_start3A_185 = tpu.memref_slice %arg2[%dma_start3A_183, %dma_start3A_184] : memref<100000x8xf32, #tpu.memory_space<hbm>> -> memref<100000x8xf32, #tpu.memory_space<hbm>>
        tpu.enqueue_indirect_dma source(%dma_start3A_185 : memref<100000x8xf32, #tpu.memory_space<hbm>>) target(%dma_start3A_180 : memref<128x8xf32, #tpu.memory_space<vmem>>) offsets(%dma_start3A_182 : memref<128xi32, #tpu.memory_space<vmem>>) semaphore(%arg14 : memref<!tpu.dma_semaphore, #tpu.memory_space<semaphore_mem>>)
        %dma_start3A_186 = arith.constant 768 : i32
        %dma_start3A_187 = arith.constant 0 : i32
        %dma_start3A_188 = tpu.memref_slice %arg7[%dma_start3A_186, %dma_start3A_187] : memref<4096x8xf32, #tpu.memory_space<vmem>> -> memref<128x8xf32, #tpu.memory_space<vmem>>
        %dma_start3A_189 = arith.constant 768 : i32
        %dma_start3A_190 = tpu.memref_slice %arg6[%dma_start3A_189] : memref<4096xi32, #tpu.memory_space<vmem>> -> memref<128xi32, #tpu.memory_space<vmem>>
        %dma_start3A_191 = arith.constant 0 : i32
        %dma_start3A_192 = arith.constant 0 : i32
        %dma_start3A_193 = tpu.memref_slice %arg2[%dma_start3A_191, %dma_start3A_192] : memref<100000x8xf32, #tpu.memory_space<hbm>> -> memref<100000x8xf32, #tpu.memory_space<hbm>>
        tpu.enqueue_indirect_dma source(%dma_start3A_193 : memref<100000x8xf32, #tpu.memory_space<hbm>>) target(%dma_start3A_188 : memref<128x8xf32, #tpu.memory_space<vmem>>) offsets(%dma_start3A_190 : memref<128xi32, #tpu.memory_space<vmem>>) semaphore(%arg14 : memref<!tpu.dma_semaphore, #tpu.memory_space<semaphore_mem>>)
        %dma_start3A_194 = arith.constant 896 : i32
        %dma_start3A_195 = arith.constant 0 : i32
        %dma_start3A_196 = tpu.memref_slice %arg7[%dma_start3A_194, %dma_start3A_195] : memref<4096x8xf32, #tpu.memory_space<vmem>> -> memref<128x8xf32, #tpu.memory_space<vmem>>
        %dma_start3A_197 = arith.constant 896 : i32
        %dma_start3A_198 = tpu.memref_slice %arg6[%dma_start3A_197] : memref<4096xi32, #tpu.memory_space<vmem>> -> memref<128xi32, #tpu.memory_space<vmem>>
        %dma_start3A_199 = arith.constant 0 : i32
        %dma_start3A_200 = arith.constant 0 : i32
        %dma_start3A_201 = tpu.memref_slice %arg2[%dma_start3A_199, %dma_start3A_200] : memref<100000x8xf32, #tpu.memory_space<hbm>> -> memref<100000x8xf32, #tpu.memory_space<hbm>>
        tpu.enqueue_indirect_dma source(%dma_start3A_201 : memref<100000x8xf32, #tpu.memory_space<hbm>>) target(%dma_start3A_196 : memref<128x8xf32, #tpu.memory_space<vmem>>) offsets(%dma_start3A_198 : memref<128xi32, #tpu.memory_space<vmem>>) semaphore(%arg14 : memref<!tpu.dma_semaphore, #tpu.memory_space<semaphore_mem>>)
        %dma_start3A_202 = arith.constant 1024 : i32
        %dma_start3A_203 = arith.constant 0 : i32
        %dma_start3A_204 = tpu.memref_slice %arg7[%dma_start3A_202, %dma_start3A_203] : memref<4096x8xf32, #tpu.memory_space<vmem>> -> memref<128x8xf32, #tpu.memory_space<vmem>>
        %dma_start3A_205 = arith.constant 1024 : i32
        %dma_start3A_206 = tpu.memref_slice %arg6[%dma_start3A_205] : memref<4096xi32, #tpu.memory_space<vmem>> -> memref<128xi32, #tpu.memory_space<vmem>>
        %dma_start3A_207 = arith.constant 0 : i32
        %dma_start3A_208 = arith.constant 0 : i32
        %dma_start3A_209 = tpu.memref_slice %arg2[%dma_start3A_207, %dma_start3A_208] : memref<100000x8xf32, #tpu.memory_space<hbm>> -> memref<100000x8xf32, #tpu.memory_space<hbm>>
        tpu.enqueue_indirect_dma source(%dma_start3A_209 : memref<100000x8xf32, #tpu.memory_space<hbm>>) target(%dma_start3A_204 : memref<128x8xf32, #tpu.memory_space<vmem>>) offsets(%dma_start3A_206 : memref<128xi32, #tpu.memory_space<vmem>>) semaphore(%arg14 : memref<!tpu.dma_semaphore, #tpu.memory_space<semaphore_mem>>)
        %dma_start3A_210 = arith.constant 1152 : i32
        %dma_start3A_211 = arith.constant 0 : i32
        %dma_start3A_212 = tpu.memref_slice %arg7[%dma_start3A_210, %dma_start3A_211] : memref<4096x8xf32, #tpu.memory_space<vmem>> -> memref<128x8xf32, #tpu.memory_space<vmem>>
        %dma_start3A_213 = arith.constant 1152 : i32
        %dma_start3A_214 = tpu.memref_slice %arg6[%dma_start3A_213] : memref<4096xi32, #tpu.memory_space<vmem>> -> memref<128xi32, #tpu.memory_space<vmem>>
        %dma_start3A_215 = arith.constant 0 : i32
        %dma_start3A_216 = arith.constant 0 : i32
        %dma_start3A_217 = tpu.memref_slice %arg2[%dma_start3A_215, %dma_start3A_216] : memref<100000x8xf32, #tpu.memory_space<hbm>> -> memref<100000x8xf32, #tpu.memory_space<hbm>>
        tpu.enqueue_indirect_dma source(%dma_start3A_217 : memref<100000x8xf32, #tpu.memory_space<hbm>>) target(%dma_start3A_212 : memref<128x8xf32, #tpu.memory_space<vmem>>) offsets(%dma_start3A_214 : memref<128xi32, #tpu.memory_space<vmem>>) semaphore(%arg14 : memref<!tpu.dma_semaphore, #tpu.memory_space<semaphore_mem>>)
        %dma_start3A_218 = arith.constant 1280 : i32
        %dma_start3A_219 = arith.constant 0 : i32
        %dma_start3A_220 = tpu.memref_slice %arg7[%dma_start3A_218, %dma_start3A_219] : memref<4096x8xf32, #tpu.memory_space<vmem>> -> memref<128x8xf32, #tpu.memory_space<vmem>>
        %dma_start3A_221 = arith.constant 1280 : i32
        %dma_start3A_222 = tpu.memref_slice %arg6[%dma_start3A_221] : memref<4096xi32, #tpu.memory_space<vmem>> -> memref<128xi32, #tpu.memory_space<vmem>>
        %dma_start3A_223 = arith.constant 0 : i32
        %dma_start3A_224 = arith.constant 0 : i32
        %dma_start3A_225 = tpu.memref_slice %arg2[%dma_start3A_223, %dma_start3A_224] : memref<100000x8xf32, #tpu.memory_space<hbm>> -> memref<100000x8xf32, #tpu.memory_space<hbm>>
        tpu.enqueue_indirect_dma source(%dma_start3A_225 : memref<100000x8xf32, #tpu.memory_space<hbm>>) target(%dma_start3A_220 : memref<128x8xf32, #tpu.memory_space<vmem>>) offsets(%dma_start3A_222 : memref<128xi32, #tpu.memory_space<vmem>>) semaphore(%arg14 : memref<!tpu.dma_semaphore, #tpu.memory_space<semaphore_mem>>)
        %dma_start3A_226 = arith.constant 1408 : i32
        %dma_start3A_227 = arith.constant 0 : i32
        %dma_start3A_228 = tpu.memref_slice %arg7[%dma_start3A_226, %dma_start3A_227] : memref<4096x8xf32, #tpu.memory_space<vmem>> -> memref<128x8xf32, #tpu.memory_space<vmem>>
        %dma_start3A_229 = arith.constant 1408 : i32
        %dma_start3A_230 = tpu.memref_slice %arg6[%dma_start3A_229] : memref<4096xi32, #tpu.memory_space<vmem>> -> memref<128xi32, #tpu.memory_space<vmem>>
        %dma_start3A_231 = arith.constant 0 : i32
        %dma_start3A_232 = arith.constant 0 : i32
        %dma_start3A_233 = tpu.memref_slice %arg2[%dma_start3A_231, %dma_start3A_232] : memref<100000x8xf32, #tpu.memory_space<hbm>> -> memref<100000x8xf32, #tpu.memory_space<hbm>>
        tpu.enqueue_indirect_dma source(%dma_start3A_233 : memref<100000x8xf32, #tpu.memory_space<hbm>>) target(%dma_start3A_228 : memref<128x8xf32, #tpu.memory_space<vmem>>) offsets(%dma_start3A_230 : memref<128xi32, #tpu.memory_space<vmem>>) semaphore(%arg14 : memref<!tpu.dma_semaphore, #tpu.memory_space<semaphore_mem>>)
        %dma_start3A_234 = arith.constant 1536 : i32
        %dma_start3A_235 = arith.constant 0 : i32
        %dma_start3A_236 = tpu.memref_slice %arg7[%dma_start3A_234, %dma_start3A_235] : memref<4096x8xf32, #tpu.memory_space<vmem>> -> memref<128x8xf32, #tpu.memory_space<vmem>>
        %dma_start3A_237 = arith.constant 1536 : i32
        %dma_start3A_238 = tpu.memref_slice %arg6[%dma_start3A_237] : memref<4096xi32, #tpu.memory_space<vmem>> -> memref<128xi32, #tpu.memory_space<vmem>>
        %dma_start3A_239 = arith.constant 0 : i32
        %dma_start3A_240 = arith.constant 0 : i32
        %dma_start3A_241 = tpu.memref_slice %arg2[%dma_start3A_239, %dma_start3A_240] : memref<100000x8xf32, #tpu.memory_space<hbm>> -> memref<100000x8xf32, #tpu.memory_space<hbm>>
        tpu.enqueue_indirect_dma source(%dma_start3A_241 : memref<100000x8xf32, #tpu.memory_space<hbm>>) target(%dma_start3A_236 : memref<128x8xf32, #tpu.memory_space<vmem>>) offsets(%dma_start3A_238 : memref<128xi32, #tpu.memory_space<vmem>>) semaphore(%arg14 : memref<!tpu.dma_semaphore, #tpu.memory_space<semaphore_mem>>)
        %dma_start3A_242 = arith.constant 1664 : i32
        %dma_start3A_243 = arith.constant 0 : i32
        %dma_start3A_244 = tpu.memref_slice %arg7[%dma_start3A_242, %dma_start3A_243] : memref<4096x8xf32, #tpu.memory_space<vmem>> -> memref<128x8xf32, #tpu.memory_space<vmem>>
        %dma_start3A_245 = arith.constant 1664 : i32
        %dma_start3A_246 = tpu.memref_slice %arg6[%dma_start3A_245] : memref<4096xi32, #tpu.memory_space<vmem>> -> memref<128xi32, #tpu.memory_space<vmem>>
        %dma_start3A_247 = arith.constant 0 : i32
        %dma_start3A_248 = arith.constant 0 : i32
        %dma_start3A_249 = tpu.memref_slice %arg2[%dma_start3A_247, %dma_start3A_248] : memref<100000x8xf32, #tpu.memory_space<hbm>> -> memref<100000x8xf32, #tpu.memory_space<hbm>>
        tpu.enqueue_indirect_dma source(%dma_start3A_249 : memref<100000x8xf32, #tpu.memory_space<hbm>>) target(%dma_start3A_244 : memref<128x8xf32, #tpu.memory_space<vmem>>) offsets(%dma_start3A_246 : memref<128xi32, #tpu.memory_space<vmem>>) semaphore(%arg14 : memref<!tpu.dma_semaphore, #tpu.memory_space<semaphore_mem>>)
        %dma_start3A_250 = arith.constant 1792 : i32
        %dma_start3A_251 = arith.constant 0 : i32
        %dma_start3A_252 = tpu.memref_slice %arg7[%dma_start3A_250, %dma_start3A_251] : memref<4096x8xf32, #tpu.memory_space<vmem>> -> memref<128x8xf32, #tpu.memory_space<vmem>>
        %dma_start3A_253 = arith.constant 1792 : i32
        %dma_start3A_254 = tpu.memref_slice %arg6[%dma_start3A_253] : memref<4096xi32, #tpu.memory_space<vmem>> -> memref<128xi32, #tpu.memory_space<vmem>>
        %dma_start3A_255 = arith.constant 0 : i32
        %dma_start3A_256 = arith.constant 0 : i32
        %dma_start3A_257 = tpu.memref_slice %arg2[%dma_start3A_255, %dma_start3A_256] : memref<100000x8xf32, #tpu.memory_space<hbm>> -> memref<100000x8xf32, #tpu.memory_space<hbm>>
        tpu.enqueue_indirect_dma source(%dma_start3A_257 : memref<100000x8xf32, #tpu.memory_space<hbm>>) target(%dma_start3A_252 : memref<128x8xf32, #tpu.memory_space<vmem>>) offsets(%dma_start3A_254 : memref<128xi32, #tpu.memory_space<vmem>>) semaphore(%arg14 : memref<!tpu.dma_semaphore, #tpu.memory_space<semaphore_mem>>)
        %dma_start3A_258 = arith.constant 1920 : i32
        %dma_start3A_259 = arith.constant 0 : i32
        %dma_start3A_260 = tpu.memref_slice %arg7[%dma_start3A_258, %dma_start3A_259] : memref<4096x8xf32, #tpu.memory_space<vmem>> -> memref<128x8xf32, #tpu.memory_space<vmem>>
        %dma_start3A_261 = arith.constant 1920 : i32
        %dma_start3A_262 = tpu.memref_slice %arg6[%dma_start3A_261] : memref<4096xi32, #tpu.memory_space<vmem>> -> memref<128xi32, #tpu.memory_space<vmem>>
        %dma_start3A_263 = arith.constant 0 : i32
        %dma_start3A_264 = arith.constant 0 : i32
        %dma_start3A_265 = tpu.memref_slice %arg2[%dma_start3A_263, %dma_start3A_264] : memref<100000x8xf32, #tpu.memory_space<hbm>> -> memref<100000x8xf32, #tpu.memory_space<hbm>>
        tpu.enqueue_indirect_dma source(%dma_start3A_265 : memref<100000x8xf32, #tpu.memory_space<hbm>>) target(%dma_start3A_260 : memref<128x8xf32, #tpu.memory_space<vmem>>) offsets(%dma_start3A_262 : memref<128xi32, #tpu.memory_space<vmem>>) semaphore(%arg14 : memref<!tpu.dma_semaphore, #tpu.memory_space<semaphore_mem>>)
      } else {
      }
      %lt3A_110 = arith.cmpi slt, %add3A_77, %add3A_43 : i32
      %convert_element_type3A_111 = arith.extui %lt3A_110 : i1 to i32
      %cond3A_112 = arith.constant 0 : i32
      %cond3A_113 = arith.cmpi ne, %convert_element_type3A_111, %cond3A_112 : i32
      scf.if %cond3A_113 {
        %dma_wait3A = arith.constant 2048 : i32
        %dma_wait3A_132 = arith.constant 0 : i32
        %dma_wait3A_133 = tpu.memref_slice %arg7[%dma_wait3A, %dma_wait3A_132] : memref<4096x8xf32, #tpu.memory_space<vmem>> -> memref<2048x8xf32, #tpu.memory_space<vmem>>
        %dma_wait3A_134 = arith.constant 0 : i32
        %dma_wait3A_135 = arith.constant 0 : i32
        %dma_wait3A_136 = tpu.memref_slice %arg2[%dma_wait3A_134, %dma_wait3A_135] : memref<100000x8xf32, #tpu.memory_space<hbm>> -> memref<2048x8xf32, #tpu.memory_space<hbm>>
        %dma_wait3A_137 = arith.constant 2048 : i32
        %dma_wait3A_138 = arith.constant 0 : i32
        %dma_wait3A_139 = tpu.memref_slice %arg7[%dma_wait3A_137, %dma_wait3A_138] : memref<4096x8xf32, #tpu.memory_space<vmem>> -> memref<2048x8xf32, #tpu.memory_space<vmem>>
        %dma_wait3A_140 = arith.constant 0 : i32
        %dma_wait3A_141 = arith.constant 0 : i32
        %dma_wait3A_142 = tpu.memref_slice %arg2[%dma_wait3A_140, %dma_wait3A_141] : memref<100000x8xf32, #tpu.memory_space<hbm>> -> memref<2048x8xf32, #tpu.memory_space<hbm>>
        tpu.wait_dma2 semaphore(%arg15 : memref<!tpu.dma_semaphore, #tpu.memory_space<semaphore_mem>>) src(%dma_wait3A_142 : memref<2048x8xf32, #tpu.memory_space<hbm>>) dst(%dma_wait3A_139 : memref<2048x8xf32, #tpu.memory_space<vmem>>)
      } else {
      }
      %add3A_114 = arith.constant 2 : i32
      %add3A_115 = arith.addi %add3A_77, %add3A_114 : i32
      %lt3A_116 = arith.cmpi slt, %add3A_115, %add3A_43 : i32
      %convert_element_type3A_117 = arith.extui %lt3A_116 : i1 to i32
      %cond3A_118 = arith.constant 0 : i32
      %cond3A_119 = arith.cmpi ne, %convert_element_type3A_117, %cond3A_118 : i32
      scf.if %cond3A_119 {
        %mul3A_132 = arith.constant 32 : i32
        %mul3A_133 = arith.muli %add3A_115, %mul3A_132 : i32
        %add3A_134 = arith.addi %add3A, %mul3A_133 : i32
        %mul3A_135 = arith.constant 2048 : i32
        %mul3A_136 = arith.muli %add3A_134, %mul3A_135 : i32
        %dma_start3A = arith.constant 2048 : i32
        %dma_start3A_137 = tpu.memref_slice %arg6[%dma_start3A] : memref<4096xi32, #tpu.memory_space<vmem>> -> memref<2048xi32, #tpu.memory_space<vmem>>
        %dma_start3A_138 = tpu.memref_slice %arg3[%mul3A_136] : memref<12800000xi32, #tpu.memory_space<hbm>> -> memref<2048xi32, #tpu.memory_space<hbm>>
        %dma_start3A_139 = arith.constant 2048 : i32
        %dma_start3A_140 = tpu.memref_slice %arg6[%dma_start3A_139] : memref<4096xi32, #tpu.memory_space<vmem>> -> memref<2048xi32, #tpu.memory_space<vmem>>
        %dma_start3A_141 = tpu.memref_slice %arg3[%mul3A_136] : memref<12800000xi32, #tpu.memory_space<hbm>> -> memref<2048xi32, #tpu.memory_space<hbm>>
        tpu.enqueue_dma source(%dma_start3A_141 : memref<2048xi32, #tpu.memory_space<hbm>>) target(%dma_start3A_140 : memref<2048xi32, #tpu.memory_space<vmem>>) target_semaphore(%arg13 : memref<!tpu.dma_semaphore, #tpu.memory_space<semaphore_mem>>)
      } else {
      }
      %lt3A_120 = arith.cmpi slt, %add3A_77, %add3A_43 : i32
      %broadcast_in_dim3A_121 = arith.constant 0.000000e+00 : f32
      %broadcast_in_dim3A_122 = vector.broadcast %broadcast_in_dim3A_121 : f32 to vector<16xf32>
      %scan3A_123 = arith.constant 0 : i32
      %scan3A_124 = arith.constant 8 : i32
      %scan3A_125 = arith.addi %scan3A_123, %scan3A_124 : i32
      %scan3A_126 = arith.constant 1 : i32
      %scan3A_127:2 = scf.for %scan3A_132 = %scan3A_123 to %scan3A_125 step %scan3A_126 iter_args(%scan3A_133 = %broadcast_in_dim3A_122, %scan3A_134 = %broadcast_in_dim3A_122) -> (vector<16xf32>, vector<16xf32>)  : i32 {
        %mul3A_135 = arith.constant 256 : i32
        %mul3A_136 = arith.muli %scan3A_132, %mul3A_135 : i32
        %add3A_137 = arith.constant 2048 : i32
        %add3A_138 = arith.addi %add3A_137, %mul3A_136 : i32
        %add3A_139 = arith.constant 0 : i32
        %add3A_140 = arith.addi %add3A_138, %add3A_139 : i32
        %add3A_141 = vector.broadcast %add3A_140 : i32 to vector<16xi32>
        %add3A_142 = arith.addi %iota3A, %add3A_141 : vector<16xi32>
        %add3A_143 = arith.constant 128 : i32
        %add3A_144 = vector.broadcast %add3A_143 : i32 to vector<16xi32>
        %add3A_145 = arith.addi %add3A_142, %add3A_144 : vector<16xi32>
        %broadcast_in_dim3A_146 = arith.constant 0 : i32
        %broadcast_in_dim3A_147 = vector.broadcast %broadcast_in_dim3A_146 : i32 to vector<16xi32>
        %gather3A = tpu.vector_load_idx %arg7[%add3A_142, %broadcast_in_dim3A_147] : memref<4096x8xf32, #tpu.memory_space<vmem>>[vector<16xi32>, vector<16xi32>], vector<16xf32>,
        %add3A_148 = arith.constant 1 : i32
        %add3A_149 = vector.broadcast %add3A_148 : i32 to vector<16xi32>
        %add3A_150 = arith.addi %broadcast_in_dim3A_147, %add3A_149 : vector<16xi32>
        %gather3A_151 = tpu.vector_load_idx %arg7[%add3A_142, %add3A_150] : memref<4096x8xf32, #tpu.memory_space<vmem>>[vector<16xi32>, vector<16xi32>], vector<16xf32>,
        %add3A_152 = arith.constant 2 : i32
        %add3A_153 = vector.broadcast %add3A_152 : i32 to vector<16xi32>
        %add3A_154 = arith.addi %broadcast_in_dim3A_147, %add3A_153 : vector<16xi32>
        %gather3A_155 = tpu.vector_load_idx %arg7[%add3A_142, %add3A_154] : memref<4096x8xf32, #tpu.memory_space<vmem>>[vector<16xi32>, vector<16xi32>], vector<16xf32>,
        %add3A_156 = arith.constant 3 : i32
        %add3A_157 = vector.broadcast %add3A_156 : i32 to vector<16xi32>
        %add3A_158 = arith.addi %broadcast_in_dim3A_147, %add3A_157 : vector<16xi32>
        %gather3A_159 = tpu.vector_load_idx %arg7[%add3A_142, %add3A_158] : memref<4096x8xf32, #tpu.memory_space<vmem>>[vector<16xi32>, vector<16xi32>], vector<16xf32>,
        %add3A_160 = arith.constant 4 : i32
        %add3A_161 = vector.broadcast %add3A_160 : i32 to vector<16xi32>
        %add3A_162 = arith.addi %broadcast_in_dim3A_147, %add3A_161 : vector<16xi32>
        %gather3A_163 = tpu.vector_load_idx %arg7[%add3A_142, %add3A_162] : memref<4096x8xf32, #tpu.memory_space<vmem>>[vector<16xi32>, vector<16xi32>], vector<16xf32>,
        %gather3A_164 = tpu.vector_load_idx %arg7[%add3A_145, %broadcast_in_dim3A_147] : memref<4096x8xf32, #tpu.memory_space<vmem>>[vector<16xi32>, vector<16xi32>], vector<16xf32>,
        %add3A_165 = arith.constant 1 : i32
        %add3A_166 = vector.broadcast %add3A_165 : i32 to vector<16xi32>
        %add3A_167 = arith.addi %broadcast_in_dim3A_147, %add3A_166 : vector<16xi32>
        %gather3A_168 = tpu.vector_load_idx %arg7[%add3A_145, %add3A_167] : memref<4096x8xf32, #tpu.memory_space<vmem>>[vector<16xi32>, vector<16xi32>], vector<16xf32>,
        %add3A_169 = arith.constant 2 : i32
        %add3A_170 = vector.broadcast %add3A_169 : i32 to vector<16xi32>
        %add3A_171 = arith.addi %broadcast_in_dim3A_147, %add3A_170 : vector<16xi32>
        %gather3A_172 = tpu.vector_load_idx %arg7[%add3A_145, %add3A_171] : memref<4096x8xf32, #tpu.memory_space<vmem>>[vector<16xi32>, vector<16xi32>], vector<16xf32>,
        %add3A_173 = arith.constant 3 : i32
        %add3A_174 = vector.broadcast %add3A_173 : i32 to vector<16xi32>
        %add3A_175 = arith.addi %broadcast_in_dim3A_147, %add3A_174 : vector<16xi32>
        %gather3A_176 = tpu.vector_load_idx %arg7[%add3A_145, %add3A_175] : memref<4096x8xf32, #tpu.memory_space<vmem>>[vector<16xi32>, vector<16xi32>], vector<16xf32>,
        %add3A_177 = arith.constant 4 : i32
        %add3A_178 = vector.broadcast %add3A_177 : i32 to vector<16xi32>
        %add3A_179 = arith.addi %broadcast_in_dim3A_147, %add3A_178 : vector<16xi32>
        %gather3A_180 = tpu.vector_load_idx %arg7[%add3A_145, %add3A_179] : memref<4096x8xf32, #tpu.memory_space<vmem>>[vector<16xi32>, vector<16xi32>], vector<16xf32>,
        %sub3A = arith.subf %gather3A, %gather3A_164 : vector<16xf32>
        %bitcast3A = vector.bitcast %sub3A : vector<16xf32> to vector<16xi32>
        %shift_right_logical3A = arith.constant 16 : i32
        %shift_right_logical3A_181 = vector.broadcast %shift_right_logical3A : i32 to vector<16xi32>
        %shift_right_logical3A_182 = arith.shrui %bitcast3A, %shift_right_logical3A_181 : vector<16xi32>
        %and3A = arith.constant 1 : i32
        %and3A_183 = vector.broadcast %and3A : i32 to vector<16xi32>
        %and3A_184 = arith.andi %shift_right_logical3A_182, %and3A_183 : vector<16xi32>
        %add3A_185 = arith.constant 32767 : i32
        %add3A_186 = vector.broadcast %add3A_185 : i32 to vector<16xi32>
        %add3A_187 = arith.addi %add3A_186, %and3A_184 : vector<16xi32>
        %add3A_188 = arith.addi %bitcast3A, %add3A_187 : vector<16xi32>
        %and3A_189 = arith.constant -65536 : i32
        %and3A_190 = vector.broadcast %and3A_189 : i32 to vector<16xi32>
        %and3A_191 = arith.andi %add3A_188, %and3A_190 : vector<16xi32>
        %bitcast3A_192 = vector.bitcast %and3A_191 : vector<16xi32> to vector<16xf32>
        %sub3A_193 = arith.subf %gather3A_151, %gather3A_168 : vector<16xf32>
        %bitcast3A_194 = vector.bitcast %sub3A_193 : vector<16xf32> to vector<16xi32>
        %shift_right_logical3A_195 = arith.constant 16 : i32
        %shift_right_logical3A_196 = vector.broadcast %shift_right_logical3A_195 : i32 to vector<16xi32>
        %shift_right_logical3A_197 = arith.shrui %bitcast3A_194, %shift_right_logical3A_196 : vector<16xi32>
        %and3A_198 = arith.constant 1 : i32
        %and3A_199 = vector.broadcast %and3A_198 : i32 to vector<16xi32>
        %and3A_200 = arith.andi %shift_right_logical3A_197, %and3A_199 : vector<16xi32>
        %add3A_201 = arith.constant 32767 : i32
        %add3A_202 = vector.broadcast %add3A_201 : i32 to vector<16xi32>
        %add3A_203 = arith.addi %add3A_202, %and3A_200 : vector<16xi32>
        %add3A_204 = arith.addi %bitcast3A_194, %add3A_203 : vector<16xi32>
        %and3A_205 = arith.constant -65536 : i32
        %and3A_206 = vector.broadcast %and3A_205 : i32 to vector<16xi32>
        %and3A_207 = arith.andi %add3A_204, %and3A_206 : vector<16xi32>
        %bitcast3A_208 = vector.bitcast %and3A_207 : vector<16xi32> to vector<16xf32>
        %sub3A_209 = arith.subf %gather3A_155, %gather3A_172 : vector<16xf32>
        %bitcast3A_210 = vector.bitcast %sub3A_209 : vector<16xf32> to vector<16xi32>
        %shift_right_logical3A_211 = arith.constant 16 : i32
        %shift_right_logical3A_212 = vector.broadcast %shift_right_logical3A_211 : i32 to vector<16xi32>
        %shift_right_logical3A_213 = arith.shrui %bitcast3A_210, %shift_right_logical3A_212 : vector<16xi32>
        %and3A_214 = arith.constant 1 : i32
        %and3A_215 = vector.broadcast %and3A_214 : i32 to vector<16xi32>
        %and3A_216 = arith.andi %shift_right_logical3A_213, %and3A_215 : vector<16xi32>
        %add3A_217 = arith.constant 32767 : i32
        %add3A_218 = vector.broadcast %add3A_217 : i32 to vector<16xi32>
        %add3A_219 = arith.addi %add3A_218, %and3A_216 : vector<16xi32>
        %add3A_220 = arith.addi %bitcast3A_210, %add3A_219 : vector<16xi32>
        %and3A_221 = arith.constant -65536 : i32
        %and3A_222 = vector.broadcast %and3A_221 : i32 to vector<16xi32>
        %and3A_223 = arith.andi %add3A_220, %and3A_222 : vector<16xi32>
        %bitcast3A_224 = vector.bitcast %and3A_223 : vector<16xi32> to vector<16xf32>
        %mul3A_225 = vector.broadcast %squeeze3A : f32 to vector<16xf32>
        %mul3A_226 = arith.mulf %bitcast3A_192, %mul3A_225 : vector<16xf32>
        %mul3A_227 = vector.broadcast %squeeze3A_9 : f32 to vector<16xf32>
        %mul3A_228 = arith.mulf %bitcast3A_208, %mul3A_227 : vector<16xf32>
        %add3A_229 = arith.addf %mul3A_226, %mul3A_228 : vector<16xf32>
        %mul3A_230 = vector.broadcast %squeeze3A_15 : f32 to vector<16xf32>
        %mul3A_231 = arith.mulf %bitcast3A_224, %mul3A_230 : vector<16xf32>
        %add3A_232 = arith.addf %add3A_229, %mul3A_231 : vector<16xf32>
        %mul3A_233 = vector.broadcast %squeeze3A_5 : f32 to vector<16xf32>
        %mul3A_234 = arith.mulf %bitcast3A_192, %mul3A_233 : vector<16xf32>
        %mul3A_235 = vector.broadcast %squeeze3A_11 : f32 to vector<16xf32>
        %mul3A_236 = arith.mulf %bitcast3A_208, %mul3A_235 : vector<16xf32>
        %add3A_237 = arith.addf %mul3A_234, %mul3A_236 : vector<16xf32>
        %mul3A_238 = vector.broadcast %squeeze3A_17 : f32 to vector<16xf32>
        %mul3A_239 = arith.mulf %bitcast3A_224, %mul3A_238 : vector<16xf32>
        %add3A_240 = arith.addf %add3A_237, %mul3A_239 : vector<16xf32>
        %mul3A_241 = vector.broadcast %squeeze3A_7 : f32 to vector<16xf32>
        %mul3A_242 = arith.mulf %bitcast3A_192, %mul3A_241 : vector<16xf32>
        %mul3A_243 = vector.broadcast %squeeze3A_13 : f32 to vector<16xf32>
        %mul3A_244 = arith.mulf %bitcast3A_208, %mul3A_243 : vector<16xf32>
        %add3A_245 = arith.addf %mul3A_242, %mul3A_244 : vector<16xf32>
        %mul3A_246 = vector.broadcast %squeeze3A_19 : f32 to vector<16xf32>
        %mul3A_247 = arith.mulf %bitcast3A_224, %mul3A_246 : vector<16xf32>
        %add3A_248 = arith.addf %add3A_245, %mul3A_247 : vector<16xf32>
        %add3A_249 = arith.constant 5.000000e-01 : f32
        %add3A_250 = vector.broadcast %add3A_249 : f32 to vector<16xf32>
        %add3A_251 = arith.addf %add3A_232, %add3A_250 : vector<16xf32>
        %convert_element_type3A_252 = arith.fptosi %add3A_251 : vector<16xf32> to vector<16xi32>
        %convert_element_type3A_253 = arith.sitofp %convert_element_type3A_252 : vector<16xi32> to vector<16xf32>
        %lt3A_254 = arith.cmpf olt, %add3A_251, %convert_element_type3A_253 : vector<16xf32>
        %jit3A_255 = arith.constant 1.000000e+00 : f32
        %jit3A_256 = arith.constant 0.000000e+00 : f32
        %broadcast_in_dim3A_257 = vector.broadcast %jit3A_255 : f32 to vector<16xf32>
        %broadcast_in_dim3A_258 = vector.broadcast %jit3A_256 : f32 to vector<16xf32>
        %select_n3A_259 = arith.select %lt3A_254, %broadcast_in_dim3A_257, %broadcast_in_dim3A_258 : vector<16xi1>, vector<16xf32>
        %sub3A_260 = arith.subf %convert_element_type3A_253, %select_n3A_259 : vector<16xf32>
        %sub3A_261 = arith.subf %add3A_232, %sub3A_260 : vector<16xf32>
        %bitcast3A_262 = vector.bitcast %sub3A_261 : vector<16xf32> to vector<16xi32>
        %shift_right_logical3A_263 = arith.constant 16 : i32
        %shift_right_logical3A_264 = vector.broadcast %shift_right_logical3A_263 : i32 to vector<16xi32>
        %shift_right_logical3A_265 = arith.shrui %bitcast3A_262, %shift_right_logical3A_264 : vector<16xi32>
        %and3A_266 = arith.constant 1 : i32
        %and3A_267 = vector.broadcast %and3A_266 : i32 to vector<16xi32>
        %and3A_268 = arith.andi %shift_right_logical3A_265, %and3A_267 : vector<16xi32>
        %add3A_269 = arith.constant 32767 : i32
        %add3A_270 = vector.broadcast %add3A_269 : i32 to vector<16xi32>
        %add3A_271 = arith.addi %add3A_270, %and3A_268 : vector<16xi32>
        %add3A_272 = arith.addi %bitcast3A_262, %add3A_271 : vector<16xi32>
        %and3A_273 = arith.constant -65536 : i32
        %and3A_274 = vector.broadcast %and3A_273 : i32 to vector<16xi32>
        %and3A_275 = arith.andi %add3A_272, %and3A_274 : vector<16xi32>
        %bitcast3A_276 = vector.bitcast %and3A_275 : vector<16xi32> to vector<16xf32>
        %add3A_277 = arith.constant 5.000000e-01 : f32
        %add3A_278 = vector.broadcast %add3A_277 : f32 to vector<16xf32>
        %add3A_279 = arith.addf %add3A_240, %add3A_278 : vector<16xf32>
        %convert_element_type3A_280 = arith.fptosi %add3A_279 : vector<16xf32> to vector<16xi32>
        %convert_element_type3A_281 = arith.sitofp %convert_element_type3A_280 : vector<16xi32> to vector<16xf32>
        %lt3A_282 = arith.cmpf olt, %add3A_279, %convert_element_type3A_281 : vector<16xf32>
        %jit3A_283 = arith.constant 1.000000e+00 : f32
        %jit3A_284 = arith.constant 0.000000e+00 : f32
        %broadcast_in_dim3A_285 = vector.broadcast %jit3A_283 : f32 to vector<16xf32>
        %broadcast_in_dim3A_286 = vector.broadcast %jit3A_284 : f32 to vector<16xf32>
        %select_n3A_287 = arith.select %lt3A_282, %broadcast_in_dim3A_285, %broadcast_in_dim3A_286 : vector<16xi1>, vector<16xf32>
        %sub3A_288 = arith.subf %convert_element_type3A_281, %select_n3A_287 : vector<16xf32>
        %sub3A_289 = arith.subf %add3A_240, %sub3A_288 : vector<16xf32>
        %bitcast3A_290 = vector.bitcast %sub3A_289 : vector<16xf32> to vector<16xi32>
        %shift_right_logical3A_291 = arith.constant 16 : i32
        %shift_right_logical3A_292 = vector.broadcast %shift_right_logical3A_291 : i32 to vector<16xi32>
        %shift_right_logical3A_293 = arith.shrui %bitcast3A_290, %shift_right_logical3A_292 : vector<16xi32>
        %and3A_294 = arith.constant 1 : i32
        %and3A_295 = vector.broadcast %and3A_294 : i32 to vector<16xi32>
        %and3A_296 = arith.andi %shift_right_logical3A_293, %and3A_295 : vector<16xi32>
        %add3A_297 = arith.constant 32767 : i32
        %add3A_298 = vector.broadcast %add3A_297 : i32 to vector<16xi32>
        %add3A_299 = arith.addi %add3A_298, %and3A_296 : vector<16xi32>
        %add3A_300 = arith.addi %bitcast3A_290, %add3A_299 : vector<16xi32>
        %and3A_301 = arith.constant -65536 : i32
        %and3A_302 = vector.broadcast %and3A_301 : i32 to vector<16xi32>
        %and3A_303 = arith.andi %add3A_300, %and3A_302 : vector<16xi32>
        %bitcast3A_304 = vector.bitcast %and3A_303 : vector<16xi32> to vector<16xf32>
        %add3A_305 = arith.constant 5.000000e-01 : f32
        %add3A_306 = vector.broadcast %add3A_305 : f32 to vector<16xf32>
        %add3A_307 = arith.addf %add3A_248, %add3A_306 : vector<16xf32>
        %convert_element_type3A_308 = arith.fptosi %add3A_307 : vector<16xf32> to vector<16xi32>
        %convert_element_type3A_309 = arith.sitofp %convert_element_type3A_308 : vector<16xi32> to vector<16xf32>
        %lt3A_310 = arith.cmpf olt, %add3A_307, %convert_element_type3A_309 : vector<16xf32>
        %jit3A_311 = arith.constant 1.000000e+00 : f32
        %jit3A_312 = arith.constant 0.000000e+00 : f32
        %broadcast_in_dim3A_313 = vector.broadcast %jit3A_311 : f32 to vector<16xf32>
        %broadcast_in_dim3A_314 = vector.broadcast %jit3A_312 : f32 to vector<16xf32>
        %select_n3A_315 = arith.select %lt3A_310, %broadcast_in_dim3A_313, %broadcast_in_dim3A_314 : vector<16xi1>, vector<16xf32>
        %sub3A_316 = arith.subf %convert_element_type3A_309, %select_n3A_315 : vector<16xf32>
        %sub3A_317 = arith.subf %add3A_248, %sub3A_316 : vector<16xf32>
        %bitcast3A_318 = vector.bitcast %sub3A_317 : vector<16xf32> to vector<16xi32>
        %shift_right_logical3A_319 = arith.constant 16 : i32
        %shift_right_logical3A_320 = vector.broadcast %shift_right_logical3A_319 : i32 to vector<16xi32>
        %shift_right_logical3A_321 = arith.shrui %bitcast3A_318, %shift_right_logical3A_320 : vector<16xi32>
        %and3A_322 = arith.constant 1 : i32
        %and3A_323 = vector.broadcast %and3A_322 : i32 to vector<16xi32>
        %and3A_324 = arith.andi %shift_right_logical3A_321, %and3A_323 : vector<16xi32>
        %add3A_325 = arith.constant 32767 : i32
        %add3A_326 = vector.broadcast %add3A_325 : i32 to vector<16xi32>
        %add3A_327 = arith.addi %add3A_326, %and3A_324 : vector<16xi32>
        %add3A_328 = arith.addi %bitcast3A_318, %add3A_327 : vector<16xi32>
        %and3A_329 = arith.constant -65536 : i32
        %and3A_330 = vector.broadcast %and3A_329 : i32 to vector<16xi32>
        %and3A_331 = arith.andi %add3A_328, %and3A_330 : vector<16xi32>
        %bitcast3A_332 = vector.bitcast %and3A_331 : vector<16xi32> to vector<16xf32>
        %mul3A_333 = vector.broadcast %squeeze3A_21 : f32 to vector<16xf32>
        %mul3A_334 = arith.mulf %bitcast3A_276, %mul3A_333 : vector<16xf32>
        %mul3A_335 = vector.broadcast %squeeze3A_27 : f32 to vector<16xf32>
        %mul3A_336 = arith.mulf %bitcast3A_304, %mul3A_335 : vector<16xf32>
        %add3A_337 = arith.addf %mul3A_334, %mul3A_336 : vector<16xf32>
        %mul3A_338 = vector.broadcast %squeeze3A_33 : f32 to vector<16xf32>
        %mul3A_339 = arith.mulf %bitcast3A_332, %mul3A_338 : vector<16xf32>
        %add3A_340 = arith.addf %add3A_337, %mul3A_339 : vector<16xf32>
        %mul3A_341 = vector.broadcast %squeeze3A_23 : f32 to vector<16xf32>
        %mul3A_342 = arith.mulf %bitcast3A_276, %mul3A_341 : vector<16xf32>
        %mul3A_343 = vector.broadcast %squeeze3A_29 : f32 to vector<16xf32>
        %mul3A_344 = arith.mulf %bitcast3A_304, %mul3A_343 : vector<16xf32>
        %add3A_345 = arith.addf %mul3A_342, %mul3A_344 : vector<16xf32>
        %mul3A_346 = vector.broadcast %squeeze3A_35 : f32 to vector<16xf32>
        %mul3A_347 = arith.mulf %bitcast3A_332, %mul3A_346 : vector<16xf32>
        %add3A_348 = arith.addf %add3A_345, %mul3A_347 : vector<16xf32>
        %mul3A_349 = vector.broadcast %squeeze3A_25 : f32 to vector<16xf32>
        %mul3A_350 = arith.mulf %bitcast3A_276, %mul3A_349 : vector<16xf32>
        %mul3A_351 = vector.broadcast %squeeze3A_31 : f32 to vector<16xf32>
        %mul3A_352 = arith.mulf %bitcast3A_304, %mul3A_351 : vector<16xf32>
        %add3A_353 = arith.addf %mul3A_350, %mul3A_352 : vector<16xf32>
        %mul3A_354 = vector.broadcast %squeeze3A_37 : f32 to vector<16xf32>
        %mul3A_355 = arith.mulf %bitcast3A_332, %mul3A_354 : vector<16xf32>
        %add3A_356 = arith.addf %add3A_353, %mul3A_355 : vector<16xf32>
        %mul3A_357 = arith.mulf %add3A_340, %add3A_340 : vector<16xf32>
        %mul3A_358 = arith.mulf %add3A_348, %add3A_348 : vector<16xf32>
        %add3A_359 = arith.addf %mul3A_357, %mul3A_358 : vector<16xf32>
        %mul3A_360 = arith.mulf %add3A_356, %add3A_356 : vector<16xf32>
        %add3A_361 = arith.addf %add3A_359, %mul3A_360 : vector<16xf32>
        %add3A_362 = arith.addf %gather3A_159, %gather3A_176 : vector<16xf32>
        %mul3A_363 = arith.mulf %gather3A_163, %gather3A_180 : vector<16xf32>
        %mul3A_364 = arith.mulf %add3A_362, %add3A_362 : vector<16xf32>
        %div3A = arith.divf %mul3A_364, %add3A_361 : vector<16xf32>
        %mul3A_365 = arith.mulf %div3A, %div3A : vector<16xf32>
        %mul3A_366 = arith.mulf %mul3A_365, %div3A : vector<16xf32>
        %mul3A_367 = arith.mulf %mul3A_363, %mul3A_366 : vector<16xf32>
        %sub3A_368 = arith.constant 1.000000e+00 : f32
        %sub3A_369 = vector.broadcast %sub3A_368 : f32 to vector<16xf32>
        %sub3A_370 = arith.subf %mul3A_366, %sub3A_369 : vector<16xf32>
        %mul3A_371 = arith.mulf %mul3A_367, %sub3A_370 : vector<16xf32>
        %le3A = vector.broadcast %squeeze3A_39 : f32 to vector<16xf32>
        %le3A_372 = arith.cmpf ole, %add3A_361, %le3A : vector<16xf32>
        %jit3A_373 = arith.constant 0.000000e+00 : f32
        %broadcast_in_dim3A_374 = vector.broadcast %jit3A_373 : f32 to vector<16xf32>
        %select_n3A_375 = arith.select %le3A_372, %mul3A_371, %broadcast_in_dim3A_374 : vector<16xi1>, vector<16xf32>
        %add3A_376 = arith.addf %scan3A_133, %select_n3A_375 : vector<16xf32>
        %add3A_377 = arith.constant 16 : i32
        %add3A_378 = arith.addi %add3A_138, %add3A_377 : i32
        %add3A_379 = vector.broadcast %add3A_378 : i32 to vector<16xi32>
        %add3A_380 = arith.addi %iota3A, %add3A_379 : vector<16xi32>
        %add3A_381 = arith.constant 128 : i32
        %add3A_382 = vector.broadcast %add3A_381 : i32 to vector<16xi32>
        %add3A_383 = arith.addi %add3A_380, %add3A_382 : vector<16xi32>
        %broadcast_in_dim3A_384 = arith.constant 0 : i32
        %broadcast_in_dim3A_385 = vector.broadcast %broadcast_in_dim3A_384 : i32 to vector<16xi32>
        %gather3A_386 = tpu.vector_load_idx %arg7[%add3A_380, %broadcast_in_dim3A_385] : memref<4096x8xf32, #tpu.memory_space<vmem>>[vector<16xi32>, vector<16xi32>], vector<16xf32>,
        %add3A_387 = arith.constant 1 : i32
        %add3A_388 = vector.broadcast %add3A_387 : i32 to vector<16xi32>
        %add3A_389 = arith.addi %broadcast_in_dim3A_385, %add3A_388 : vector<16xi32>
        %gather3A_390 = tpu.vector_load_idx %arg7[%add3A_380, %add3A_389] : memref<4096x8xf32, #tpu.memory_space<vmem>>[vector<16xi32>, vector<16xi32>], vector<16xf32>,
        %add3A_391 = arith.constant 2 : i32
        %add3A_392 = vector.broadcast %add3A_391 : i32 to vector<16xi32>
        %add3A_393 = arith.addi %broadcast_in_dim3A_385, %add3A_392 : vector<16xi32>
        %gather3A_394 = tpu.vector_load_idx %arg7[%add3A_380, %add3A_393] : memref<4096x8xf32, #tpu.memory_space<vmem>>[vector<16xi32>, vector<16xi32>], vector<16xf32>,
        %add3A_395 = arith.constant 3 : i32
        %add3A_396 = vector.broadcast %add3A_395 : i32 to vector<16xi32>
        %add3A_397 = arith.addi %broadcast_in_dim3A_385, %add3A_396 : vector<16xi32>
        %gather3A_398 = tpu.vector_load_idx %arg7[%add3A_380, %add3A_397] : memref<4096x8xf32, #tpu.memory_space<vmem>>[vector<16xi32>, vector<16xi32>], vector<16xf32>,
        %add3A_399 = arith.constant 4 : i32
        %add3A_400 = vector.broadcast %add3A_399 : i32 to vector<16xi32>
        %add3A_401 = arith.addi %broadcast_in_dim3A_385, %add3A_400 : vector<16xi32>
        %gather3A_402 = tpu.vector_load_idx %arg7[%add3A_380, %add3A_401] : memref<4096x8xf32, #tpu.memory_space<vmem>>[vector<16xi32>, vector<16xi32>], vector<16xf32>,
        %gather3A_403 = tpu.vector_load_idx %arg7[%add3A_383, %broadcast_in_dim3A_385] : memref<4096x8xf32, #tpu.memory_space<vmem>>[vector<16xi32>, vector<16xi32>], vector<16xf32>,
        %add3A_404 = arith.constant 1 : i32
        %add3A_405 = vector.broadcast %add3A_404 : i32 to vector<16xi32>
        %add3A_406 = arith.addi %broadcast_in_dim3A_385, %add3A_405 : vector<16xi32>
        %gather3A_407 = tpu.vector_load_idx %arg7[%add3A_383, %add3A_406] : memref<4096x8xf32, #tpu.memory_space<vmem>>[vector<16xi32>, vector<16xi32>], vector<16xf32>,
        %add3A_408 = arith.constant 2 : i32
        %add3A_409 = vector.broadcast %add3A_408 : i32 to vector<16xi32>
        %add3A_410 = arith.addi %broadcast_in_dim3A_385, %add3A_409 : vector<16xi32>
        %gather3A_411 = tpu.vector_load_idx %arg7[%add3A_383, %add3A_410] : memref<4096x8xf32, #tpu.memory_space<vmem>>[vector<16xi32>, vector<16xi32>], vector<16xf32>,
        %add3A_412 = arith.constant 3 : i32
        %add3A_413 = vector.broadcast %add3A_412 : i32 to vector<16xi32>
        %add3A_414 = arith.addi %broadcast_in_dim3A_385, %add3A_413 : vector<16xi32>
        %gather3A_415 = tpu.vector_load_idx %arg7[%add3A_383, %add3A_414] : memref<4096x8xf32, #tpu.memory_space<vmem>>[vector<16xi32>, vector<16xi32>], vector<16xf32>,
        %add3A_416 = arith.constant 4 : i32
        %add3A_417 = vector.broadcast %add3A_416 : i32 to vector<16xi32>
        %add3A_418 = arith.addi %broadcast_in_dim3A_385, %add3A_417 : vector<16xi32>
        %gather3A_419 = tpu.vector_load_idx %arg7[%add3A_383, %add3A_418] : memref<4096x8xf32, #tpu.memory_space<vmem>>[vector<16xi32>, vector<16xi32>], vector<16xf32>,
        %sub3A_420 = arith.subf %gather3A_386, %gather3A_403 : vector<16xf32>
        %bitcast3A_421 = vector.bitcast %sub3A_420 : vector<16xf32> to vector<16xi32>
        %shift_right_logical3A_422 = arith.constant 16 : i32
        %shift_right_logical3A_423 = vector.broadcast %shift_right_logical3A_422 : i32 to vector<16xi32>
        %shift_right_logical3A_424 = arith.shrui %bitcast3A_421, %shift_right_logical3A_423 : vector<16xi32>
        %and3A_425 = arith.constant 1 : i32
        %and3A_426 = vector.broadcast %and3A_425 : i32 to vector<16xi32>
        %and3A_427 = arith.andi %shift_right_logical3A_424, %and3A_426 : vector<16xi32>
        %add3A_428 = arith.constant 32767 : i32
        %add3A_429 = vector.broadcast %add3A_428 : i32 to vector<16xi32>
        %add3A_430 = arith.addi %add3A_429, %and3A_427 : vector<16xi32>
        %add3A_431 = arith.addi %bitcast3A_421, %add3A_430 : vector<16xi32>
        %and3A_432 = arith.constant -65536 : i32
        %and3A_433 = vector.broadcast %and3A_432 : i32 to vector<16xi32>
        %and3A_434 = arith.andi %add3A_431, %and3A_433 : vector<16xi32>
        %bitcast3A_435 = vector.bitcast %and3A_434 : vector<16xi32> to vector<16xf32>
        %sub3A_436 = arith.subf %gather3A_390, %gather3A_407 : vector<16xf32>
        %bitcast3A_437 = vector.bitcast %sub3A_436 : vector<16xf32> to vector<16xi32>
        %shift_right_logical3A_438 = arith.constant 16 : i32
        %shift_right_logical3A_439 = vector.broadcast %shift_right_logical3A_438 : i32 to vector<16xi32>
        %shift_right_logical3A_440 = arith.shrui %bitcast3A_437, %shift_right_logical3A_439 : vector<16xi32>
        %and3A_441 = arith.constant 1 : i32
        %and3A_442 = vector.broadcast %and3A_441 : i32 to vector<16xi32>
        %and3A_443 = arith.andi %shift_right_logical3A_440, %and3A_442 : vector<16xi32>
        %add3A_444 = arith.constant 32767 : i32
        %add3A_445 = vector.broadcast %add3A_444 : i32 to vector<16xi32>
        %add3A_446 = arith.addi %add3A_445, %and3A_443 : vector<16xi32>
        %add3A_447 = arith.addi %bitcast3A_437, %add3A_446 : vector<16xi32>
        %and3A_448 = arith.constant -65536 : i32
        %and3A_449 = vector.broadcast %and3A_448 : i32 to vector<16xi32>
        %and3A_450 = arith.andi %add3A_447, %and3A_449 : vector<16xi32>
        %bitcast3A_451 = vector.bitcast %and3A_450 : vector<16xi32> to vector<16xf32>
        %sub3A_452 = arith.subf %gather3A_394, %gather3A_411 : vector<16xf32>
        %bitcast3A_453 = vector.bitcast %sub3A_452 : vector<16xf32> to vector<16xi32>
        %shift_right_logical3A_454 = arith.constant 16 : i32
        %shift_right_logical3A_455 = vector.broadcast %shift_right_logical3A_454 : i32 to vector<16xi32>
        %shift_right_logical3A_456 = arith.shrui %bitcast3A_453, %shift_right_logical3A_455 : vector<16xi32>
        %and3A_457 = arith.constant 1 : i32
        %and3A_458 = vector.broadcast %and3A_457 : i32 to vector<16xi32>
        %and3A_459 = arith.andi %shift_right_logical3A_456, %and3A_458 : vector<16xi32>
        %add3A_460 = arith.constant 32767 : i32
        %add3A_461 = vector.broadcast %add3A_460 : i32 to vector<16xi32>
        %add3A_462 = arith.addi %add3A_461, %and3A_459 : vector<16xi32>
        %add3A_463 = arith.addi %bitcast3A_453, %add3A_462 : vector<16xi32>
        %and3A_464 = arith.constant -65536 : i32
        %and3A_465 = vector.broadcast %and3A_464 : i32 to vector<16xi32>
        %and3A_466 = arith.andi %add3A_463, %and3A_465 : vector<16xi32>
        %bitcast3A_467 = vector.bitcast %and3A_466 : vector<16xi32> to vector<16xf32>
        %mul3A_468 = vector.broadcast %squeeze3A : f32 to vector<16xf32>
        %mul3A_469 = arith.mulf %bitcast3A_435, %mul3A_468 : vector<16xf32>
        %mul3A_470 = vector.broadcast %squeeze3A_9 : f32 to vector<16xf32>
        %mul3A_471 = arith.mulf %bitcast3A_451, %mul3A_470 : vector<16xf32>
        %add3A_472 = arith.addf %mul3A_469, %mul3A_471 : vector<16xf32>
        %mul3A_473 = vector.broadcast %squeeze3A_15 : f32 to vector<16xf32>
        %mul3A_474 = arith.mulf %bitcast3A_467, %mul3A_473 : vector<16xf32>
        %add3A_475 = arith.addf %add3A_472, %mul3A_474 : vector<16xf32>
        %mul3A_476 = vector.broadcast %squeeze3A_5 : f32 to vector<16xf32>
        %mul3A_477 = arith.mulf %bitcast3A_435, %mul3A_476 : vector<16xf32>
        %mul3A_478 = vector.broadcast %squeeze3A_11 : f32 to vector<16xf32>
        %mul3A_479 = arith.mulf %bitcast3A_451, %mul3A_478 : vector<16xf32>
        %add3A_480 = arith.addf %mul3A_477, %mul3A_479 : vector<16xf32>
        %mul3A_481 = vector.broadcast %squeeze3A_17 : f32 to vector<16xf32>
        %mul3A_482 = arith.mulf %bitcast3A_467, %mul3A_481 : vector<16xf32>
        %add3A_483 = arith.addf %add3A_480, %mul3A_482 : vector<16xf32>
        %mul3A_484 = vector.broadcast %squeeze3A_7 : f32 to vector<16xf32>
        %mul3A_485 = arith.mulf %bitcast3A_435, %mul3A_484 : vector<16xf32>
        %mul3A_486 = vector.broadcast %squeeze3A_13 : f32 to vector<16xf32>
        %mul3A_487 = arith.mulf %bitcast3A_451, %mul3A_486 : vector<16xf32>
        %add3A_488 = arith.addf %mul3A_485, %mul3A_487 : vector<16xf32>
        %mul3A_489 = vector.broadcast %squeeze3A_19 : f32 to vector<16xf32>
        %mul3A_490 = arith.mulf %bitcast3A_467, %mul3A_489 : vector<16xf32>
        %add3A_491 = arith.addf %add3A_488, %mul3A_490 : vector<16xf32>
        %add3A_492 = arith.constant 5.000000e-01 : f32
        %add3A_493 = vector.broadcast %add3A_492 : f32 to vector<16xf32>
        %add3A_494 = arith.addf %add3A_475, %add3A_493 : vector<16xf32>
        %convert_element_type3A_495 = arith.fptosi %add3A_494 : vector<16xf32> to vector<16xi32>
        %convert_element_type3A_496 = arith.sitofp %convert_element_type3A_495 : vector<16xi32> to vector<16xf32>
        %lt3A_497 = arith.cmpf olt, %add3A_494, %convert_element_type3A_496 : vector<16xf32>
        %jit3A_498 = arith.constant 1.000000e+00 : f32
        %jit3A_499 = arith.constant 0.000000e+00 : f32
        %broadcast_in_dim3A_500 = vector.broadcast %jit3A_498 : f32 to vector<16xf32>
        %broadcast_in_dim3A_501 = vector.broadcast %jit3A_499 : f32 to vector<16xf32>
        %select_n3A_502 = arith.select %lt3A_497, %broadcast_in_dim3A_500, %broadcast_in_dim3A_501 : vector<16xi1>, vector<16xf32>
        %sub3A_503 = arith.subf %convert_element_type3A_496, %select_n3A_502 : vector<16xf32>
        %sub3A_504 = arith.subf %add3A_475, %sub3A_503 : vector<16xf32>
        %bitcast3A_505 = vector.bitcast %sub3A_504 : vector<16xf32> to vector<16xi32>
        %shift_right_logical3A_506 = arith.constant 16 : i32
        %shift_right_logical3A_507 = vector.broadcast %shift_right_logical3A_506 : i32 to vector<16xi32>
        %shift_right_logical3A_508 = arith.shrui %bitcast3A_505, %shift_right_logical3A_507 : vector<16xi32>
        %and3A_509 = arith.constant 1 : i32
        %and3A_510 = vector.broadcast %and3A_509 : i32 to vector<16xi32>
        %and3A_511 = arith.andi %shift_right_logical3A_508, %and3A_510 : vector<16xi32>
        %add3A_512 = arith.constant 32767 : i32
        %add3A_513 = vector.broadcast %add3A_512 : i32 to vector<16xi32>
        %add3A_514 = arith.addi %add3A_513, %and3A_511 : vector<16xi32>
        %add3A_515 = arith.addi %bitcast3A_505, %add3A_514 : vector<16xi32>
        %and3A_516 = arith.constant -65536 : i32
        %and3A_517 = vector.broadcast %and3A_516 : i32 to vector<16xi32>
        %and3A_518 = arith.andi %add3A_515, %and3A_517 : vector<16xi32>
        %bitcast3A_519 = vector.bitcast %and3A_518 : vector<16xi32> to vector<16xf32>
        %add3A_520 = arith.constant 5.000000e-01 : f32
        %add3A_521 = vector.broadcast %add3A_520 : f32 to vector<16xf32>
        %add3A_522 = arith.addf %add3A_483, %add3A_521 : vector<16xf32>
        %convert_element_type3A_523 = arith.fptosi %add3A_522 : vector<16xf32> to vector<16xi32>
        %convert_element_type3A_524 = arith.sitofp %convert_element_type3A_523 : vector<16xi32> to vector<16xf32>
        %lt3A_525 = arith.cmpf olt, %add3A_522, %convert_element_type3A_524 : vector<16xf32>
        %jit3A_526 = arith.constant 1.000000e+00 : f32
        %jit3A_527 = arith.constant 0.000000e+00 : f32
        %broadcast_in_dim3A_528 = vector.broadcast %jit3A_526 : f32 to vector<16xf32>
        %broadcast_in_dim3A_529 = vector.broadcast %jit3A_527 : f32 to vector<16xf32>
        %select_n3A_530 = arith.select %lt3A_525, %broadcast_in_dim3A_528, %broadcast_in_dim3A_529 : vector<16xi1>, vector<16xf32>
        %sub3A_531 = arith.subf %convert_element_type3A_524, %select_n3A_530 : vector<16xf32>
        %sub3A_532 = arith.subf %add3A_483, %sub3A_531 : vector<16xf32>
        %bitcast3A_533 = vector.bitcast %sub3A_532 : vector<16xf32> to vector<16xi32>
        %shift_right_logical3A_534 = arith.constant 16 : i32
        %shift_right_logical3A_535 = vector.broadcast %shift_right_logical3A_534 : i32 to vector<16xi32>
        %shift_right_logical3A_536 = arith.shrui %bitcast3A_533, %shift_right_logical3A_535 : vector<16xi32>
        %and3A_537 = arith.constant 1 : i32
        %and3A_538 = vector.broadcast %and3A_537 : i32 to vector<16xi32>
        %and3A_539 = arith.andi %shift_right_logical3A_536, %and3A_538 : vector<16xi32>
        %add3A_540 = arith.constant 32767 : i32
        %add3A_541 = vector.broadcast %add3A_540 : i32 to vector<16xi32>
        %add3A_542 = arith.addi %add3A_541, %and3A_539 : vector<16xi32>
        %add3A_543 = arith.addi %bitcast3A_533, %add3A_542 : vector<16xi32>
        %and3A_544 = arith.constant -65536 : i32
        %and3A_545 = vector.broadcast %and3A_544 : i32 to vector<16xi32>
        %and3A_546 = arith.andi %add3A_543, %and3A_545 : vector<16xi32>
        %bitcast3A_547 = vector.bitcast %and3A_546 : vector<16xi32> to vector<16xf32>
        %add3A_548 = arith.constant 5.000000e-01 : f32
        %add3A_549 = vector.broadcast %add3A_548 : f32 to vector<16xf32>
        %add3A_550 = arith.addf %add3A_491, %add3A_549 : vector<16xf32>
        %convert_element_type3A_551 = arith.fptosi %add3A_550 : vector<16xf32> to vector<16xi32>
        %convert_element_type3A_552 = arith.sitofp %convert_element_type3A_551 : vector<16xi32> to vector<16xf32>
        %lt3A_553 = arith.cmpf olt, %add3A_550, %convert_element_type3A_552 : vector<16xf32>
        %jit3A_554 = arith.constant 1.000000e+00 : f32
        %jit3A_555 = arith.constant 0.000000e+00 : f32
        %broadcast_in_dim3A_556 = vector.broadcast %jit3A_554 : f32 to vector<16xf32>
        %broadcast_in_dim3A_557 = vector.broadcast %jit3A_555 : f32 to vector<16xf32>
        %select_n3A_558 = arith.select %lt3A_553, %broadcast_in_dim3A_556, %broadcast_in_dim3A_557 : vector<16xi1>, vector<16xf32>
        %sub3A_559 = arith.subf %convert_element_type3A_552, %select_n3A_558 : vector<16xf32>
        %sub3A_560 = arith.subf %add3A_491, %sub3A_559 : vector<16xf32>
        %bitcast3A_561 = vector.bitcast %sub3A_560 : vector<16xf32> to vector<16xi32>
        %shift_right_logical3A_562 = arith.constant 16 : i32
        %shift_right_logical3A_563 = vector.broadcast %shift_right_logical3A_562 : i32 to vector<16xi32>
        %shift_right_logical3A_564 = arith.shrui %bitcast3A_561, %shift_right_logical3A_563 : vector<16xi32>
        %and3A_565 = arith.constant 1 : i32
        %and3A_566 = vector.broadcast %and3A_565 : i32 to vector<16xi32>
        %and3A_567 = arith.andi %shift_right_logical3A_564, %and3A_566 : vector<16xi32>
        %add3A_568 = arith.constant 32767 : i32
        %add3A_569 = vector.broadcast %add3A_568 : i32 to vector<16xi32>
        %add3A_570 = arith.addi %add3A_569, %and3A_567 : vector<16xi32>
        %add3A_571 = arith.addi %bitcast3A_561, %add3A_570 : vector<16xi32>
        %and3A_572 = arith.constant -65536 : i32
        %and3A_573 = vector.broadcast %and3A_572 : i32 to vector<16xi32>
        %and3A_574 = arith.andi %add3A_571, %and3A_573 : vector<16xi32>
        %bitcast3A_575 = vector.bitcast %and3A_574 : vector<16xi32> to vector<16xf32>
        %mul3A_576 = vector.broadcast %squeeze3A_21 : f32 to vector<16xf32>
        %mul3A_577 = arith.mulf %bitcast3A_519, %mul3A_576 : vector<16xf32>
        %mul3A_578 = vector.broadcast %squeeze3A_27 : f32 to vector<16xf32>
        %mul3A_579 = arith.mulf %bitcast3A_547, %mul3A_578 : vector<16xf32>
        %add3A_580 = arith.addf %mul3A_577, %mul3A_579 : vector<16xf32>
        %mul3A_581 = vector.broadcast %squeeze3A_33 : f32 to vector<16xf32>
        %mul3A_582 = arith.mulf %bitcast3A_575, %mul3A_581 : vector<16xf32>
        %add3A_583 = arith.addf %add3A_580, %mul3A_582 : vector<16xf32>
        %mul3A_584 = vector.broadcast %squeeze3A_23 : f32 to vector<16xf32>
        %mul3A_585 = arith.mulf %bitcast3A_519, %mul3A_584 : vector<16xf32>
        %mul3A_586 = vector.broadcast %squeeze3A_29 : f32 to vector<16xf32>
        %mul3A_587 = arith.mulf %bitcast3A_547, %mul3A_586 : vector<16xf32>
        %add3A_588 = arith.addf %mul3A_585, %mul3A_587 : vector<16xf32>
        %mul3A_589 = vector.broadcast %squeeze3A_35 : f32 to vector<16xf32>
        %mul3A_590 = arith.mulf %bitcast3A_575, %mul3A_589 : vector<16xf32>
        %add3A_591 = arith.addf %add3A_588, %mul3A_590 : vector<16xf32>
        %mul3A_592 = vector.broadcast %squeeze3A_25 : f32 to vector<16xf32>
        %mul3A_593 = arith.mulf %bitcast3A_519, %mul3A_592 : vector<16xf32>
        %mul3A_594 = vector.broadcast %squeeze3A_31 : f32 to vector<16xf32>
        %mul3A_595 = arith.mulf %bitcast3A_547, %mul3A_594 : vector<16xf32>
        %add3A_596 = arith.addf %mul3A_593, %mul3A_595 : vector<16xf32>
        %mul3A_597 = vector.broadcast %squeeze3A_37 : f32 to vector<16xf32>
        %mul3A_598 = arith.mulf %bitcast3A_575, %mul3A_597 : vector<16xf32>
        %add3A_599 = arith.addf %add3A_596, %mul3A_598 : vector<16xf32>
        %mul3A_600 = arith.mulf %add3A_583, %add3A_583 : vector<16xf32>
        %mul3A_601 = arith.mulf %add3A_591, %add3A_591 : vector<16xf32>
        %add3A_602 = arith.addf %mul3A_600, %mul3A_601 : vector<16xf32>
        %mul3A_603 = arith.mulf %add3A_599, %add3A_599 : vector<16xf32>
        %add3A_604 = arith.addf %add3A_602, %mul3A_603 : vector<16xf32>
        %add3A_605 = arith.addf %gather3A_398, %gather3A_415 : vector<16xf32>
        %mul3A_606 = arith.mulf %gather3A_402, %gather3A_419 : vector<16xf32>
        %mul3A_607 = arith.mulf %add3A_605, %add3A_605 : vector<16xf32>
        %div3A_608 = arith.divf %mul3A_607, %add3A_604 : vector<16xf32>
        %mul3A_609 = arith.mulf %div3A_608, %div3A_608 : vector<16xf32>
        %mul3A_610 = arith.mulf %mul3A_609, %div3A_608 : vector<16xf32>
        %mul3A_611 = arith.mulf %mul3A_606, %mul3A_610 : vector<16xf32>
        %sub3A_612 = arith.constant 1.000000e+00 : f32
        %sub3A_613 = vector.broadcast %sub3A_612 : f32 to vector<16xf32>
        %sub3A_614 = arith.subf %mul3A_610, %sub3A_613 : vector<16xf32>
        %mul3A_615 = arith.mulf %mul3A_611, %sub3A_614 : vector<16xf32>
        %le3A_616 = vector.broadcast %squeeze3A_39 : f32 to vector<16xf32>
        %le3A_617 = arith.cmpf ole, %add3A_604, %le3A_616 : vector<16xf32>
        %jit3A_618 = arith.constant 0.000000e+00 : f32
        %broadcast_in_dim3A_619 = vector.broadcast %jit3A_618 : f32 to vector<16xf32>
        %select_n3A_620 = arith.select %le3A_617, %mul3A_615, %broadcast_in_dim3A_619 : vector<16xi1>, vector<16xf32>
        %add3A_621 = arith.addf %scan3A_134, %select_n3A_620 : vector<16xf32>
        %add3A_622 = arith.constant 32 : i32
        %add3A_623 = arith.addi %add3A_138, %add3A_622 : i32
        %add3A_624 = vector.broadcast %add3A_623 : i32 to vector<16xi32>
        %add3A_625 = arith.addi %iota3A, %add3A_624 : vector<16xi32>
        %add3A_626 = arith.constant 128 : i32
        %add3A_627 = vector.broadcast %add3A_626 : i32 to vector<16xi32>
        %add3A_628 = arith.addi %add3A_625, %add3A_627 : vector<16xi32>
        %broadcast_in_dim3A_629 = arith.constant 0 : i32
        %broadcast_in_dim3A_630 = vector.broadcast %broadcast_in_dim3A_629 : i32 to vector<16xi32>
        %gather3A_631 = tpu.vector_load_idx %arg7[%add3A_625, %broadcast_in_dim3A_630] : memref<4096x8xf32, #tpu.memory_space<vmem>>[vector<16xi32>, vector<16xi32>], vector<16xf32>,
        %add3A_632 = arith.constant 1 : i32
        %add3A_633 = vector.broadcast %add3A_632 : i32 to vector<16xi32>
        %add3A_634 = arith.addi %broadcast_in_dim3A_630, %add3A_633 : vector<16xi32>
        %gather3A_635 = tpu.vector_load_idx %arg7[%add3A_625, %add3A_634] : memref<4096x8xf32, #tpu.memory_space<vmem>>[vector<16xi32>, vector<16xi32>], vector<16xf32>,
        %add3A_636 = arith.constant 2 : i32
        %add3A_637 = vector.broadcast %add3A_636 : i32 to vector<16xi32>
        %add3A_638 = arith.addi %broadcast_in_dim3A_630, %add3A_637 : vector<16xi32>
        %gather3A_639 = tpu.vector_load_idx %arg7[%add3A_625, %add3A_638] : memref<4096x8xf32, #tpu.memory_space<vmem>>[vector<16xi32>, vector<16xi32>], vector<16xf32>,
        %add3A_640 = arith.constant 3 : i32
        %add3A_641 = vector.broadcast %add3A_640 : i32 to vector<16xi32>
        %add3A_642 = arith.addi %broadcast_in_dim3A_630, %add3A_641 : vector<16xi32>
        %gather3A_643 = tpu.vector_load_idx %arg7[%add3A_625, %add3A_642] : memref<4096x8xf32, #tpu.memory_space<vmem>>[vector<16xi32>, vector<16xi32>], vector<16xf32>,
        %add3A_644 = arith.constant 4 : i32
        %add3A_645 = vector.broadcast %add3A_644 : i32 to vector<16xi32>
        %add3A_646 = arith.addi %broadcast_in_dim3A_630, %add3A_645 : vector<16xi32>
        %gather3A_647 = tpu.vector_load_idx %arg7[%add3A_625, %add3A_646] : memref<4096x8xf32, #tpu.memory_space<vmem>>[vector<16xi32>, vector<16xi32>], vector<16xf32>,
        %gather3A_648 = tpu.vector_load_idx %arg7[%add3A_628, %broadcast_in_dim3A_630] : memref<4096x8xf32, #tpu.memory_space<vmem>>[vector<16xi32>, vector<16xi32>], vector<16xf32>,
        %add3A_649 = arith.constant 1 : i32
        %add3A_650 = vector.broadcast %add3A_649 : i32 to vector<16xi32>
        %add3A_651 = arith.addi %broadcast_in_dim3A_630, %add3A_650 : vector<16xi32>
        %gather3A_652 = tpu.vector_load_idx %arg7[%add3A_628, %add3A_651] : memref<4096x8xf32, #tpu.memory_space<vmem>>[vector<16xi32>, vector<16xi32>], vector<16xf32>,
        %add3A_653 = arith.constant 2 : i32
        %add3A_654 = vector.broadcast %add3A_653 : i32 to vector<16xi32>
        %add3A_655 = arith.addi %broadcast_in_dim3A_630, %add3A_654 : vector<16xi32>
        %gather3A_656 = tpu.vector_load_idx %arg7[%add3A_628, %add3A_655] : memref<4096x8xf32, #tpu.memory_space<vmem>>[vector<16xi32>, vector<16xi32>], vector<16xf32>,
        %add3A_657 = arith.constant 3 : i32
        %add3A_658 = vector.broadcast %add3A_657 : i32 to vector<16xi32>
        %add3A_659 = arith.addi %broadcast_in_dim3A_630, %add3A_658 : vector<16xi32>
        %gather3A_660 = tpu.vector_load_idx %arg7[%add3A_628, %add3A_659] : memref<4096x8xf32, #tpu.memory_space<vmem>>[vector<16xi32>, vector<16xi32>], vector<16xf32>,
        %add3A_661 = arith.constant 4 : i32
        %add3A_662 = vector.broadcast %add3A_661 : i32 to vector<16xi32>
        %add3A_663 = arith.addi %broadcast_in_dim3A_630, %add3A_662 : vector<16xi32>
        %gather3A_664 = tpu.vector_load_idx %arg7[%add3A_628, %add3A_663] : memref<4096x8xf32, #tpu.memory_space<vmem>>[vector<16xi32>, vector<16xi32>], vector<16xf32>,
        %sub3A_665 = arith.subf %gather3A_631, %gather3A_648 : vector<16xf32>
        %bitcast3A_666 = vector.bitcast %sub3A_665 : vector<16xf32> to vector<16xi32>
        %shift_right_logical3A_667 = arith.constant 16 : i32
        %shift_right_logical3A_668 = vector.broadcast %shift_right_logical3A_667 : i32 to vector<16xi32>
        %shift_right_logical3A_669 = arith.shrui %bitcast3A_666, %shift_right_logical3A_668 : vector<16xi32>
        %and3A_670 = arith.constant 1 : i32
        %and3A_671 = vector.broadcast %and3A_670 : i32 to vector<16xi32>
        %and3A_672 = arith.andi %shift_right_logical3A_669, %and3A_671 : vector<16xi32>
        %add3A_673 = arith.constant 32767 : i32
        %add3A_674 = vector.broadcast %add3A_673 : i32 to vector<16xi32>
        %add3A_675 = arith.addi %add3A_674, %and3A_672 : vector<16xi32>
        %add3A_676 = arith.addi %bitcast3A_666, %add3A_675 : vector<16xi32>
        %and3A_677 = arith.constant -65536 : i32
        %and3A_678 = vector.broadcast %and3A_677 : i32 to vector<16xi32>
        %and3A_679 = arith.andi %add3A_676, %and3A_678 : vector<16xi32>
        %bitcast3A_680 = vector.bitcast %and3A_679 : vector<16xi32> to vector<16xf32>
        %sub3A_681 = arith.subf %gather3A_635, %gather3A_652 : vector<16xf32>
        %bitcast3A_682 = vector.bitcast %sub3A_681 : vector<16xf32> to vector<16xi32>
        %shift_right_logical3A_683 = arith.constant 16 : i32
        %shift_right_logical3A_684 = vector.broadcast %shift_right_logical3A_683 : i32 to vector<16xi32>
        %shift_right_logical3A_685 = arith.shrui %bitcast3A_682, %shift_right_logical3A_684 : vector<16xi32>
        %and3A_686 = arith.constant 1 : i32
        %and3A_687 = vector.broadcast %and3A_686 : i32 to vector<16xi32>
        %and3A_688 = arith.andi %shift_right_logical3A_685, %and3A_687 : vector<16xi32>
        %add3A_689 = arith.constant 32767 : i32
        %add3A_690 = vector.broadcast %add3A_689 : i32 to vector<16xi32>
        %add3A_691 = arith.addi %add3A_690, %and3A_688 : vector<16xi32>
        %add3A_692 = arith.addi %bitcast3A_682, %add3A_691 : vector<16xi32>
        %and3A_693 = arith.constant -65536 : i32
        %and3A_694 = vector.broadcast %and3A_693 : i32 to vector<16xi32>
        %and3A_695 = arith.andi %add3A_692, %and3A_694 : vector<16xi32>
        %bitcast3A_696 = vector.bitcast %and3A_695 : vector<16xi32> to vector<16xf32>
        %sub3A_697 = arith.subf %gather3A_639, %gather3A_656 : vector<16xf32>
        %bitcast3A_698 = vector.bitcast %sub3A_697 : vector<16xf32> to vector<16xi32>
        %shift_right_logical3A_699 = arith.constant 16 : i32
        %shift_right_logical3A_700 = vector.broadcast %shift_right_logical3A_699 : i32 to vector<16xi32>
        %shift_right_logical3A_701 = arith.shrui %bitcast3A_698, %shift_right_logical3A_700 : vector<16xi32>
        %and3A_702 = arith.constant 1 : i32
        %and3A_703 = vector.broadcast %and3A_702 : i32 to vector<16xi32>
        %and3A_704 = arith.andi %shift_right_logical3A_701, %and3A_703 : vector<16xi32>
        %add3A_705 = arith.constant 32767 : i32
        %add3A_706 = vector.broadcast %add3A_705 : i32 to vector<16xi32>
        %add3A_707 = arith.addi %add3A_706, %and3A_704 : vector<16xi32>
        %add3A_708 = arith.addi %bitcast3A_698, %add3A_707 : vector<16xi32>
        %and3A_709 = arith.constant -65536 : i32
        %and3A_710 = vector.broadcast %and3A_709 : i32 to vector<16xi32>
        %and3A_711 = arith.andi %add3A_708, %and3A_710 : vector<16xi32>
        %bitcast3A_712 = vector.bitcast %and3A_711 : vector<16xi32> to vector<16xf32>
        %mul3A_713 = vector.broadcast %squeeze3A : f32 to vector<16xf32>
        %mul3A_714 = arith.mulf %bitcast3A_680, %mul3A_713 : vector<16xf32>
        %mul3A_715 = vector.broadcast %squeeze3A_9 : f32 to vector<16xf32>
        %mul3A_716 = arith.mulf %bitcast3A_696, %mul3A_715 : vector<16xf32>
        %add3A_717 = arith.addf %mul3A_714, %mul3A_716 : vector<16xf32>
        %mul3A_718 = vector.broadcast %squeeze3A_15 : f32 to vector<16xf32>
        %mul3A_719 = arith.mulf %bitcast3A_712, %mul3A_718 : vector<16xf32>
        %add3A_720 = arith.addf %add3A_717, %mul3A_719 : vector<16xf32>
        %mul3A_721 = vector.broadcast %squeeze3A_5 : f32 to vector<16xf32>
        %mul3A_722 = arith.mulf %bitcast3A_680, %mul3A_721 : vector<16xf32>
        %mul3A_723 = vector.broadcast %squeeze3A_11 : f32 to vector<16xf32>
        %mul3A_724 = arith.mulf %bitcast3A_696, %mul3A_723 : vector<16xf32>
        %add3A_725 = arith.addf %mul3A_722, %mul3A_724 : vector<16xf32>
        %mul3A_726 = vector.broadcast %squeeze3A_17 : f32 to vector<16xf32>
        %mul3A_727 = arith.mulf %bitcast3A_712, %mul3A_726 : vector<16xf32>
        %add3A_728 = arith.addf %add3A_725, %mul3A_727 : vector<16xf32>
        %mul3A_729 = vector.broadcast %squeeze3A_7 : f32 to vector<16xf32>
        %mul3A_730 = arith.mulf %bitcast3A_680, %mul3A_729 : vector<16xf32>
        %mul3A_731 = vector.broadcast %squeeze3A_13 : f32 to vector<16xf32>
        %mul3A_732 = arith.mulf %bitcast3A_696, %mul3A_731 : vector<16xf32>
        %add3A_733 = arith.addf %mul3A_730, %mul3A_732 : vector<16xf32>
        %mul3A_734 = vector.broadcast %squeeze3A_19 : f32 to vector<16xf32>
        %mul3A_735 = arith.mulf %bitcast3A_712, %mul3A_734 : vector<16xf32>
        %add3A_736 = arith.addf %add3A_733, %mul3A_735 : vector<16xf32>
        %add3A_737 = arith.constant 5.000000e-01 : f32
        %add3A_738 = vector.broadcast %add3A_737 : f32 to vector<16xf32>
        %add3A_739 = arith.addf %add3A_720, %add3A_738 : vector<16xf32>
        %convert_element_type3A_740 = arith.fptosi %add3A_739 : vector<16xf32> to vector<16xi32>
        %convert_element_type3A_741 = arith.sitofp %convert_element_type3A_740 : vector<16xi32> to vector<16xf32>
        %lt3A_742 = arith.cmpf olt, %add3A_739, %convert_element_type3A_741 : vector<16xf32>
        %jit3A_743 = arith.constant 1.000000e+00 : f32
        %jit3A_744 = arith.constant 0.000000e+00 : f32
        %broadcast_in_dim3A_745 = vector.broadcast %jit3A_743 : f32 to vector<16xf32>
        %broadcast_in_dim3A_746 = vector.broadcast %jit3A_744 : f32 to vector<16xf32>
        %select_n3A_747 = arith.select %lt3A_742, %broadcast_in_dim3A_745, %broadcast_in_dim3A_746 : vector<16xi1>, vector<16xf32>
        %sub3A_748 = arith.subf %convert_element_type3A_741, %select_n3A_747 : vector<16xf32>
        %sub3A_749 = arith.subf %add3A_720, %sub3A_748 : vector<16xf32>
        %bitcast3A_750 = vector.bitcast %sub3A_749 : vector<16xf32> to vector<16xi32>
        %shift_right_logical3A_751 = arith.constant 16 : i32
        %shift_right_logical3A_752 = vector.broadcast %shift_right_logical3A_751 : i32 to vector<16xi32>
        %shift_right_logical3A_753 = arith.shrui %bitcast3A_750, %shift_right_logical3A_752 : vector<16xi32>
        %and3A_754 = arith.constant 1 : i32
        %and3A_755 = vector.broadcast %and3A_754 : i32 to vector<16xi32>
        %and3A_756 = arith.andi %shift_right_logical3A_753, %and3A_755 : vector<16xi32>
        %add3A_757 = arith.constant 32767 : i32
        %add3A_758 = vector.broadcast %add3A_757 : i32 to vector<16xi32>
        %add3A_759 = arith.addi %add3A_758, %and3A_756 : vector<16xi32>
        %add3A_760 = arith.addi %bitcast3A_750, %add3A_759 : vector<16xi32>
        %and3A_761 = arith.constant -65536 : i32
        %and3A_762 = vector.broadcast %and3A_761 : i32 to vector<16xi32>
        %and3A_763 = arith.andi %add3A_760, %and3A_762 : vector<16xi32>
        %bitcast3A_764 = vector.bitcast %and3A_763 : vector<16xi32> to vector<16xf32>
        %add3A_765 = arith.constant 5.000000e-01 : f32
        %add3A_766 = vector.broadcast %add3A_765 : f32 to vector<16xf32>
        %add3A_767 = arith.addf %add3A_728, %add3A_766 : vector<16xf32>
        %convert_element_type3A_768 = arith.fptosi %add3A_767 : vector<16xf32> to vector<16xi32>
        %convert_element_type3A_769 = arith.sitofp %convert_element_type3A_768 : vector<16xi32> to vector<16xf32>
        %lt3A_770 = arith.cmpf olt, %add3A_767, %convert_element_type3A_769 : vector<16xf32>
        %jit3A_771 = arith.constant 1.000000e+00 : f32
        %jit3A_772 = arith.constant 0.000000e+00 : f32
        %broadcast_in_dim3A_773 = vector.broadcast %jit3A_771 : f32 to vector<16xf32>
        %broadcast_in_dim3A_774 = vector.broadcast %jit3A_772 : f32 to vector<16xf32>
        %select_n3A_775 = arith.select %lt3A_770, %broadcast_in_dim3A_773, %broadcast_in_dim3A_774 : vector<16xi1>, vector<16xf32>
        %sub3A_776 = arith.subf %convert_element_type3A_769, %select_n3A_775 : vector<16xf32>
        %sub3A_777 = arith.subf %add3A_728, %sub3A_776 : vector<16xf32>
        %bitcast3A_778 = vector.bitcast %sub3A_777 : vector<16xf32> to vector<16xi32>
        %shift_right_logical3A_779 = arith.constant 16 : i32
        %shift_right_logical3A_780 = vector.broadcast %shift_right_logical3A_779 : i32 to vector<16xi32>
        %shift_right_logical3A_781 = arith.shrui %bitcast3A_778, %shift_right_logical3A_780 : vector<16xi32>
        %and3A_782 = arith.constant 1 : i32
        %and3A_783 = vector.broadcast %and3A_782 : i32 to vector<16xi32>
        %and3A_784 = arith.andi %shift_right_logical3A_781, %and3A_783 : vector<16xi32>
        %add3A_785 = arith.constant 32767 : i32
        %add3A_786 = vector.broadcast %add3A_785 : i32 to vector<16xi32>
        %add3A_787 = arith.addi %add3A_786, %and3A_784 : vector<16xi32>
        %add3A_788 = arith.addi %bitcast3A_778, %add3A_787 : vector<16xi32>
        %and3A_789 = arith.constant -65536 : i32
        %and3A_790 = vector.broadcast %and3A_789 : i32 to vector<16xi32>
        %and3A_791 = arith.andi %add3A_788, %and3A_790 : vector<16xi32>
        %bitcast3A_792 = vector.bitcast %and3A_791 : vector<16xi32> to vector<16xf32>
        %add3A_793 = arith.constant 5.000000e-01 : f32
        %add3A_794 = vector.broadcast %add3A_793 : f32 to vector<16xf32>
        %add3A_795 = arith.addf %add3A_736, %add3A_794 : vector<16xf32>
        %convert_element_type3A_796 = arith.fptosi %add3A_795 : vector<16xf32> to vector<16xi32>
        %convert_element_type3A_797 = arith.sitofp %convert_element_type3A_796 : vector<16xi32> to vector<16xf32>
        %lt3A_798 = arith.cmpf olt, %add3A_795, %convert_element_type3A_797 : vector<16xf32>
        %jit3A_799 = arith.constant 1.000000e+00 : f32
        %jit3A_800 = arith.constant 0.000000e+00 : f32
        %broadcast_in_dim3A_801 = vector.broadcast %jit3A_799 : f32 to vector<16xf32>
        %broadcast_in_dim3A_802 = vector.broadcast %jit3A_800 : f32 to vector<16xf32>
        %select_n3A_803 = arith.select %lt3A_798, %broadcast_in_dim3A_801, %broadcast_in_dim3A_802 : vector<16xi1>, vector<16xf32>
        %sub3A_804 = arith.subf %convert_element_type3A_797, %select_n3A_803 : vector<16xf32>
        %sub3A_805 = arith.subf %add3A_736, %sub3A_804 : vector<16xf32>
        %bitcast3A_806 = vector.bitcast %sub3A_805 : vector<16xf32> to vector<16xi32>
        %shift_right_logical3A_807 = arith.constant 16 : i32
        %shift_right_logical3A_808 = vector.broadcast %shift_right_logical3A_807 : i32 to vector<16xi32>
        %shift_right_logical3A_809 = arith.shrui %bitcast3A_806, %shift_right_logical3A_808 : vector<16xi32>
        %and3A_810 = arith.constant 1 : i32
        %and3A_811 = vector.broadcast %and3A_810 : i32 to vector<16xi32>
        %and3A_812 = arith.andi %shift_right_logical3A_809, %and3A_811 : vector<16xi32>
        %add3A_813 = arith.constant 32767 : i32
        %add3A_814 = vector.broadcast %add3A_813 : i32 to vector<16xi32>
        %add3A_815 = arith.addi %add3A_814, %and3A_812 : vector<16xi32>
        %add3A_816 = arith.addi %bitcast3A_806, %add3A_815 : vector<16xi32>
        %and3A_817 = arith.constant -65536 : i32
        %and3A_818 = vector.broadcast %and3A_817 : i32 to vector<16xi32>
        %and3A_819 = arith.andi %add3A_816, %and3A_818 : vector<16xi32>
        %bitcast3A_820 = vector.bitcast %and3A_819 : vector<16xi32> to vector<16xf32>
        %mul3A_821 = vector.broadcast %squeeze3A_21 : f32 to vector<16xf32>
        %mul3A_822 = arith.mulf %bitcast3A_764, %mul3A_821 : vector<16xf32>
        %mul3A_823 = vector.broadcast %squeeze3A_27 : f32 to vector<16xf32>
        %mul3A_824 = arith.mulf %bitcast3A_792, %mul3A_823 : vector<16xf32>
        %add3A_825 = arith.addf %mul3A_822, %mul3A_824 : vector<16xf32>
        %mul3A_826 = vector.broadcast %squeeze3A_33 : f32 to vector<16xf32>
        %mul3A_827 = arith.mulf %bitcast3A_820, %mul3A_826 : vector<16xf32>
        %add3A_828 = arith.addf %add3A_825, %mul3A_827 : vector<16xf32>
        %mul3A_829 = vector.broadcast %squeeze3A_23 : f32 to vector<16xf32>
        %mul3A_830 = arith.mulf %bitcast3A_764, %mul3A_829 : vector<16xf32>
        %mul3A_831 = vector.broadcast %squeeze3A_29 : f32 to vector<16xf32>
        %mul3A_832 = arith.mulf %bitcast3A_792, %mul3A_831 : vector<16xf32>
        %add3A_833 = arith.addf %mul3A_830, %mul3A_832 : vector<16xf32>
        %mul3A_834 = vector.broadcast %squeeze3A_35 : f32 to vector<16xf32>
        %mul3A_835 = arith.mulf %bitcast3A_820, %mul3A_834 : vector<16xf32>
        %add3A_836 = arith.addf %add3A_833, %mul3A_835 : vector<16xf32>
        %mul3A_837 = vector.broadcast %squeeze3A_25 : f32 to vector<16xf32>
        %mul3A_838 = arith.mulf %bitcast3A_764, %mul3A_837 : vector<16xf32>
        %mul3A_839 = vector.broadcast %squeeze3A_31 : f32 to vector<16xf32>
        %mul3A_840 = arith.mulf %bitcast3A_792, %mul3A_839 : vector<16xf32>
        %add3A_841 = arith.addf %mul3A_838, %mul3A_840 : vector<16xf32>
        %mul3A_842 = vector.broadcast %squeeze3A_37 : f32 to vector<16xf32>
        %mul3A_843 = arith.mulf %bitcast3A_820, %mul3A_842 : vector<16xf32>
        %add3A_844 = arith.addf %add3A_841, %mul3A_843 : vector<16xf32>
        %mul3A_845 = arith.mulf %add3A_828, %add3A_828 : vector<16xf32>
        %mul3A_846 = arith.mulf %add3A_836, %add3A_836 : vector<16xf32>
        %add3A_847 = arith.addf %mul3A_845, %mul3A_846 : vector<16xf32>
        %mul3A_848 = arith.mulf %add3A_844, %add3A_844 : vector<16xf32>
        %add3A_849 = arith.addf %add3A_847, %mul3A_848 : vector<16xf32>
        %add3A_850 = arith.addf %gather3A_643, %gather3A_660 : vector<16xf32>
        %mul3A_851 = arith.mulf %gather3A_647, %gather3A_664 : vector<16xf32>
        %mul3A_852 = arith.mulf %add3A_850, %add3A_850 : vector<16xf32>
        %div3A_853 = arith.divf %mul3A_852, %add3A_849 : vector<16xf32>
        %mul3A_854 = arith.mulf %div3A_853, %div3A_853 : vector<16xf32>
        %mul3A_855 = arith.mulf %mul3A_854, %div3A_853 : vector<16xf32>
        %mul3A_856 = arith.mulf %mul3A_851, %mul3A_855 : vector<16xf32>
        %sub3A_857 = arith.constant 1.000000e+00 : f32
        %sub3A_858 = vector.broadcast %sub3A_857 : f32 to vector<16xf32>
        %sub3A_859 = arith.subf %mul3A_855, %sub3A_858 : vector<16xf32>
        %mul3A_860 = arith.mulf %mul3A_856, %sub3A_859 : vector<16xf32>
        %le3A_861 = vector.broadcast %squeeze3A_39 : f32 to vector<16xf32>
        %le3A_862 = arith.cmpf ole, %add3A_849, %le3A_861 : vector<16xf32>
        %jit3A_863 = arith.constant 0.000000e+00 : f32
        %broadcast_in_dim3A_864 = vector.broadcast %jit3A_863 : f32 to vector<16xf32>
        %select_n3A_865 = arith.select %le3A_862, %mul3A_860, %broadcast_in_dim3A_864 : vector<16xi1>, vector<16xf32>
        %add3A_866 = arith.addf %add3A_376, %select_n3A_865 : vector<16xf32>
        %add3A_867 = arith.constant 48 : i32
        %add3A_868 = arith.addi %add3A_138, %add3A_867 : i32
        %add3A_869 = vector.broadcast %add3A_868 : i32 to vector<16xi32>
        %add3A_870 = arith.addi %iota3A, %add3A_869 : vector<16xi32>
        %add3A_871 = arith.constant 128 : i32
        %add3A_872 = vector.broadcast %add3A_871 : i32 to vector<16xi32>
        %add3A_873 = arith.addi %add3A_870, %add3A_872 : vector<16xi32>
        %broadcast_in_dim3A_874 = arith.constant 0 : i32
        %broadcast_in_dim3A_875 = vector.broadcast %broadcast_in_dim3A_874 : i32 to vector<16xi32>
        %gather3A_876 = tpu.vector_load_idx %arg7[%add3A_870, %broadcast_in_dim3A_875] : memref<4096x8xf32, #tpu.memory_space<vmem>>[vector<16xi32>, vector<16xi32>], vector<16xf32>,
        %add3A_877 = arith.constant 1 : i32
        %add3A_878 = vector.broadcast %add3A_877 : i32 to vector<16xi32>
        %add3A_879 = arith.addi %broadcast_in_dim3A_875, %add3A_878 : vector<16xi32>
        %gather3A_880 = tpu.vector_load_idx %arg7[%add3A_870, %add3A_879] : memref<4096x8xf32, #tpu.memory_space<vmem>>[vector<16xi32>, vector<16xi32>], vector<16xf32>,
        %add3A_881 = arith.constant 2 : i32
        %add3A_882 = vector.broadcast %add3A_881 : i32 to vector<16xi32>
        %add3A_883 = arith.addi %broadcast_in_dim3A_875, %add3A_882 : vector<16xi32>
        %gather3A_884 = tpu.vector_load_idx %arg7[%add3A_870, %add3A_883] : memref<4096x8xf32, #tpu.memory_space<vmem>>[vector<16xi32>, vector<16xi32>], vector<16xf32>,
        %add3A_885 = arith.constant 3 : i32
        %add3A_886 = vector.broadcast %add3A_885 : i32 to vector<16xi32>
        %add3A_887 = arith.addi %broadcast_in_dim3A_875, %add3A_886 : vector<16xi32>
        %gather3A_888 = tpu.vector_load_idx %arg7[%add3A_870, %add3A_887] : memref<4096x8xf32, #tpu.memory_space<vmem>>[vector<16xi32>, vector<16xi32>], vector<16xf32>,
        %add3A_889 = arith.constant 4 : i32
        %add3A_890 = vector.broadcast %add3A_889 : i32 to vector<16xi32>
        %add3A_891 = arith.addi %broadcast_in_dim3A_875, %add3A_890 : vector<16xi32>
        %gather3A_892 = tpu.vector_load_idx %arg7[%add3A_870, %add3A_891] : memref<4096x8xf32, #tpu.memory_space<vmem>>[vector<16xi32>, vector<16xi32>], vector<16xf32>,
        %gather3A_893 = tpu.vector_load_idx %arg7[%add3A_873, %broadcast_in_dim3A_875] : memref<4096x8xf32, #tpu.memory_space<vmem>>[vector<16xi32>, vector<16xi32>], vector<16xf32>,
        %add3A_894 = arith.constant 1 : i32
        %add3A_895 = vector.broadcast %add3A_894 : i32 to vector<16xi32>
        %add3A_896 = arith.addi %broadcast_in_dim3A_875, %add3A_895 : vector<16xi32>
        %gather3A_897 = tpu.vector_load_idx %arg7[%add3A_873, %add3A_896] : memref<4096x8xf32, #tpu.memory_space<vmem>>[vector<16xi32>, vector<16xi32>], vector<16xf32>,
        %add3A_898 = arith.constant 2 : i32
        %add3A_899 = vector.broadcast %add3A_898 : i32 to vector<16xi32>
        %add3A_900 = arith.addi %broadcast_in_dim3A_875, %add3A_899 : vector<16xi32>
        %gather3A_901 = tpu.vector_load_idx %arg7[%add3A_873, %add3A_900] : memref<4096x8xf32, #tpu.memory_space<vmem>>[vector<16xi32>, vector<16xi32>], vector<16xf32>,
        %add3A_902 = arith.constant 3 : i32
        %add3A_903 = vector.broadcast %add3A_902 : i32 to vector<16xi32>
        %add3A_904 = arith.addi %broadcast_in_dim3A_875, %add3A_903 : vector<16xi32>
        %gather3A_905 = tpu.vector_load_idx %arg7[%add3A_873, %add3A_904] : memref<4096x8xf32, #tpu.memory_space<vmem>>[vector<16xi32>, vector<16xi32>], vector<16xf32>,
        %add3A_906 = arith.constant 4 : i32
        %add3A_907 = vector.broadcast %add3A_906 : i32 to vector<16xi32>
        %add3A_908 = arith.addi %broadcast_in_dim3A_875, %add3A_907 : vector<16xi32>
        %gather3A_909 = tpu.vector_load_idx %arg7[%add3A_873, %add3A_908] : memref<4096x8xf32, #tpu.memory_space<vmem>>[vector<16xi32>, vector<16xi32>], vector<16xf32>,
        %sub3A_910 = arith.subf %gather3A_876, %gather3A_893 : vector<16xf32>
        %bitcast3A_911 = vector.bitcast %sub3A_910 : vector<16xf32> to vector<16xi32>
        %shift_right_logical3A_912 = arith.constant 16 : i32
        %shift_right_logical3A_913 = vector.broadcast %shift_right_logical3A_912 : i32 to vector<16xi32>
        %shift_right_logical3A_914 = arith.shrui %bitcast3A_911, %shift_right_logical3A_913 : vector<16xi32>
        %and3A_915 = arith.constant 1 : i32
        %and3A_916 = vector.broadcast %and3A_915 : i32 to vector<16xi32>
        %and3A_917 = arith.andi %shift_right_logical3A_914, %and3A_916 : vector<16xi32>
        %add3A_918 = arith.constant 32767 : i32
        %add3A_919 = vector.broadcast %add3A_918 : i32 to vector<16xi32>
        %add3A_920 = arith.addi %add3A_919, %and3A_917 : vector<16xi32>
        %add3A_921 = arith.addi %bitcast3A_911, %add3A_920 : vector<16xi32>
        %and3A_922 = arith.constant -65536 : i32
        %and3A_923 = vector.broadcast %and3A_922 : i32 to vector<16xi32>
        %and3A_924 = arith.andi %add3A_921, %and3A_923 : vector<16xi32>
        %bitcast3A_925 = vector.bitcast %and3A_924 : vector<16xi32> to vector<16xf32>
        %sub3A_926 = arith.subf %gather3A_880, %gather3A_897 : vector<16xf32>
        %bitcast3A_927 = vector.bitcast %sub3A_926 : vector<16xf32> to vector<16xi32>
        %shift_right_logical3A_928 = arith.constant 16 : i32
        %shift_right_logical3A_929 = vector.broadcast %shift_right_logical3A_928 : i32 to vector<16xi32>
        %shift_right_logical3A_930 = arith.shrui %bitcast3A_927, %shift_right_logical3A_929 : vector<16xi32>
        %and3A_931 = arith.constant 1 : i32
        %and3A_932 = vector.broadcast %and3A_931 : i32 to vector<16xi32>
        %and3A_933 = arith.andi %shift_right_logical3A_930, %and3A_932 : vector<16xi32>
        %add3A_934 = arith.constant 32767 : i32
        %add3A_935 = vector.broadcast %add3A_934 : i32 to vector<16xi32>
        %add3A_936 = arith.addi %add3A_935, %and3A_933 : vector<16xi32>
        %add3A_937 = arith.addi %bitcast3A_927, %add3A_936 : vector<16xi32>
        %and3A_938 = arith.constant -65536 : i32
        %and3A_939 = vector.broadcast %and3A_938 : i32 to vector<16xi32>
        %and3A_940 = arith.andi %add3A_937, %and3A_939 : vector<16xi32>
        %bitcast3A_941 = vector.bitcast %and3A_940 : vector<16xi32> to vector<16xf32>
        %sub3A_942 = arith.subf %gather3A_884, %gather3A_901 : vector<16xf32>
        %bitcast3A_943 = vector.bitcast %sub3A_942 : vector<16xf32> to vector<16xi32>
        %shift_right_logical3A_944 = arith.constant 16 : i32
        %shift_right_logical3A_945 = vector.broadcast %shift_right_logical3A_944 : i32 to vector<16xi32>
        %shift_right_logical3A_946 = arith.shrui %bitcast3A_943, %shift_right_logical3A_945 : vector<16xi32>
        %and3A_947 = arith.constant 1 : i32
        %and3A_948 = vector.broadcast %and3A_947 : i32 to vector<16xi32>
        %and3A_949 = arith.andi %shift_right_logical3A_946, %and3A_948 : vector<16xi32>
        %add3A_950 = arith.constant 32767 : i32
        %add3A_951 = vector.broadcast %add3A_950 : i32 to vector<16xi32>
        %add3A_952 = arith.addi %add3A_951, %and3A_949 : vector<16xi32>
        %add3A_953 = arith.addi %bitcast3A_943, %add3A_952 : vector<16xi32>
        %and3A_954 = arith.constant -65536 : i32
        %and3A_955 = vector.broadcast %and3A_954 : i32 to vector<16xi32>
        %and3A_956 = arith.andi %add3A_953, %and3A_955 : vector<16xi32>
        %bitcast3A_957 = vector.bitcast %and3A_956 : vector<16xi32> to vector<16xf32>
        %mul3A_958 = vector.broadcast %squeeze3A : f32 to vector<16xf32>
        %mul3A_959 = arith.mulf %bitcast3A_925, %mul3A_958 : vector<16xf32>
        %mul3A_960 = vector.broadcast %squeeze3A_9 : f32 to vector<16xf32>
        %mul3A_961 = arith.mulf %bitcast3A_941, %mul3A_960 : vector<16xf32>
        %add3A_962 = arith.addf %mul3A_959, %mul3A_961 : vector<16xf32>
        %mul3A_963 = vector.broadcast %squeeze3A_15 : f32 to vector<16xf32>
        %mul3A_964 = arith.mulf %bitcast3A_957, %mul3A_963 : vector<16xf32>
        %add3A_965 = arith.addf %add3A_962, %mul3A_964 : vector<16xf32>
        %mul3A_966 = vector.broadcast %squeeze3A_5 : f32 to vector<16xf32>
        %mul3A_967 = arith.mulf %bitcast3A_925, %mul3A_966 : vector<16xf32>
        %mul3A_968 = vector.broadcast %squeeze3A_11 : f32 to vector<16xf32>
        %mul3A_969 = arith.mulf %bitcast3A_941, %mul3A_968 : vector<16xf32>
        %add3A_970 = arith.addf %mul3A_967, %mul3A_969 : vector<16xf32>
        %mul3A_971 = vector.broadcast %squeeze3A_17 : f32 to vector<16xf32>
        %mul3A_972 = arith.mulf %bitcast3A_957, %mul3A_971 : vector<16xf32>
        %add3A_973 = arith.addf %add3A_970, %mul3A_972 : vector<16xf32>
        %mul3A_974 = vector.broadcast %squeeze3A_7 : f32 to vector<16xf32>
        %mul3A_975 = arith.mulf %bitcast3A_925, %mul3A_974 : vector<16xf32>
        %mul3A_976 = vector.broadcast %squeeze3A_13 : f32 to vector<16xf32>
        %mul3A_977 = arith.mulf %bitcast3A_941, %mul3A_976 : vector<16xf32>
        %add3A_978 = arith.addf %mul3A_975, %mul3A_977 : vector<16xf32>
        %mul3A_979 = vector.broadcast %squeeze3A_19 : f32 to vector<16xf32>
        %mul3A_980 = arith.mulf %bitcast3A_957, %mul3A_979 : vector<16xf32>
        %add3A_981 = arith.addf %add3A_978, %mul3A_980 : vector<16xf32>
        %add3A_982 = arith.constant 5.000000e-01 : f32
        %add3A_983 = vector.broadcast %add3A_982 : f32 to vector<16xf32>
        %add3A_984 = arith.addf %add3A_965, %add3A_983 : vector<16xf32>
        %convert_element_type3A_985 = arith.fptosi %add3A_984 : vector<16xf32> to vector<16xi32>
        %convert_element_type3A_986 = arith.sitofp %convert_element_type3A_985 : vector<16xi32> to vector<16xf32>
        %lt3A_987 = arith.cmpf olt, %add3A_984, %convert_element_type3A_986 : vector<16xf32>
        %jit3A_988 = arith.constant 1.000000e+00 : f32
        %jit3A_989 = arith.constant 0.000000e+00 : f32
        %broadcast_in_dim3A_990 = vector.broadcast %jit3A_988 : f32 to vector<16xf32>
        %broadcast_in_dim3A_991 = vector.broadcast %jit3A_989 : f32 to vector<16xf32>
        %select_n3A_992 = arith.select %lt3A_987, %broadcast_in_dim3A_990, %broadcast_in_dim3A_991 : vector<16xi1>, vector<16xf32>
        %sub3A_993 = arith.subf %convert_element_type3A_986, %select_n3A_992 : vector<16xf32>
        %sub3A_994 = arith.subf %add3A_965, %sub3A_993 : vector<16xf32>
        %bitcast3A_995 = vector.bitcast %sub3A_994 : vector<16xf32> to vector<16xi32>
        %shift_right_logical3A_996 = arith.constant 16 : i32
        %shift_right_logical3A_997 = vector.broadcast %shift_right_logical3A_996 : i32 to vector<16xi32>
        %shift_right_logical3A_998 = arith.shrui %bitcast3A_995, %shift_right_logical3A_997 : vector<16xi32>
        %and3A_999 = arith.constant 1 : i32
        %and3A_1000 = vector.broadcast %and3A_999 : i32 to vector<16xi32>
        %and3A_1001 = arith.andi %shift_right_logical3A_998, %and3A_1000 : vector<16xi32>
        %add3A_1002 = arith.constant 32767 : i32
        %add3A_1003 = vector.broadcast %add3A_1002 : i32 to vector<16xi32>
        %add3A_1004 = arith.addi %add3A_1003, %and3A_1001 : vector<16xi32>
        %add3A_1005 = arith.addi %bitcast3A_995, %add3A_1004 : vector<16xi32>
        %and3A_1006 = arith.constant -65536 : i32
        %and3A_1007 = vector.broadcast %and3A_1006 : i32 to vector<16xi32>
        %and3A_1008 = arith.andi %add3A_1005, %and3A_1007 : vector<16xi32>
        %bitcast3A_1009 = vector.bitcast %and3A_1008 : vector<16xi32> to vector<16xf32>
        %add3A_1010 = arith.constant 5.000000e-01 : f32
        %add3A_1011 = vector.broadcast %add3A_1010 : f32 to vector<16xf32>
        %add3A_1012 = arith.addf %add3A_973, %add3A_1011 : vector<16xf32>
        %convert_element_type3A_1013 = arith.fptosi %add3A_1012 : vector<16xf32> to vector<16xi32>
        %convert_element_type3A_1014 = arith.sitofp %convert_element_type3A_1013 : vector<16xi32> to vector<16xf32>
        %lt3A_1015 = arith.cmpf olt, %add3A_1012, %convert_element_type3A_1014 : vector<16xf32>
        %jit3A_1016 = arith.constant 1.000000e+00 : f32
        %jit3A_1017 = arith.constant 0.000000e+00 : f32
        %broadcast_in_dim3A_1018 = vector.broadcast %jit3A_1016 : f32 to vector<16xf32>
        %broadcast_in_dim3A_1019 = vector.broadcast %jit3A_1017 : f32 to vector<16xf32>
        %select_n3A_1020 = arith.select %lt3A_1015, %broadcast_in_dim3A_1018, %broadcast_in_dim3A_1019 : vector<16xi1>, vector<16xf32>
        %sub3A_1021 = arith.subf %convert_element_type3A_1014, %select_n3A_1020 : vector<16xf32>
        %sub3A_1022 = arith.subf %add3A_973, %sub3A_1021 : vector<16xf32>
        %bitcast3A_1023 = vector.bitcast %sub3A_1022 : vector<16xf32> to vector<16xi32>
        %shift_right_logical3A_1024 = arith.constant 16 : i32
        %shift_right_logical3A_1025 = vector.broadcast %shift_right_logical3A_1024 : i32 to vector<16xi32>
        %shift_right_logical3A_1026 = arith.shrui %bitcast3A_1023, %shift_right_logical3A_1025 : vector<16xi32>
        %and3A_1027 = arith.constant 1 : i32
        %and3A_1028 = vector.broadcast %and3A_1027 : i32 to vector<16xi32>
        %and3A_1029 = arith.andi %shift_right_logical3A_1026, %and3A_1028 : vector<16xi32>
        %add3A_1030 = arith.constant 32767 : i32
        %add3A_1031 = vector.broadcast %add3A_1030 : i32 to vector<16xi32>
        %add3A_1032 = arith.addi %add3A_1031, %and3A_1029 : vector<16xi32>
        %add3A_1033 = arith.addi %bitcast3A_1023, %add3A_1032 : vector<16xi32>
        %and3A_1034 = arith.constant -65536 : i32
        %and3A_1035 = vector.broadcast %and3A_1034 : i32 to vector<16xi32>
        %and3A_1036 = arith.andi %add3A_1033, %and3A_1035 : vector<16xi32>
        %bitcast3A_1037 = vector.bitcast %and3A_1036 : vector<16xi32> to vector<16xf32>
        %add3A_1038 = arith.constant 5.000000e-01 : f32
        %add3A_1039 = vector.broadcast %add3A_1038 : f32 to vector<16xf32>
        %add3A_1040 = arith.addf %add3A_981, %add3A_1039 : vector<16xf32>
        %convert_element_type3A_1041 = arith.fptosi %add3A_1040 : vector<16xf32> to vector<16xi32>
        %convert_element_type3A_1042 = arith.sitofp %convert_element_type3A_1041 : vector<16xi32> to vector<16xf32>
        %lt3A_1043 = arith.cmpf olt, %add3A_1040, %convert_element_type3A_1042 : vector<16xf32>
        %jit3A_1044 = arith.constant 1.000000e+00 : f32
        %jit3A_1045 = arith.constant 0.000000e+00 : f32
        %broadcast_in_dim3A_1046 = vector.broadcast %jit3A_1044 : f32 to vector<16xf32>
        %broadcast_in_dim3A_1047 = vector.broadcast %jit3A_1045 : f32 to vector<16xf32>
        %select_n3A_1048 = arith.select %lt3A_1043, %broadcast_in_dim3A_1046, %broadcast_in_dim3A_1047 : vector<16xi1>, vector<16xf32>
        %sub3A_1049 = arith.subf %convert_element_type3A_1042, %select_n3A_1048 : vector<16xf32>
        %sub3A_1050 = arith.subf %add3A_981, %sub3A_1049 : vector<16xf32>
        %bitcast3A_1051 = vector.bitcast %sub3A_1050 : vector<16xf32> to vector<16xi32>
        %shift_right_logical3A_1052 = arith.constant 16 : i32
        %shift_right_logical3A_1053 = vector.broadcast %shift_right_logical3A_1052 : i32 to vector<16xi32>
        %shift_right_logical3A_1054 = arith.shrui %bitcast3A_1051, %shift_right_logical3A_1053 : vector<16xi32>
        %and3A_1055 = arith.constant 1 : i32
        %and3A_1056 = vector.broadcast %and3A_1055 : i32 to vector<16xi32>
        %and3A_1057 = arith.andi %shift_right_logical3A_1054, %and3A_1056 : vector<16xi32>
        %add3A_1058 = arith.constant 32767 : i32
        %add3A_1059 = vector.broadcast %add3A_1058 : i32 to vector<16xi32>
        %add3A_1060 = arith.addi %add3A_1059, %and3A_1057 : vector<16xi32>
        %add3A_1061 = arith.addi %bitcast3A_1051, %add3A_1060 : vector<16xi32>
        %and3A_1062 = arith.constant -65536 : i32
        %and3A_1063 = vector.broadcast %and3A_1062 : i32 to vector<16xi32>
        %and3A_1064 = arith.andi %add3A_1061, %and3A_1063 : vector<16xi32>
        %bitcast3A_1065 = vector.bitcast %and3A_1064 : vector<16xi32> to vector<16xf32>
        %mul3A_1066 = vector.broadcast %squeeze3A_21 : f32 to vector<16xf32>
        %mul3A_1067 = arith.mulf %bitcast3A_1009, %mul3A_1066 : vector<16xf32>
        %mul3A_1068 = vector.broadcast %squeeze3A_27 : f32 to vector<16xf32>
        %mul3A_1069 = arith.mulf %bitcast3A_1037, %mul3A_1068 : vector<16xf32>
        %add3A_1070 = arith.addf %mul3A_1067, %mul3A_1069 : vector<16xf32>
        %mul3A_1071 = vector.broadcast %squeeze3A_33 : f32 to vector<16xf32>
        %mul3A_1072 = arith.mulf %bitcast3A_1065, %mul3A_1071 : vector<16xf32>
        %add3A_1073 = arith.addf %add3A_1070, %mul3A_1072 : vector<16xf32>
        %mul3A_1074 = vector.broadcast %squeeze3A_23 : f32 to vector<16xf32>
        %mul3A_1075 = arith.mulf %bitcast3A_1009, %mul3A_1074 : vector<16xf32>
        %mul3A_1076 = vector.broadcast %squeeze3A_29 : f32 to vector<16xf32>
        %mul3A_1077 = arith.mulf %bitcast3A_1037, %mul3A_1076 : vector<16xf32>
        %add3A_1078 = arith.addf %mul3A_1075, %mul3A_1077 : vector<16xf32>
        %mul3A_1079 = vector.broadcast %squeeze3A_35 : f32 to vector<16xf32>
        %mul3A_1080 = arith.mulf %bitcast3A_1065, %mul3A_1079 : vector<16xf32>
        %add3A_1081 = arith.addf %add3A_1078, %mul3A_1080 : vector<16xf32>
        %mul3A_1082 = vector.broadcast %squeeze3A_25 : f32 to vector<16xf32>
        %mul3A_1083 = arith.mulf %bitcast3A_1009, %mul3A_1082 : vector<16xf32>
        %mul3A_1084 = vector.broadcast %squeeze3A_31 : f32 to vector<16xf32>
        %mul3A_1085 = arith.mulf %bitcast3A_1037, %mul3A_1084 : vector<16xf32>
        %add3A_1086 = arith.addf %mul3A_1083, %mul3A_1085 : vector<16xf32>
        %mul3A_1087 = vector.broadcast %squeeze3A_37 : f32 to vector<16xf32>
        %mul3A_1088 = arith.mulf %bitcast3A_1065, %mul3A_1087 : vector<16xf32>
        %add3A_1089 = arith.addf %add3A_1086, %mul3A_1088 : vector<16xf32>
        %mul3A_1090 = arith.mulf %add3A_1073, %add3A_1073 : vector<16xf32>
        %mul3A_1091 = arith.mulf %add3A_1081, %add3A_1081 : vector<16xf32>
        %add3A_1092 = arith.addf %mul3A_1090, %mul3A_1091 : vector<16xf32>
        %mul3A_1093 = arith.mulf %add3A_1089, %add3A_1089 : vector<16xf32>
        %add3A_1094 = arith.addf %add3A_1092, %mul3A_1093 : vector<16xf32>
        %add3A_1095 = arith.addf %gather3A_888, %gather3A_905 : vector<16xf32>
        %mul3A_1096 = arith.mulf %gather3A_892, %gather3A_909 : vector<16xf32>
        %mul3A_1097 = arith.mulf %add3A_1095, %add3A_1095 : vector<16xf32>
        %div3A_1098 = arith.divf %mul3A_1097, %add3A_1094 : vector<16xf32>
        %mul3A_1099 = arith.mulf %div3A_1098, %div3A_1098 : vector<16xf32>
        %mul3A_1100 = arith.mulf %mul3A_1099, %div3A_1098 : vector<16xf32>
        %mul3A_1101 = arith.mulf %mul3A_1096, %mul3A_1100 : vector<16xf32>
        %sub3A_1102 = arith.constant 1.000000e+00 : f32
        %sub3A_1103 = vector.broadcast %sub3A_1102 : f32 to vector<16xf32>
        %sub3A_1104 = arith.subf %mul3A_1100, %sub3A_1103 : vector<16xf32>
        %mul3A_1105 = arith.mulf %mul3A_1101, %sub3A_1104 : vector<16xf32>
        %le3A_1106 = vector.broadcast %squeeze3A_39 : f32 to vector<16xf32>
        %le3A_1107 = arith.cmpf ole, %add3A_1094, %le3A_1106 : vector<16xf32>
        %jit3A_1108 = arith.constant 0.000000e+00 : f32
        %broadcast_in_dim3A_1109 = vector.broadcast %jit3A_1108 : f32 to vector<16xf32>
        %select_n3A_1110 = arith.select %le3A_1107, %mul3A_1105, %broadcast_in_dim3A_1109 : vector<16xi1>, vector<16xf32>
        %add3A_1111 = arith.addf %add3A_621, %select_n3A_1110 : vector<16xf32>
        %add3A_1112 = arith.constant 64 : i32
        %add3A_1113 = arith.addi %add3A_138, %add3A_1112 : i32
        %add3A_1114 = vector.broadcast %add3A_1113 : i32 to vector<16xi32>
        %add3A_1115 = arith.addi %iota3A, %add3A_1114 : vector<16xi32>
        %add3A_1116 = arith.constant 128 : i32
        %add3A_1117 = vector.broadcast %add3A_1116 : i32 to vector<16xi32>
        %add3A_1118 = arith.addi %add3A_1115, %add3A_1117 : vector<16xi32>
        %broadcast_in_dim3A_1119 = arith.constant 0 : i32
        %broadcast_in_dim3A_1120 = vector.broadcast %broadcast_in_dim3A_1119 : i32 to vector<16xi32>
        %gather3A_1121 = tpu.vector_load_idx %arg7[%add3A_1115, %broadcast_in_dim3A_1120] : memref<4096x8xf32, #tpu.memory_space<vmem>>[vector<16xi32>, vector<16xi32>], vector<16xf32>,
        %add3A_1122 = arith.constant 1 : i32
        %add3A_1123 = vector.broadcast %add3A_1122 : i32 to vector<16xi32>
        %add3A_1124 = arith.addi %broadcast_in_dim3A_1120, %add3A_1123 : vector<16xi32>
        %gather3A_1125 = tpu.vector_load_idx %arg7[%add3A_1115, %add3A_1124] : memref<4096x8xf32, #tpu.memory_space<vmem>>[vector<16xi32>, vector<16xi32>], vector<16xf32>,
        %add3A_1126 = arith.constant 2 : i32
        %add3A_1127 = vector.broadcast %add3A_1126 : i32 to vector<16xi32>
        %add3A_1128 = arith.addi %broadcast_in_dim3A_1120, %add3A_1127 : vector<16xi32>
        %gather3A_1129 = tpu.vector_load_idx %arg7[%add3A_1115, %add3A_1128] : memref<4096x8xf32, #tpu.memory_space<vmem>>[vector<16xi32>, vector<16xi32>], vector<16xf32>,
        %add3A_1130 = arith.constant 3 : i32
        %add3A_1131 = vector.broadcast %add3A_1130 : i32 to vector<16xi32>
        %add3A_1132 = arith.addi %broadcast_in_dim3A_1120, %add3A_1131 : vector<16xi32>
        %gather3A_1133 = tpu.vector_load_idx %arg7[%add3A_1115, %add3A_1132] : memref<4096x8xf32, #tpu.memory_space<vmem>>[vector<16xi32>, vector<16xi32>], vector<16xf32>,
        %add3A_1134 = arith.constant 4 : i32
        %add3A_1135 = vector.broadcast %add3A_1134 : i32 to vector<16xi32>
        %add3A_1136 = arith.addi %broadcast_in_dim3A_1120, %add3A_1135 : vector<16xi32>
        %gather3A_1137 = tpu.vector_load_idx %arg7[%add3A_1115, %add3A_1136] : memref<4096x8xf32, #tpu.memory_space<vmem>>[vector<16xi32>, vector<16xi32>], vector<16xf32>,
        %gather3A_1138 = tpu.vector_load_idx %arg7[%add3A_1118, %broadcast_in_dim3A_1120] : memref<4096x8xf32, #tpu.memory_space<vmem>>[vector<16xi32>, vector<16xi32>], vector<16xf32>,
        %add3A_1139 = arith.constant 1 : i32
        %add3A_1140 = vector.broadcast %add3A_1139 : i32 to vector<16xi32>
        %add3A_1141 = arith.addi %broadcast_in_dim3A_1120, %add3A_1140 : vector<16xi32>
        %gather3A_1142 = tpu.vector_load_idx %arg7[%add3A_1118, %add3A_1141] : memref<4096x8xf32, #tpu.memory_space<vmem>>[vector<16xi32>, vector<16xi32>], vector<16xf32>,
        %add3A_1143 = arith.constant 2 : i32
        %add3A_1144 = vector.broadcast %add3A_1143 : i32 to vector<16xi32>
        %add3A_1145 = arith.addi %broadcast_in_dim3A_1120, %add3A_1144 : vector<16xi32>
        %gather3A_1146 = tpu.vector_load_idx %arg7[%add3A_1118, %add3A_1145] : memref<4096x8xf32, #tpu.memory_space<vmem>>[vector<16xi32>, vector<16xi32>], vector<16xf32>,
        %add3A_1147 = arith.constant 3 : i32
        %add3A_1148 = vector.broadcast %add3A_1147 : i32 to vector<16xi32>
        %add3A_1149 = arith.addi %broadcast_in_dim3A_1120, %add3A_1148 : vector<16xi32>
        %gather3A_1150 = tpu.vector_load_idx %arg7[%add3A_1118, %add3A_1149] : memref<4096x8xf32, #tpu.memory_space<vmem>>[vector<16xi32>, vector<16xi32>], vector<16xf32>,
        %add3A_1151 = arith.constant 4 : i32
        %add3A_1152 = vector.broadcast %add3A_1151 : i32 to vector<16xi32>
        %add3A_1153 = arith.addi %broadcast_in_dim3A_1120, %add3A_1152 : vector<16xi32>
        %gather3A_1154 = tpu.vector_load_idx %arg7[%add3A_1118, %add3A_1153] : memref<4096x8xf32, #tpu.memory_space<vmem>>[vector<16xi32>, vector<16xi32>], vector<16xf32>,
        %sub3A_1155 = arith.subf %gather3A_1121, %gather3A_1138 : vector<16xf32>
        %bitcast3A_1156 = vector.bitcast %sub3A_1155 : vector<16xf32> to vector<16xi32>
        %shift_right_logical3A_1157 = arith.constant 16 : i32
        %shift_right_logical3A_1158 = vector.broadcast %shift_right_logical3A_1157 : i32 to vector<16xi32>
        %shift_right_logical3A_1159 = arith.shrui %bitcast3A_1156, %shift_right_logical3A_1158 : vector<16xi32>
        %and3A_1160 = arith.constant 1 : i32
        %and3A_1161 = vector.broadcast %and3A_1160 : i32 to vector<16xi32>
        %and3A_1162 = arith.andi %shift_right_logical3A_1159, %and3A_1161 : vector<16xi32>
        %add3A_1163 = arith.constant 32767 : i32
        %add3A_1164 = vector.broadcast %add3A_1163 : i32 to vector<16xi32>
        %add3A_1165 = arith.addi %add3A_1164, %and3A_1162 : vector<16xi32>
        %add3A_1166 = arith.addi %bitcast3A_1156, %add3A_1165 : vector<16xi32>
        %and3A_1167 = arith.constant -65536 : i32
        %and3A_1168 = vector.broadcast %and3A_1167 : i32 to vector<16xi32>
        %and3A_1169 = arith.andi %add3A_1166, %and3A_1168 : vector<16xi32>
        %bitcast3A_1170 = vector.bitcast %and3A_1169 : vector<16xi32> to vector<16xf32>
        %sub3A_1171 = arith.subf %gather3A_1125, %gather3A_1142 : vector<16xf32>
        %bitcast3A_1172 = vector.bitcast %sub3A_1171 : vector<16xf32> to vector<16xi32>
        %shift_right_logical3A_1173 = arith.constant 16 : i32
        %shift_right_logical3A_1174 = vector.broadcast %shift_right_logical3A_1173 : i32 to vector<16xi32>
        %shift_right_logical3A_1175 = arith.shrui %bitcast3A_1172, %shift_right_logical3A_1174 : vector<16xi32>
        %and3A_1176 = arith.constant 1 : i32
        %and3A_1177 = vector.broadcast %and3A_1176 : i32 to vector<16xi32>
        %and3A_1178 = arith.andi %shift_right_logical3A_1175, %and3A_1177 : vector<16xi32>
        %add3A_1179 = arith.constant 32767 : i32
        %add3A_1180 = vector.broadcast %add3A_1179 : i32 to vector<16xi32>
        %add3A_1181 = arith.addi %add3A_1180, %and3A_1178 : vector<16xi32>
        %add3A_1182 = arith.addi %bitcast3A_1172, %add3A_1181 : vector<16xi32>
        %and3A_1183 = arith.constant -65536 : i32
        %and3A_1184 = vector.broadcast %and3A_1183 : i32 to vector<16xi32>
        %and3A_1185 = arith.andi %add3A_1182, %and3A_1184 : vector<16xi32>
        %bitcast3A_1186 = vector.bitcast %and3A_1185 : vector<16xi32> to vector<16xf32>
        %sub3A_1187 = arith.subf %gather3A_1129, %gather3A_1146 : vector<16xf32>
        %bitcast3A_1188 = vector.bitcast %sub3A_1187 : vector<16xf32> to vector<16xi32>
        %shift_right_logical3A_1189 = arith.constant 16 : i32
        %shift_right_logical3A_1190 = vector.broadcast %shift_right_logical3A_1189 : i32 to vector<16xi32>
        %shift_right_logical3A_1191 = arith.shrui %bitcast3A_1188, %shift_right_logical3A_1190 : vector<16xi32>
        %and3A_1192 = arith.constant 1 : i32
        %and3A_1193 = vector.broadcast %and3A_1192 : i32 to vector<16xi32>
        %and3A_1194 = arith.andi %shift_right_logical3A_1191, %and3A_1193 : vector<16xi32>
        %add3A_1195 = arith.constant 32767 : i32
        %add3A_1196 = vector.broadcast %add3A_1195 : i32 to vector<16xi32>
        %add3A_1197 = arith.addi %add3A_1196, %and3A_1194 : vector<16xi32>
        %add3A_1198 = arith.addi %bitcast3A_1188, %add3A_1197 : vector<16xi32>
        %and3A_1199 = arith.constant -65536 : i32
        %and3A_1200 = vector.broadcast %and3A_1199 : i32 to vector<16xi32>
        %and3A_1201 = arith.andi %add3A_1198, %and3A_1200 : vector<16xi32>
        %bitcast3A_1202 = vector.bitcast %and3A_1201 : vector<16xi32> to vector<16xf32>
        %mul3A_1203 = vector.broadcast %squeeze3A : f32 to vector<16xf32>
        %mul3A_1204 = arith.mulf %bitcast3A_1170, %mul3A_1203 : vector<16xf32>
        %mul3A_1205 = vector.broadcast %squeeze3A_9 : f32 to vector<16xf32>
        %mul3A_1206 = arith.mulf %bitcast3A_1186, %mul3A_1205 : vector<16xf32>
        %add3A_1207 = arith.addf %mul3A_1204, %mul3A_1206 : vector<16xf32>
        %mul3A_1208 = vector.broadcast %squeeze3A_15 : f32 to vector<16xf32>
        %mul3A_1209 = arith.mulf %bitcast3A_1202, %mul3A_1208 : vector<16xf32>
        %add3A_1210 = arith.addf %add3A_1207, %mul3A_1209 : vector<16xf32>
        %mul3A_1211 = vector.broadcast %squeeze3A_5 : f32 to vector<16xf32>
        %mul3A_1212 = arith.mulf %bitcast3A_1170, %mul3A_1211 : vector<16xf32>
        %mul3A_1213 = vector.broadcast %squeeze3A_11 : f32 to vector<16xf32>
        %mul3A_1214 = arith.mulf %bitcast3A_1186, %mul3A_1213 : vector<16xf32>
        %add3A_1215 = arith.addf %mul3A_1212, %mul3A_1214 : vector<16xf32>
        %mul3A_1216 = vector.broadcast %squeeze3A_17 : f32 to vector<16xf32>
        %mul3A_1217 = arith.mulf %bitcast3A_1202, %mul3A_1216 : vector<16xf32>
        %add3A_1218 = arith.addf %add3A_1215, %mul3A_1217 : vector<16xf32>
        %mul3A_1219 = vector.broadcast %squeeze3A_7 : f32 to vector<16xf32>
        %mul3A_1220 = arith.mulf %bitcast3A_1170, %mul3A_1219 : vector<16xf32>
        %mul3A_1221 = vector.broadcast %squeeze3A_13 : f32 to vector<16xf32>
        %mul3A_1222 = arith.mulf %bitcast3A_1186, %mul3A_1221 : vector<16xf32>
        %add3A_1223 = arith.addf %mul3A_1220, %mul3A_1222 : vector<16xf32>
        %mul3A_1224 = vector.broadcast %squeeze3A_19 : f32 to vector<16xf32>
        %mul3A_1225 = arith.mulf %bitcast3A_1202, %mul3A_1224 : vector<16xf32>
        %add3A_1226 = arith.addf %add3A_1223, %mul3A_1225 : vector<16xf32>
        %add3A_1227 = arith.constant 5.000000e-01 : f32
        %add3A_1228 = vector.broadcast %add3A_1227 : f32 to vector<16xf32>
        %add3A_1229 = arith.addf %add3A_1210, %add3A_1228 : vector<16xf32>
        %convert_element_type3A_1230 = arith.fptosi %add3A_1229 : vector<16xf32> to vector<16xi32>
        %convert_element_type3A_1231 = arith.sitofp %convert_element_type3A_1230 : vector<16xi32> to vector<16xf32>
        %lt3A_1232 = arith.cmpf olt, %add3A_1229, %convert_element_type3A_1231 : vector<16xf32>
        %jit3A_1233 = arith.constant 1.000000e+00 : f32
        %jit3A_1234 = arith.constant 0.000000e+00 : f32
        %broadcast_in_dim3A_1235 = vector.broadcast %jit3A_1233 : f32 to vector<16xf32>
        %broadcast_in_dim3A_1236 = vector.broadcast %jit3A_1234 : f32 to vector<16xf32>
        %select_n3A_1237 = arith.select %lt3A_1232, %broadcast_in_dim3A_1235, %broadcast_in_dim3A_1236 : vector<16xi1>, vector<16xf32>
        %sub3A_1238 = arith.subf %convert_element_type3A_1231, %select_n3A_1237 : vector<16xf32>
        %sub3A_1239 = arith.subf %add3A_1210, %sub3A_1238 : vector<16xf32>
        %bitcast3A_1240 = vector.bitcast %sub3A_1239 : vector<16xf32> to vector<16xi32>
        %shift_right_logical3A_1241 = arith.constant 16 : i32
        %shift_right_logical3A_1242 = vector.broadcast %shift_right_logical3A_1241 : i32 to vector<16xi32>
        %shift_right_logical3A_1243 = arith.shrui %bitcast3A_1240, %shift_right_logical3A_1242 : vector<16xi32>
        %and3A_1244 = arith.constant 1 : i32
        %and3A_1245 = vector.broadcast %and3A_1244 : i32 to vector<16xi32>
        %and3A_1246 = arith.andi %shift_right_logical3A_1243, %and3A_1245 : vector<16xi32>
        %add3A_1247 = arith.constant 32767 : i32
        %add3A_1248 = vector.broadcast %add3A_1247 : i32 to vector<16xi32>
        %add3A_1249 = arith.addi %add3A_1248, %and3A_1246 : vector<16xi32>
        %add3A_1250 = arith.addi %bitcast3A_1240, %add3A_1249 : vector<16xi32>
        %and3A_1251 = arith.constant -65536 : i32
        %and3A_1252 = vector.broadcast %and3A_1251 : i32 to vector<16xi32>
        %and3A_1253 = arith.andi %add3A_1250, %and3A_1252 : vector<16xi32>
        %bitcast3A_1254 = vector.bitcast %and3A_1253 : vector<16xi32> to vector<16xf32>
        %add3A_1255 = arith.constant 5.000000e-01 : f32
        %add3A_1256 = vector.broadcast %add3A_1255 : f32 to vector<16xf32>
        %add3A_1257 = arith.addf %add3A_1218, %add3A_1256 : vector<16xf32>
        %convert_element_type3A_1258 = arith.fptosi %add3A_1257 : vector<16xf32> to vector<16xi32>
        %convert_element_type3A_1259 = arith.sitofp %convert_element_type3A_1258 : vector<16xi32> to vector<16xf32>
        %lt3A_1260 = arith.cmpf olt, %add3A_1257, %convert_element_type3A_1259 : vector<16xf32>
        %jit3A_1261 = arith.constant 1.000000e+00 : f32
        %jit3A_1262 = arith.constant 0.000000e+00 : f32
        %broadcast_in_dim3A_1263 = vector.broadcast %jit3A_1261 : f32 to vector<16xf32>
        %broadcast_in_dim3A_1264 = vector.broadcast %jit3A_1262 : f32 to vector<16xf32>
        %select_n3A_1265 = arith.select %lt3A_1260, %broadcast_in_dim3A_1263, %broadcast_in_dim3A_1264 : vector<16xi1>, vector<16xf32>
        %sub3A_1266 = arith.subf %convert_element_type3A_1259, %select_n3A_1265 : vector<16xf32>
        %sub3A_1267 = arith.subf %add3A_1218, %sub3A_1266 : vector<16xf32>
        %bitcast3A_1268 = vector.bitcast %sub3A_1267 : vector<16xf32> to vector<16xi32>
        %shift_right_logical3A_1269 = arith.constant 16 : i32
        %shift_right_logical3A_1270 = vector.broadcast %shift_right_logical3A_1269 : i32 to vector<16xi32>
        %shift_right_logical3A_1271 = arith.shrui %bitcast3A_1268, %shift_right_logical3A_1270 : vector<16xi32>
        %and3A_1272 = arith.constant 1 : i32
        %and3A_1273 = vector.broadcast %and3A_1272 : i32 to vector<16xi32>
        %and3A_1274 = arith.andi %shift_right_logical3A_1271, %and3A_1273 : vector<16xi32>
        %add3A_1275 = arith.constant 32767 : i32
        %add3A_1276 = vector.broadcast %add3A_1275 : i32 to vector<16xi32>
        %add3A_1277 = arith.addi %add3A_1276, %and3A_1274 : vector<16xi32>
        %add3A_1278 = arith.addi %bitcast3A_1268, %add3A_1277 : vector<16xi32>
        %and3A_1279 = arith.constant -65536 : i32
        %and3A_1280 = vector.broadcast %and3A_1279 : i32 to vector<16xi32>
        %and3A_1281 = arith.andi %add3A_1278, %and3A_1280 : vector<16xi32>
        %bitcast3A_1282 = vector.bitcast %and3A_1281 : vector<16xi32> to vector<16xf32>
        %add3A_1283 = arith.constant 5.000000e-01 : f32
        %add3A_1284 = vector.broadcast %add3A_1283 : f32 to vector<16xf32>
        %add3A_1285 = arith.addf %add3A_1226, %add3A_1284 : vector<16xf32>
        %convert_element_type3A_1286 = arith.fptosi %add3A_1285 : vector<16xf32> to vector<16xi32>
        %convert_element_type3A_1287 = arith.sitofp %convert_element_type3A_1286 : vector<16xi32> to vector<16xf32>
        %lt3A_1288 = arith.cmpf olt, %add3A_1285, %convert_element_type3A_1287 : vector<16xf32>
        %jit3A_1289 = arith.constant 1.000000e+00 : f32
        %jit3A_1290 = arith.constant 0.000000e+00 : f32
        %broadcast_in_dim3A_1291 = vector.broadcast %jit3A_1289 : f32 to vector<16xf32>
        %broadcast_in_dim3A_1292 = vector.broadcast %jit3A_1290 : f32 to vector<16xf32>
        %select_n3A_1293 = arith.select %lt3A_1288, %broadcast_in_dim3A_1291, %broadcast_in_dim3A_1292 : vector<16xi1>, vector<16xf32>
        %sub3A_1294 = arith.subf %convert_element_type3A_1287, %select_n3A_1293 : vector<16xf32>
        %sub3A_1295 = arith.subf %add3A_1226, %sub3A_1294 : vector<16xf32>
        %bitcast3A_1296 = vector.bitcast %sub3A_1295 : vector<16xf32> to vector<16xi32>
        %shift_right_logical3A_1297 = arith.constant 16 : i32
        %shift_right_logical3A_1298 = vector.broadcast %shift_right_logical3A_1297 : i32 to vector<16xi32>
        %shift_right_logical3A_1299 = arith.shrui %bitcast3A_1296, %shift_right_logical3A_1298 : vector<16xi32>
        %and3A_1300 = arith.constant 1 : i32
        %and3A_1301 = vector.broadcast %and3A_1300 : i32 to vector<16xi32>
        %and3A_1302 = arith.andi %shift_right_logical3A_1299, %and3A_1301 : vector<16xi32>
        %add3A_1303 = arith.constant 32767 : i32
        %add3A_1304 = vector.broadcast %add3A_1303 : i32 to vector<16xi32>
        %add3A_1305 = arith.addi %add3A_1304, %and3A_1302 : vector<16xi32>
        %add3A_1306 = arith.addi %bitcast3A_1296, %add3A_1305 : vector<16xi32>
        %and3A_1307 = arith.constant -65536 : i32
        %and3A_1308 = vector.broadcast %and3A_1307 : i32 to vector<16xi32>
        %and3A_1309 = arith.andi %add3A_1306, %and3A_1308 : vector<16xi32>
        %bitcast3A_1310 = vector.bitcast %and3A_1309 : vector<16xi32> to vector<16xf32>
        %mul3A_1311 = vector.broadcast %squeeze3A_21 : f32 to vector<16xf32>
        %mul3A_1312 = arith.mulf %bitcast3A_1254, %mul3A_1311 : vector<16xf32>
        %mul3A_1313 = vector.broadcast %squeeze3A_27 : f32 to vector<16xf32>
        %mul3A_1314 = arith.mulf %bitcast3A_1282, %mul3A_1313 : vector<16xf32>
        %add3A_1315 = arith.addf %mul3A_1312, %mul3A_1314 : vector<16xf32>
        %mul3A_1316 = vector.broadcast %squeeze3A_33 : f32 to vector<16xf32>
        %mul3A_1317 = arith.mulf %bitcast3A_1310, %mul3A_1316 : vector<16xf32>
        %add3A_1318 = arith.addf %add3A_1315, %mul3A_1317 : vector<16xf32>
        %mul3A_1319 = vector.broadcast %squeeze3A_23 : f32 to vector<16xf32>
        %mul3A_1320 = arith.mulf %bitcast3A_1254, %mul3A_1319 : vector<16xf32>
        %mul3A_1321 = vector.broadcast %squeeze3A_29 : f32 to vector<16xf32>
        %mul3A_1322 = arith.mulf %bitcast3A_1282, %mul3A_1321 : vector<16xf32>
        %add3A_1323 = arith.addf %mul3A_1320, %mul3A_1322 : vector<16xf32>
        %mul3A_1324 = vector.broadcast %squeeze3A_35 : f32 to vector<16xf32>
        %mul3A_1325 = arith.mulf %bitcast3A_1310, %mul3A_1324 : vector<16xf32>
        %add3A_1326 = arith.addf %add3A_1323, %mul3A_1325 : vector<16xf32>
        %mul3A_1327 = vector.broadcast %squeeze3A_25 : f32 to vector<16xf32>
        %mul3A_1328 = arith.mulf %bitcast3A_1254, %mul3A_1327 : vector<16xf32>
        %mul3A_1329 = vector.broadcast %squeeze3A_31 : f32 to vector<16xf32>
        %mul3A_1330 = arith.mulf %bitcast3A_1282, %mul3A_1329 : vector<16xf32>
        %add3A_1331 = arith.addf %mul3A_1328, %mul3A_1330 : vector<16xf32>
        %mul3A_1332 = vector.broadcast %squeeze3A_37 : f32 to vector<16xf32>
        %mul3A_1333 = arith.mulf %bitcast3A_1310, %mul3A_1332 : vector<16xf32>
        %add3A_1334 = arith.addf %add3A_1331, %mul3A_1333 : vector<16xf32>
        %mul3A_1335 = arith.mulf %add3A_1318, %add3A_1318 : vector<16xf32>
        %mul3A_1336 = arith.mulf %add3A_1326, %add3A_1326 : vector<16xf32>
        %add3A_1337 = arith.addf %mul3A_1335, %mul3A_1336 : vector<16xf32>
        %mul3A_1338 = arith.mulf %add3A_1334, %add3A_1334 : vector<16xf32>
        %add3A_1339 = arith.addf %add3A_1337, %mul3A_1338 : vector<16xf32>
        %add3A_1340 = arith.addf %gather3A_1133, %gather3A_1150 : vector<16xf32>
        %mul3A_1341 = arith.mulf %gather3A_1137, %gather3A_1154 : vector<16xf32>
        %mul3A_1342 = arith.mulf %add3A_1340, %add3A_1340 : vector<16xf32>
        %div3A_1343 = arith.divf %mul3A_1342, %add3A_1339 : vector<16xf32>
        %mul3A_1344 = arith.mulf %div3A_1343, %div3A_1343 : vector<16xf32>
        %mul3A_1345 = arith.mulf %mul3A_1344, %div3A_1343 : vector<16xf32>
        %mul3A_1346 = arith.mulf %mul3A_1341, %mul3A_1345 : vector<16xf32>
        %sub3A_1347 = arith.constant 1.000000e+00 : f32
        %sub3A_1348 = vector.broadcast %sub3A_1347 : f32 to vector<16xf32>
        %sub3A_1349 = arith.subf %mul3A_1345, %sub3A_1348 : vector<16xf32>
        %mul3A_1350 = arith.mulf %mul3A_1346, %sub3A_1349 : vector<16xf32>
        %le3A_1351 = vector.broadcast %squeeze3A_39 : f32 to vector<16xf32>
        %le3A_1352 = arith.cmpf ole, %add3A_1339, %le3A_1351 : vector<16xf32>
        %jit3A_1353 = arith.constant 0.000000e+00 : f32
        %broadcast_in_dim3A_1354 = vector.broadcast %jit3A_1353 : f32 to vector<16xf32>
        %select_n3A_1355 = arith.select %le3A_1352, %mul3A_1350, %broadcast_in_dim3A_1354 : vector<16xi1>, vector<16xf32>
        %add3A_1356 = arith.addf %add3A_866, %select_n3A_1355 : vector<16xf32>
        %add3A_1357 = arith.constant 80 : i32
        %add3A_1358 = arith.addi %add3A_138, %add3A_1357 : i32
        %add3A_1359 = vector.broadcast %add3A_1358 : i32 to vector<16xi32>
        %add3A_1360 = arith.addi %iota3A, %add3A_1359 : vector<16xi32>
        %add3A_1361 = arith.constant 128 : i32
        %add3A_1362 = vector.broadcast %add3A_1361 : i32 to vector<16xi32>
        %add3A_1363 = arith.addi %add3A_1360, %add3A_1362 : vector<16xi32>
        %broadcast_in_dim3A_1364 = arith.constant 0 : i32
        %broadcast_in_dim3A_1365 = vector.broadcast %broadcast_in_dim3A_1364 : i32 to vector<16xi32>
        %gather3A_1366 = tpu.vector_load_idx %arg7[%add3A_1360, %broadcast_in_dim3A_1365] : memref<4096x8xf32, #tpu.memory_space<vmem>>[vector<16xi32>, vector<16xi32>], vector<16xf32>,
        %add3A_1367 = arith.constant 1 : i32
        %add3A_1368 = vector.broadcast %add3A_1367 : i32 to vector<16xi32>
        %add3A_1369 = arith.addi %broadcast_in_dim3A_1365, %add3A_1368 : vector<16xi32>
        %gather3A_1370 = tpu.vector_load_idx %arg7[%add3A_1360, %add3A_1369] : memref<4096x8xf32, #tpu.memory_space<vmem>>[vector<16xi32>, vector<16xi32>], vector<16xf32>,
        %add3A_1371 = arith.constant 2 : i32
        %add3A_1372 = vector.broadcast %add3A_1371 : i32 to vector<16xi32>
        %add3A_1373 = arith.addi %broadcast_in_dim3A_1365, %add3A_1372 : vector<16xi32>
        %gather3A_1374 = tpu.vector_load_idx %arg7[%add3A_1360, %add3A_1373] : memref<4096x8xf32, #tpu.memory_space<vmem>>[vector<16xi32>, vector<16xi32>], vector<16xf32>,
        %add3A_1375 = arith.constant 3 : i32
        %add3A_1376 = vector.broadcast %add3A_1375 : i32 to vector<16xi32>
        %add3A_1377 = arith.addi %broadcast_in_dim3A_1365, %add3A_1376 : vector<16xi32>
        %gather3A_1378 = tpu.vector_load_idx %arg7[%add3A_1360, %add3A_1377] : memref<4096x8xf32, #tpu.memory_space<vmem>>[vector<16xi32>, vector<16xi32>], vector<16xf32>,
        %add3A_1379 = arith.constant 4 : i32
        %add3A_1380 = vector.broadcast %add3A_1379 : i32 to vector<16xi32>
        %add3A_1381 = arith.addi %broadcast_in_dim3A_1365, %add3A_1380 : vector<16xi32>
        %gather3A_1382 = tpu.vector_load_idx %arg7[%add3A_1360, %add3A_1381] : memref<4096x8xf32, #tpu.memory_space<vmem>>[vector<16xi32>, vector<16xi32>], vector<16xf32>,
        %gather3A_1383 = tpu.vector_load_idx %arg7[%add3A_1363, %broadcast_in_dim3A_1365] : memref<4096x8xf32, #tpu.memory_space<vmem>>[vector<16xi32>, vector<16xi32>], vector<16xf32>,
        %add3A_1384 = arith.constant 1 : i32
        %add3A_1385 = vector.broadcast %add3A_1384 : i32 to vector<16xi32>
        %add3A_1386 = arith.addi %broadcast_in_dim3A_1365, %add3A_1385 : vector<16xi32>
        %gather3A_1387 = tpu.vector_load_idx %arg7[%add3A_1363, %add3A_1386] : memref<4096x8xf32, #tpu.memory_space<vmem>>[vector<16xi32>, vector<16xi32>], vector<16xf32>,
        %add3A_1388 = arith.constant 2 : i32
        %add3A_1389 = vector.broadcast %add3A_1388 : i32 to vector<16xi32>
        %add3A_1390 = arith.addi %broadcast_in_dim3A_1365, %add3A_1389 : vector<16xi32>
        %gather3A_1391 = tpu.vector_load_idx %arg7[%add3A_1363, %add3A_1390] : memref<4096x8xf32, #tpu.memory_space<vmem>>[vector<16xi32>, vector<16xi32>], vector<16xf32>,
        %add3A_1392 = arith.constant 3 : i32
        %add3A_1393 = vector.broadcast %add3A_1392 : i32 to vector<16xi32>
        %add3A_1394 = arith.addi %broadcast_in_dim3A_1365, %add3A_1393 : vector<16xi32>
        %gather3A_1395 = tpu.vector_load_idx %arg7[%add3A_1363, %add3A_1394] : memref<4096x8xf32, #tpu.memory_space<vmem>>[vector<16xi32>, vector<16xi32>], vector<16xf32>,
        %add3A_1396 = arith.constant 4 : i32
        %add3A_1397 = vector.broadcast %add3A_1396 : i32 to vector<16xi32>
        %add3A_1398 = arith.addi %broadcast_in_dim3A_1365, %add3A_1397 : vector<16xi32>
        %gather3A_1399 = tpu.vector_load_idx %arg7[%add3A_1363, %add3A_1398] : memref<4096x8xf32, #tpu.memory_space<vmem>>[vector<16xi32>, vector<16xi32>], vector<16xf32>,
        %sub3A_1400 = arith.subf %gather3A_1366, %gather3A_1383 : vector<16xf32>
        %bitcast3A_1401 = vector.bitcast %sub3A_1400 : vector<16xf32> to vector<16xi32>
        %shift_right_logical3A_1402 = arith.constant 16 : i32
        %shift_right_logical3A_1403 = vector.broadcast %shift_right_logical3A_1402 : i32 to vector<16xi32>
        %shift_right_logical3A_1404 = arith.shrui %bitcast3A_1401, %shift_right_logical3A_1403 : vector<16xi32>
        %and3A_1405 = arith.constant 1 : i32
        %and3A_1406 = vector.broadcast %and3A_1405 : i32 to vector<16xi32>
        %and3A_1407 = arith.andi %shift_right_logical3A_1404, %and3A_1406 : vector<16xi32>
        %add3A_1408 = arith.constant 32767 : i32
        %add3A_1409 = vector.broadcast %add3A_1408 : i32 to vector<16xi32>
        %add3A_1410 = arith.addi %add3A_1409, %and3A_1407 : vector<16xi32>
        %add3A_1411 = arith.addi %bitcast3A_1401, %add3A_1410 : vector<16xi32>
        %and3A_1412 = arith.constant -65536 : i32
        %and3A_1413 = vector.broadcast %and3A_1412 : i32 to vector<16xi32>
        %and3A_1414 = arith.andi %add3A_1411, %and3A_1413 : vector<16xi32>
        %bitcast3A_1415 = vector.bitcast %and3A_1414 : vector<16xi32> to vector<16xf32>
        %sub3A_1416 = arith.subf %gather3A_1370, %gather3A_1387 : vector<16xf32>
        %bitcast3A_1417 = vector.bitcast %sub3A_1416 : vector<16xf32> to vector<16xi32>
        %shift_right_logical3A_1418 = arith.constant 16 : i32
        %shift_right_logical3A_1419 = vector.broadcast %shift_right_logical3A_1418 : i32 to vector<16xi32>
        %shift_right_logical3A_1420 = arith.shrui %bitcast3A_1417, %shift_right_logical3A_1419 : vector<16xi32>
        %and3A_1421 = arith.constant 1 : i32
        %and3A_1422 = vector.broadcast %and3A_1421 : i32 to vector<16xi32>
        %and3A_1423 = arith.andi %shift_right_logical3A_1420, %and3A_1422 : vector<16xi32>
        %add3A_1424 = arith.constant 32767 : i32
        %add3A_1425 = vector.broadcast %add3A_1424 : i32 to vector<16xi32>
        %add3A_1426 = arith.addi %add3A_1425, %and3A_1423 : vector<16xi32>
        %add3A_1427 = arith.addi %bitcast3A_1417, %add3A_1426 : vector<16xi32>
        %and3A_1428 = arith.constant -65536 : i32
        %and3A_1429 = vector.broadcast %and3A_1428 : i32 to vector<16xi32>
        %and3A_1430 = arith.andi %add3A_1427, %and3A_1429 : vector<16xi32>
        %bitcast3A_1431 = vector.bitcast %and3A_1430 : vector<16xi32> to vector<16xf32>
        %sub3A_1432 = arith.subf %gather3A_1374, %gather3A_1391 : vector<16xf32>
        %bitcast3A_1433 = vector.bitcast %sub3A_1432 : vector<16xf32> to vector<16xi32>
        %shift_right_logical3A_1434 = arith.constant 16 : i32
        %shift_right_logical3A_1435 = vector.broadcast %shift_right_logical3A_1434 : i32 to vector<16xi32>
        %shift_right_logical3A_1436 = arith.shrui %bitcast3A_1433, %shift_right_logical3A_1435 : vector<16xi32>
        %and3A_1437 = arith.constant 1 : i32
        %and3A_1438 = vector.broadcast %and3A_1437 : i32 to vector<16xi32>
        %and3A_1439 = arith.andi %shift_right_logical3A_1436, %and3A_1438 : vector<16xi32>
        %add3A_1440 = arith.constant 32767 : i32
        %add3A_1441 = vector.broadcast %add3A_1440 : i32 to vector<16xi32>
        %add3A_1442 = arith.addi %add3A_1441, %and3A_1439 : vector<16xi32>
        %add3A_1443 = arith.addi %bitcast3A_1433, %add3A_1442 : vector<16xi32>
        %and3A_1444 = arith.constant -65536 : i32
        %and3A_1445 = vector.broadcast %and3A_1444 : i32 to vector<16xi32>
        %and3A_1446 = arith.andi %add3A_1443, %and3A_1445 : vector<16xi32>
        %bitcast3A_1447 = vector.bitcast %and3A_1446 : vector<16xi32> to vector<16xf32>
        %mul3A_1448 = vector.broadcast %squeeze3A : f32 to vector<16xf32>
        %mul3A_1449 = arith.mulf %bitcast3A_1415, %mul3A_1448 : vector<16xf32>
        %mul3A_1450 = vector.broadcast %squeeze3A_9 : f32 to vector<16xf32>
        %mul3A_1451 = arith.mulf %bitcast3A_1431, %mul3A_1450 : vector<16xf32>
        %add3A_1452 = arith.addf %mul3A_1449, %mul3A_1451 : vector<16xf32>
        %mul3A_1453 = vector.broadcast %squeeze3A_15 : f32 to vector<16xf32>
        %mul3A_1454 = arith.mulf %bitcast3A_1447, %mul3A_1453 : vector<16xf32>
        %add3A_1455 = arith.addf %add3A_1452, %mul3A_1454 : vector<16xf32>
        %mul3A_1456 = vector.broadcast %squeeze3A_5 : f32 to vector<16xf32>
        %mul3A_1457 = arith.mulf %bitcast3A_1415, %mul3A_1456 : vector<16xf32>
        %mul3A_1458 = vector.broadcast %squeeze3A_11 : f32 to vector<16xf32>
        %mul3A_1459 = arith.mulf %bitcast3A_1431, %mul3A_1458 : vector<16xf32>
        %add3A_1460 = arith.addf %mul3A_1457, %mul3A_1459 : vector<16xf32>
        %mul3A_1461 = vector.broadcast %squeeze3A_17 : f32 to vector<16xf32>
        %mul3A_1462 = arith.mulf %bitcast3A_1447, %mul3A_1461 : vector<16xf32>
        %add3A_1463 = arith.addf %add3A_1460, %mul3A_1462 : vector<16xf32>
        %mul3A_1464 = vector.broadcast %squeeze3A_7 : f32 to vector<16xf32>
        %mul3A_1465 = arith.mulf %bitcast3A_1415, %mul3A_1464 : vector<16xf32>
        %mul3A_1466 = vector.broadcast %squeeze3A_13 : f32 to vector<16xf32>
        %mul3A_1467 = arith.mulf %bitcast3A_1431, %mul3A_1466 : vector<16xf32>
        %add3A_1468 = arith.addf %mul3A_1465, %mul3A_1467 : vector<16xf32>
        %mul3A_1469 = vector.broadcast %squeeze3A_19 : f32 to vector<16xf32>
        %mul3A_1470 = arith.mulf %bitcast3A_1447, %mul3A_1469 : vector<16xf32>
        %add3A_1471 = arith.addf %add3A_1468, %mul3A_1470 : vector<16xf32>
        %add3A_1472 = arith.constant 5.000000e-01 : f32
        %add3A_1473 = vector.broadcast %add3A_1472 : f32 to vector<16xf32>
        %add3A_1474 = arith.addf %add3A_1455, %add3A_1473 : vector<16xf32>
        %convert_element_type3A_1475 = arith.fptosi %add3A_1474 : vector<16xf32> to vector<16xi32>
        %convert_element_type3A_1476 = arith.sitofp %convert_element_type3A_1475 : vector<16xi32> to vector<16xf32>
        %lt3A_1477 = arith.cmpf olt, %add3A_1474, %convert_element_type3A_1476 : vector<16xf32>
        %jit3A_1478 = arith.constant 1.000000e+00 : f32
        %jit3A_1479 = arith.constant 0.000000e+00 : f32
        %broadcast_in_dim3A_1480 = vector.broadcast %jit3A_1478 : f32 to vector<16xf32>
        %broadcast_in_dim3A_1481 = vector.broadcast %jit3A_1479 : f32 to vector<16xf32>
        %select_n3A_1482 = arith.select %lt3A_1477, %broadcast_in_dim3A_1480, %broadcast_in_dim3A_1481 : vector<16xi1>, vector<16xf32>
        %sub3A_1483 = arith.subf %convert_element_type3A_1476, %select_n3A_1482 : vector<16xf32>
        %sub3A_1484 = arith.subf %add3A_1455, %sub3A_1483 : vector<16xf32>
        %bitcast3A_1485 = vector.bitcast %sub3A_1484 : vector<16xf32> to vector<16xi32>
        %shift_right_logical3A_1486 = arith.constant 16 : i32
        %shift_right_logical3A_1487 = vector.broadcast %shift_right_logical3A_1486 : i32 to vector<16xi32>
        %shift_right_logical3A_1488 = arith.shrui %bitcast3A_1485, %shift_right_logical3A_1487 : vector<16xi32>
        %and3A_1489 = arith.constant 1 : i32
        %and3A_1490 = vector.broadcast %and3A_1489 : i32 to vector<16xi32>
        %and3A_1491 = arith.andi %shift_right_logical3A_1488, %and3A_1490 : vector<16xi32>
        %add3A_1492 = arith.constant 32767 : i32
        %add3A_1493 = vector.broadcast %add3A_1492 : i32 to vector<16xi32>
        %add3A_1494 = arith.addi %add3A_1493, %and3A_1491 : vector<16xi32>
        %add3A_1495 = arith.addi %bitcast3A_1485, %add3A_1494 : vector<16xi32>
        %and3A_1496 = arith.constant -65536 : i32
        %and3A_1497 = vector.broadcast %and3A_1496 : i32 to vector<16xi32>
        %and3A_1498 = arith.andi %add3A_1495, %and3A_1497 : vector<16xi32>
        %bitcast3A_1499 = vector.bitcast %and3A_1498 : vector<16xi32> to vector<16xf32>
        %add3A_1500 = arith.constant 5.000000e-01 : f32
        %add3A_1501 = vector.broadcast %add3A_1500 : f32 to vector<16xf32>
        %add3A_1502 = arith.addf %add3A_1463, %add3A_1501 : vector<16xf32>
        %convert_element_type3A_1503 = arith.fptosi %add3A_1502 : vector<16xf32> to vector<16xi32>
        %convert_element_type3A_1504 = arith.sitofp %convert_element_type3A_1503 : vector<16xi32> to vector<16xf32>
        %lt3A_1505 = arith.cmpf olt, %add3A_1502, %convert_element_type3A_1504 : vector<16xf32>
        %jit3A_1506 = arith.constant 1.000000e+00 : f32
        %jit3A_1507 = arith.constant 0.000000e+00 : f32
        %broadcast_in_dim3A_1508 = vector.broadcast %jit3A_1506 : f32 to vector<16xf32>
        %broadcast_in_dim3A_1509 = vector.broadcast %jit3A_1507 : f32 to vector<16xf32>
        %select_n3A_1510 = arith.select %lt3A_1505, %broadcast_in_dim3A_1508, %broadcast_in_dim3A_1509 : vector<16xi1>, vector<16xf32>
        %sub3A_1511 = arith.subf %convert_element_type3A_1504, %select_n3A_1510 : vector<16xf32>
        %sub3A_1512 = arith.subf %add3A_1463, %sub3A_1511 : vector<16xf32>
        %bitcast3A_1513 = vector.bitcast %sub3A_1512 : vector<16xf32> to vector<16xi32>
        %shift_right_logical3A_1514 = arith.constant 16 : i32
        %shift_right_logical3A_1515 = vector.broadcast %shift_right_logical3A_1514 : i32 to vector<16xi32>
        %shift_right_logical3A_1516 = arith.shrui %bitcast3A_1513, %shift_right_logical3A_1515 : vector<16xi32>
        %and3A_1517 = arith.constant 1 : i32
        %and3A_1518 = vector.broadcast %and3A_1517 : i32 to vector<16xi32>
        %and3A_1519 = arith.andi %shift_right_logical3A_1516, %and3A_1518 : vector<16xi32>
        %add3A_1520 = arith.constant 32767 : i32
        %add3A_1521 = vector.broadcast %add3A_1520 : i32 to vector<16xi32>
        %add3A_1522 = arith.addi %add3A_1521, %and3A_1519 : vector<16xi32>
        %add3A_1523 = arith.addi %bitcast3A_1513, %add3A_1522 : vector<16xi32>
        %and3A_1524 = arith.constant -65536 : i32
        %and3A_1525 = vector.broadcast %and3A_1524 : i32 to vector<16xi32>
        %and3A_1526 = arith.andi %add3A_1523, %and3A_1525 : vector<16xi32>
        %bitcast3A_1527 = vector.bitcast %and3A_1526 : vector<16xi32> to vector<16xf32>
        %add3A_1528 = arith.constant 5.000000e-01 : f32
        %add3A_1529 = vector.broadcast %add3A_1528 : f32 to vector<16xf32>
        %add3A_1530 = arith.addf %add3A_1471, %add3A_1529 : vector<16xf32>
        %convert_element_type3A_1531 = arith.fptosi %add3A_1530 : vector<16xf32> to vector<16xi32>
        %convert_element_type3A_1532 = arith.sitofp %convert_element_type3A_1531 : vector<16xi32> to vector<16xf32>
        %lt3A_1533 = arith.cmpf olt, %add3A_1530, %convert_element_type3A_1532 : vector<16xf32>
        %jit3A_1534 = arith.constant 1.000000e+00 : f32
        %jit3A_1535 = arith.constant 0.000000e+00 : f32
        %broadcast_in_dim3A_1536 = vector.broadcast %jit3A_1534 : f32 to vector<16xf32>
        %broadcast_in_dim3A_1537 = vector.broadcast %jit3A_1535 : f32 to vector<16xf32>
        %select_n3A_1538 = arith.select %lt3A_1533, %broadcast_in_dim3A_1536, %broadcast_in_dim3A_1537 : vector<16xi1>, vector<16xf32>
        %sub3A_1539 = arith.subf %convert_element_type3A_1532, %select_n3A_1538 : vector<16xf32>
        %sub3A_1540 = arith.subf %add3A_1471, %sub3A_1539 : vector<16xf32>
        %bitcast3A_1541 = vector.bitcast %sub3A_1540 : vector<16xf32> to vector<16xi32>
        %shift_right_logical3A_1542 = arith.constant 16 : i32
        %shift_right_logical3A_1543 = vector.broadcast %shift_right_logical3A_1542 : i32 to vector<16xi32>
        %shift_right_logical3A_1544 = arith.shrui %bitcast3A_1541, %shift_right_logical3A_1543 : vector<16xi32>
        %and3A_1545 = arith.constant 1 : i32
        %and3A_1546 = vector.broadcast %and3A_1545 : i32 to vector<16xi32>
        %and3A_1547 = arith.andi %shift_right_logical3A_1544, %and3A_1546 : vector<16xi32>
        %add3A_1548 = arith.constant 32767 : i32
        %add3A_1549 = vector.broadcast %add3A_1548 : i32 to vector<16xi32>
        %add3A_1550 = arith.addi %add3A_1549, %and3A_1547 : vector<16xi32>
        %add3A_1551 = arith.addi %bitcast3A_1541, %add3A_1550 : vector<16xi32>
        %and3A_1552 = arith.constant -65536 : i32
        %and3A_1553 = vector.broadcast %and3A_1552 : i32 to vector<16xi32>
        %and3A_1554 = arith.andi %add3A_1551, %and3A_1553 : vector<16xi32>
        %bitcast3A_1555 = vector.bitcast %and3A_1554 : vector<16xi32> to vector<16xf32>
        %mul3A_1556 = vector.broadcast %squeeze3A_21 : f32 to vector<16xf32>
        %mul3A_1557 = arith.mulf %bitcast3A_1499, %mul3A_1556 : vector<16xf32>
        %mul3A_1558 = vector.broadcast %squeeze3A_27 : f32 to vector<16xf32>
        %mul3A_1559 = arith.mulf %bitcast3A_1527, %mul3A_1558 : vector<16xf32>
        %add3A_1560 = arith.addf %mul3A_1557, %mul3A_1559 : vector<16xf32>
        %mul3A_1561 = vector.broadcast %squeeze3A_33 : f32 to vector<16xf32>
        %mul3A_1562 = arith.mulf %bitcast3A_1555, %mul3A_1561 : vector<16xf32>
        %add3A_1563 = arith.addf %add3A_1560, %mul3A_1562 : vector<16xf32>
        %mul3A_1564 = vector.broadcast %squeeze3A_23 : f32 to vector<16xf32>
        %mul3A_1565 = arith.mulf %bitcast3A_1499, %mul3A_1564 : vector<16xf32>
        %mul3A_1566 = vector.broadcast %squeeze3A_29 : f32 to vector<16xf32>
        %mul3A_1567 = arith.mulf %bitcast3A_1527, %mul3A_1566 : vector<16xf32>
        %add3A_1568 = arith.addf %mul3A_1565, %mul3A_1567 : vector<16xf32>
        %mul3A_1569 = vector.broadcast %squeeze3A_35 : f32 to vector<16xf32>
        %mul3A_1570 = arith.mulf %bitcast3A_1555, %mul3A_1569 : vector<16xf32>
        %add3A_1571 = arith.addf %add3A_1568, %mul3A_1570 : vector<16xf32>
        %mul3A_1572 = vector.broadcast %squeeze3A_25 : f32 to vector<16xf32>
        %mul3A_1573 = arith.mulf %bitcast3A_1499, %mul3A_1572 : vector<16xf32>
        %mul3A_1574 = vector.broadcast %squeeze3A_31 : f32 to vector<16xf32>
        %mul3A_1575 = arith.mulf %bitcast3A_1527, %mul3A_1574 : vector<16xf32>
        %add3A_1576 = arith.addf %mul3A_1573, %mul3A_1575 : vector<16xf32>
        %mul3A_1577 = vector.broadcast %squeeze3A_37 : f32 to vector<16xf32>
        %mul3A_1578 = arith.mulf %bitcast3A_1555, %mul3A_1577 : vector<16xf32>
        %add3A_1579 = arith.addf %add3A_1576, %mul3A_1578 : vector<16xf32>
        %mul3A_1580 = arith.mulf %add3A_1563, %add3A_1563 : vector<16xf32>
        %mul3A_1581 = arith.mulf %add3A_1571, %add3A_1571 : vector<16xf32>
        %add3A_1582 = arith.addf %mul3A_1580, %mul3A_1581 : vector<16xf32>
        %mul3A_1583 = arith.mulf %add3A_1579, %add3A_1579 : vector<16xf32>
        %add3A_1584 = arith.addf %add3A_1582, %mul3A_1583 : vector<16xf32>
        %add3A_1585 = arith.addf %gather3A_1378, %gather3A_1395 : vector<16xf32>
        %mul3A_1586 = arith.mulf %gather3A_1382, %gather3A_1399 : vector<16xf32>
        %mul3A_1587 = arith.mulf %add3A_1585, %add3A_1585 : vector<16xf32>
        %div3A_1588 = arith.divf %mul3A_1587, %add3A_1584 : vector<16xf32>
        %mul3A_1589 = arith.mulf %div3A_1588, %div3A_1588 : vector<16xf32>
        %mul3A_1590 = arith.mulf %mul3A_1589, %div3A_1588 : vector<16xf32>
        %mul3A_1591 = arith.mulf %mul3A_1586, %mul3A_1590 : vector<16xf32>
        %sub3A_1592 = arith.constant 1.000000e+00 : f32
        %sub3A_1593 = vector.broadcast %sub3A_1592 : f32 to vector<16xf32>
        %sub3A_1594 = arith.subf %mul3A_1590, %sub3A_1593 : vector<16xf32>
        %mul3A_1595 = arith.mulf %mul3A_1591, %sub3A_1594 : vector<16xf32>
        %le3A_1596 = vector.broadcast %squeeze3A_39 : f32 to vector<16xf32>
        %le3A_1597 = arith.cmpf ole, %add3A_1584, %le3A_1596 : vector<16xf32>
        %jit3A_1598 = arith.constant 0.000000e+00 : f32
        %broadcast_in_dim3A_1599 = vector.broadcast %jit3A_1598 : f32 to vector<16xf32>
        %select_n3A_1600 = arith.select %le3A_1597, %mul3A_1595, %broadcast_in_dim3A_1599 : vector<16xi1>, vector<16xf32>
        %add3A_1601 = arith.addf %add3A_1111, %select_n3A_1600 : vector<16xf32>
        %add3A_1602 = arith.constant 96 : i32
        %add3A_1603 = arith.addi %add3A_138, %add3A_1602 : i32
        %add3A_1604 = vector.broadcast %add3A_1603 : i32 to vector<16xi32>
        %add3A_1605 = arith.addi %iota3A, %add3A_1604 : vector<16xi32>
        %add3A_1606 = arith.constant 128 : i32
        %add3A_1607 = vector.broadcast %add3A_1606 : i32 to vector<16xi32>
        %add3A_1608 = arith.addi %add3A_1605, %add3A_1607 : vector<16xi32>
        %broadcast_in_dim3A_1609 = arith.constant 0 : i32
        %broadcast_in_dim3A_1610 = vector.broadcast %broadcast_in_dim3A_1609 : i32 to vector<16xi32>
        %gather3A_1611 = tpu.vector_load_idx %arg7[%add3A_1605, %broadcast_in_dim3A_1610] : memref<4096x8xf32, #tpu.memory_space<vmem>>[vector<16xi32>, vector<16xi32>], vector<16xf32>,
        %add3A_1612 = arith.constant 1 : i32
        %add3A_1613 = vector.broadcast %add3A_1612 : i32 to vector<16xi32>
        %add3A_1614 = arith.addi %broadcast_in_dim3A_1610, %add3A_1613 : vector<16xi32>
        %gather3A_1615 = tpu.vector_load_idx %arg7[%add3A_1605, %add3A_1614] : memref<4096x8xf32, #tpu.memory_space<vmem>>[vector<16xi32>, vector<16xi32>], vector<16xf32>,
        %add3A_1616 = arith.constant 2 : i32
        %add3A_1617 = vector.broadcast %add3A_1616 : i32 to vector<16xi32>
        %add3A_1618 = arith.addi %broadcast_in_dim3A_1610, %add3A_1617 : vector<16xi32>
        %gather3A_1619 = tpu.vector_load_idx %arg7[%add3A_1605, %add3A_1618] : memref<4096x8xf32, #tpu.memory_space<vmem>>[vector<16xi32>, vector<16xi32>], vector<16xf32>,
        %add3A_1620 = arith.constant 3 : i32
        %add3A_1621 = vector.broadcast %add3A_1620 : i32 to vector<16xi32>
        %add3A_1622 = arith.addi %broadcast_in_dim3A_1610, %add3A_1621 : vector<16xi32>
        %gather3A_1623 = tpu.vector_load_idx %arg7[%add3A_1605, %add3A_1622] : memref<4096x8xf32, #tpu.memory_space<vmem>>[vector<16xi32>, vector<16xi32>], vector<16xf32>,
        %add3A_1624 = arith.constant 4 : i32
        %add3A_1625 = vector.broadcast %add3A_1624 : i32 to vector<16xi32>
        %add3A_1626 = arith.addi %broadcast_in_dim3A_1610, %add3A_1625 : vector<16xi32>
        %gather3A_1627 = tpu.vector_load_idx %arg7[%add3A_1605, %add3A_1626] : memref<4096x8xf32, #tpu.memory_space<vmem>>[vector<16xi32>, vector<16xi32>], vector<16xf32>,
        %gather3A_1628 = tpu.vector_load_idx %arg7[%add3A_1608, %broadcast_in_dim3A_1610] : memref<4096x8xf32, #tpu.memory_space<vmem>>[vector<16xi32>, vector<16xi32>], vector<16xf32>,
        %add3A_1629 = arith.constant 1 : i32
        %add3A_1630 = vector.broadcast %add3A_1629 : i32 to vector<16xi32>
        %add3A_1631 = arith.addi %broadcast_in_dim3A_1610, %add3A_1630 : vector<16xi32>
        %gather3A_1632 = tpu.vector_load_idx %arg7[%add3A_1608, %add3A_1631] : memref<4096x8xf32, #tpu.memory_space<vmem>>[vector<16xi32>, vector<16xi32>], vector<16xf32>,
        %add3A_1633 = arith.constant 2 : i32
        %add3A_1634 = vector.broadcast %add3A_1633 : i32 to vector<16xi32>
        %add3A_1635 = arith.addi %broadcast_in_dim3A_1610, %add3A_1634 : vector<16xi32>
        %gather3A_1636 = tpu.vector_load_idx %arg7[%add3A_1608, %add3A_1635] : memref<4096x8xf32, #tpu.memory_space<vmem>>[vector<16xi32>, vector<16xi32>], vector<16xf32>,
        %add3A_1637 = arith.constant 3 : i32
        %add3A_1638 = vector.broadcast %add3A_1637 : i32 to vector<16xi32>
        %add3A_1639 = arith.addi %broadcast_in_dim3A_1610, %add3A_1638 : vector<16xi32>
        %gather3A_1640 = tpu.vector_load_idx %arg7[%add3A_1608, %add3A_1639] : memref<4096x8xf32, #tpu.memory_space<vmem>>[vector<16xi32>, vector<16xi32>], vector<16xf32>,
        %add3A_1641 = arith.constant 4 : i32
        %add3A_1642 = vector.broadcast %add3A_1641 : i32 to vector<16xi32>
        %add3A_1643 = arith.addi %broadcast_in_dim3A_1610, %add3A_1642 : vector<16xi32>
        %gather3A_1644 = tpu.vector_load_idx %arg7[%add3A_1608, %add3A_1643] : memref<4096x8xf32, #tpu.memory_space<vmem>>[vector<16xi32>, vector<16xi32>], vector<16xf32>,
        %sub3A_1645 = arith.subf %gather3A_1611, %gather3A_1628 : vector<16xf32>
        %bitcast3A_1646 = vector.bitcast %sub3A_1645 : vector<16xf32> to vector<16xi32>
        %shift_right_logical3A_1647 = arith.constant 16 : i32
        %shift_right_logical3A_1648 = vector.broadcast %shift_right_logical3A_1647 : i32 to vector<16xi32>
        %shift_right_logical3A_1649 = arith.shrui %bitcast3A_1646, %shift_right_logical3A_1648 : vector<16xi32>
        %and3A_1650 = arith.constant 1 : i32
        %and3A_1651 = vector.broadcast %and3A_1650 : i32 to vector<16xi32>
        %and3A_1652 = arith.andi %shift_right_logical3A_1649, %and3A_1651 : vector<16xi32>
        %add3A_1653 = arith.constant 32767 : i32
        %add3A_1654 = vector.broadcast %add3A_1653 : i32 to vector<16xi32>
        %add3A_1655 = arith.addi %add3A_1654, %and3A_1652 : vector<16xi32>
        %add3A_1656 = arith.addi %bitcast3A_1646, %add3A_1655 : vector<16xi32>
        %and3A_1657 = arith.constant -65536 : i32
        %and3A_1658 = vector.broadcast %and3A_1657 : i32 to vector<16xi32>
        %and3A_1659 = arith.andi %add3A_1656, %and3A_1658 : vector<16xi32>
        %bitcast3A_1660 = vector.bitcast %and3A_1659 : vector<16xi32> to vector<16xf32>
        %sub3A_1661 = arith.subf %gather3A_1615, %gather3A_1632 : vector<16xf32>
        %bitcast3A_1662 = vector.bitcast %sub3A_1661 : vector<16xf32> to vector<16xi32>
        %shift_right_logical3A_1663 = arith.constant 16 : i32
        %shift_right_logical3A_1664 = vector.broadcast %shift_right_logical3A_1663 : i32 to vector<16xi32>
        %shift_right_logical3A_1665 = arith.shrui %bitcast3A_1662, %shift_right_logical3A_1664 : vector<16xi32>
        %and3A_1666 = arith.constant 1 : i32
        %and3A_1667 = vector.broadcast %and3A_1666 : i32 to vector<16xi32>
        %and3A_1668 = arith.andi %shift_right_logical3A_1665, %and3A_1667 : vector<16xi32>
        %add3A_1669 = arith.constant 32767 : i32
        %add3A_1670 = vector.broadcast %add3A_1669 : i32 to vector<16xi32>
        %add3A_1671 = arith.addi %add3A_1670, %and3A_1668 : vector<16xi32>
        %add3A_1672 = arith.addi %bitcast3A_1662, %add3A_1671 : vector<16xi32>
        %and3A_1673 = arith.constant -65536 : i32
        %and3A_1674 = vector.broadcast %and3A_1673 : i32 to vector<16xi32>
        %and3A_1675 = arith.andi %add3A_1672, %and3A_1674 : vector<16xi32>
        %bitcast3A_1676 = vector.bitcast %and3A_1675 : vector<16xi32> to vector<16xf32>
        %sub3A_1677 = arith.subf %gather3A_1619, %gather3A_1636 : vector<16xf32>
        %bitcast3A_1678 = vector.bitcast %sub3A_1677 : vector<16xf32> to vector<16xi32>
        %shift_right_logical3A_1679 = arith.constant 16 : i32
        %shift_right_logical3A_1680 = vector.broadcast %shift_right_logical3A_1679 : i32 to vector<16xi32>
        %shift_right_logical3A_1681 = arith.shrui %bitcast3A_1678, %shift_right_logical3A_1680 : vector<16xi32>
        %and3A_1682 = arith.constant 1 : i32
        %and3A_1683 = vector.broadcast %and3A_1682 : i32 to vector<16xi32>
        %and3A_1684 = arith.andi %shift_right_logical3A_1681, %and3A_1683 : vector<16xi32>
        %add3A_1685 = arith.constant 32767 : i32
        %add3A_1686 = vector.broadcast %add3A_1685 : i32 to vector<16xi32>
        %add3A_1687 = arith.addi %add3A_1686, %and3A_1684 : vector<16xi32>
        %add3A_1688 = arith.addi %bitcast3A_1678, %add3A_1687 : vector<16xi32>
        %and3A_1689 = arith.constant -65536 : i32
        %and3A_1690 = vector.broadcast %and3A_1689 : i32 to vector<16xi32>
        %and3A_1691 = arith.andi %add3A_1688, %and3A_1690 : vector<16xi32>
        %bitcast3A_1692 = vector.bitcast %and3A_1691 : vector<16xi32> to vector<16xf32>
        %mul3A_1693 = vector.broadcast %squeeze3A : f32 to vector<16xf32>
        %mul3A_1694 = arith.mulf %bitcast3A_1660, %mul3A_1693 : vector<16xf32>
        %mul3A_1695 = vector.broadcast %squeeze3A_9 : f32 to vector<16xf32>
        %mul3A_1696 = arith.mulf %bitcast3A_1676, %mul3A_1695 : vector<16xf32>
        %add3A_1697 = arith.addf %mul3A_1694, %mul3A_1696 : vector<16xf32>
        %mul3A_1698 = vector.broadcast %squeeze3A_15 : f32 to vector<16xf32>
        %mul3A_1699 = arith.mulf %bitcast3A_1692, %mul3A_1698 : vector<16xf32>
        %add3A_1700 = arith.addf %add3A_1697, %mul3A_1699 : vector<16xf32>
        %mul3A_1701 = vector.broadcast %squeeze3A_5 : f32 to vector<16xf32>
        %mul3A_1702 = arith.mulf %bitcast3A_1660, %mul3A_1701 : vector<16xf32>
        %mul3A_1703 = vector.broadcast %squeeze3A_11 : f32 to vector<16xf32>
        %mul3A_1704 = arith.mulf %bitcast3A_1676, %mul3A_1703 : vector<16xf32>
        %add3A_1705 = arith.addf %mul3A_1702, %mul3A_1704 : vector<16xf32>
        %mul3A_1706 = vector.broadcast %squeeze3A_17 : f32 to vector<16xf32>
        %mul3A_1707 = arith.mulf %bitcast3A_1692, %mul3A_1706 : vector<16xf32>
        %add3A_1708 = arith.addf %add3A_1705, %mul3A_1707 : vector<16xf32>
        %mul3A_1709 = vector.broadcast %squeeze3A_7 : f32 to vector<16xf32>
        %mul3A_1710 = arith.mulf %bitcast3A_1660, %mul3A_1709 : vector<16xf32>
        %mul3A_1711 = vector.broadcast %squeeze3A_13 : f32 to vector<16xf32>
        %mul3A_1712 = arith.mulf %bitcast3A_1676, %mul3A_1711 : vector<16xf32>
        %add3A_1713 = arith.addf %mul3A_1710, %mul3A_1712 : vector<16xf32>
        %mul3A_1714 = vector.broadcast %squeeze3A_19 : f32 to vector<16xf32>
        %mul3A_1715 = arith.mulf %bitcast3A_1692, %mul3A_1714 : vector<16xf32>
        %add3A_1716 = arith.addf %add3A_1713, %mul3A_1715 : vector<16xf32>
        %add3A_1717 = arith.constant 5.000000e-01 : f32
        %add3A_1718 = vector.broadcast %add3A_1717 : f32 to vector<16xf32>
        %add3A_1719 = arith.addf %add3A_1700, %add3A_1718 : vector<16xf32>
        %convert_element_type3A_1720 = arith.fptosi %add3A_1719 : vector<16xf32> to vector<16xi32>
        %convert_element_type3A_1721 = arith.sitofp %convert_element_type3A_1720 : vector<16xi32> to vector<16xf32>
        %lt3A_1722 = arith.cmpf olt, %add3A_1719, %convert_element_type3A_1721 : vector<16xf32>
        %jit3A_1723 = arith.constant 1.000000e+00 : f32
        %jit3A_1724 = arith.constant 0.000000e+00 : f32
        %broadcast_in_dim3A_1725 = vector.broadcast %jit3A_1723 : f32 to vector<16xf32>
        %broadcast_in_dim3A_1726 = vector.broadcast %jit3A_1724 : f32 to vector<16xf32>
        %select_n3A_1727 = arith.select %lt3A_1722, %broadcast_in_dim3A_1725, %broadcast_in_dim3A_1726 : vector<16xi1>, vector<16xf32>
        %sub3A_1728 = arith.subf %convert_element_type3A_1721, %select_n3A_1727 : vector<16xf32>
        %sub3A_1729 = arith.subf %add3A_1700, %sub3A_1728 : vector<16xf32>
        %bitcast3A_1730 = vector.bitcast %sub3A_1729 : vector<16xf32> to vector<16xi32>
        %shift_right_logical3A_1731 = arith.constant 16 : i32
        %shift_right_logical3A_1732 = vector.broadcast %shift_right_logical3A_1731 : i32 to vector<16xi32>
        %shift_right_logical3A_1733 = arith.shrui %bitcast3A_1730, %shift_right_logical3A_1732 : vector<16xi32>
        %and3A_1734 = arith.constant 1 : i32
        %and3A_1735 = vector.broadcast %and3A_1734 : i32 to vector<16xi32>
        %and3A_1736 = arith.andi %shift_right_logical3A_1733, %and3A_1735 : vector<16xi32>
        %add3A_1737 = arith.constant 32767 : i32
        %add3A_1738 = vector.broadcast %add3A_1737 : i32 to vector<16xi32>
        %add3A_1739 = arith.addi %add3A_1738, %and3A_1736 : vector<16xi32>
        %add3A_1740 = arith.addi %bitcast3A_1730, %add3A_1739 : vector<16xi32>
        %and3A_1741 = arith.constant -65536 : i32
        %and3A_1742 = vector.broadcast %and3A_1741 : i32 to vector<16xi32>
        %and3A_1743 = arith.andi %add3A_1740, %and3A_1742 : vector<16xi32>
        %bitcast3A_1744 = vector.bitcast %and3A_1743 : vector<16xi32> to vector<16xf32>
        %add3A_1745 = arith.constant 5.000000e-01 : f32
        %add3A_1746 = vector.broadcast %add3A_1745 : f32 to vector<16xf32>
        %add3A_1747 = arith.addf %add3A_1708, %add3A_1746 : vector<16xf32>
        %convert_element_type3A_1748 = arith.fptosi %add3A_1747 : vector<16xf32> to vector<16xi32>
        %convert_element_type3A_1749 = arith.sitofp %convert_element_type3A_1748 : vector<16xi32> to vector<16xf32>
        %lt3A_1750 = arith.cmpf olt, %add3A_1747, %convert_element_type3A_1749 : vector<16xf32>
        %jit3A_1751 = arith.constant 1.000000e+00 : f32
        %jit3A_1752 = arith.constant 0.000000e+00 : f32
        %broadcast_in_dim3A_1753 = vector.broadcast %jit3A_1751 : f32 to vector<16xf32>
        %broadcast_in_dim3A_1754 = vector.broadcast %jit3A_1752 : f32 to vector<16xf32>
        %select_n3A_1755 = arith.select %lt3A_1750, %broadcast_in_dim3A_1753, %broadcast_in_dim3A_1754 : vector<16xi1>, vector<16xf32>
        %sub3A_1756 = arith.subf %convert_element_type3A_1749, %select_n3A_1755 : vector<16xf32>
        %sub3A_1757 = arith.subf %add3A_1708, %sub3A_1756 : vector<16xf32>
        %bitcast3A_1758 = vector.bitcast %sub3A_1757 : vector<16xf32> to vector<16xi32>
        %shift_right_logical3A_1759 = arith.constant 16 : i32
        %shift_right_logical3A_1760 = vector.broadcast %shift_right_logical3A_1759 : i32 to vector<16xi32>
        %shift_right_logical3A_1761 = arith.shrui %bitcast3A_1758, %shift_right_logical3A_1760 : vector<16xi32>
        %and3A_1762 = arith.constant 1 : i32
        %and3A_1763 = vector.broadcast %and3A_1762 : i32 to vector<16xi32>
        %and3A_1764 = arith.andi %shift_right_logical3A_1761, %and3A_1763 : vector<16xi32>
        %add3A_1765 = arith.constant 32767 : i32
        %add3A_1766 = vector.broadcast %add3A_1765 : i32 to vector<16xi32>
        %add3A_1767 = arith.addi %add3A_1766, %and3A_1764 : vector<16xi32>
        %add3A_1768 = arith.addi %bitcast3A_1758, %add3A_1767 : vector<16xi32>
        %and3A_1769 = arith.constant -65536 : i32
        %and3A_1770 = vector.broadcast %and3A_1769 : i32 to vector<16xi32>
        %and3A_1771 = arith.andi %add3A_1768, %and3A_1770 : vector<16xi32>
        %bitcast3A_1772 = vector.bitcast %and3A_1771 : vector<16xi32> to vector<16xf32>
        %add3A_1773 = arith.constant 5.000000e-01 : f32
        %add3A_1774 = vector.broadcast %add3A_1773 : f32 to vector<16xf32>
        %add3A_1775 = arith.addf %add3A_1716, %add3A_1774 : vector<16xf32>
        %convert_element_type3A_1776 = arith.fptosi %add3A_1775 : vector<16xf32> to vector<16xi32>
        %convert_element_type3A_1777 = arith.sitofp %convert_element_type3A_1776 : vector<16xi32> to vector<16xf32>
        %lt3A_1778 = arith.cmpf olt, %add3A_1775, %convert_element_type3A_1777 : vector<16xf32>
        %jit3A_1779 = arith.constant 1.000000e+00 : f32
        %jit3A_1780 = arith.constant 0.000000e+00 : f32
        %broadcast_in_dim3A_1781 = vector.broadcast %jit3A_1779 : f32 to vector<16xf32>
        %broadcast_in_dim3A_1782 = vector.broadcast %jit3A_1780 : f32 to vector<16xf32>
        %select_n3A_1783 = arith.select %lt3A_1778, %broadcast_in_dim3A_1781, %broadcast_in_dim3A_1782 : vector<16xi1>, vector<16xf32>
        %sub3A_1784 = arith.subf %convert_element_type3A_1777, %select_n3A_1783 : vector<16xf32>
        %sub3A_1785 = arith.subf %add3A_1716, %sub3A_1784 : vector<16xf32>
        %bitcast3A_1786 = vector.bitcast %sub3A_1785 : vector<16xf32> to vector<16xi32>
        %shift_right_logical3A_1787 = arith.constant 16 : i32
        %shift_right_logical3A_1788 = vector.broadcast %shift_right_logical3A_1787 : i32 to vector<16xi32>
        %shift_right_logical3A_1789 = arith.shrui %bitcast3A_1786, %shift_right_logical3A_1788 : vector<16xi32>
        %and3A_1790 = arith.constant 1 : i32
        %and3A_1791 = vector.broadcast %and3A_1790 : i32 to vector<16xi32>
        %and3A_1792 = arith.andi %shift_right_logical3A_1789, %and3A_1791 : vector<16xi32>
        %add3A_1793 = arith.constant 32767 : i32
        %add3A_1794 = vector.broadcast %add3A_1793 : i32 to vector<16xi32>
        %add3A_1795 = arith.addi %add3A_1794, %and3A_1792 : vector<16xi32>
        %add3A_1796 = arith.addi %bitcast3A_1786, %add3A_1795 : vector<16xi32>
        %and3A_1797 = arith.constant -65536 : i32
        %and3A_1798 = vector.broadcast %and3A_1797 : i32 to vector<16xi32>
        %and3A_1799 = arith.andi %add3A_1796, %and3A_1798 : vector<16xi32>
        %bitcast3A_1800 = vector.bitcast %and3A_1799 : vector<16xi32> to vector<16xf32>
        %mul3A_1801 = vector.broadcast %squeeze3A_21 : f32 to vector<16xf32>
        %mul3A_1802 = arith.mulf %bitcast3A_1744, %mul3A_1801 : vector<16xf32>
        %mul3A_1803 = vector.broadcast %squeeze3A_27 : f32 to vector<16xf32>
        %mul3A_1804 = arith.mulf %bitcast3A_1772, %mul3A_1803 : vector<16xf32>
        %add3A_1805 = arith.addf %mul3A_1802, %mul3A_1804 : vector<16xf32>
        %mul3A_1806 = vector.broadcast %squeeze3A_33 : f32 to vector<16xf32>
        %mul3A_1807 = arith.mulf %bitcast3A_1800, %mul3A_1806 : vector<16xf32>
        %add3A_1808 = arith.addf %add3A_1805, %mul3A_1807 : vector<16xf32>
        %mul3A_1809 = vector.broadcast %squeeze3A_23 : f32 to vector<16xf32>
        %mul3A_1810 = arith.mulf %bitcast3A_1744, %mul3A_1809 : vector<16xf32>
        %mul3A_1811 = vector.broadcast %squeeze3A_29 : f32 to vector<16xf32>
        %mul3A_1812 = arith.mulf %bitcast3A_1772, %mul3A_1811 : vector<16xf32>
        %add3A_1813 = arith.addf %mul3A_1810, %mul3A_1812 : vector<16xf32>
        %mul3A_1814 = vector.broadcast %squeeze3A_35 : f32 to vector<16xf32>
        %mul3A_1815 = arith.mulf %bitcast3A_1800, %mul3A_1814 : vector<16xf32>
        %add3A_1816 = arith.addf %add3A_1813, %mul3A_1815 : vector<16xf32>
        %mul3A_1817 = vector.broadcast %squeeze3A_25 : f32 to vector<16xf32>
        %mul3A_1818 = arith.mulf %bitcast3A_1744, %mul3A_1817 : vector<16xf32>
        %mul3A_1819 = vector.broadcast %squeeze3A_31 : f32 to vector<16xf32>
        %mul3A_1820 = arith.mulf %bitcast3A_1772, %mul3A_1819 : vector<16xf32>
        %add3A_1821 = arith.addf %mul3A_1818, %mul3A_1820 : vector<16xf32>
        %mul3A_1822 = vector.broadcast %squeeze3A_37 : f32 to vector<16xf32>
        %mul3A_1823 = arith.mulf %bitcast3A_1800, %mul3A_1822 : vector<16xf32>
        %add3A_1824 = arith.addf %add3A_1821, %mul3A_1823 : vector<16xf32>
        %mul3A_1825 = arith.mulf %add3A_1808, %add3A_1808 : vector<16xf32>
        %mul3A_1826 = arith.mulf %add3A_1816, %add3A_1816 : vector<16xf32>
        %add3A_1827 = arith.addf %mul3A_1825, %mul3A_1826 : vector<16xf32>
        %mul3A_1828 = arith.mulf %add3A_1824, %add3A_1824 : vector<16xf32>
        %add3A_1829 = arith.addf %add3A_1827, %mul3A_1828 : vector<16xf32>
        %add3A_1830 = arith.addf %gather3A_1623, %gather3A_1640 : vector<16xf32>
        %mul3A_1831 = arith.mulf %gather3A_1627, %gather3A_1644 : vector<16xf32>
        %mul3A_1832 = arith.mulf %add3A_1830, %add3A_1830 : vector<16xf32>
        %div3A_1833 = arith.divf %mul3A_1832, %add3A_1829 : vector<16xf32>
        %mul3A_1834 = arith.mulf %div3A_1833, %div3A_1833 : vector<16xf32>
        %mul3A_1835 = arith.mulf %mul3A_1834, %div3A_1833 : vector<16xf32>
        %mul3A_1836 = arith.mulf %mul3A_1831, %mul3A_1835 : vector<16xf32>
        %sub3A_1837 = arith.constant 1.000000e+00 : f32
        %sub3A_1838 = vector.broadcast %sub3A_1837 : f32 to vector<16xf32>
        %sub3A_1839 = arith.subf %mul3A_1835, %sub3A_1838 : vector<16xf32>
        %mul3A_1840 = arith.mulf %mul3A_1836, %sub3A_1839 : vector<16xf32>
        %le3A_1841 = vector.broadcast %squeeze3A_39 : f32 to vector<16xf32>
        %le3A_1842 = arith.cmpf ole, %add3A_1829, %le3A_1841 : vector<16xf32>
        %jit3A_1843 = arith.constant 0.000000e+00 : f32
        %broadcast_in_dim3A_1844 = vector.broadcast %jit3A_1843 : f32 to vector<16xf32>
        %select_n3A_1845 = arith.select %le3A_1842, %mul3A_1840, %broadcast_in_dim3A_1844 : vector<16xi1>, vector<16xf32>
        %add3A_1846 = arith.addf %add3A_1356, %select_n3A_1845 : vector<16xf32>
        %add3A_1847 = arith.constant 112 : i32
        %add3A_1848 = arith.addi %add3A_138, %add3A_1847 : i32
        %add3A_1849 = vector.broadcast %add3A_1848 : i32 to vector<16xi32>
        %add3A_1850 = arith.addi %iota3A, %add3A_1849 : vector<16xi32>
        %add3A_1851 = arith.constant 128 : i32
        %add3A_1852 = vector.broadcast %add3A_1851 : i32 to vector<16xi32>
        %add3A_1853 = arith.addi %add3A_1850, %add3A_1852 : vector<16xi32>
        %broadcast_in_dim3A_1854 = arith.constant 0 : i32
        %broadcast_in_dim3A_1855 = vector.broadcast %broadcast_in_dim3A_1854 : i32 to vector<16xi32>
        %gather3A_1856 = tpu.vector_load_idx %arg7[%add3A_1850, %broadcast_in_dim3A_1855] : memref<4096x8xf32, #tpu.memory_space<vmem>>[vector<16xi32>, vector<16xi32>], vector<16xf32>,
        %add3A_1857 = arith.constant 1 : i32
        %add3A_1858 = vector.broadcast %add3A_1857 : i32 to vector<16xi32>
        %add3A_1859 = arith.addi %broadcast_in_dim3A_1855, %add3A_1858 : vector<16xi32>
        %gather3A_1860 = tpu.vector_load_idx %arg7[%add3A_1850, %add3A_1859] : memref<4096x8xf32, #tpu.memory_space<vmem>>[vector<16xi32>, vector<16xi32>], vector<16xf32>,
        %add3A_1861 = arith.constant 2 : i32
        %add3A_1862 = vector.broadcast %add3A_1861 : i32 to vector<16xi32>
        %add3A_1863 = arith.addi %broadcast_in_dim3A_1855, %add3A_1862 : vector<16xi32>
        %gather3A_1864 = tpu.vector_load_idx %arg7[%add3A_1850, %add3A_1863] : memref<4096x8xf32, #tpu.memory_space<vmem>>[vector<16xi32>, vector<16xi32>], vector<16xf32>,
        %add3A_1865 = arith.constant 3 : i32
        %add3A_1866 = vector.broadcast %add3A_1865 : i32 to vector<16xi32>
        %add3A_1867 = arith.addi %broadcast_in_dim3A_1855, %add3A_1866 : vector<16xi32>
        %gather3A_1868 = tpu.vector_load_idx %arg7[%add3A_1850, %add3A_1867] : memref<4096x8xf32, #tpu.memory_space<vmem>>[vector<16xi32>, vector<16xi32>], vector<16xf32>,
        %add3A_1869 = arith.constant 4 : i32
        %add3A_1870 = vector.broadcast %add3A_1869 : i32 to vector<16xi32>
        %add3A_1871 = arith.addi %broadcast_in_dim3A_1855, %add3A_1870 : vector<16xi32>
        %gather3A_1872 = tpu.vector_load_idx %arg7[%add3A_1850, %add3A_1871] : memref<4096x8xf32, #tpu.memory_space<vmem>>[vector<16xi32>, vector<16xi32>], vector<16xf32>,
        %gather3A_1873 = tpu.vector_load_idx %arg7[%add3A_1853, %broadcast_in_dim3A_1855] : memref<4096x8xf32, #tpu.memory_space<vmem>>[vector<16xi32>, vector<16xi32>], vector<16xf32>,
        %add3A_1874 = arith.constant 1 : i32
        %add3A_1875 = vector.broadcast %add3A_1874 : i32 to vector<16xi32>
        %add3A_1876 = arith.addi %broadcast_in_dim3A_1855, %add3A_1875 : vector<16xi32>
        %gather3A_1877 = tpu.vector_load_idx %arg7[%add3A_1853, %add3A_1876] : memref<4096x8xf32, #tpu.memory_space<vmem>>[vector<16xi32>, vector<16xi32>], vector<16xf32>,
        %add3A_1878 = arith.constant 2 : i32
        %add3A_1879 = vector.broadcast %add3A_1878 : i32 to vector<16xi32>
        %add3A_1880 = arith.addi %broadcast_in_dim3A_1855, %add3A_1879 : vector<16xi32>
        %gather3A_1881 = tpu.vector_load_idx %arg7[%add3A_1853, %add3A_1880] : memref<4096x8xf32, #tpu.memory_space<vmem>>[vector<16xi32>, vector<16xi32>], vector<16xf32>,
        %add3A_1882 = arith.constant 3 : i32
        %add3A_1883 = vector.broadcast %add3A_1882 : i32 to vector<16xi32>
        %add3A_1884 = arith.addi %broadcast_in_dim3A_1855, %add3A_1883 : vector<16xi32>
        %gather3A_1885 = tpu.vector_load_idx %arg7[%add3A_1853, %add3A_1884] : memref<4096x8xf32, #tpu.memory_space<vmem>>[vector<16xi32>, vector<16xi32>], vector<16xf32>,
        %add3A_1886 = arith.constant 4 : i32
        %add3A_1887 = vector.broadcast %add3A_1886 : i32 to vector<16xi32>
        %add3A_1888 = arith.addi %broadcast_in_dim3A_1855, %add3A_1887 : vector<16xi32>
        %gather3A_1889 = tpu.vector_load_idx %arg7[%add3A_1853, %add3A_1888] : memref<4096x8xf32, #tpu.memory_space<vmem>>[vector<16xi32>, vector<16xi32>], vector<16xf32>,
        %sub3A_1890 = arith.subf %gather3A_1856, %gather3A_1873 : vector<16xf32>
        %bitcast3A_1891 = vector.bitcast %sub3A_1890 : vector<16xf32> to vector<16xi32>
        %shift_right_logical3A_1892 = arith.constant 16 : i32
        %shift_right_logical3A_1893 = vector.broadcast %shift_right_logical3A_1892 : i32 to vector<16xi32>
        %shift_right_logical3A_1894 = arith.shrui %bitcast3A_1891, %shift_right_logical3A_1893 : vector<16xi32>
        %and3A_1895 = arith.constant 1 : i32
        %and3A_1896 = vector.broadcast %and3A_1895 : i32 to vector<16xi32>
        %and3A_1897 = arith.andi %shift_right_logical3A_1894, %and3A_1896 : vector<16xi32>
        %add3A_1898 = arith.constant 32767 : i32
        %add3A_1899 = vector.broadcast %add3A_1898 : i32 to vector<16xi32>
        %add3A_1900 = arith.addi %add3A_1899, %and3A_1897 : vector<16xi32>
        %add3A_1901 = arith.addi %bitcast3A_1891, %add3A_1900 : vector<16xi32>
        %and3A_1902 = arith.constant -65536 : i32
        %and3A_1903 = vector.broadcast %and3A_1902 : i32 to vector<16xi32>
        %and3A_1904 = arith.andi %add3A_1901, %and3A_1903 : vector<16xi32>
        %bitcast3A_1905 = vector.bitcast %and3A_1904 : vector<16xi32> to vector<16xf32>
        %sub3A_1906 = arith.subf %gather3A_1860, %gather3A_1877 : vector<16xf32>
        %bitcast3A_1907 = vector.bitcast %sub3A_1906 : vector<16xf32> to vector<16xi32>
        %shift_right_logical3A_1908 = arith.constant 16 : i32
        %shift_right_logical3A_1909 = vector.broadcast %shift_right_logical3A_1908 : i32 to vector<16xi32>
        %shift_right_logical3A_1910 = arith.shrui %bitcast3A_1907, %shift_right_logical3A_1909 : vector<16xi32>
        %and3A_1911 = arith.constant 1 : i32
        %and3A_1912 = vector.broadcast %and3A_1911 : i32 to vector<16xi32>
        %and3A_1913 = arith.andi %shift_right_logical3A_1910, %and3A_1912 : vector<16xi32>
        %add3A_1914 = arith.constant 32767 : i32
        %add3A_1915 = vector.broadcast %add3A_1914 : i32 to vector<16xi32>
        %add3A_1916 = arith.addi %add3A_1915, %and3A_1913 : vector<16xi32>
        %add3A_1917 = arith.addi %bitcast3A_1907, %add3A_1916 : vector<16xi32>
        %and3A_1918 = arith.constant -65536 : i32
        %and3A_1919 = vector.broadcast %and3A_1918 : i32 to vector<16xi32>
        %and3A_1920 = arith.andi %add3A_1917, %and3A_1919 : vector<16xi32>
        %bitcast3A_1921 = vector.bitcast %and3A_1920 : vector<16xi32> to vector<16xf32>
        %sub3A_1922 = arith.subf %gather3A_1864, %gather3A_1881 : vector<16xf32>
        %bitcast3A_1923 = vector.bitcast %sub3A_1922 : vector<16xf32> to vector<16xi32>
        %shift_right_logical3A_1924 = arith.constant 16 : i32
        %shift_right_logical3A_1925 = vector.broadcast %shift_right_logical3A_1924 : i32 to vector<16xi32>
        %shift_right_logical3A_1926 = arith.shrui %bitcast3A_1923, %shift_right_logical3A_1925 : vector<16xi32>
        %and3A_1927 = arith.constant 1 : i32
        %and3A_1928 = vector.broadcast %and3A_1927 : i32 to vector<16xi32>
        %and3A_1929 = arith.andi %shift_right_logical3A_1926, %and3A_1928 : vector<16xi32>
        %add3A_1930 = arith.constant 32767 : i32
        %add3A_1931 = vector.broadcast %add3A_1930 : i32 to vector<16xi32>
        %add3A_1932 = arith.addi %add3A_1931, %and3A_1929 : vector<16xi32>
        %add3A_1933 = arith.addi %bitcast3A_1923, %add3A_1932 : vector<16xi32>
        %and3A_1934 = arith.constant -65536 : i32
        %and3A_1935 = vector.broadcast %and3A_1934 : i32 to vector<16xi32>
        %and3A_1936 = arith.andi %add3A_1933, %and3A_1935 : vector<16xi32>
        %bitcast3A_1937 = vector.bitcast %and3A_1936 : vector<16xi32> to vector<16xf32>
        %mul3A_1938 = vector.broadcast %squeeze3A : f32 to vector<16xf32>
        %mul3A_1939 = arith.mulf %bitcast3A_1905, %mul3A_1938 : vector<16xf32>
        %mul3A_1940 = vector.broadcast %squeeze3A_9 : f32 to vector<16xf32>
        %mul3A_1941 = arith.mulf %bitcast3A_1921, %mul3A_1940 : vector<16xf32>
        %add3A_1942 = arith.addf %mul3A_1939, %mul3A_1941 : vector<16xf32>
        %mul3A_1943 = vector.broadcast %squeeze3A_15 : f32 to vector<16xf32>
        %mul3A_1944 = arith.mulf %bitcast3A_1937, %mul3A_1943 : vector<16xf32>
        %add3A_1945 = arith.addf %add3A_1942, %mul3A_1944 : vector<16xf32>
        %mul3A_1946 = vector.broadcast %squeeze3A_5 : f32 to vector<16xf32>
        %mul3A_1947 = arith.mulf %bitcast3A_1905, %mul3A_1946 : vector<16xf32>
        %mul3A_1948 = vector.broadcast %squeeze3A_11 : f32 to vector<16xf32>
        %mul3A_1949 = arith.mulf %bitcast3A_1921, %mul3A_1948 : vector<16xf32>
        %add3A_1950 = arith.addf %mul3A_1947, %mul3A_1949 : vector<16xf32>
        %mul3A_1951 = vector.broadcast %squeeze3A_17 : f32 to vector<16xf32>
        %mul3A_1952 = arith.mulf %bitcast3A_1937, %mul3A_1951 : vector<16xf32>
        %add3A_1953 = arith.addf %add3A_1950, %mul3A_1952 : vector<16xf32>
        %mul3A_1954 = vector.broadcast %squeeze3A_7 : f32 to vector<16xf32>
        %mul3A_1955 = arith.mulf %bitcast3A_1905, %mul3A_1954 : vector<16xf32>
        %mul3A_1956 = vector.broadcast %squeeze3A_13 : f32 to vector<16xf32>
        %mul3A_1957 = arith.mulf %bitcast3A_1921, %mul3A_1956 : vector<16xf32>
        %add3A_1958 = arith.addf %mul3A_1955, %mul3A_1957 : vector<16xf32>
        %mul3A_1959 = vector.broadcast %squeeze3A_19 : f32 to vector<16xf32>
        %mul3A_1960 = arith.mulf %bitcast3A_1937, %mul3A_1959 : vector<16xf32>
        %add3A_1961 = arith.addf %add3A_1958, %mul3A_1960 : vector<16xf32>
        %add3A_1962 = arith.constant 5.000000e-01 : f32
        %add3A_1963 = vector.broadcast %add3A_1962 : f32 to vector<16xf32>
        %add3A_1964 = arith.addf %add3A_1945, %add3A_1963 : vector<16xf32>
        %convert_element_type3A_1965 = arith.fptosi %add3A_1964 : vector<16xf32> to vector<16xi32>
        %convert_element_type3A_1966 = arith.sitofp %convert_element_type3A_1965 : vector<16xi32> to vector<16xf32>
        %lt3A_1967 = arith.cmpf olt, %add3A_1964, %convert_element_type3A_1966 : vector<16xf32>
        %jit3A_1968 = arith.constant 1.000000e+00 : f32
        %jit3A_1969 = arith.constant 0.000000e+00 : f32
        %broadcast_in_dim3A_1970 = vector.broadcast %jit3A_1968 : f32 to vector<16xf32>
        %broadcast_in_dim3A_1971 = vector.broadcast %jit3A_1969 : f32 to vector<16xf32>
        %select_n3A_1972 = arith.select %lt3A_1967, %broadcast_in_dim3A_1970, %broadcast_in_dim3A_1971 : vector<16xi1>, vector<16xf32>
        %sub3A_1973 = arith.subf %convert_element_type3A_1966, %select_n3A_1972 : vector<16xf32>
        %sub3A_1974 = arith.subf %add3A_1945, %sub3A_1973 : vector<16xf32>
        %bitcast3A_1975 = vector.bitcast %sub3A_1974 : vector<16xf32> to vector<16xi32>
        %shift_right_logical3A_1976 = arith.constant 16 : i32
        %shift_right_logical3A_1977 = vector.broadcast %shift_right_logical3A_1976 : i32 to vector<16xi32>
        %shift_right_logical3A_1978 = arith.shrui %bitcast3A_1975, %shift_right_logical3A_1977 : vector<16xi32>
        %and3A_1979 = arith.constant 1 : i32
        %and3A_1980 = vector.broadcast %and3A_1979 : i32 to vector<16xi32>
        %and3A_1981 = arith.andi %shift_right_logical3A_1978, %and3A_1980 : vector<16xi32>
        %add3A_1982 = arith.constant 32767 : i32
        %add3A_1983 = vector.broadcast %add3A_1982 : i32 to vector<16xi32>
        %add3A_1984 = arith.addi %add3A_1983, %and3A_1981 : vector<16xi32>
        %add3A_1985 = arith.addi %bitcast3A_1975, %add3A_1984 : vector<16xi32>
        %and3A_1986 = arith.constant -65536 : i32
        %and3A_1987 = vector.broadcast %and3A_1986 : i32 to vector<16xi32>
        %and3A_1988 = arith.andi %add3A_1985, %and3A_1987 : vector<16xi32>
        %bitcast3A_1989 = vector.bitcast %and3A_1988 : vector<16xi32> to vector<16xf32>
        %add3A_1990 = arith.constant 5.000000e-01 : f32
        %add3A_1991 = vector.broadcast %add3A_1990 : f32 to vector<16xf32>
        %add3A_1992 = arith.addf %add3A_1953, %add3A_1991 : vector<16xf32>
        %convert_element_type3A_1993 = arith.fptosi %add3A_1992 : vector<16xf32> to vector<16xi32>
        %convert_element_type3A_1994 = arith.sitofp %convert_element_type3A_1993 : vector<16xi32> to vector<16xf32>
        %lt3A_1995 = arith.cmpf olt, %add3A_1992, %convert_element_type3A_1994 : vector<16xf32>
        %jit3A_1996 = arith.constant 1.000000e+00 : f32
        %jit3A_1997 = arith.constant 0.000000e+00 : f32
        %broadcast_in_dim3A_1998 = vector.broadcast %jit3A_1996 : f32 to vector<16xf32>
        %broadcast_in_dim3A_1999 = vector.broadcast %jit3A_1997 : f32 to vector<16xf32>
        %select_n3A_2000 = arith.select %lt3A_1995, %broadcast_in_dim3A_1998, %broadcast_in_dim3A_1999 : vector<16xi1>, vector<16xf32>
        %sub3A_2001 = arith.subf %convert_element_type3A_1994, %select_n3A_2000 : vector<16xf32>
        %sub3A_2002 = arith.subf %add3A_1953, %sub3A_2001 : vector<16xf32>
        %bitcast3A_2003 = vector.bitcast %sub3A_2002 : vector<16xf32> to vector<16xi32>
        %shift_right_logical3A_2004 = arith.constant 16 : i32
        %shift_right_logical3A_2005 = vector.broadcast %shift_right_logical3A_2004 : i32 to vector<16xi32>
        %shift_right_logical3A_2006 = arith.shrui %bitcast3A_2003, %shift_right_logical3A_2005 : vector<16xi32>
        %and3A_2007 = arith.constant 1 : i32
        %and3A_2008 = vector.broadcast %and3A_2007 : i32 to vector<16xi32>
        %and3A_2009 = arith.andi %shift_right_logical3A_2006, %and3A_2008 : vector<16xi32>
        %add3A_2010 = arith.constant 32767 : i32
        %add3A_2011 = vector.broadcast %add3A_2010 : i32 to vector<16xi32>
        %add3A_2012 = arith.addi %add3A_2011, %and3A_2009 : vector<16xi32>
        %add3A_2013 = arith.addi %bitcast3A_2003, %add3A_2012 : vector<16xi32>
        %and3A_2014 = arith.constant -65536 : i32
        %and3A_2015 = vector.broadcast %and3A_2014 : i32 to vector<16xi32>
        %and3A_2016 = arith.andi %add3A_2013, %and3A_2015 : vector<16xi32>
        %bitcast3A_2017 = vector.bitcast %and3A_2016 : vector<16xi32> to vector<16xf32>
        %add3A_2018 = arith.constant 5.000000e-01 : f32
        %add3A_2019 = vector.broadcast %add3A_2018 : f32 to vector<16xf32>
        %add3A_2020 = arith.addf %add3A_1961, %add3A_2019 : vector<16xf32>
        %convert_element_type3A_2021 = arith.fptosi %add3A_2020 : vector<16xf32> to vector<16xi32>
        %convert_element_type3A_2022 = arith.sitofp %convert_element_type3A_2021 : vector<16xi32> to vector<16xf32>
        %lt3A_2023 = arith.cmpf olt, %add3A_2020, %convert_element_type3A_2022 : vector<16xf32>
        %jit3A_2024 = arith.constant 1.000000e+00 : f32
        %jit3A_2025 = arith.constant 0.000000e+00 : f32
        %broadcast_in_dim3A_2026 = vector.broadcast %jit3A_2024 : f32 to vector<16xf32>
        %broadcast_in_dim3A_2027 = vector.broadcast %jit3A_2025 : f32 to vector<16xf32>
        %select_n3A_2028 = arith.select %lt3A_2023, %broadcast_in_dim3A_2026, %broadcast_in_dim3A_2027 : vector<16xi1>, vector<16xf32>
        %sub3A_2029 = arith.subf %convert_element_type3A_2022, %select_n3A_2028 : vector<16xf32>
        %sub3A_2030 = arith.subf %add3A_1961, %sub3A_2029 : vector<16xf32>
        %bitcast3A_2031 = vector.bitcast %sub3A_2030 : vector<16xf32> to vector<16xi32>
        %shift_right_logical3A_2032 = arith.constant 16 : i32
        %shift_right_logical3A_2033 = vector.broadcast %shift_right_logical3A_2032 : i32 to vector<16xi32>
        %shift_right_logical3A_2034 = arith.shrui %bitcast3A_2031, %shift_right_logical3A_2033 : vector<16xi32>
        %and3A_2035 = arith.constant 1 : i32
        %and3A_2036 = vector.broadcast %and3A_2035 : i32 to vector<16xi32>
        %and3A_2037 = arith.andi %shift_right_logical3A_2034, %and3A_2036 : vector<16xi32>
        %add3A_2038 = arith.constant 32767 : i32
        %add3A_2039 = vector.broadcast %add3A_2038 : i32 to vector<16xi32>
        %add3A_2040 = arith.addi %add3A_2039, %and3A_2037 : vector<16xi32>
        %add3A_2041 = arith.addi %bitcast3A_2031, %add3A_2040 : vector<16xi32>
        %and3A_2042 = arith.constant -65536 : i32
        %and3A_2043 = vector.broadcast %and3A_2042 : i32 to vector<16xi32>
        %and3A_2044 = arith.andi %add3A_2041, %and3A_2043 : vector<16xi32>
        %bitcast3A_2045 = vector.bitcast %and3A_2044 : vector<16xi32> to vector<16xf32>
        %mul3A_2046 = vector.broadcast %squeeze3A_21 : f32 to vector<16xf32>
        %mul3A_2047 = arith.mulf %bitcast3A_1989, %mul3A_2046 : vector<16xf32>
        %mul3A_2048 = vector.broadcast %squeeze3A_27 : f32 to vector<16xf32>
        %mul3A_2049 = arith.mulf %bitcast3A_2017, %mul3A_2048 : vector<16xf32>
        %add3A_2050 = arith.addf %mul3A_2047, %mul3A_2049 : vector<16xf32>
        %mul3A_2051 = vector.broadcast %squeeze3A_33 : f32 to vector<16xf32>
        %mul3A_2052 = arith.mulf %bitcast3A_2045, %mul3A_2051 : vector<16xf32>
        %add3A_2053 = arith.addf %add3A_2050, %mul3A_2052 : vector<16xf32>
        %mul3A_2054 = vector.broadcast %squeeze3A_23 : f32 to vector<16xf32>
        %mul3A_2055 = arith.mulf %bitcast3A_1989, %mul3A_2054 : vector<16xf32>
        %mul3A_2056 = vector.broadcast %squeeze3A_29 : f32 to vector<16xf32>
        %mul3A_2057 = arith.mulf %bitcast3A_2017, %mul3A_2056 : vector<16xf32>
        %add3A_2058 = arith.addf %mul3A_2055, %mul3A_2057 : vector<16xf32>
        %mul3A_2059 = vector.broadcast %squeeze3A_35 : f32 to vector<16xf32>
        %mul3A_2060 = arith.mulf %bitcast3A_2045, %mul3A_2059 : vector<16xf32>
        %add3A_2061 = arith.addf %add3A_2058, %mul3A_2060 : vector<16xf32>
        %mul3A_2062 = vector.broadcast %squeeze3A_25 : f32 to vector<16xf32>
        %mul3A_2063 = arith.mulf %bitcast3A_1989, %mul3A_2062 : vector<16xf32>
        %mul3A_2064 = vector.broadcast %squeeze3A_31 : f32 to vector<16xf32>
        %mul3A_2065 = arith.mulf %bitcast3A_2017, %mul3A_2064 : vector<16xf32>
        %add3A_2066 = arith.addf %mul3A_2063, %mul3A_2065 : vector<16xf32>
        %mul3A_2067 = vector.broadcast %squeeze3A_37 : f32 to vector<16xf32>
        %mul3A_2068 = arith.mulf %bitcast3A_2045, %mul3A_2067 : vector<16xf32>
        %add3A_2069 = arith.addf %add3A_2066, %mul3A_2068 : vector<16xf32>
        %mul3A_2070 = arith.mulf %add3A_2053, %add3A_2053 : vector<16xf32>
        %mul3A_2071 = arith.mulf %add3A_2061, %add3A_2061 : vector<16xf32>
        %add3A_2072 = arith.addf %mul3A_2070, %mul3A_2071 : vector<16xf32>
        %mul3A_2073 = arith.mulf %add3A_2069, %add3A_2069 : vector<16xf32>
        %add3A_2074 = arith.addf %add3A_2072, %mul3A_2073 : vector<16xf32>
        %add3A_2075 = arith.addf %gather3A_1868, %gather3A_1885 : vector<16xf32>
        %mul3A_2076 = arith.mulf %gather3A_1872, %gather3A_1889 : vector<16xf32>
        %mul3A_2077 = arith.mulf %add3A_2075, %add3A_2075 : vector<16xf32>
        %div3A_2078 = arith.divf %mul3A_2077, %add3A_2074 : vector<16xf32>
        %mul3A_2079 = arith.mulf %div3A_2078, %div3A_2078 : vector<16xf32>
        %mul3A_2080 = arith.mulf %mul3A_2079, %div3A_2078 : vector<16xf32>
        %mul3A_2081 = arith.mulf %mul3A_2076, %mul3A_2080 : vector<16xf32>
        %sub3A_2082 = arith.constant 1.000000e+00 : f32
        %sub3A_2083 = vector.broadcast %sub3A_2082 : f32 to vector<16xf32>
        %sub3A_2084 = arith.subf %mul3A_2080, %sub3A_2083 : vector<16xf32>
        %mul3A_2085 = arith.mulf %mul3A_2081, %sub3A_2084 : vector<16xf32>
        %le3A_2086 = vector.broadcast %squeeze3A_39 : f32 to vector<16xf32>
        %le3A_2087 = arith.cmpf ole, %add3A_2074, %le3A_2086 : vector<16xf32>
        %jit3A_2088 = arith.constant 0.000000e+00 : f32
        %broadcast_in_dim3A_2089 = vector.broadcast %jit3A_2088 : f32 to vector<16xf32>
        %select_n3A_2090 = arith.select %le3A_2087, %mul3A_2085, %broadcast_in_dim3A_2089 : vector<16xi1>, vector<16xf32>
        %add3A_2091 = arith.addf %add3A_1601, %select_n3A_2090 : vector<16xf32>
        scf.yield %add3A_1846, %add3A_2091 : vector<16xf32>, vector<16xf32>
      }
      %scan3A_128 = arith.constant 8 : i32
      %add3A_129 = arith.addf %scan3A_127#0, %scan3A_127#1 : vector<16xf32>
      %select_n3A_130 = arith.select %lt3A_120, %add3A_129, %broadcast_in_dim3A_44 : vector<16xf32>
      %add3A_131 = arith.addf %add3A_103, %select_n3A_130 : vector<16xf32>
      scf.yield %add3A_131 : vector<16xf32>
    }
    %scan3A_64 = arith.constant 98 : i32
    %swap3A = arith.constant 0 : index
    %swap3A_65 = tpu.vector_load %arg9[%swap3A] {strides = array<i32>} : memref<16xf32, #tpu.memory_space<vmem>>, vector<16xf32>,
    tpu.vector_store %arg9[%swap3A], %scan3A_63 {strides = array<i32>} : memref<16xf32, #tpu.memory_space<vmem>>, vector<16xf32>,
    %mul3A_66 = arith.constant 16 : i32
    %mul3A_67 = arith.muli %arg1, %mul3A_66 : i32
    "tpu.region"() ({
      %run_scoped3A = tpu.sem_alloc : memref<!tpu.dma_semaphore, #tpu.memory_space<semaphore_mem>>
      %dma_start3A = tpu.memref_slice %arg10[%mul3A_67] : memref<256xf32, #tpu.memory_space<vmem_shared>> -> memref<16xf32, #tpu.memory_space<vmem_shared>>
      %dma_start3A_72 = tpu.memref_slice %arg10[%mul3A_67] : memref<256xf32, #tpu.memory_space<vmem_shared>> -> memref<16xf32, #tpu.memory_space<vmem_shared>>
      tpu.enqueue_dma source(%arg9 : memref<16xf32, #tpu.memory_space<vmem>>) target(%dma_start3A_72 : memref<16xf32, #tpu.memory_space<vmem_shared>>) target_semaphore(%run_scoped3A : memref<!tpu.dma_semaphore, #tpu.memory_space<semaphore_mem>>)
      %dma_wait3A = tpu.memref_slice %arg10[%mul3A_67] : memref<256xf32, #tpu.memory_space<vmem_shared>> -> memref<16xf32, #tpu.memory_space<vmem_shared>>
      %dma_wait3A_73 = tpu.memref_slice %arg10[%mul3A_67] : memref<256xf32, #tpu.memory_space<vmem_shared>> -> memref<16xf32, #tpu.memory_space<vmem_shared>>
      tpu.wait_dma2 semaphore(%run_scoped3A : memref<!tpu.dma_semaphore, #tpu.memory_space<semaphore_mem>>) src(%arg9 : memref<16xf32, #tpu.memory_space<vmem>>) dst(%dma_wait3A_73 : memref<16xf32, #tpu.memory_space<vmem_shared>>)
      tpu.yield
    }) : () -> ()
    %barrier3A = arith.constant 0 : index
    tpu.barrier barrier_id(%barrier3A)
    %eq3A = arith.constant 0 : i32
    %eq3A_68 = arith.cmpi eq, %arg1, %eq3A : i32
    %convert_element_type3A_69 = arith.extui %eq3A_68 : i1 to i32
    %cond3A_70 = arith.constant 0 : i32
    %cond3A_71 = arith.cmpi ne, %convert_element_type3A_69, %cond3A_70 : i32
    scf.if %cond3A_71 {
      "tpu.region"() ({
        %run_scoped3A = tpu.sem_alloc : memref<!tpu.dma_semaphore, #tpu.memory_space<semaphore_mem>>
        tpu.enqueue_dma source(%arg10 : memref<256xf32, #tpu.memory_space<vmem_shared>>) target(%arg11 : memref<256xf32, #tpu.memory_space<vmem>>) target_semaphore(%run_scoped3A : memref<!tpu.dma_semaphore, #tpu.memory_space<semaphore_mem>>)
        tpu.wait_dma2 semaphore(%run_scoped3A : memref<!tpu.dma_semaphore, #tpu.memory_space<semaphore_mem>>) src(%arg10 : memref<256xf32, #tpu.memory_space<vmem_shared>>) dst(%arg11 : memref<256xf32, #tpu.memory_space<vmem>>)
        tpu.yield
      }) : () -> ()
      %get3A_72 = arith.constant 0 : index
      %get3A_73 = tpu.vector_load %arg11[%get3A_72] {strides = array<i32>} : memref<256xf32, #tpu.memory_space<vmem>>, vector<16xf32>,
      %get3A_74 = arith.constant 16 : index
      %get3A_75 = tpu.vector_load %arg11[%get3A_74] {strides = array<i32>} : memref<256xf32, #tpu.memory_space<vmem>>, vector<16xf32>,
      %add3A_76 = arith.addf %get3A_73, %get3A_75 : vector<16xf32>
      %get3A_77 = arith.constant 32 : index
      %get3A_78 = tpu.vector_load %arg11[%get3A_77] {strides = array<i32>} : memref<256xf32, #tpu.memory_space<vmem>>, vector<16xf32>,
      %add3A_79 = arith.addf %add3A_76, %get3A_78 : vector<16xf32>
      %get3A_80 = arith.constant 48 : index
      %get3A_81 = tpu.vector_load %arg11[%get3A_80] {strides = array<i32>} : memref<256xf32, #tpu.memory_space<vmem>>, vector<16xf32>,
      %add3A_82 = arith.addf %add3A_79, %get3A_81 : vector<16xf32>
      %get3A_83 = arith.constant 64 : index
      %get3A_84 = tpu.vector_load %arg11[%get3A_83] {strides = array<i32>} : memref<256xf32, #tpu.memory_space<vmem>>, vector<16xf32>,
      %add3A_85 = arith.addf %add3A_82, %get3A_84 : vector<16xf32>
      %get3A_86 = arith.constant 80 : index
      %get3A_87 = tpu.vector_load %arg11[%get3A_86] {strides = array<i32>} : memref<256xf32, #tpu.memory_space<vmem>>, vector<16xf32>,
      %add3A_88 = arith.addf %add3A_85, %get3A_87 : vector<16xf32>
      %get3A_89 = arith.constant 96 : index
      %get3A_90 = tpu.vector_load %arg11[%get3A_89] {strides = array<i32>} : memref<256xf32, #tpu.memory_space<vmem>>, vector<16xf32>,
      %add3A_91 = arith.addf %add3A_88, %get3A_90 : vector<16xf32>
      %get3A_92 = arith.constant 112 : index
      %get3A_93 = tpu.vector_load %arg11[%get3A_92] {strides = array<i32>} : memref<256xf32, #tpu.memory_space<vmem>>, vector<16xf32>,
      %add3A_94 = arith.addf %add3A_91, %get3A_93 : vector<16xf32>
      %get3A_95 = arith.constant 128 : index
      %get3A_96 = tpu.vector_load %arg11[%get3A_95] {strides = array<i32>} : memref<256xf32, #tpu.memory_space<vmem>>, vector<16xf32>,
      %add3A_97 = arith.addf %add3A_94, %get3A_96 : vector<16xf32>
      %get3A_98 = arith.constant 144 : index
      %get3A_99 = tpu.vector_load %arg11[%get3A_98] {strides = array<i32>} : memref<256xf32, #tpu.memory_space<vmem>>, vector<16xf32>,
      %add3A_100 = arith.addf %add3A_97, %get3A_99 : vector<16xf32>
      %get3A_101 = arith.constant 160 : index
      %get3A_102 = tpu.vector_load %arg11[%get3A_101] {strides = array<i32>} : memref<256xf32, #tpu.memory_space<vmem>>, vector<16xf32>,
      %add3A_103 = arith.addf %add3A_100, %get3A_102 : vector<16xf32>
      %get3A_104 = arith.constant 176 : index
      %get3A_105 = tpu.vector_load %arg11[%get3A_104] {strides = array<i32>} : memref<256xf32, #tpu.memory_space<vmem>>, vector<16xf32>,
      %add3A_106 = arith.addf %add3A_103, %get3A_105 : vector<16xf32>
      %get3A_107 = arith.constant 192 : index
      %get3A_108 = tpu.vector_load %arg11[%get3A_107] {strides = array<i32>} : memref<256xf32, #tpu.memory_space<vmem>>, vector<16xf32>,
      %add3A_109 = arith.addf %add3A_106, %get3A_108 : vector<16xf32>
      %get3A_110 = arith.constant 208 : index
      %get3A_111 = tpu.vector_load %arg11[%get3A_110] {strides = array<i32>} : memref<256xf32, #tpu.memory_space<vmem>>, vector<16xf32>,
      %add3A_112 = arith.addf %add3A_109, %get3A_111 : vector<16xf32>
      %get3A_113 = arith.constant 224 : index
      %get3A_114 = tpu.vector_load %arg11[%get3A_113] {strides = array<i32>} : memref<256xf32, #tpu.memory_space<vmem>>, vector<16xf32>,
      %add3A_115 = arith.addf %add3A_112, %get3A_114 : vector<16xf32>
      %get3A_116 = arith.constant 240 : index
      %get3A_117 = tpu.vector_load %arg11[%get3A_116] {strides = array<i32>} : memref<256xf32, #tpu.memory_space<vmem>>, vector<16xf32>,
      %add3A_118 = arith.addf %add3A_115, %get3A_117 : vector<16xf32>
      %reduce_sum3A = arith.constant true
      %reduce_sum3A_119 = vector.broadcast %reduce_sum3A : i1 to vector<16xi1>
      %reduce_sum3A_120 = tpu.scan <sum>, %add3A_118 masked %reduce_sum3A_119 : vector<16xf32>, vector<16xi1> -> vector<16xf32>
      %reduce_sum3A_121 = vector.extract %reduce_sum3A_120[15] : f32 from vector<16xf32>
      %eq3A_122 = arith.constant 0 : i32
      %eq3A_123 = vector.broadcast %eq3A_122 : i32 to vector<16xi32>
      %eq3A_124 = arith.cmpi eq, %iota3A, %eq3A_123 : vector<16xi32>
      %jit3A_125 = arith.constant 0.000000e+00 : f32
      %broadcast_in_dim3A_126 = vector.broadcast %reduce_sum3A_121 : f32 to vector<16xf32>
      %broadcast_in_dim3A_127 = vector.broadcast %jit3A_125 : f32 to vector<16xf32>
      %select_n3A_128 = arith.select %eq3A_124, %broadcast_in_dim3A_126, %broadcast_in_dim3A_127 : vector<16xi1>, vector<16xf32>
      %swap3A_129 = arith.constant 0 : index
      %swap3A_130 = tpu.vector_load %arg9[%swap3A_129] {strides = array<i32>} : memref<16xf32, #tpu.memory_space<vmem>>, vector<16xf32>,
      tpu.vector_store %arg9[%swap3A_129], %select_n3A_128 {strides = array<i32>} : memref<16xf32, #tpu.memory_space<vmem>>, vector<16xf32>,
      %mul3A_131 = arith.constant 8 : i32
      %mul3A_132 = arith.muli %arg0, %mul3A_131 : i32
      "tpu.region"() ({
        %run_scoped3A = tpu.sem_alloc : memref<!tpu.dma_semaphore, #tpu.memory_space<semaphore_mem>>
        %dma_start3A = arith.constant 0 : i32
        %dma_start3A_133 = tpu.memref_slice %arg9[%dma_start3A] : memref<16xf32, #tpu.memory_space<vmem>> -> memref<8xf32, #tpu.memory_space<vmem>>
        %dma_start3A_134 = tpu.memref_slice %arg5[%mul3A_132] : memref<16xf32, #tpu.memory_space<hbm>> -> memref<8xf32, #tpu.memory_space<hbm>>
        %dma_start3A_135 = tpu.memref_slice %arg5[%mul3A_132] : memref<16xf32, #tpu.memory_space<hbm>> -> memref<8xf32, #tpu.memory_space<hbm>>
        %dma_start3A_136 = arith.constant 0 : i32
        %dma_start3A_137 = tpu.memref_slice %arg9[%dma_start3A_136] : memref<16xf32, #tpu.memory_space<vmem>> -> memref<8xf32, #tpu.memory_space<vmem>>
        tpu.enqueue_dma source(%dma_start3A_137 : memref<8xf32, #tpu.memory_space<vmem>>) target(%dma_start3A_135 : memref<8xf32, #tpu.memory_space<hbm>>) target_semaphore(%run_scoped3A : memref<!tpu.dma_semaphore, #tpu.memory_space<semaphore_mem>>)
        %dma_wait3A = arith.constant 0 : i32
        %dma_wait3A_138 = tpu.memref_slice %arg9[%dma_wait3A] : memref<16xf32, #tpu.memory_space<vmem>> -> memref<8xf32, #tpu.memory_space<vmem>>
        %dma_wait3A_139 = tpu.memref_slice %arg5[%mul3A_132] : memref<16xf32, #tpu.memory_space<hbm>> -> memref<8xf32, #tpu.memory_space<hbm>>
        %dma_wait3A_140 = tpu.memref_slice %arg5[%mul3A_132] : memref<16xf32, #tpu.memory_space<hbm>> -> memref<8xf32, #tpu.memory_space<hbm>>
        %dma_wait3A_141 = arith.constant 0 : i32
        %dma_wait3A_142 = tpu.memref_slice %arg9[%dma_wait3A_141] : memref<16xf32, #tpu.memory_space<vmem>> -> memref<8xf32, #tpu.memory_space<vmem>>
        tpu.wait_dma2 semaphore(%run_scoped3A : memref<!tpu.dma_semaphore, #tpu.memory_space<semaphore_mem>>) src(%dma_wait3A_142 : memref<8xf32, #tpu.memory_space<vmem>>) dst(%dma_wait3A_140 : memref<8xf32, #tpu.memory_space<hbm>>)
        tpu.yield
      }) : () -> ()
    } else {
    }
    return
  }
}

</mosaic_0001>

<sc_bundles>
// kernel: kernel.3.cloned.1.call-start
scs
__scs_entry_jumppad:
0x0: {  	(pc) =	sbr.rel $0x88, $3  }
0x1: {  	(tag) =	ssettag $0x0;
	lr =	simm.s32 $0x1  }
0x2: {  	[smem:$0x3F9B] =	sst lr;
	_ =	strace $0xD0000000  }
0x3: {  	_ = 	snop  }
0x4: {  	_ = 	snop  }
0x5: {  	_ = 	snop  }
0x6: {  	_ = 	snop  }
0x7: {  	_ = 	snop  }
__scs_overlays_trampoline_lowered:
0x8: {  	[smem:$0x3FAA] =	sst s0  }
0x9: {  	[smem:$0x3FAB] =	sst s1  }
0xa: {  	[smem:$0x3FAC] =	sst s2  }
0xb: {  	[smem:$0x3FAD] =	sst s3  }
0xc: {  	[smem:$0x3FAE] =	sst s4  }
0xd: {  	[smem:$0x3FAF] =	sst s5  }
0xe: {  	[smem:$0x3FB0] =	sst s6  }
0xf: {  	[smem:$0x3FB1] =	sst s7  }
0x10: {  	[smem:$0x3FB2] =	sst s8  }
0x11: {  	[smem:$0x3FB3] =	sst s9;
	s0 =	simm.s32 @!p0 $0x0  }
0x12: {  	s1 =	sld [smem:$0x3F99];
	s0 =	simm.s32 @p0 $0x1  }
0x13: {  	[smem:$0x3FB4] =	sst s0;
	s0 =	simm.s32 @!p1 $0x0  }
0x14: {  	s2 =	sld [smem:$0x3F98];
	s0 =	simm.s32 @p1 $0x1  }
0x15: {  	[smem:$0x3FB5] =	sst s0;
	s0 =	simm.s32 @!p2 $0x0  }
0x16: {  	s3 =	sld [smem:$0x3FDB];
	s0 =	simm.s32 @p2 $0x1  }
0x17: {  	s4 =	simm.s32 $0x1BF5;
	[smem:$0x3FB7] =	sst s0  }
0x18: {  	s0 =	sld [smem:$0x3F9A];
	_ =	swait.ge [sflag:s4], $0x0  }
0x19: {  	s7 =	sld [smem:$0x3F9B]  }
0x1a: {  	s8 =	sadd.s32 $0xFFFFE003, lr  }
0x1b: {  	s9 =	sadd.s32 $0xFFFFFEF7, lr;
	s5 =	simm.s32 $0xFFFFFFFF;
	p2 =	slt.u32 s8, $0xFFFFF086  }
0x1c: {  	p1 =	slt.u32 s9, $0xF7A;
	s5 =	simm.s32 @!p2 $0x0  }
0x1d: {  	s5 =	simm.s32 @p1 $0x1;
	p0 =	seq.s32 s7, s2  }
0x1e: {  	s7 =	smul.u32 @!p0 $0xF7A, s2;
	p2 =	seq.s32 @!p0 s5, $0x0  }
0x1f: {  	s9 =	smul.u32 $0xF7A, s1;
	s8 =	simm.s32 @!p0 $0x1BF5;
	p2 =	por !p2, p0  }
0x20: {  	[sflag:s8] =	ssyncset.s32 @!p0 $0xFFFFF086;
	s6 =	sadd.s32 @!p0 s3, s7;
	s7 =	simm.s32 @!p0 $0x108  }
0x21: {  	s3 =	sadd.s32 s3, s9;
	s6 =	sadd.s32 @!p0 $0x88, s6;
	s7 =	simm.s32 @p2 $0x1082  }
0x22: {  	[simem:s7], [sflag:s8] =	dma.local @!p0 [hbm:s6], $0xF7A  }
0x23: {  	s9 =	sor.u32 $0xD0000000, s2;
	s6 =	simm.s32 $0x108;
	_ =	swait.ge @!p0 [sflag:s8], $0x0  }
0x24: {  	s3 =	sadd.s32 $0x88, s3;
	s6 =	simm.s32 @!p1 $0x1082;
	[sflag:s4] =	ssyncset.s32 $0xFFFFF086  }
0x25: {  	[simem:s6], [sflag:s4] =	dma.local [hbm:s3], $0xF7A  }
0x26: {  	[smem:$0x3F9B] =	sst s1;
	(tag) =	ssettag s2;
	_ =	strace s9  }
0x27: {  	s1 =	sld [smem:$0x3FAB]  }
0x28: {  	s2 =	sld [smem:$0x3FAC]  }
0x29: {  	s4 =	sld [smem:$0x3FAE]  }
0x2a: {  	p0 =	seq.s32 s5, $0x0;
	s5 =	sld [smem:$0x3FAF]  }
0x2b: {  	s6 =	sld [smem:$0x3FB0]  }
0x2c: {  	s7 =	sld [smem:$0x3FB1]  }
0x2d: {  	s3 =	simm.s32 $0x108;
	s8 =	sld [smem:$0x3FB2]  }
0x2e: {  	s3 =	simm.s32 @!p0 $0x1082;
	s9 =	sld [smem:$0x3FB3]  }
0x2f: {  	lr =	sadd.s32 s0, s3;
	s0 =	sld [smem:$0x3FAA]  }
0x30: {  	s3 =	sld [smem:$0x3FAD]  }
0x31: {  	[smem:$0x3FB6] =	sst s10  }
0x32: {  	s10 =	sld [smem:$0x3FB4];
	_ =	sdelay $0x3  }
0x33: {  	p0 =	seq.s32 s10, $0x1;
	s10 =	sld [smem:$0x3FB6];
	_ =	sdelay $0x3  }
0x34: {  	[smem:$0x3FB6] =	sst s10  }
0x35: {  	s10 =	sld [smem:$0x3FB5];
	_ =	sdelay $0x3  }
0x36: {  	p1 =	seq.s32 s10, $0x1;
	s10 =	sld [smem:$0x3FB6];
	_ =	sdelay $0x3  }
0x37: {  	[smem:$0x3FB6] =	sst s10  }
0x38: {  	s10 =	sld [smem:$0x3FB7]  }
0x39: {  	_ = 	snop;
	(pc) =	sbr.ind lr, $3  }
0x3a: {  	_ = 	snop  }
0x3b: {  	_ = 	snop  }
0x3c: {  	p2 =	seq.s32 s10, $0x1;
	s10 =	sld [smem:$0x3FB6]  }
0x3d: {  	_ =	shalt  }
0x3e: {  	_ =	shalt  }
0x3f: {  	_ =	shalt  }
0x40: {  	_ =	shalt  }
0x41: {  	_ =	shalt  }
0x42: {  	_ =	shalt  }
0x43: {  	_ =	shalt  }
0x44: {  	_ =	shalt  }
0x45: {  	_ =	shalt  }
0x46: {  	_ =	shalt  }
0x47: {  	_ =	shalt  }
0x48: {  	_ =	shalt  }
0x49: {  	_ =	shalt  }
0x4a: {  	_ =	shalt  }
0x4b: {  	_ =	shalt  }
0x4c: {  	_ =	shalt  }
0x4d: {  	_ =	shalt  }
0x4e: {  	_ =	shalt  }
0x4f: {  	_ =	shalt  }
0x50: {  	_ =	shalt  }
0x51: {  	_ =	shalt  }
0x52: {  	_ =	shalt  }
0x53: {  	_ =	shalt  }
0x54: {  	_ =	shalt  }
0x55: {  	_ =	shalt  }
0x56: {  	_ =	shalt  }
0x57: {  	_ =	shalt  }
0x58: {  	_ =	shalt  }
0x59: {  	_ =	shalt  }
0x5a: {  	_ =	shalt  }
0x5b: {  	_ =	shalt  }
0x5c: {  	_ =	shalt  }
0x5d: {  	_ =	shalt  }
0x5e: {  	_ =	shalt  }
0x5f: {  	_ =	shalt  }
0x60: {  	_ =	shalt  }
0x61: {  	_ =	shalt  }
0x62: {  	_ =	shalt  }
0x63: {  	_ =	shalt  }
0x64: {  	_ =	shalt  }
0x65: {  	_ =	shalt  }
0x66: {  	_ =	shalt  }
0x67: {  	_ =	shalt  }
0x68: {  	_ =	shalt  }
0x69: {  	_ =	shalt  }
0x6a: {  	_ =	shalt  }
0x6b: {  	_ =	shalt  }
0x6c: {  	_ =	shalt  }
0x6d: {  	_ =	shalt  }
0x6e: {  	_ =	shalt  }
0x6f: {  	_ =	shalt  }
0x70: {  	_ =	shalt  }
0x71: {  	_ =	shalt  }
0x72: {  	_ =	shalt  }
0x73: {  	_ =	shalt  }
0x74: {  	_ =	shalt  }
0x75: {  	_ =	shalt  }
0x76: {  	_ =	shalt  }
0x77: {  	_ =	shalt  }
0x78: {  	_ =	shalt  }
0x79: {  	_ =	shalt  }
0x7a: {  	_ =	shalt  }
0x7b: {  	_ =	shalt  }
0x7c: {  	_ =	shalt  }
0x7d: {  	_ =	shalt  }
0x7e: {  	_ =	shalt  }
0x7f: {  	_ =	shalt  }
0x80: {  	_ =	shalt  }
0x81: {  	_ =	shalt  }
0x82: {  	_ =	shalt  }
0x83: {  	_ =	shalt  }
0x84: {  	_ =	shalt  }
0x85: {  	_ =	shalt  }
0x86: {  	_ =	shalt  }
0x87: {  	_ =	shalt  }
.Lfunc_end0:
.L_simem_size_0:
called_computation_lowered:
.L_overlay_start_0:
0x88: {  	s2 =	sld [smem:$0x3FD9]  }
0x89: {  	s3 =	sld [smem:$0x3FFE];
	_ =	sdelay $0x1  }
0x8a: {  	s1 =	srdreg.scid  }
0x8b: {  	s0 =	sand.u32 $0x1, s1  }
0x8c: {  	s17 =	sshll.u32 s0, $0xA;
	s2 =	sadd.s32 s3, s2  }
0x8d: {  	s2 =	sadd.s32 s2, s17  }
0x8e: {  	[smem:$0x3FC2] =	sst s2  }
0x8f: {  	_ = 	snop  }
0x90: {  	s2 =	sld [smem:$0x3FC8];
	(tm) =	ssettm $0x1  }
0x91: {  	s18 =	sld [smem:$0x3FFB];
	_ =	sdelay $0x3  }
0x92: {  	_ =	strace s18  }
0x93: {  	s3 =	sld [smem:$0x3FFC];
	_ =	sdelay $0x3  }
0x94: {  	_ =	strace s3  }
0x95: {  	s3 =	sld [smem:$0x3FFD];
	_ =	sdelay $0x3  }
0x96: {  	_ =	strace s3  }
0x97: {  	_ =	strace $0x8FFFFFFF  }
0x98: {  	s19 =	sld [smem:$0x3FDB];
	_ =	sdelay $0x1  }
0x99: {  	s4 =	simm.s32 $_scs_section_size  }
0x9a: {  	s5 =	simm.s32 $_size__tile_overlayer_lowered;
	s6 =	simm.s32 $_tile_overlayer_lowered  }
0x9b: {  	s22 =	simm.s32 $0x1BFF;
	s21 =	sshll.u32 s6, $0x1;
	s3 =	sadd.s32 s4, s19  }
0x9c: {  	s7 =	simm.s32 $0x0;
	s20 =	sshll.u32 s5, $0x1;
	s5 =	sadd.s32 s21, s3  }
0x9d: {  	[timem:s7], [sflag:s22] =	dma.local [hbm:s5], s20  }
0x9e: {  	_ =	swait.ge [sflag:s22], s20  }
0x9f: {  	s4 =	ssub.s32 $0x0, s20;
	[sflag:s22] =	ssyncset.done $0x0  }
0xa0: {  	[sflag:s22] =	ssyncadd.s32 s4;
	_ =	sdelay $0x1  }
0xa1: {  	s23 =	simm.s32 $0x1B8B  }
0xa2: {  	_ =	swait.ge [sflag:s23], $0x1  }
0xa3: {  	[sflag:s23] =	ssyncset.done $0x0  }
0xa4: {  	s25 =	simm.s32 $0x1B8E;
	s24 =	sld [smem:$0x3FFE];
	[sflag:s23] =	ssyncadd.s32 $0xFFFFFFFF  }
0xa5: {  	s26 =	simm.s32 $execute0_lowered;
	[smem:$0x3FD2] =	sst s25  }
0xa6: {  	s5 =	sshll.u32 s26, $0x1;
	_ =	strace $0x80000046;
	[dreg:$0x1] =	wrdreg $0xFFFFFFFF  }
0xa7: {  	s28 =	simm.s32 $_size_execute0_lowered;
	s3 =	sadd.s32 s3, s5;
	[dreg:$0x0] =	wrdreg $0x0  }
0xa8: {  	s5 =	sshll.u32 s28, $0x1;
	[dreg:$0x2] =	wrdreg s3  }
0xa9: {  	[dreg:$0x3] =	wrdreg s5  }
0xaa: {  	[dreg:$0x4] =	wrdreg $0xC0  }
0xab: {  	_ =	task [dreg:s7], $0x5FFFF  }
0xac: {  	[dreg:$0x1] =	wrdreg $0xFFFFFFFF  }
0xad: {  	[dreg:$0x0] =	wrdreg $0x60  }
0xae: {  	[dreg:$0x2] =	wrdreg s24  }
0xaf: {  	[dreg:$0x3] =	wrdreg s2  }
0xb0: {  	[dreg:$0x4] =	wrdreg $0x90300  }
0xb1: {  	[dreg:$0x5] =	wrdreg $0x9  }
0xb2: {  	_ =	task.clear_ibuf [dreg:s7], $0x6FFFF;
	_ =	strace $0x90000046  }
0xb3: {  	s29 =	simm.s32 $0x9;
	_ =	strace $0x80000048  }
0xb4: {  	_ =	swait.ge [sflag:s29], $0x1  }
0xb5: {  	[sflag:s29] =	ssyncadd.s32 $0xFFFFFFFF  }
0xb6: {  	_ =	strace $0x90000048  }
0xb7: {  	_ =	sfence  }
0xb8: {  	s30 =	sld [smem:$0x0];
	_ =	sdelay $0x2  }
0xb9: {  	s31 =	sshll.u32 s1, $0xD;
	s1 =	sshrl.u32 s1, $0x2  }
0xba: {  	s3 =	sand.u32 $0x4000, s31;
	s1 =	sadd.s32 s1, s30  }
0xbb: {  	s0 =	sor.u32 s3, s0;
	s1 =	sshll.u32 s1, $0x11  }
0xbc: {  	s0 =	sor.u32 s1, s0  }
0xbd: {  	s0 =	sadd.s32 $0x8F2B, s0  }
0xbe: {  	[sflag:s0] =	ssyncadd.remote.s32 $0x1  }
0xbf: {  	_ =	sfence.sel $0xFFFF  }
0xc0: {  	[dreg:$0x0] =	wrdreg $0xFFFFFFFF;
	(pc) =	sbr.abs _section_cstart, $3  }
0xc1: {  	[dreg:$0x1] =	wrdreg $0xFFFFFFFF  }
0xc2: {  	_ =	task.clear_ibuf [dreg:s7], $0x2FFFF;
	_ =	strace $0x9FFFFFFF  }
0xc3: {  	(tm) =	ssettm $0x7FFFFFFF  }
tec
execute0_lowered:
.L_overlay_start_1:
0x0: {  	(tag) =	ssettag $0x1  }
0x1: {  	s0 =	rddreg [dreg:$0x0]  }
0x2: {  	s6 =	rddreg [dreg:$0x1]  }
0x3: {  	s1 =	rddreg [dreg:$0x2];
	s2 =	simm.s32 $0x0;
	s4 =	srdreg.scid  }
0x4: {  	s12 =	stileid.u32;
	s13 =	simm.s32 $0x5;
	s14 =	simm.s32 $0x1  }
0x5: {  	s15 =	simm.s32 $0x80;
	s16 =	simm.s32 $0x1000;
	s22 =	simm.s32 $0x600  }
0x6: {  	s23 =	simm.s32 $0x4000;
	s24 =	simm.s32 $0x680;
	s28 =	simm.s32 $0x4800  }
0x7: {  	s29 =	simm.s32 $0x780;
	s30 =	simm.s32 $0x4C00;
	s31 =	simm.s32 $0x800  }
0x8: {  	[smem:$0x7FF] =	sst s2;
	s3 =	sadd.s32 $0x187600, s0;
	s5 =	sand.u32 $0x1, s4  }
0x9: {  	s4 =	sadd.s32 $0xC00, s0;
	s9 =	sshll.u32 s12, $0x9;
	p0 =	slt.u32 s12, $0x5  }
0xa: {  	s26 =	sshll.u32 s12, $0x4;
	_ =	strace $0x80000047;
	s7 =	ssub.s32 $0x2, s5  }
0xb: {  	s10 =	sshll.u32 s5, $0x8;
	s0 =	sadd.s32 s5, s0;
	s5 =	simm.s32 $0xC4  }
0xc: {  	s8 =	sshrl.u32 s7, $0x1;
	s25 =	sor.u32 s10, s9;
	s5 =	simm.s32 @!p0 $0xC3  }
0xd: {  	v0 =	vlaneseq.u32;
	s9 =	sadd.s32 s26, s1;
	s10 =	sadd.s32 $0xE00, s0;
	p0 =	sne.s32 s12, $0x0  }
0xe: {  	v0 =	vmul.u32 $0x8, v0;
	s26 =	simm.s32 $0x700;
	s0 =	simm.s32 $0x9020;
	s12 =	simm.s32 $0x0  }
0xf: {  	s11 =	ssub.s32 s7, s8;
	s6 =	sadd.s32 s6, s25;
	s8 =	sadd.s32 $0xFFFFFFFF, s5  }
0x10: {  	v2 =	vimm.f32 $0.0e+00;
	v1 =	vor.u32 $0x400, v0;
	s25 =	simm.s32 $0x4400;
	s7 =	sadd.s32 $0x2000, s6;
	s11 =	smax.u32 s11, $0x1  }
.LBB2_1:
0x11: {  	s17 =	simm.s32 $0x9000  }
0x12: {  	[tilespmem:s17], [sflag:$0x5] =	stream.linear.gather [hbm4b:s4+s2], $0x20, $0x38;
	[tilespmem:$0x9140] =	vst v63  }
0x13: {  	_ =	swait.ge [sflag:s13], $0x20  }
0x14: {  	[sflag:s13] =	ssyncset.done $0x0  }
0x15: {  	[sflag:s13] =	ssyncadd.s32 $0xFFFFFFE0  }
0x16: {  	v19 =	vld [tilespmem:$0x9000]  }
0x17: {  	v21 =	vld [tilespmem:$0x9010];
	[tilespmem:s2], [sflag:$0x1] =	stream.linear.gather [hbm4b:s6+s2], $0x800, $0x38  }
0x18: {  	_ =	swait.ge [sflag:s14], $0x800  }
0x19: {  	[sflag:s14] =	ssyncset.done $0x0  }
0x1a: {  	[sflag:s14] =	ssyncadd.s32 $0xFFFFF800  }
0x1b: {  	[tilespmem:s16], [sflag:$0x3] =	stream.indirect.gather [hbm4b:s3+s15], $0x8, s2, s15, $0xb8;
	[tilespmem:$0x9140] =	vst v63  }
0x1c: {  	s18 =	simm.s32 $0x1400  }
0x1d: {  	[tilespmem:s18], [sflag:$0x3] =	stream.indirect.gather [hbm4b:s3+s15], $0x8, s15, s15, $0xb8;
	[tilespmem:$0x9140] =	vst v63  }
0x1e: {  	s19 =	simm.s32 $0x100;
	s18 =	simm.s32 $0x1800  }
0x1f: {  	[tilespmem:s18], [sflag:$0x3] =	stream.indirect.gather [hbm4b:s3+s15], $0x8, s19, s15, $0xb8;
	[tilespmem:$0x9140] =	vst v63  }
0x20: {  	s20 =	simm.s32 $0x180;
	s21 =	simm.s32 $0x1C00  }
0x21: {  	[tilespmem:s21], [sflag:$0x3] =	stream.indirect.gather [hbm4b:s3+s15], $0x8, s20, s15, $0xb8;
	[tilespmem:$0x9140] =	vst v63  }
0x22: {  	s18 =	simm.s32 $0x200;
	s19 =	simm.s32 $0x2000  }
0x23: {  	[tilespmem:s19], [sflag:$0x3] =	stream.indirect.gather [hbm4b:s3+s15], $0x8, s18, s15, $0xb8;
	[tilespmem:$0x9140] =	vst v63  }
0x24: {  	s20 =	simm.s32 $0x280;
	s21 =	simm.s32 $0x2400  }
0x25: {  	[tilespmem:s21], [sflag:$0x3] =	stream.indirect.gather [hbm4b:s3+s15], $0x8, s20, s15, $0xb8;
	[tilespmem:$0x9140] =	vst v63  }
0x26: {  	s18 =	simm.s32 $0x300;
	s19 =	simm.s32 $0x2800  }
0x27: {  	[tilespmem:s19], [sflag:$0x3] =	stream.indirect.gather [hbm4b:s3+s15], $0x8, s18, s15, $0xb8;
	[tilespmem:$0x9140] =	vst v63  }
0x28: {  	s20 =	simm.s32 $0x380;
	s21 =	simm.s32 $0x2C00  }
0x29: {  	[tilespmem:s21], [sflag:$0x3] =	stream.indirect.gather [hbm4b:s3+s15], $0x8, s20, s15, $0xb8;
	[tilespmem:$0x9140] =	vst v63  }
0x2a: {  	s18 =	simm.s32 $0x400;
	s19 =	simm.s32 $0x3000  }
0x2b: {  	[tilespmem:s19], [sflag:$0x3] =	stream.indirect.gather [hbm4b:s3+s15], $0x8, s18, s15, $0xb8;
	[tilespmem:$0x9140] =	vst v63  }
0x2c: {  	s20 =	simm.s32 $0x480;
	s21 =	simm.s32 $0x3400  }
0x2d: {  	[tilespmem:s21], [sflag:$0x3] =	stream.indirect.gather [hbm4b:s3+s15], $0x8, s20, s15, $0xb8;
	[tilespmem:$0x9140] =	vst v63  }
0x2e: {  	s18 =	simm.s32 $0x500;
	s19 =	simm.s32 $0x3800  }
0x2f: {  	[tilespmem:s19], [sflag:$0x3] =	stream.indirect.gather [hbm4b:s3+s15], $0x8, s18, s15, $0xb8;
	[tilespmem:$0x9140] =	vst v63  }
0x30: {  	s20 =	simm.s32 $0x580;
	s21 =	simm.s32 $0x3C00  }
0x31: {  	[tilespmem:s21], [sflag:$0x3] =	stream.indirect.gather [hbm4b:s3+s15], $0x8, s20, s15, $0xb8;
	[tilespmem:$0x9140] =	vst v63  }
0x32: {  	v3 =	vbroadcast v19, $0x0  }
0x33: {  	v4 =	vbroadcast v19, $0x3;
	v5 =	vbroadcast v19, $0x6;
	[tilespmem:s23], [sflag:$0x3] =	stream.indirect.gather [hbm4b:s3+s15], $0x8, s22, s15, $0xb8;
	[tilespmem:$0x9140] =	vst v63  }
0x34: {  	v6 =	vbroadcast v19, $0x1;
	v7 =	vbroadcast v19, $0x4  }
0x35: {  	v8 =	vbroadcast v19, $0x7;
	v9 =	vbroadcast v19, $0x2;
	[tilespmem:s25], [sflag:$0x3] =	stream.indirect.gather [hbm4b:s3+s15], $0x8, s24, s15, $0xb8;
	[tilespmem:$0x9140] =	vst v63  }
0x36: {  	v10 =	vbroadcast v19, $0x5;
	v11 =	vbroadcast v19, $0x8  }
0x37: {  	v12 =	vbroadcast v19, $0x9;
	v13 =	vbroadcast v19, $0xC;
	[tilespmem:s28], [sflag:$0x3] =	stream.indirect.gather [hbm4b:s3+s15], $0x8, s26, s15, $0xb8;
	[tilespmem:$0x9140] =	vst v63  }
0x38: {  	v14 =	vbroadcast v19, $0xF;
	v15 =	vbroadcast v19, $0xA  }
0x39: {  	v16 =	vbroadcast v19, $0xD;
	v17 =	vbroadcast v21, $0x0;
	[tilespmem:s30], [sflag:$0x3] =	stream.indirect.gather [hbm4b:s3+s15], $0x8, s29, s15, $0xb8;
	[tilespmem:$0x9140] =	vst v63  }
0x3a: {  	s17 =	simm.s32 $0x0;
	v18 =	vbroadcast v19, $0xB;
	v19 =	vbroadcast v19, $0xE  }
0x3b: {  	v22 =	vimm.f32 $0.0e+00;
	v20 =	vbroadcast v21, $0x1;
	v21 =	vbroadcast v21, $0x2;
	[tilespmem:s31], [sflag:$0x2] =	stream.linear.gather [hbm4b:s7+s2], $0x800, $0x38;
	[tilespmem:$0x9140] =	vst v63  }
.LBB2_2:
0x3c: {  	s18 =	sshll.u32 s17, $0x1  }
0x3d: {  	p1 =	sge.u32 s18, s8  }
0x3e: {  	s19 =	simm.s32 @!p1 $0x2  }
0x3f: {  	_ =	swait.ge @!p1 [sflag:s19], $0x800  }
0x40: {  	s20 =	simm.s32 @!p1 $0x800;
	[sflag:s19] =	ssyncset.done @!p1 $0x0  }
0x41: {  	s21 =	simm.s32 @!p1 $0x5000;
	[sflag:s19] =	ssyncadd.s32 @!p1 $0xFFFFF800;
	s19 =	simm.s32 @!p1 $0x80  }
0x42: {  	[tilespmem:s21], [sflag:$0x4] =	stream.indirect.gather @!p1 [hbm4b:s3+s19], $0x8, s20, s19, $0xb8;
	[tilespmem:$0x9140] =	vst v63  }
0x43: {  	s20 =	simm.s32 @!p1 $0x880;
	s21 =	simm.s32 @!p1 $0x5400  }
0x44: {  	[tilespmem:s21], [sflag:$0x4] =	stream.indirect.gather @!p1 [hbm4b:s3+s19], $0x8, s20, s19, $0xb8;
	[tilespmem:$0x9140] =	vst v63  }
0x45: {  	s20 =	simm.s32 @!p1 $0x900;
	s21 =	simm.s32 @!p1 $0x5800  }
0x46: {  	[tilespmem:s21], [sflag:$0x4] =	stream.indirect.gather @!p1 [hbm4b:s3+s19], $0x8, s20, s19, $0xb8;
	[tilespmem:$0x9140] =	vst v63  }
0x47: {  	s20 =	simm.s32 @!p1 $0x980;
	s21 =	simm.s32 @!p1 $0x5C00  }
0x48: {  	[tilespmem:s21], [sflag:$0x4] =	stream.indirect.gather @!p1 [hbm4b:s3+s19], $0x8, s20, s19, $0xb8;
	[tilespmem:$0x9140] =	vst v63  }
0x49: {  	s20 =	simm.s32 @!p1 $0xA00;
	s21 =	simm.s32 @!p1 $0x6000  }
0x4a: {  	[tilespmem:s21], [sflag:$0x4] =	stream.indirect.gather @!p1 [hbm4b:s3+s19], $0x8, s20, s19, $0xb8;
	[tilespmem:$0x9140] =	vst v63  }
0x4b: {  	s20 =	simm.s32 @!p1 $0xA80;
	s21 =	simm.s32 @!p1 $0x6400  }
0x4c: {  	[tilespmem:s21], [sflag:$0x4] =	stream.indirect.gather @!p1 [hbm4b:s3+s19], $0x8, s20, s19, $0xb8;
	[tilespmem:$0x9140] =	vst v63  }
0x4d: {  	s20 =	simm.s32 @!p1 $0xB00;
	s21 =	simm.s32 @!p1 $0x6800  }
0x4e: {  	[tilespmem:s21], [sflag:$0x4] =	stream.indirect.gather @!p1 [hbm4b:s3+s19], $0x8, s20, s19, $0xb8;
	[tilespmem:$0x9140] =	vst v63  }
0x4f: {  	s20 =	simm.s32 @!p1 $0xB80;
	s21 =	simm.s32 @!p1 $0x6C00  }
0x50: {  	[tilespmem:s21], [sflag:$0x4] =	stream.indirect.gather @!p1 [hbm4b:s3+s19], $0x8, s20, s19, $0xb8;
	[tilespmem:$0x9140] =	vst v63  }
0x51: {  	s20 =	simm.s32 @!p1 $0xC00;
	s21 =	simm.s32 @!p1 $0x7000  }
0x52: {  	[tilespmem:s21], [sflag:$0x4] =	stream.indirect.gather @!p1 [hbm4b:s3+s19], $0x8, s20, s19, $0xb8;
	[tilespmem:$0x9140] =	vst v63  }
0x53: {  	s20 =	simm.s32 @!p1 $0xC80;
	s21 =	simm.s32 @!p1 $0x7400  }
0x54: {  	[tilespmem:s21], [sflag:$0x4] =	stream.indirect.gather @!p1 [hbm4b:s3+s19], $0x8, s20, s19, $0xb8;
	[tilespmem:$0x9140] =	vst v63  }
0x55: {  	s20 =	simm.s32 @!p1 $0xD00;
	s21 =	simm.s32 @!p1 $0x7800  }
0x56: {  	[tilespmem:s21], [sflag:$0x4] =	stream.indirect.gather @!p1 [hbm4b:s3+s19], $0x8, s20, s19, $0xb8;
	[tilespmem:$0x9140] =	vst v63  }
0x57: {  	s20 =	simm.s32 @!p1 $0xD80;
	s21 =	simm.s32 @!p1 $0x7C00  }
0x58: {  	[tilespmem:s21], [sflag:$0x4] =	stream.indirect.gather @!p1 [hbm4b:s3+s19], $0x8, s20, s19, $0xb8;
	[tilespmem:$0x9140] =	vst v63  }
0x59: {  	s20 =	simm.s32 @!p1 $0xE00;
	s21 =	simm.s32 @!p1 $0x8000  }
0x5a: {  	[tilespmem:s21], [sflag:$0x4] =	stream.indirect.gather @!p1 [hbm4b:s3+s19], $0x8, s20, s19, $0xb8;
	[tilespmem:$0x9140] =	vst v63  }
0x5b: {  	s20 =	simm.s32 @!p1 $0xE80;
	s21 =	simm.s32 @!p1 $0x8400  }
0x5c: {  	[tilespmem:s21], [sflag:$0x4] =	stream.indirect.gather @!p1 [hbm4b:s3+s19], $0x8, s20, s19, $0xb8;
	[tilespmem:$0x9140] =	vst v63  }
0x5d: {  	s20 =	simm.s32 @!p1 $0xF00;
	s21 =	simm.s32 @!p1 $0x8800  }
0x5e: {  	[tilespmem:s21], [sflag:$0x4] =	stream.indirect.gather @!p1 [hbm4b:s3+s19], $0x8, s20, s19, $0xb8;
	[tilespmem:$0x9140] =	vst v63  }
0x5f: {  	p3 =	sge.u32 s18, s5;
	s20 =	simm.s32 @!p1 $0xF80;
	s21 =	simm.s32 @!p1 $0x8C00  }
0x60: {  	[tilespmem:s21], [sflag:$0x4] =	stream.indirect.gather @!p1 [hbm4b:s3+s19], $0x8, s20, s19, $0xb8;
	[tilespmem:$0x9140] =	vst v63  }
0x61: {  	s19 =	simm.s32 @!p3 $0x3;
	s20 =	sadd.s32 $0x2, s18  }
0x62: {  	_ =	swait.ge @!p3 [sflag:s19], $0x4000;
	p2 =	sge.u32 s20, s5  }
0x63: {  	[sflag:s19] =	ssyncset.done @!p3 $0x0;
	s20 =	sshll.u32 @!p2 s20, $0xD  }
0x64: {  	[sflag:s19] =	ssyncadd.s32 @!p3 $0xFFFFC000;
	s19 =	sadd.s32 @!p2 s20, s6;
	s20 =	simm.s32 @!p2 $0x0  }
0x65: {  	[tilespmem:s20], [sflag:$0x1] =	stream.linear.gather @!p2 [hbm4b:s19+s20], $0x800, $0x38;
	[tilespmem:$0x9140] =	vst v63  }
0x66: {  	v23 =	vimm.f32 $0.0e+00;
	v25 =	vimm.f32 $0.0e+00;
	s19 =	simm.s32 $0x70  }
.LBB2_3:
0x67: {  	s20 =	sadd.s32 $0xFFFFFF90, s19  }
0x68: {  	v24 =	vmov s20  }
0x69: {  	v24 =	vshll.u32 v24, $0x3  }
0x6a: {  	v28 =	vor.u32 v0, v24  }
0x6b: {  	v24 =	vor.u32 v1, v24  }
0x6c: {  	v26 =	vor.u32 $0x1, v28  }
0x6d: {  	v27 =	vor.u32 $0x2, v28  }
0x6e: {  	v29 =	vor.u32 $0x1, v24  }
0x6f: {  	v31 =	vor.u32 $0x2, v24;
	v30 =	vld.idx.msk [tilespmem:v28+s16+$0x0], $0xffff  }
0x70: {  	v32 =	vld.idx.msk [tilespmem:v24+s16+$0x0], $0xffff  }
0x71: {  	v26 =	vld.idx.msk [tilespmem:v26+s16+$0x0], $0xffff  }
0x72: {  	v27 =	vld.idx.msk [tilespmem:v27+s16+$0x0], $0xffff  }
0x73: {  	v29 =	vld.idx.msk [tilespmem:v29+s16+$0x0], $0xffff  }
0x74: {  	v31 =	vld.idx.msk [tilespmem:v31+s16+$0x0], $0xffff;
	_ =	sdelay $0x2  }
0x75: {  	v30 =	vsub.f32 v30, v32  }
0x76: {  	v26 =	vsub.f32 v26, v29  }
0x77: {  	v27 =	vsub.f32 v27, v31;
	v39 =	vshrl.u32 v30, $0x10  }
0x78: {  	v40 =	vshrl.u32 v26, $0x10;
	v29 =	vand.u32 $0x1, v39  }
0x79: {  	v41 =	vshrl.u32 v27, $0x10;
	v31 =	vand.u32 $0x1, v40;
	v29 =	vadd.s32 v29, v30  }
0x7a: {  	v42 =	vand.u32 $0x1, v41;
	v26 =	vadd.s32 v31, v26;
	v29 =	vadd.s32 $0x7FFF, v29  }
0x7b: {  	v27 =	vadd.s32 v42, v27;
	v26 =	vadd.s32 $0x7FFF, v26;
	v29 =	vand.u32 $0xFFFF0000, v29  }
0x7c: {  	v26 =	vand.u32 $0xFFFF0000, v26;
	v43 =	vmul.f32 v29, v3;
	v46 =	vmul.f32 v29, v6  }
0x7d: {  	v27 =	vadd.s32 $0x7FFF, v27;
	v29 =	vmul.f32 v29, v9;
	v44 =	vmul.f32 v26, v4  }
0x7e: {  	v27 =	vand.u32 $0xFFFF0000, v27;
	v33 =	vmul.f32 v26, v7;
	v26 =	vmul.f32 v26, v10  }
0x7f: {  	v45 =	vmul.f32 v27, v5;
	v47 =	vmul.f32 v27, v8;
	v30 =	vadd.f32 v44, v43  }
0x80: {  	v27 =	vmul.f32 v27, v11;
	v31 =	vadd.f32 v33, v46;
	v29 =	vadd.f32 v26, v29  }
0x81: {  	s21 =	sadd.s32 $0xFFFFFFA0, s19;
	v30 =	vadd.f32 v45, v30  }
0x82: {  	v26 =	vmov s21;
	v31 =	vadd.f32 v47, v31;
	v29 =	vadd.f32 v27, v29  }
0x83: {  	v35 =	vshll.u32 v26, $0x3;
	v48 =	vadd.f32 $5.000000000e-01, v30  }
0x84: {  	v26 =	vor.u32 v0, v35;
	v34 =	vadd.f32 $5.000000000e-01, v31;
	v50 =	vadd.f32 $5.000000000e-01, v29  }
0x85: {  	v36 =	vor.u32 $0x1, v26;
	v49 =	vtrunc.f32 v48  }
0x86: {  	v52 =	vor.u32 $0x2, v26;
	v27 =	vtrunc.f32 v34;
	v40 =	vtrunc.f32 v50  }
0x87: {  	v33 =	vcvt.f32.s32 v49;
	v37 =	vcvt.f32.s32 v27;
	v27 =	vor.u32 v1, v35  }
0x88: {  	v53 =	vcvt.f32.s32 v40;
	v38 =	vor.u32 $0x1, v27  }
0x89: {  	v41 =	vld.idx.msk [tilespmem:v26+s16+$0x0], $0xffff;
	v42 =	vor.u32 $0x2, v27;
	v33 =	vcvt.s32.f32 v33  }
0x8a: {  	v36 =	vld.idx.msk [tilespmem:v36+s16+$0x0], $0xffff;
	v51 =	vcvt.s32.f32 v37;
	v57 =	vcvt.s32.f32 v53  }
0x8b: {  	v37 =	vld.idx.msk [tilespmem:v52+s16+$0x0], $0xffff;
	vm0 =	vlt.f32 v48, v33  }
0x8c: {  	vm10 =	vlt.f32 v34, v51;
	vm11 =	vlt.f32 v50, v57;
	v39 =	vsel vm0, $0x3F800000, v2;
	v55 =	vld.idx.msk [tilespmem:v27+s16+$0x0], $0xffff  }
0x8d: {  	v54 =	vsel vm10, $0x3F800000, v2;
	v62 =	vsel vm11, $0x3F800000, v2;
	v33 =	vsub.f32 v33, v39;
	v58 =	vld.idx.msk [tilespmem:v38+s16+$0x0], $0xffff  }
0x8e: {  	v56 =	vsub.f32 v51, v54;
	v60 =	vld.idx.msk [tilespmem:v42+s16+$0x0], $0xffff;
	v32 =	vsub.f32 v57, v62  }
0x8f: {  	v33 =	vsub.f32 v30, v33  }
0x90: {  	v31 =	vsub.f32 v31, v56;
	v29 =	vsub.f32 v29, v32  }
0x91: {  	v38 =	vor.u32 $0x3, v28;
	v30 =	vor.u32 $0x4, v28;
	v59 =	vshrl.u32 v33, $0x10  }
0x92: {  	v63 =	vshrl.u32 v31, $0x10;
	v42 =	vsub.f32 v41, v55;
	v45 =	vshrl.u32 v29, $0x10  }
0x93: {  	v61 =	vand.u32 $0x1, v59;
	v34 =	vsub.f32 v36, v58;
	v35 =	vsub.f32 v37, v60  }
0x94: {  	v36 =	vand.u32 $0x1, v45;
	v28 =	vadd.s32 v61, v33;
	v33 =	vand.u32 $0x1, v63  }
0x95: {  	v43 =	vshrl.u32 v42, $0x10;
	v29 =	vadd.s32 v36, v29;
	v28 =	vadd.s32 $0x7FFF, v28  }
0x96: {  	v31 =	vadd.s32 v33, v31;
	v44 =	vshrl.u32 v34, $0x10;
	v32 =	vand.u32 $0x1, v43  }
0x97: {  	v46 =	vshrl.u32 v35, $0x10;
	v29 =	vadd.s32 $0x7FFF, v29;
	v33 =	vand.u32 $0x1, v44  }
0x98: {  	v32 =	vadd.s32 v32, v42;
	v31 =	vadd.s32 $0x7FFF, v31;
	v28 =	vand.u32 $0xFFFF0000, v28  }
0x99: {  	v29 =	vand.u32 $0xFFFF0000, v29;
	v33 =	vadd.s32 v33, v34;
	v32 =	vadd.s32 $0x7FFF, v32  }
0x9a: {  	v34 =	vand.u32 $0x1, v46;
	v52 =	vmul.f32 v28, v12;
	v56 =	vmul.f32 v29, v14  }
0x9b: {  	v31 =	vand.u32 $0xFFFF0000, v31;
	v61 =	vmul.f32 v28, v15;
	v28 =	vmul.f32 v28, v18  }
0x9c: {  	v33 =	vadd.s32 $0x7FFF, v33;
	v32 =	vand.u32 $0xFFFF0000, v32;
	v34 =	vadd.s32 v34, v35  }
0x9d: {  	v53 =	vmul.f32 v31, v13;
	v33 =	vand.u32 $0xFFFF0000, v33;
	v47 =	vmul.f32 v32, v3  }
0x9e: {  	v34 =	vadd.s32 $0x7FFF, v34;
	v50 =	vmul.f32 v32, v6;
	v48 =	vmul.f32 v33, v4  }
0x9f: {  	v32 =	vmul.f32 v32, v9;
	v34 =	vand.u32 $0xFFFF0000, v34;
	v51 =	vmul.f32 v33, v7  }
0xa0: {  	v33 =	vmul.f32 v33, v10;
	v49 =	vmul.f32 v34, v5;
	v35 =	vadd.f32 v48, v47  }
0xa1: {  	v62 =	vmul.f32 v31, v16;
	v54 =	vmul.f32 v34, v8;
	v36 =	vadd.f32 v51, v50  }
0xa2: {  	v58 =	vmul.f32 v34, v11;
	v32 =	vadd.f32 v33, v32;
	v35 =	vadd.f32 v49, v35  }
0xa3: {  	v31 =	vmul.f32 v31, v19;
	v39 =	vadd.f32 v53, v52;
	v36 =	vadd.f32 v54, v36  }
0xa4: {  	v46 =	vmul.f32 v29, v17;
	v32 =	vadd.f32 v58, v32;
	v55 =	vadd.f32 $5.000000000e-01, v35  }
0xa5: {  	v29 =	vmul.f32 v29, v20;
	v28 =	vadd.f32 v31, v28;
	v45 =	vadd.f32 $5.000000000e-01, v36  }
0xa6: {  	v52 =	vor.u32 $0x3, v24;
	v48 =	vadd.f32 $5.000000000e-01, v32;
	v57 =	vtrunc.f32 v55  }
0xa7: {  	v60 =	vadd.f32 v39, v56;
	v47 =	vtrunc.f32 v45;
	v59 =	vcvt.f32.s32 v57  }
0xa8: {  	s21 =	sadd.s32 $0xFFFFFFB0, s19;
	v39 =	vadd.f32 v62, v61;
	v49 =	vtrunc.f32 v48;
	v41 =	vcvt.f32.s32 v47  }
0xa9: {  	v56 =	vmov s21;
	v51 =	vcvt.f32.s32 v49;
	v63 =	vcvt.s32.f32 v59  }
0xaa: {  	v37 =	vshll.u32 v56, $0x3;
	v39 =	vadd.f32 v39, v46;
	v50 =	vcvt.s32.f32 v41  }
0xab: {  	v34 =	vmul.f32 v60, v60;
	v53 =	vcvt.s32.f32 v51;
	vm12 =	vlt.f32 v55, v63  }
0xac: {  	v61 =	vld.idx.msk [tilespmem:v38+s16+$0x0], $0xffff;
	v39 =	vmul.f32 v39, v39;
	vm13 =	vlt.f32 v45, v50;
	v43 =	vsel vm12, $0x3F800000, v2  }
0xad: {  	vm14 =	vlt.f32 v48, v53;
	v48 =	vld.idx.msk [tilespmem:v52+s16+$0x0], $0xffff;
	v55 =	vsel vm13, $0x3F800000, v2;
	v33 =	vsub.f32 v63, v43  }
0xae: {  	v34 =	vadd.f32 v39, v34;
	v57 =	vsel vm14, $0x3F800000, v2;
	v31 =	vsub.f32 v50, v55  }
0xaf: {  	v47 =	vor.u32 $0x4, v24;
	v58 =	vsub.f32 v53, v57;
	v33 =	vsub.f32 v35, v33  }
0xb0: {  	v35 =	vadd.f32 v28, v29;
	v31 =	vsub.f32 v36, v31;
	v28 =	vor.u32 v0, v37  }
0xb1: {  	v32 =	vsub.f32 v32, v58;
	v59 =	vor.u32 $0x1, v28;
	v50 =	vor.u32 $0x2, v28  }
0xb2: {  	v36 =	vadd.f32 v48, v61;
	v54 =	vshrl.u32 v33, $0x10;
	v60 =	vshrl.u32 v31, $0x10  }
0xb3: {  	v49 =	vshrl.u32 v32, $0x10;
	v35 =	vmul.f32 v35, v35;
	v29 =	vand.u32 $0x1, v54  }
0xb4: {  	v62 =	vand.u32 $0x1, v60;
	v33 =	vadd.s32 v29, v33;
	v29 =	vor.u32 v1, v37  }
0xb5: {  	v31 =	vadd.s32 v62, v31;
	v37 =	vand.u32 $0x1, v49;
	v63 =	vor.u32 $0x1, v29  }
0xb6: {  	v33 =	vadd.s32 $0x7FFF, v33;
	v31 =	vadd.s32 $0x7FFF, v31;
	v51 =	vld.idx.msk [tilespmem:v28+s16+$0x0], $0xffff;
	v44 =	vor.u32 $0x2, v29  }
0xb7: {  	v32 =	vadd.s32 v37, v32;
	v33 =	vand.u32 $0xFFFF0000, v33;
	v31 =	vand.u32 $0xFFFF0000, v31;
	v52 =	vld.idx.msk [tilespmem:v59+s16+$0x0], $0xffff  }
0xb8: {  	v32 =	vadd.s32 $0x7FFF, v32;
	v42 =	vld.idx.msk [tilespmem:v50+s16+$0x0], $0xffff;
	v50 =	vor.u32 $0x3, v26;
	v53 =	vmul.f32 v33, v12  }
0xb9: {  	v26 =	vor.u32 $0x4, v26;
	v45 =	vmul.f32 v31, v13;
	v56 =	vmul.f32 v33, v15;
	v46 =	vld.idx.msk [tilespmem:v29+s16+$0x0], $0xffff  }
0xba: {  	v54 =	vand.u32 $0xFFFF0000, v32;
	v57 =	vmul.f32 v31, v16;
	v33 =	vmul.f32 v33, v18;
	v38 =	vld.idx.msk [tilespmem:v63+s16+$0x0], $0xffff  }
0xbb: {  	v32 =	vadd.f32 v34, v35;
	v31 =	vmul.f32 v31, v19;
	v55 =	vmul.f32 v54, v14  }
0xbc: {  	v58 =	vmul.f32 v54, v17;
	v24 =	vadd.f32 v45, v53;
	v34 =	vadd.f32 v57, v56;
	v44 =	vld.idx.msk [tilespmem:v44+s16+$0x0], $0xffff  }
0xbd: {  	v60 =	vmul.f32 v54, v20;
	v54 =	vor.u32 $0x3, v27;
	v31 =	vadd.f32 v31, v33  }
0xbe: {  	v27 =	vor.u32 $0x4, v27;
	v24 =	vadd.f32 v24, v55;
	v34 =	vadd.f32 v34, v58  }
0xbf: {  	(erf) = vrcp.f32 v32;
	v59 =	vsub.f32 v51, v46;
	v37 =	vsub.f32 v52, v38  }
0xc0: {  	v31 =	vadd.f32 v31, v60;
	v24 =	vmul.f32 v24, v24;
	v34 =	vmul.f32 v34, v34  }
0xc1: {  	v63 =	vsub.f32 v42, v44;
	v61 =	vshrl.u32 v59, $0x10;
	v62 =	vshrl.u32 v37, $0x10  }
0xc2: {  	v31 =	vmul.f32 v31, v31;
	v42 =	vand.u32 $0x1, v61;
	v43 =	vand.u32 $0x1, v62  }
0xc3: {  	v45 =	vshrl.u32 v63, $0x10;
	v33 =	vadd.s32 v42, v59;
	v44 =	vadd.s32 v43, v37  }
0xc4: {  	v33 =	vadd.s32 $0x7FFF, v33;
	v37 =	vand.u32 $0x1, v45;
	v35 =	vadd.s32 $0x7FFF, v44  }
0xc5: {  	v33 =	vand.u32 $0xFFFF0000, v33;
	v37 =	vadd.s32 v37, v63;
	v35 =	vand.u32 $0xFFFF0000, v35  }
0xc6: {  	v37 =	vadd.s32 $0x7FFF, v37;
	v46 =	vmul.f32 v33, v3;
	v48 =	vmul.f32 v35, v4  }
0xc7: {  	v30 =	vld.idx.msk [tilespmem:v30+s16+$0x0], $0xffff;
	v24 =	vadd.f32 v34, v24;
	v52 =	vmul.f32 v33, v6;
	v37 =	vand.u32 $0xFFFF0000, v37  }
0xc8: {  	v58 =	vld.idx.msk [tilespmem:v47+s16+$0x0], $0xffff;
	v53 =	vmul.f32 v35, v7;
	v49 =	vmul.f32 v37, v5;
	v38 =	vadd.f32 v48, v46  }
0xc9: {  	v26 =	vld.idx.msk [tilespmem:v26+s16+$0x0], $0xffff;
	v24 =	vadd.f32 v24, v31;
	v33 =	vmul.f32 v33, v9;
	v35 =	vmul.f32 v35, v10  }
0xca: {  	v27 =	vld.idx.msk [tilespmem:v27+s16+$0x0], $0xffff;
	v56 =	vmul.f32 v37, v8;
	v55 =	vadd.f32 v53, v52;
	v38 =	vadd.f32 v49, v38  }
0xcb: {  	v36 =	vmul.f32 v36, v36;
	(erf) = vrcp.f32 v24;
	v33 =	vadd.f32 v35, v33  }
0xcc: {  	v40 =	vld.idx.msk [tilespmem:v50+s16+$0x0], $0xffff;
	v51 =	vpop (erf);
	v60 =	vmul.f32 v37, v11;
	v31 =	vadd.f32 v56, v55;
	v57 =	vadd.f32 $5.000000000e-01, v38  }
0xcd: {  	v30 =	vmul.f32 v58, v30;
	v34 =	vmul.f32 v51, v36;
	v36 =	vld.idx.msk [tilespmem:v54+s16+$0x0], $0xffff  }
0xce: {  	v33 =	vadd.f32 v60, v33;
	v45 =	vadd.f32 $5.000000000e-01, v31;
	v59 =	vtrunc.f32 v57  }
0xcf: {  	v26 =	vmul.f32 v27, v26;
	v61 =	vcvt.f32.s32 v59  }
0xd0: {  	v62 =	vmul.f32 v34, v34;
	v47 =	vadd.f32 $5.000000000e-01, v33;
	v46 =	vtrunc.f32 v45  }
0xd1: {  	v39 =	vcvt.f32.s32 v46;
	v63 =	vcvt.s32.f32 v61  }
0xd2: {  	v34 =	vmul.f32 v62, v34;
	v36 =	vadd.f32 v36, v40;
	v49 =	vtrunc.f32 v47  }
0xd3: {  	v35 =	vcvt.f32.s32 v49;
	v39 =	vcvt.s32.f32 v39;
	vm15 =	vlt.f32 v57, v63  }
0xd4: {  	v42 =	vmul.f32 v34, v30;
	v36 =	vmul.f32 v36, v36;
	v48 =	vsel vm15, $0x3F800000, v2  }
0xd5: {  	s21 =	sadd.s32 $0xFFFFFFC0, s19;
	v50 =	vpop (erf);
	v35 =	vcvt.s32.f32 v35;
	vm4 =	vlt.f32 v45, v39;
	v30 =	vsub.f32 v63, v48  }
0xd6: {  	v53 =	vmov s21;
	v36 =	vmul.f32 v50, v36;
	v52 =	vsel vm4, $0x3F800000, v2  }
0xd7: {  	vm5 =	vlt.f32 v47, v35;
	v30 =	vsub.f32 v38, v30;
	v38 =	vsub.f32 v39, v52  }
0xd8: {  	v55 =	vmul.f32 v36, v36;
	v54 =	vsel vm5, $0x3F800000, v2;
	v39 =	vshll.u32 v53, $0x3  }
0xd9: {  	v35 =	vsub.f32 v35, v54;
	v38 =	vsub.f32 v31, v38;
	v31 =	vor.u32 v0, v39  }
0xda: {  	v36 =	vmul.f32 v55, v36;
	v51 =	vshrl.u32 v30, $0x10;
	v56 =	vor.u32 $0x1, v31  }
0xdb: {  	v33 =	vsub.f32 v33, v35;
	v37 =	vand.u32 $0x1, v51;
	v61 =	vor.u32 $0x2, v31  }
0xdc: {  	v37 =	vadd.s32 v37, v30;
	v57 =	vshrl.u32 v38, $0x10;
	v30 =	vor.u32 v1, v39  }
0xdd: {  	v60 =	vshrl.u32 v33, $0x10;
	v59 =	vand.u32 $0x1, v57;
	v39 =	vor.u32 $0x1, v30  }
0xde: {  	v58 =	vadd.s32 $0x7FFF, v37;
	v63 =	vor.u32 $0x2, v30;
	v37 =	vadd.s32 v59, v38;
	v62 =	vld.idx.msk [tilespmem:v31+s16+$0x0], $0xffff  }
0xdf: {  	v38 =	vand.u32 $0x1, v60;
	v35 =	vand.u32 $0xFFFF0000, v58;
	v37 =	vadd.s32 $0x7FFF, v37;
	v48 =	vld.idx.msk [tilespmem:v56+s16+$0x0], $0xffff  }
0xe0: {  	v33 =	vadd.s32 v38, v33;
	v49 =	vmul.f32 v35, v12;
	v37 =	vand.u32 $0xFFFF0000, v37;
	v55 =	vld.idx.msk [tilespmem:v61+s16+$0x0], $0xffff  }
0xe1: {  	v33 =	vadd.s32 $0x7FFF, v33;
	v56 =	vmul.f32 v35, v15;
	v35 =	vmul.f32 v35, v18;
	v51 =	vld.idx.msk [tilespmem:v30+s16+$0x0], $0xffff  }
0xe2: {  	v50 =	vmul.f32 v37, v13;
	v27 =	vand.u32 $0xFFFF0000, v33;
	v57 =	vmul.f32 v37, v16;
	v52 =	vld.idx.msk [tilespmem:v39+s16+$0x0], $0xffff  }
0xe3: {  	vm6 =	vle.f32 v32, v21;
	v37 =	vmul.f32 v37, v19;
	v54 =	vmul.f32 v27, v14;
	v58 =	vld.idx.msk [tilespmem:v63+s16+$0x0], $0xffff  }
0xe4: {  	v60 =	vmul.f32 v27, v17;
	v53 =	vadd.f32 v50, v49;
	v32 =	vadd.f32 v57, v56  }
0xe5: {  	v34 =	vadd.f32 $-1.000000000e+00, v34;
	v27 =	vmul.f32 v27, v20;
	v35 =	vadd.f32 v37, v35  }
0xe6: {  	v59 =	vor.u32 $0x3, v28;
	v39 =	vadd.f32 v53, v54;
	v32 =	vadd.f32 v32, v60  }
0xe7: {  	v61 =	vor.u32 $0x3, v29;
	v27 =	vadd.f32 v35, v27;
	v44 =	vsub.f32 v62, v51  }
0xe8: {  	v54 =	vmul.f32 v36, v26;
	v33 =	vsub.f32 v48, v52;
	v63 =	vsub.f32 v55, v58  }
0xe9: {  	v39 =	vmul.f32 v39, v39;
	v32 =	vmul.f32 v32, v32;
	v62 =	vshrl.u32 v44, $0x10  }
0xea: {  	v27 =	vmul.f32 v27, v27;
	v38 =	vshrl.u32 v33, $0x10;
	v46 =	vand.u32 $0x1, v62  }
0xeb: {  	v48 =	vshrl.u32 v63, $0x10;
	v32 =	vadd.f32 v32, v39;
	v47 =	vand.u32 $0x1, v38  }
0xec: {  	v35 =	vadd.s32 v46, v44;
	v37 =	vand.u32 $0x1, v48;
	v33 =	vadd.s32 v47, v33  }
0xed: {  	v35 =	vadd.s32 $0x7FFF, v35;
	v37 =	vadd.s32 v37, v63;
	v33 =	vadd.s32 $0x7FFF, v33  }
0xee: {  	v26 =	vadd.f32 v32, v27;
	v35 =	vand.u32 $0xFFFF0000, v35;
	v33 =	vand.u32 $0xFFFF0000, v33  }
0xef: {  	v57 =	vld.idx.msk [tilespmem:v61+s16+$0x0], $0xffff;
	v37 =	vadd.s32 $0x7FFF, v37;
	v49 =	vmul.f32 v35, v3;
	v50 =	vmul.f32 v33, v4  }
0xf0: {  	v55 =	vld.idx.msk [tilespmem:v59+s16+$0x0], $0xffff;
	v37 =	vand.u32 $0xFFFF0000, v37;
	v52 =	vmul.f32 v35, v6;
	v53 =	vmul.f32 v33, v7  }
0xf1: {  	v35 =	vmul.f32 v35, v9;
	v51 =	vmul.f32 v37, v5;
	v38 =	vadd.f32 v50, v49  }
0xf2: {  	v56 =	vmul.f32 v37, v8;
	v33 =	vmul.f32 v33, v10;
	v27 =	vadd.f32 v53, v52  }
0xf3: {  	v34 =	vmul.f32 v34, v42;
	v36 =	vadd.f32 $-1.000000000e+00, v36;
	v38 =	vadd.f32 v51, v38  }
0xf4: {  	v61 =	vmul.f32 v37, v11;
	v60 =	vadd.f32 v33, v35;
	v59 =	vadd.f32 v56, v27  }
0xf5: {  	v44 =	vadd.f32 v57, v55;
	v58 =	vadd.f32 $5.000000000e-01, v38  }
0xf6: {  	s21 =	sadd.s32 $0xFFFFFFD0, s19;
	v34 =	vnsel vm6, $0x0, v34;
	v33 =	vadd.f32 v61, v60;
	v63 =	vadd.f32 $5.000000000e-01, v59  }
0xf7: {  	(erf) = vrcp.f32 v26;
	v49 =	vmov s21;
	v27 =	vtrunc.f32 v58  }
0xf8: {  	v48 =	vadd.f32 $5.000000000e-01, v33;
	v46 =	vtrunc.f32 v63;
	v62 =	vcvt.f32.s32 v27  }
0xf9: {  	v27 =	vmul.f32 v36, v54;
	v36 =	vor.u32 $0x4, v28;
	v28 =	vshll.u32 v49, $0x3  }
0xfa: {  	v37 =	vor.u32 $0x4, v29;
	v47 =	vcvt.f32.s32 v46;
	v29 =	vor.u32 v0, v28  }
0xfb: {  	v51 =	vtrunc.f32 v48;
	v28 =	vor.u32 v1, v28;
	v45 =	vcvt.s32.f32 v62  }
0xfc: {  	v52 =	vcvt.f32.s32 v51;
	v50 =	vcvt.s32.f32 v47;
	v53 =	vor.u32 $0x1, v29  }
0xfd: {  	v39 =	vmul.f32 v44, v44;
	v57 =	vor.u32 $0x1, v28;
	vm7 =	vlt.f32 v58, v45  }
0xfe: {  	v43 =	vcvt.s32.f32 v52;
	vm8 =	vlt.f32 v63, v50;
	v41 =	vsel vm7, $0x3F800000, v2  }
0xff: {  	v61 =	vor.u32 $0x2, v28;
	v55 =	vsel vm8, $0x3F800000, v2;
	v41 =	vsub.f32 v45, v41;
	v60 =	vld.idx.msk [tilespmem:v29+s16+$0x0], $0xffff  }
0x100: {  	vm9 =	vlt.f32 v48, v43;
	v58 =	vor.u32 $0x2, v29;
	v56 =	vsub.f32 v50, v55;
	v48 =	vld.idx.msk [tilespmem:v28+s16+$0x0], $0xffff  }
0x101: {  	v25 =	vadd.f32 v34, v25;
	v54 =	vpop (erf);
	v46 =	vor.u32 $0x3, v31;
	v35 =	vld.idx.msk [tilespmem:v53+s16+$0x0], $0xffff;
	v38 =	vsub.f32 v38, v41  }
0x102: {  	v32 =	vmul.f32 v54, v39;
	v40 =	vld.idx.msk [tilespmem:v57+s16+$0x0], $0xffff;
	v39 =	vsub.f32 v59, v56;
	v59 =	vsel vm9, $0x3F800000, v2  }
0x103: {  	v31 =	vor.u32 $0x4, v31;
	v41 =	vsub.f32 v43, v59;
	v62 =	vshrl.u32 v38, $0x10  }
0x104: {  	v45 =	vmul.f32 v32, v32;
	v44 =	vld.idx.msk [tilespmem:v61+s16+$0x0], $0xffff;
	v63 =	vshrl.u32 v39, $0x10;
	v43 =	vand.u32 $0x1, v62  }
0x105: {  	v34 =	vld.idx.msk [tilespmem:v58+s16+$0x0], $0xffff;
	v47 =	vand.u32 $0x1, v63;
	v33 =	vsub.f32 v33, v41;
	v41 =	vor.u32 $0x3, v30  }
0x106: {  	v42 =	vsub.f32 v60, v48;
	v38 =	vadd.s32 v43, v38;
	v39 =	vadd.s32 v47, v39  }
0x107: {  	v35 =	vsub.f32 v35, v40;
	v38 =	vadd.s32 $0x7FFF, v38;
	v39 =	vadd.s32 $0x7FFF, v39  }
0x108: {  	v50 =	vshrl.u32 v33, $0x10;
	v54 =	vshrl.u32 v42, $0x10;
	v38 =	vand.u32 $0xFFFF0000, v38  }
0x109: {  	v39 =	vand.u32 $0xFFFF0000, v39;
	v43 =	vand.u32 $0x1, v50;
	v55 =	vshrl.u32 v35, $0x10  }
0x10a: {  	v34 =	vsub.f32 v34, v44;
	v33 =	vadd.s32 v43, v33;
	v51 =	vmul.f32 v38, v12  }
0x10b: {  	v52 =	vmul.f32 v39, v13;
	v43 =	vand.u32 $0x1, v54;
	v47 =	vand.u32 $0x1, v55  }
0x10c: {  	v60 =	vmul.f32 v38, v15;
	v33 =	vadd.s32 $0x7FFF, v33;
	v42 =	vadd.s32 v43, v42  }
0x10d: {  	v35 =	vadd.s32 v47, v35;
	v57 =	vshrl.u32 v34, $0x10;
	v33 =	vand.u32 $0xFFFF0000, v33  }
0x10e: {  	v53 =	vadd.f32 v52, v51;
	v42 =	vadd.s32 $0x7FFF, v42;
	v35 =	vadd.s32 $0x7FFF, v35  }
0x10f: {  	v43 =	vand.u32 $0x1, v57;
	v56 =	vmul.f32 v33, v14;
	v42 =	vand.u32 $0xFFFF0000, v42  }
0x110: {  	v35 =	vand.u32 $0xFFFF0000, v35;
	v34 =	vadd.s32 v43, v34;
	v58 =	vmul.f32 v42, v3  }
0x111: {  	v34 =	vadd.s32 $0x7FFF, v34;
	v59 =	vmul.f32 v35, v4;
	v63 =	vmul.f32 v42, v6  }
0x112: {  	v52 =	vmul.f32 v35, v7;
	v42 =	vmul.f32 v42, v9;
	v34 =	vand.u32 $0xFFFF0000, v34  }
0x113: {  	v35 =	vmul.f32 v35, v10;
	v43 =	vadd.f32 v59, v58;
	v61 =	vmul.f32 v34, v5  }
0x114: {  	v40 =	vadd.f32 v53, v56;
	v53 =	vmul.f32 v34, v8;
	v48 =	vadd.f32 v52, v63  }
0x115: {  	v35 =	vadd.f32 v35, v42;
	v34 =	vmul.f32 v34, v11;
	v43 =	vadd.f32 v61, v43  }
0x116: {  	v49 =	vmul.f32 v39, v16;
	v38 =	vmul.f32 v38, v18;
	v44 =	vadd.f32 v53, v48  }
0x117: {  	v39 =	vmul.f32 v39, v19;
	v35 =	vadd.f32 v34, v35;
	v54 =	vadd.f32 $5.000000000e-01, v43  }
0x118: {  	v62 =	vadd.f32 v49, v60;
	v50 =	vmul.f32 v33, v17;
	v33 =	vmul.f32 v33, v20  }
0x119: {  	v58 =	vadd.f32 $5.000000000e-01, v44;
	v63 =	vadd.f32 $5.000000000e-01, v35;
	v56 =	vtrunc.f32 v54  }
0x11a: {  	v38 =	vadd.f32 v39, v38;
	v59 =	vmul.f32 v40, v40;
	v57 =	vcvt.f32.s32 v56  }
0x11b: {  	v55 =	vadd.f32 v62, v50;
	v62 =	vtrunc.f32 v58;
	v53 =	vtrunc.f32 v63  }
0x11c: {  	v30 =	vor.u32 $0x4, v30;
	v34 =	vcvt.f32.s32 v62;
	v61 =	vcvt.s32.f32 v57  }
0x11d: {  	s21 =	sadd.s32 $0xFFFFFFE0, s19;
	v33 =	vadd.f32 v38, v33;
	v60 =	vmul.f32 v55, v55;
	v39 =	vcvt.f32.s32 v53  }
0x11e: {  	v37 =	vld.idx.msk [tilespmem:v37+s16+$0x0], $0xffff;
	v55 =	vcvt.s32.f32 v34;
	vm10 =	vlt.f32 v54, v61;
	v54 =	vmov s21  }
0x11f: {  	v46 =	vld.idx.msk [tilespmem:v46+s16+$0x0], $0xffff;
	v50 =	vmul.f32 v33, v33;
	v39 =	vcvt.s32.f32 v39;
	v40 =	vshll.u32 v54, $0x3  }
0x120: {  	v51 =	vld.idx.msk [tilespmem:v31+s16+$0x0], $0xffff;
	v38 =	vadd.f32 v60, v59;
	vm11 =	vlt.f32 v58, v55;
	v34 =	vor.u32 v0, v40  }
0x121: {  	v59 =	vld.idx.msk [tilespmem:v41+s16+$0x0], $0xffff;
	vm12 =	vlt.f32 v63, v39;
	v56 =	vsel vm10, $0x3F800000, v2;
	v31 =	vor.u32 v1, v40  }
0x122: {  	v36 =	vld.idx.msk [tilespmem:v36+s16+$0x0], $0xffff;
	v58 =	vsel vm11, $0x3F800000, v2;
	v62 =	vsel vm12, $0x3F800000, v2;
	v57 =	vor.u32 $0x1, v34  }
0x123: {  	v33 =	vsub.f32 v61, v56;
	v60 =	vsub.f32 v55, v58;
	v61 =	vor.u32 $0x1, v31  }
0x124: {  	v48 =	vld.idx.msk [tilespmem:v30+s16+$0x0], $0xffff;
	v30 =	vadd.f32 v38, v50;
	v39 =	vsub.f32 v39, v62;
	v63 =	vor.u32 $0x2, v34  }
0x125: {  	v52 =	vor.u32 $0x2, v31;
	v43 =	vsub.f32 v43, v33;
	v41 =	vsub.f32 v44, v60;
	v44 =	vld.idx.msk [tilespmem:v34+s16+$0x0], $0xffff  }
0x126: {  	v32 =	vmul.f32 v45, v32;
	v40 =	vadd.f32 v59, v46;
	v35 =	vsub.f32 v35, v39;
	v58 =	vld.idx.msk [tilespmem:v31+s16+$0x0], $0xffff  }
0x127: {  	v33 =	vmul.f32 v37, v36;
	v56 =	vshrl.u32 v43, $0x10;
	v55 =	vld.idx.msk [tilespmem:v57+s16+$0x0], $0xffff;
	v57 =	vshrl.u32 v41, $0x10  }
0x128: {  	v59 =	vshrl.u32 v35, $0x10;
	v37 =	vand.u32 $0x1, v56;
	v42 =	vld.idx.msk [tilespmem:v61+s16+$0x0], $0xffff;
	v38 =	vand.u32 $0x1, v57  }
0x129: {  	v37 =	vadd.s32 v37, v43;
	v60 =	vld.idx.msk [tilespmem:v63+s16+$0x0], $0xffff;
	v38 =	vadd.s32 v38, v41;
	v41 =	vand.u32 $0x1, v59  }
0x12a: {  	v61 =	vld.idx.msk [tilespmem:v52+s16+$0x0], $0xffff;
	v37 =	vadd.s32 $0x7FFF, v37;
	v38 =	vadd.s32 $0x7FFF, v38;
	v35 =	vadd.s32 v41, v35  }
0x12b: {  	v37 =	vand.u32 $0xFFFF0000, v37;
	v38 =	vand.u32 $0xFFFF0000, v38;
	v35 =	vadd.s32 $0x7FFF, v35  }
0x12c: {  	v62 =	vmul.f32 v37, v12;
	v63 =	vmul.f32 v38, v13;
	v47 =	vand.u32 $0xFFFF0000, v35  }
0x12d: {  	v36 =	vsub.f32 v55, v42;
	v35 =	vmul.f32 v48, v51;
	v55 =	vmul.f32 v37, v15  }
0x12e: {  	v39 =	vsub.f32 v44, v58;
	v56 =	vmul.f32 v38, v16;
	v37 =	vmul.f32 v37, v18  }
0x12f: {  	v43 =	vsub.f32 v60, v61;
	v38 =	vmul.f32 v38, v19;
	v48 =	vmul.f32 v47, v14  }
0x130: {  	v44 =	vshrl.u32 v39, $0x10;
	v41 =	vadd.f32 v63, v62;
	v49 =	vshrl.u32 v36, $0x10  }
0x131: {  	v50 =	vand.u32 $0x1, v44;
	v52 =	vshrl.u32 v43, $0x10;
	v45 =	vadd.f32 v56, v55  }
0x132: {  	v37 =	vadd.f32 v38, v37;
	v51 =	vand.u32 $0x1, v49;
	v39 =	vadd.s32 v50, v39  }
0x133: {  	v42 =	vand.u32 $0x1, v52;
	v36 =	vadd.s32 v51, v36;
	v39 =	vadd.s32 $0x7FFF, v39  }
0x134: {  	v42 =	vadd.s32 v42, v43;
	v36 =	vadd.s32 $0x7FFF, v36;
	v39 =	vand.u32 $0xFFFF0000, v39  }
0x135: {  	v36 =	vand.u32 $0xFFFF0000, v36;
	v53 =	vmul.f32 v39, v3;
	v58 =	vmul.f32 v39, v6  }
0x136: {  	v42 =	vadd.s32 $0x7FFF, v42;
	v39 =	vmul.f32 v39, v9;
	v54 =	vmul.f32 v36, v4  }
0x137: {  	v42 =	vand.u32 $0xFFFF0000, v42;
	v59 =	vmul.f32 v36, v7;
	v36 =	vmul.f32 v36, v10  }
0x138: {  	v57 =	vmul.f32 v42, v5;
	v61 =	vmul.f32 v42, v8;
	v43 =	vadd.f32 v54, v53  }
0x139: {  	v62 =	vmul.f32 v42, v11;
	v60 =	vadd.f32 v59, v58;
	v36 =	vadd.f32 v36, v39  }
0x13a: {  	v52 =	vmul.f32 v47, v17;
	v41 =	vadd.f32 v41, v48;
	v43 =	vadd.f32 v57, v43  }
0x13b: {  	v44 =	vadd.f32 v61, v60;
	v36 =	vadd.f32 v62, v36  }
0x13c: {  	v45 =	vadd.f32 v45, v52;
	v63 =	vadd.f32 $5.000000000e-01, v43  }
0x13d: {  	s21 =	sadd.s32 $0xFFFFFFF0, s19;
	v41 =	vmul.f32 v41, v41;
	v46 =	vadd.f32 $5.000000000e-01, v44;
	v55 =	vadd.f32 $5.000000000e-01, v36  }
0x13e: {  	v53 =	vmul.f32 v47, v20;
	v58 =	vmov s21;
	v54 =	vtrunc.f32 v63  }
0x13f: {  	v38 =	vshll.u32 v58, $0x3;
	v57 =	vtrunc.f32 v46;
	v60 =	vtrunc.f32 v55  }
0x140: {  	v47 =	vadd.f32 v37, v53;
	v39 =	vcvt.f32.s32 v54;
	v59 =	vcvt.f32.s32 v57  }
0x141: {  	v37 =	vor.u32 v0, v38;
	v38 =	vor.u32 v1, v38;
	v61 =	vcvt.f32.s32 v60  }
0x142: {  	v39 =	vcvt.s32.f32 v39;
	v62 =	vcvt.s32.f32 v59;
	v59 =	vor.u32 $0x2, v37  }
0x143: {  	v45 =	vmul.f32 v45, v45;
	v53 =	vor.u32 $0x2, v38;
	v50 =	vcvt.s32.f32 v61  }
0x144: {  	v57 =	vor.u32 $0x1, v38;
	vm13 =	vlt.f32 v63, v39;
	v63 =	vor.u32 $0x1, v37  }
0x145: {  	vm14 =	vlt.f32 v46, v62;
	vm15 =	vlt.f32 v55, v50;
	v56 =	vsel vm13, $0x3F800000, v2  }
0x146: {  	v52 =	vld.idx.msk [tilespmem:v37+s16+$0x0], $0xffff;
	v58 =	vsel vm14, $0x3F800000, v2;
	v60 =	vsel vm15, $0x3F800000, v2;
	v39 =	vsub.f32 v39, v56  }
0x147: {  	v42 =	vsub.f32 v62, v58;
	v61 =	vsub.f32 v50, v60;
	v56 =	vld.idx.msk [tilespmem:v59+s16+$0x0], $0xffff  }
0x148: {  	v41 =	vadd.f32 v45, v41;
	v62 =	vmul.f32 v47, v47;
	v59 =	vld.idx.msk [tilespmem:v53+s16+$0x0], $0xffff;
	v39 =	vsub.f32 v43, v39  }
0x149: {  	v54 =	vmul.f32 v40, v40;
	v42 =	vsub.f32 v44, v42;
	v40 =	vsub.f32 v36, v61;
	v43 =	vld.idx.msk [tilespmem:v63+s16+$0x0], $0xffff  }
0x14a: {  	v36 =	vadd.f32 v41, v62;
	v63 =	vld.idx.msk [tilespmem:v38+s16+$0x0], $0xffff  }
0x14b: {  	v46 =	vld.idx.msk [tilespmem:v57+s16+$0x0], $0xffff;
	v50 =	vshrl.u32 v39, $0x10;
	v55 =	vshrl.u32 v42, $0x10;
	v58 =	vshrl.u32 v40, $0x10  }
0x14c: {  	v51 =	vand.u32 $0x1, v50;
	v57 =	vand.u32 $0x1, v55;
	v60 =	vand.u32 $0x1, v58  }
0x14d: {  	v39 =	vadd.s32 v51, v39;
	v41 =	vadd.s32 v57, v42;
	v40 =	vadd.s32 v60, v40  }
0x14e: {  	v47 =	vsub.f32 v56, v59;
	v39 =	vadd.s32 $0x7FFF, v39;
	v41 =	vadd.s32 $0x7FFF, v41  }
0x14f: {  	v40 =	vadd.s32 $0x7FFF, v40;
	v39 =	vand.u32 $0xFFFF0000, v39;
	v61 =	vsub.f32 v52, v63  }
0x150: {  	v43 =	vsub.f32 v43, v46;
	v41 =	vand.u32 $0xFFFF0000, v41;
	v44 =	vand.u32 $0xFFFF0000, v40  }
0x151: {  	v55 =	vshrl.u32 v47, $0x10;
	v40 =	vmul.f32 v39, v12;
	v63 =	vmul.f32 v41, v13  }
0x152: {  	v58 =	vmul.f32 v44, v14;
	v62 =	vshrl.u32 v61, $0x10;
	v46 =	vshrl.u32 v43, $0x10  }
0x153: {  	v59 =	vmul.f32 v39, v15;
	v45 =	vand.u32 $0x1, v62;
	v46 =	vand.u32 $0x1, v46  }
0x154: {  	v40 =	vadd.f32 v63, v40;
	v42 =	vadd.s32 v45, v61;
	v43 =	vadd.s32 v46, v43  }
0x155: {  	v45 =	vand.u32 $0x1, v55;
	v42 =	vadd.s32 $0x7FFF, v42;
	v43 =	vadd.s32 $0x7FFF, v43  }
0x156: {  	v45 =	vadd.s32 v45, v47;
	v42 =	vand.u32 $0xFFFF0000, v42;
	v43 =	vand.u32 $0xFFFF0000, v43  }
0x157: {  	v45 =	vadd.s32 $0x7FFF, v45;
	v56 =	vmul.f32 v42, v3;
	v57 =	vmul.f32 v43, v4  }
0x158: {  	v45 =	vand.u32 $0xFFFF0000, v45;
	v62 =	vmul.f32 v42, v6;
	v63 =	vmul.f32 v43, v7  }
0x159: {  	v60 =	vmul.f32 v41, v16;
	v47 =	vadd.f32 v40, v58;
	v61 =	vmul.f32 v45, v5  }
0x15a: {  	v58 =	vmul.f32 v45, v8;
	v46 =	vadd.f32 v57, v56;
	v57 =	vadd.f32 v63, v62  }
0x15b: {  	(erf) = vrcp.f32 v30;
	v50 =	vadd.f32 v60, v59;
	v56 =	vmul.f32 v44, v17  }
0x15c: {  	(erf) = vrcp.f32 v36;
	v46 =	vadd.f32 v61, v46;
	v48 =	vadd.f32 v58, v57  }
0x15d: {  	v60 =	vmov s19;
	v59 =	vmul.f32 v42, v9;
	v49 =	vadd.f32 v50, v56  }
0x15e: {  	v63 =	vshll.u32 v60, $0x3;
	v51 =	vadd.f32 $5.000000000e-01, v46;
	v53 =	vadd.f32 $5.000000000e-01, v48  }
0x15f: {  	v50 =	vmul.f32 v39, v18;
	v61 =	vmul.f32 v43, v10;
	v39 =	vor.u32 v0, v63  }
0x160: {  	v40 =	vor.u32 v1, v63;
	v62 =	vtrunc.f32 v51;
	v56 =	vtrunc.f32 v53  }
0x161: {  	v55 =	vor.u32 $0x1, v39;
	v43 =	vcvt.f32.s32 v62;
	v60 =	vcvt.f32.s32 v56  }
0x162: {  	v45 =	vmul.f32 v45, v11;
	v42 =	vadd.f32 v61, v59;
	v56 =	vor.u32 $0x1, v40  }
0x163: {  	v43 =	vcvt.s32.f32 v43;
	v58 =	vcvt.s32.f32 v60  }
0x164: {  	v52 =	vmul.f32 v41, v19;
	v42 =	vadd.f32 v45, v42;
	v45 =	vor.u32 $0x2, v39;
	v59 =	vld.idx.msk [tilespmem:v39+s16+$0x0], $0xffff  }
0x165: {  	v60 =	vor.u32 $0x2, v40;
	vm4 =	vlt.f32 v51, v43;
	v51 =	vpop (erf);
	vm5 =	vlt.f32 v53, v58;
	v53 =	vld.idx.msk [tilespmem:v40+s16+$0x0], $0xffff  }
0x166: {  	v50 =	vadd.f32 v52, v50;
	v57 =	vsel vm4, $0x3F800000, v2;
	v41 =	vmul.f32 v51, v54;
	v51 =	vld.idx.msk [tilespmem:v55+s16+$0x0], $0xffff  }
0x167: {  	v47 =	vmul.f32 v47, v47;
	v52 =	vadd.f32 $5.000000000e-01, v42;
	v54 =	vld.idx.msk [tilespmem:v56+s16+$0x0], $0xffff;
	v43 =	vsub.f32 v43, v57  }
0x168: {  	v44 =	vmul.f32 v44, v20;
	v49 =	vmul.f32 v49, v49;
	v61 =	vsel vm5, $0x3F800000, v2  }
0x169: {  	v62 =	vtrunc.f32 v52;
	v45 =	vld.idx.msk [tilespmem:v45+s16+$0x0], $0xffff;
	v43 =	vsub.f32 v46, v43;
	v46 =	vsub.f32 v58, v61  }
0x16a: {  	v44 =	vadd.f32 v50, v44;
	v47 =	vadd.f32 v49, v47;
	v55 =	vcvt.f32.s32 v62;
	v56 =	vld.idx.msk [tilespmem:v60+s16+$0x0], $0xffff  }
0x16b: {  	v61 =	vsub.f32 v59, v53;
	v63 =	vshrl.u32 v43, $0x10;
	v46 =	vsub.f32 v48, v46  }
0x16c: {  	v48 =	vcvt.s32.f32 v55;
	v51 =	vsub.f32 v51, v54;
	v58 =	vand.u32 $0x1, v63  }
0x16d: {  	v44 =	vmul.f32 v44, v44;
	v62 =	vshrl.u32 v61, $0x10;
	v43 =	vadd.s32 v58, v43  }
0x16e: {  	v60 =	vshrl.u32 v46, $0x10;
	vm6 =	vlt.f32 v52, v48;
	v63 =	vshrl.u32 v51, $0x10  }
0x16f: {  	v45 =	vsub.f32 v45, v56;
	v52 =	vand.u32 $0x1, v62;
	v43 =	vadd.s32 $0x7FFF, v43  }
0x170: {  	v49 =	vand.u32 $0x1, v60;
	v57 =	vsel vm6, $0x3F800000, v2;
	v53 =	vand.u32 $0x1, v63  }
0x171: {  	v50 =	vadd.s32 v52, v61;
	v51 =	vadd.s32 v53, v51;
	v58 =	vshrl.u32 v45, $0x10  }
0x172: {  	v50 =	vadd.s32 $0x7FFF, v50;
	v46 =	vadd.s32 v49, v46;
	v48 =	vsub.f32 v48, v57  }
0x173: {  	v43 =	vand.u32 $0xFFFF0000, v43;
	v51 =	vadd.s32 $0x7FFF, v51;
	v52 =	vand.u32 $0x1, v58  }
0x174: {  	v50 =	vand.u32 $0xFFFF0000, v50;
	v51 =	vand.u32 $0xFFFF0000, v51;
	v45 =	vadd.s32 v52, v45  }
0x175: {  	v59 =	vmul.f32 v50, v3;
	v45 =	vadd.s32 $0x7FFF, v45;
	v60 =	vmul.f32 v51, v4  }
0x176: {  	v42 =	vsub.f32 v42, v48;
	v63 =	vmul.f32 v50, v6;
	v45 =	vand.u32 $0xFFFF0000, v45  }
0x177: {  	v56 =	vmul.f32 v51, v7;
	v61 =	vadd.f32 v60, v59;
	v62 =	vmul.f32 v45, v5  }
0x178: {  	v46 =	vadd.s32 $0x7FFF, v46;
	v50 =	vmul.f32 v50, v9;
	v51 =	vmul.f32 v51, v10  }
0x179: {  	v57 =	vshrl.u32 v42, $0x10;
	v49 =	vadd.f32 v56, v63;
	v48 =	vadd.f32 v62, v61  }
0x17a: {  	v58 =	vmul.f32 v45, v8;
	v53 =	vand.u32 $0x1, v57;
	v50 =	vadd.f32 v51, v50  }
0x17b: {  	v45 =	vmul.f32 v45, v11;
	v42 =	vadd.s32 v53, v42;
	v54 =	vadd.f32 $5.000000000e-01, v48  }
0x17c: {  	v46 =	vand.u32 $0xFFFF0000, v46;
	v49 =	vadd.f32 v58, v49;
	v42 =	vadd.s32 $0x7FFF, v42  }
0x17d: {  	v45 =	vadd.f32 v45, v50;
	v61 =	vmul.f32 v43, v12;
	v59 =	vtrunc.f32 v54  }
0x17e: {  	v62 =	vmul.f32 v46, v13;
	v55 =	vand.u32 $0xFFFF0000, v42;
	v60 =	vcvt.f32.s32 v59  }
0x17f: {  	v53 =	vadd.f32 $5.000000000e-01, v49;
	v50 =	vadd.f32 $5.000000000e-01, v45;
	v52 =	vmul.f32 v55, v14  }
0x180: {  	v51 =	vadd.f32 v62, v61;
	v61 =	vmul.f32 v43, v15;
	v42 =	vcvt.s32.f32 v60  }
0x181: {  	vm10 =	vle.f32 v24, v21;
	v43 =	vmul.f32 v43, v18;
	v60 =	vtrunc.f32 v50  }
0x182: {  	v63 =	vtrunc.f32 v53;
	v56 =	vcvt.f32.s32 v60;
	vm7 =	vlt.f32 v54, v42  }
0x183: {  	v54 =	vcvt.f32.s32 v63;
	v63 =	vmul.f32 v46, v16;
	v62 =	vsel vm7, $0x3F800000, v2  }
0x184: {  	v46 =	vmul.f32 v46, v19;
	v60 =	vcvt.s32.f32 v56;
	v58 =	vsub.f32 v42, v62  }
0x185: {  	v54 =	vcvt.s32.f32 v54;
	v42 =	vadd.f32 v47, v44;
	v44 =	vadd.f32 v51, v52  }
0x186: {  	v51 =	vadd.f32 v63, v61;
	v63 =	vmul.f32 v55, v17;
	v43 =	vadd.f32 v46, v43  }
0x187: {  	v55 =	vmul.f32 v55, v20;
	vm9 =	vlt.f32 v50, v60;
	v48 =	vsub.f32 v48, v58  }
0x188: {  	vm8 =	vlt.f32 v53, v54;
	v62 =	vsel vm9, $0x3F800000, v2;
	v50 =	vadd.f32 v51, v63  }
0x189: {  	v43 =	vadd.f32 v43, v55;
	(erf) = vrcp.f32 v42;
	v53 =	vsel vm8, $0x3F800000, v2  }
0x18a: {  	v44 =	vmul.f32 v44, v44;
	v47 =	vsub.f32 v60, v62;
	v61 =	vsub.f32 v54, v53  }
0x18b: {  	v53 =	vor.u32 $0x3, v29;
	v29 =	vor.u32 $0x4, v29;
	v56 =	vshrl.u32 v48, $0x10  }
0x18c: {  	v45 =	vsub.f32 v45, v47;
	v57 =	vand.u32 $0x1, v56;
	v49 =	vsub.f32 v49, v61  }
0x18d: {  	v54 =	vor.u32 $0x3, v28;
	v28 =	vor.u32 $0x4, v28;
	v46 =	vadd.s32 v57, v48  }
0x18e: {  	v59 =	vshrl.u32 v45, $0x10;
	v46 =	vadd.s32 $0x7FFF, v46;
	v58 =	vshrl.u32 v49, $0x10  }
0x18f: {  	v48 =	vand.u32 $0x1, v59;
	v46 =	vand.u32 $0xFFFF0000, v46;
	v47 =	vand.u32 $0x1, v58  }
0x190: {  	v59 =	vor.u32 $0x3, v31;
	v45 =	vadd.s32 v48, v45;
	v47 =	vadd.s32 v47, v49  }
0x191: {  	v60 =	vmul.f32 v46, v12;
	v63 =	vmul.f32 v46, v15;
	v47 =	vadd.s32 $0x7FFF, v47  }
0x192: {  	v46 =	vmul.f32 v46, v18;
	v45 =	vadd.s32 $0x7FFF, v45;
	v47 =	vand.u32 $0xFFFF0000, v47  }
0x193: {  	v45 =	vand.u32 $0xFFFF0000, v45;
	v61 =	vmul.f32 v47, v13;
	v57 =	vmul.f32 v47, v16  }
0x194: {  	v58 =	vor.u32 $0x3, v34;
	v62 =	vmul.f32 v45, v14;
	v47 =	vmul.f32 v47, v19  }
0x195: {  	v53 =	vld.idx.msk [tilespmem:v53+s16+$0x0], $0xffff;
	v48 =	vadd.f32 v61, v60;
	v49 =	vadd.f32 v57, v63;
	v60 =	vmul.f32 v45, v17  }
0x196: {  	v31 =	vor.u32 $0x4, v31;
	v34 =	vor.u32 $0x4, v34;
	v54 =	vld.idx.msk [tilespmem:v54+s16+$0x0], $0xffff;
	v46 =	vadd.f32 v47, v46  }
0x197: {  	v29 =	vld.idx.msk [tilespmem:v29+s16+$0x0], $0xffff;
	v45 =	vmul.f32 v45, v20;
	v48 =	vadd.f32 v48, v62;
	v47 =	vadd.f32 v49, v60  }
0x198: {  	v50 =	vmul.f32 v50, v50;
	v28 =	vld.idx.msk [tilespmem:v28+s16+$0x0], $0xffff;
	v61 =	vor.u32 $0x3, v37;
	v63 =	vor.u32 $0x3, v38  }
0x199: {  	v55 =	vld.idx.msk [tilespmem:v59+s16+$0x0], $0xffff;
	v45 =	vadd.f32 v46, v45;
	v48 =	vmul.f32 v48, v48;
	v47 =	vmul.f32 v47, v47  }
0x19a: {  	v43 =	vmul.f32 v43, v43;
	v44 =	vadd.f32 v50, v44;
	v57 =	vor.u32 $0x3, v39;
	v62 =	vld.idx.msk [tilespmem:v58+s16+$0x0], $0xffff  }
0x19b: {  	v31 =	vld.idx.msk [tilespmem:v31+s16+$0x0], $0xffff;
	v58 =	vor.u32 $0x3, v40;
	v45 =	vmul.f32 v45, v45;
	v47 =	vadd.f32 v47, v48  }
0x19c: {  	v27 =	vnsel vm10, $0x0, v27;
	v52 =	vmul.f32 v41, v41;
	v43 =	vadd.f32 v44, v43;
	v34 =	vld.idx.msk [tilespmem:v34+s16+$0x0], $0xffff  }
0x19d: {  	v23 =	vadd.f32 v27, v23;
	v33 =	vmul.f32 v32, v33;
	v59 =	vld.idx.msk [tilespmem:v61+s16+$0x0], $0xffff;
	v44 =	vadd.f32 v47, v45  }
0x19e: {  	v41 =	vmul.f32 v52, v41;
	(erf) = vrcp.f32 v43;
	v53 =	vadd.f32 v54, v53;
	v60 =	vld.idx.msk [tilespmem:v63+s16+$0x0], $0xffff  }
0x19f: {  	v37 =	vor.u32 $0x4, v37;
	v61 =	vpop (erf);
	v50 =	vld.idx.msk [tilespmem:v57+s16+$0x0], $0xffff;
	v46 =	vadd.f32 v55, v62;
	(erf) = vrcp.f32 v44  }
0x1a0: {  	v32 =	vadd.f32 $-1.000000000e+00, v32;
	v38 =	vor.u32 $0x4, v38;
	v24 =	vmul.f32 v53, v53;
	v48 =	vld.idx.msk [tilespmem:v58+s16+$0x0], $0xffff  }
0x1a1: {  	v35 =	vmul.f32 v41, v35;
	v41 =	vadd.f32 $-1.000000000e+00, v41;
	v46 =	vmul.f32 v46, v46  }
0x1a2: {  	v32 =	vmul.f32 v32, v33;
	v39 =	vor.u32 $0x4, v39;
	v24 =	vmul.f32 v61, v24;
	v62 =	vpop (erf)  }
0x1a3: {  	v35 =	vmul.f32 v41, v35;
	v40 =	vor.u32 $0x4, v40;
	v51 =	vmul.f32 v62, v46  }
0x1a4: {  	v28 =	vmul.f32 v28, v29;
	v37 =	vld.idx.msk [tilespmem:v37+s16+$0x0], $0xffff;
	v63 =	vmul.f32 v24, v24;
	v52 =	vadd.f32 v60, v59  }
0x1a5: {  	v27 =	vmul.f32 v31, v34;
	v55 =	vld.idx.msk [tilespmem:v38+s16+$0x0], $0xffff;
	v53 =	vadd.f32 v48, v50;
	v54 =	vmul.f32 v51, v51  }
0x1a6: {  	v24 =	vmul.f32 v63, v24;
	v29 =	vmul.f32 v52, v52  }
0x1a7: {  	vm11 =	vle.f32 v26, v21;
	v57 =	vld.idx.msk [tilespmem:v39+s16+$0x0], $0xffff;
	v56 =	vpop (erf);
	v33 =	vmul.f32 v53, v53;
	v26 =	vmul.f32 v54, v51  }
0x1a8: {  	vm12 =	vle.f32 v30, v21;
	v58 =	vld.idx.msk [tilespmem:v40+s16+$0x0], $0xffff;
	v28 =	vmul.f32 v24, v28;
	v29 =	vmul.f32 v56, v29;
	v59 =	vpop (erf)  }
0x1a9: {  	v27 =	vmul.f32 v26, v27;
	v26 =	vadd.f32 $-1.000000000e+00, v26;
	v33 =	vmul.f32 v59, v33  }
0x1aa: {  	v24 =	vadd.f32 $-1.000000000e+00, v24;
	v61 =	vmul.f32 v55, v37;
	v60 =	vmul.f32 v29, v29  }
0x1ab: {  	v32 =	vnsel vm11, $0x0, v32;
	v26 =	vmul.f32 v26, v27;
	v27 =	vmul.f32 v33, v33  }
0x1ac: {  	v25 =	vadd.f32 v32, v25;
	v24 =	vmul.f32 v24, v28;
	v28 =	vmul.f32 v60, v29  }
0x1ad: {  	vm1 =	vle.f32 v36, v21;
	v62 =	vmul.f32 v58, v57;
	v27 =	vmul.f32 v27, v33  }
0x1ae: {  	v63 =	vnsel vm12, $0x0, v35;
	v24 =	vnsel vm1, $0x0, v24;
	v30 =	vmul.f32 v28, v61  }
0x1af: {  	p3 =	sne.s32 s19, $0x770;
	v28 =	vadd.f32 $-1.000000000e+00, v28;
	v29 =	vmul.f32 v27, v62;
	v27 =	vadd.f32 $-1.000000000e+00, v27  }
.Ltmp0:
0x1b0: {  	vm13 =	vle.f32 v42, v21;
	v23 =	vadd.f32 v63, v23;
	v24 =	vadd.f32 v24, v25;
	(pc) =	sbr.rel @p3 .LBB2_3-.Ltmp0, $4  }
0x1b1: {  	v25 =	vnsel vm13, $0x0, v26;
	v26 =	vmul.f32 v28, v30;
	v27 =	vmul.f32 v27, v29  }
0x1b2: {  	vm14 =	vle.f32 v43, v21;
	vm15 =	vle.f32 v44, v21;
	v23 =	vadd.f32 v25, v23  }
0x1b3: {  	v25 =	vnsel vm14, $0x0, v26;
	v26 =	vnsel vm15, $0x0, v27  }
0x1b4: {  	s19 =	sadd.s32 $0x100, s19;
	v25 =	vadd.f32 v25, v24;
	v23 =	vadd.f32 v26, v23  }
0x1b5: {  	s19 =	simm.s32 @!p2 $0x1  }
0x1b6: {  	_ =	swait.ge @!p2 [sflag:s19], $0x800  }
0x1b7: {  	s20 =	simm.s32 @!p2 $0x0;
	[sflag:s19] =	ssyncset.done @!p2 $0x0  }
0x1b8: {  	s21 =	simm.s32 @!p2 $0x1000;
	[sflag:s19] =	ssyncadd.s32 @!p2 $0xFFFFF800;
	s19 =	simm.s32 @!p2 $0x80  }
0x1b9: {  	[tilespmem:s21], [sflag:$0x3] =	stream.indirect.gather @!p2 [hbm4b:s3+s19], $0x8, s20, s19, $0xb8;
	[tilespmem:$0x9140] =	vst v63  }
0x1ba: {  	s20 =	simm.s32 @!p2 $0x1400  }
0x1bb: {  	[tilespmem:s20], [sflag:$0x3] =	stream.indirect.gather @!p2 [hbm4b:s3+s19], $0x8, s19, s19, $0xb8;
	[tilespmem:$0x9140] =	vst v63  }
0x1bc: {  	s21 =	simm.s32 @!p2 $0x1800;
	s20 =	simm.s32 @!p2 $0x100  }
0x1bd: {  	[tilespmem:s21], [sflag:$0x3] =	stream.indirect.gather @!p2 [hbm4b:s3+s19], $0x8, s20, s19, $0xb8;
	[tilespmem:$0x9140] =	vst v63  }
0x1be: {  	s20 =	simm.s32 @!p2 $0x180;
	s21 =	simm.s32 @!p2 $0x1C00  }
0x1bf: {  	[tilespmem:s21], [sflag:$0x3] =	stream.indirect.gather @!p2 [hbm4b:s3+s19], $0x8, s20, s19, $0xb8;
	[tilespmem:$0x9140] =	vst v63  }
0x1c0: {  	s20 =	simm.s32 @!p2 $0x200;
	s21 =	simm.s32 @!p2 $0x2000  }
0x1c1: {  	[tilespmem:s21], [sflag:$0x3] =	stream.indirect.gather @!p2 [hbm4b:s3+s19], $0x8, s20, s19, $0xb8;
	[tilespmem:$0x9140] =	vst v63  }
0x1c2: {  	s20 =	simm.s32 @!p2 $0x280;
	s21 =	simm.s32 @!p2 $0x2400  }
0x1c3: {  	[tilespmem:s21], [sflag:$0x3] =	stream.indirect.gather @!p2 [hbm4b:s3+s19], $0x8, s20, s19, $0xb8;
	[tilespmem:$0x9140] =	vst v63  }
0x1c4: {  	s20 =	simm.s32 @!p2 $0x300;
	s21 =	simm.s32 @!p2 $0x2800  }
0x1c5: {  	[tilespmem:s21], [sflag:$0x3] =	stream.indirect.gather @!p2 [hbm4b:s3+s19], $0x8, s20, s19, $0xb8;
	[tilespmem:$0x9140] =	vst v63  }
0x1c6: {  	s20 =	simm.s32 @!p2 $0x380;
	s21 =	simm.s32 @!p2 $0x2C00  }
0x1c7: {  	[tilespmem:s21], [sflag:$0x3] =	stream.indirect.gather @!p2 [hbm4b:s3+s19], $0x8, s20, s19, $0xb8;
	[tilespmem:$0x9140] =	vst v63  }
0x1c8: {  	s20 =	simm.s32 @!p2 $0x400;
	s21 =	simm.s32 @!p2 $0x3000  }
0x1c9: {  	[tilespmem:s21], [sflag:$0x3] =	stream.indirect.gather @!p2 [hbm4b:s3+s19], $0x8, s20, s19, $0xb8;
	[tilespmem:$0x9140] =	vst v63  }
0x1ca: {  	s20 =	simm.s32 @!p2 $0x480;
	s21 =	simm.s32 @!p2 $0x3400  }
0x1cb: {  	[tilespmem:s21], [sflag:$0x3] =	stream.indirect.gather @!p2 [hbm4b:s3+s19], $0x8, s20, s19, $0xb8;
	[tilespmem:$0x9140] =	vst v63  }
0x1cc: {  	s20 =	simm.s32 @!p2 $0x500;
	s21 =	simm.s32 @!p2 $0x3800  }
0x1cd: {  	[tilespmem:s21], [sflag:$0x3] =	stream.indirect.gather @!p2 [hbm4b:s3+s19], $0x8, s20, s19, $0xb8;
	[tilespmem:$0x9140] =	vst v63  }
0x1ce: {  	s20 =	simm.s32 @!p2 $0x580;
	s21 =	simm.s32 @!p2 $0x3C00  }
0x1cf: {  	[tilespmem:s21], [sflag:$0x3] =	stream.indirect.gather @!p2 [hbm4b:s3+s19], $0x8, s20, s19, $0xb8;
	[tilespmem:$0x9140] =	vst v63  }
0x1d0: {  	s20 =	simm.s32 @!p2 $0x600;
	s21 =	simm.s32 @!p2 $0x4000  }
0x1d1: {  	[tilespmem:s21], [sflag:$0x3] =	stream.indirect.gather @!p2 [hbm4b:s3+s19], $0x8, s20, s19, $0xb8;
	[tilespmem:$0x9140] =	vst v63  }
0x1d2: {  	s20 =	simm.s32 @!p2 $0x680;
	s21 =	simm.s32 @!p2 $0x4400  }
0x1d3: {  	[tilespmem:s21], [sflag:$0x3] =	stream.indirect.gather @!p2 [hbm4b:s3+s19], $0x8, s20, s19, $0xb8;
	[tilespmem:$0x9140] =	vst v63  }
0x1d4: {  	s20 =	simm.s32 @!p2 $0x700;
	s21 =	simm.s32 @!p2 $0x4800  }
0x1d5: {  	[tilespmem:s21], [sflag:$0x3] =	stream.indirect.gather @!p2 [hbm4b:s3+s19], $0x8, s20, s19, $0xb8;
	[tilespmem:$0x9140] =	vst v63  }
0x1d6: {  	s20 =	simm.s32 @!p2 $0x780;
	s21 =	simm.s32 @!p2 $0x4C00  }
0x1d7: {  	[tilespmem:s21], [sflag:$0x3] =	stream.indirect.gather @!p2 [hbm4b:s3+s19], $0x8, s20, s19, $0xb8;
	[tilespmem:$0x9140] =	vst v63  }
0x1d8: {  	s19 =	simm.s32 @!p1 $0x4  }
0x1d9: {  	s20 =	sadd.s32 $0x3, s18;
	_ =	swait.ge @!p1 [sflag:s19], $0x4000  }
0x1da: {  	p2 =	sge.u32 s20, s5;
	[sflag:s19] =	ssyncset.done @!p1 $0x0  }
0x1db: {  	p3 =	slt.u32 s18, s5;
	v23 =	vadd.f32 v23, v25;
	[sflag:s19] =	ssyncadd.s32 @!p1 $0xFFFFC000;
	s19 =	sshll.u32 @!p2 s20, $0xD  }
0x1dc: {  	s21 =	simm.s32 @!p2 $0x800;
	s20 =	simm.s32 @!p2 $0x0;
	s19 =	sadd.s32 @!p2 s19, s6  }
0x1dd: {  	v23 =	vpsel !p3, $0x0, v23;
	[tilespmem:s21], [sflag:$0x2] =	stream.linear.gather @!p2 [hbm4b:s19+s20], $0x800, $0x38;
	[tilespmem:$0x9140] =	vst v63  }
0x1de: {  	v25 =	vimm.f32 $0.0e+00;
	v22 =	vadd.f32 v23, v22;
	v23 =	vimm.f32 $0.0e+00;
	s19 =	simm.s32 $0x870  }
.LBB2_5:
0x1df: {  	s20 =	sadd.s32 $0xFFFFFF90, s19  }
0x1e0: {  	v24 =	vmov s20  }
0x1e1: {  	v24 =	vshll.u32 v24, $0x3  }
0x1e2: {  	v28 =	vor.u32 v0, v24  }
0x1e3: {  	v24 =	vor.u32 v1, v24  }
0x1e4: {  	v26 =	vor.u32 $0x1, v28  }
0x1e5: {  	v27 =	vor.u32 $0x2, v28  }
0x1e6: {  	v29 =	vor.u32 $0x1, v24  }
0x1e7: {  	v31 =	vor.u32 $0x2, v24;
	v30 =	vld.idx.msk [tilespmem:v28+s16+$0x0], $0xffff  }
0x1e8: {  	v32 =	vld.idx.msk [tilespmem:v24+s16+$0x0], $0xffff  }
0x1e9: {  	v26 =	vld.idx.msk [tilespmem:v26+s16+$0x0], $0xffff  }
0x1ea: {  	v27 =	vld.idx.msk [tilespmem:v27+s16+$0x0], $0xffff  }
0x1eb: {  	v29 =	vld.idx.msk [tilespmem:v29+s16+$0x0], $0xffff  }
0x1ec: {  	v31 =	vld.idx.msk [tilespmem:v31+s16+$0x0], $0xffff;
	_ =	sdelay $0x2  }
0x1ed: {  	v30 =	vsub.f32 v30, v32  }
0x1ee: {  	v26 =	vsub.f32 v26, v29  }
0x1ef: {  	v27 =	vsub.f32 v27, v31;
	v39 =	vshrl.u32 v30, $0x10  }
0x1f0: {  	v40 =	vshrl.u32 v26, $0x10;
	v29 =	vand.u32 $0x1, v39  }
0x1f1: {  	v41 =	vshrl.u32 v27, $0x10;
	v31 =	vand.u32 $0x1, v40;
	v29 =	vadd.s32 v29, v30  }
0x1f2: {  	v42 =	vand.u32 $0x1, v41;
	v26 =	vadd.s32 v31, v26;
	v29 =	vadd.s32 $0x7FFF, v29  }
0x1f3: {  	v27 =	vadd.s32 v42, v27;
	v26 =	vadd.s32 $0x7FFF, v26;
	v29 =	vand.u32 $0xFFFF0000, v29  }
0x1f4: {  	v26 =	vand.u32 $0xFFFF0000, v26;
	v43 =	vmul.f32 v29, v3;
	v46 =	vmul.f32 v29, v6  }
0x1f5: {  	v27 =	vadd.s32 $0x7FFF, v27;
	v29 =	vmul.f32 v29, v9;
	v44 =	vmul.f32 v26, v4  }
0x1f6: {  	v27 =	vand.u32 $0xFFFF0000, v27;
	v33 =	vmul.f32 v26, v7;
	v26 =	vmul.f32 v26, v10  }
0x1f7: {  	v45 =	vmul.f32 v27, v5;
	v47 =	vmul.f32 v27, v8;
	v30 =	vadd.f32 v44, v43  }
0x1f8: {  	v27 =	vmul.f32 v27, v11;
	v31 =	vadd.f32 v33, v46;
	v29 =	vadd.f32 v26, v29  }
0x1f9: {  	s21 =	sadd.s32 $0xFFFFFFA0, s19;
	v30 =	vadd.f32 v45, v30  }
0x1fa: {  	v26 =	vmov s21;
	v31 =	vadd.f32 v47, v31;
	v29 =	vadd.f32 v27, v29  }
0x1fb: {  	v35 =	vshll.u32 v26, $0x3;
	v48 =	vadd.f32 $5.000000000e-01, v30  }
0x1fc: {  	v26 =	vor.u32 v0, v35;
	v34 =	vadd.f32 $5.000000000e-01, v31;
	v50 =	vadd.f32 $5.000000000e-01, v29  }
0x1fd: {  	v36 =	vor.u32 $0x1, v26;
	v49 =	vtrunc.f32 v48  }
0x1fe: {  	v52 =	vor.u32 $0x2, v26;
	v27 =	vtrunc.f32 v34;
	v40 =	vtrunc.f32 v50  }
0x1ff: {  	v33 =	vcvt.f32.s32 v49;
	v37 =	vcvt.f32.s32 v27;
	v27 =	vor.u32 v1, v35  }
0x200: {  	v53 =	vcvt.f32.s32 v40;
	v38 =	vor.u32 $0x1, v27  }
0x201: {  	v41 =	vld.idx.msk [tilespmem:v26+s16+$0x0], $0xffff;
	v42 =	vor.u32 $0x2, v27;
	v33 =	vcvt.s32.f32 v33  }
0x202: {  	v36 =	vld.idx.msk [tilespmem:v36+s16+$0x0], $0xffff;
	v51 =	vcvt.s32.f32 v37;
	v57 =	vcvt.s32.f32 v53  }
0x203: {  	v37 =	vld.idx.msk [tilespmem:v52+s16+$0x0], $0xffff;
	vm0 =	vlt.f32 v48, v33  }
0x204: {  	vm10 =	vlt.f32 v34, v51;
	vm11 =	vlt.f32 v50, v57;
	v39 =	vsel vm0, $0x3F800000, v2;
	v55 =	vld.idx.msk [tilespmem:v27+s16+$0x0], $0xffff  }
0x205: {  	v54 =	vsel vm10, $0x3F800000, v2;
	v62 =	vsel vm11, $0x3F800000, v2;
	v33 =	vsub.f32 v33, v39;
	v58 =	vld.idx.msk [tilespmem:v38+s16+$0x0], $0xffff  }
0x206: {  	v56 =	vsub.f32 v51, v54;
	v60 =	vld.idx.msk [tilespmem:v42+s16+$0x0], $0xffff;
	v32 =	vsub.f32 v57, v62  }
0x207: {  	v33 =	vsub.f32 v30, v33  }
0x208: {  	v31 =	vsub.f32 v31, v56;
	v29 =	vsub.f32 v29, v32  }
0x209: {  	v38 =	vor.u32 $0x3, v28;
	v30 =	vor.u32 $0x4, v28;
	v59 =	vshrl.u32 v33, $0x10  }
0x20a: {  	v63 =	vshrl.u32 v31, $0x10;
	v42 =	vsub.f32 v41, v55;
	v45 =	vshrl.u32 v29, $0x10  }
0x20b: {  	v61 =	vand.u32 $0x1, v59;
	v34 =	vsub.f32 v36, v58;
	v35 =	vsub.f32 v37, v60  }
0x20c: {  	v36 =	vand.u32 $0x1, v45;
	v28 =	vadd.s32 v61, v33;
	v33 =	vand.u32 $0x1, v63  }
0x20d: {  	v43 =	vshrl.u32 v42, $0x10;
	v29 =	vadd.s32 v36, v29;
	v28 =	vadd.s32 $0x7FFF, v28  }
0x20e: {  	v31 =	vadd.s32 v33, v31;
	v44 =	vshrl.u32 v34, $0x10;
	v32 =	vand.u32 $0x1, v43  }
0x20f: {  	v46 =	vshrl.u32 v35, $0x10;
	v29 =	vadd.s32 $0x7FFF, v29;
	v33 =	vand.u32 $0x1, v44  }
0x210: {  	v32 =	vadd.s32 v32, v42;
	v31 =	vadd.s32 $0x7FFF, v31;
	v28 =	vand.u32 $0xFFFF0000, v28  }
0x211: {  	v29 =	vand.u32 $0xFFFF0000, v29;
	v33 =	vadd.s32 v33, v34;
	v32 =	vadd.s32 $0x7FFF, v32  }
0x212: {  	v34 =	vand.u32 $0x1, v46;
	v52 =	vmul.f32 v28, v12;
	v56 =	vmul.f32 v29, v14  }
0x213: {  	v31 =	vand.u32 $0xFFFF0000, v31;
	v61 =	vmul.f32 v28, v15;
	v28 =	vmul.f32 v28, v18  }
0x214: {  	v33 =	vadd.s32 $0x7FFF, v33;
	v32 =	vand.u32 $0xFFFF0000, v32;
	v34 =	vadd.s32 v34, v35  }
0x215: {  	v53 =	vmul.f32 v31, v13;
	v33 =	vand.u32 $0xFFFF0000, v33;
	v47 =	vmul.f32 v32, v3  }
0x216: {  	v34 =	vadd.s32 $0x7FFF, v34;
	v50 =	vmul.f32 v32, v6;
	v48 =	vmul.f32 v33, v4  }
0x217: {  	v32 =	vmul.f32 v32, v9;
	v34 =	vand.u32 $0xFFFF0000, v34;
	v51 =	vmul.f32 v33, v7  }
0x218: {  	v33 =	vmul.f32 v33, v10;
	v49 =	vmul.f32 v34, v5;
	v35 =	vadd.f32 v48, v47  }
0x219: {  	v62 =	vmul.f32 v31, v16;
	v54 =	vmul.f32 v34, v8;
	v36 =	vadd.f32 v51, v50  }
0x21a: {  	v58 =	vmul.f32 v34, v11;
	v32 =	vadd.f32 v33, v32;
	v35 =	vadd.f32 v49, v35  }
0x21b: {  	v31 =	vmul.f32 v31, v19;
	v39 =	vadd.f32 v53, v52;
	v36 =	vadd.f32 v54, v36  }
0x21c: {  	v46 =	vmul.f32 v29, v17;
	v32 =	vadd.f32 v58, v32;
	v55 =	vadd.f32 $5.000000000e-01, v35  }
0x21d: {  	v29 =	vmul.f32 v29, v20;
	v28 =	vadd.f32 v31, v28;
	v45 =	vadd.f32 $5.000000000e-01, v36  }
0x21e: {  	v52 =	vor.u32 $0x3, v24;
	v48 =	vadd.f32 $5.000000000e-01, v32;
	v57 =	vtrunc.f32 v55  }
0x21f: {  	v60 =	vadd.f32 v39, v56;
	v47 =	vtrunc.f32 v45;
	v59 =	vcvt.f32.s32 v57  }
0x220: {  	s21 =	sadd.s32 $0xFFFFFFB0, s19;
	v39 =	vadd.f32 v62, v61;
	v49 =	vtrunc.f32 v48;
	v41 =	vcvt.f32.s32 v47  }
0x221: {  	v56 =	vmov s21;
	v51 =	vcvt.f32.s32 v49;
	v63 =	vcvt.s32.f32 v59  }
0x222: {  	v37 =	vshll.u32 v56, $0x3;
	v39 =	vadd.f32 v39, v46;
	v50 =	vcvt.s32.f32 v41  }
0x223: {  	v34 =	vmul.f32 v60, v60;
	v53 =	vcvt.s32.f32 v51;
	vm12 =	vlt.f32 v55, v63  }
0x224: {  	v61 =	vld.idx.msk [tilespmem:v38+s16+$0x0], $0xffff;
	v39 =	vmul.f32 v39, v39;
	vm13 =	vlt.f32 v45, v50;
	v43 =	vsel vm12, $0x3F800000, v2  }
0x225: {  	vm14 =	vlt.f32 v48, v53;
	v48 =	vld.idx.msk [tilespmem:v52+s16+$0x0], $0xffff;
	v55 =	vsel vm13, $0x3F800000, v2;
	v33 =	vsub.f32 v63, v43  }
0x226: {  	v34 =	vadd.f32 v39, v34;
	v57 =	vsel vm14, $0x3F800000, v2;
	v31 =	vsub.f32 v50, v55  }
0x227: {  	v47 =	vor.u32 $0x4, v24;
	v58 =	vsub.f32 v53, v57;
	v33 =	vsub.f32 v35, v33  }
0x228: {  	v35 =	vadd.f32 v28, v29;
	v31 =	vsub.f32 v36, v31;
	v28 =	vor.u32 v0, v37  }
0x229: {  	v32 =	vsub.f32 v32, v58;
	v59 =	vor.u32 $0x1, v28;
	v50 =	vor.u32 $0x2, v28  }
0x22a: {  	v36 =	vadd.f32 v48, v61;
	v54 =	vshrl.u32 v33, $0x10;
	v60 =	vshrl.u32 v31, $0x10  }
0x22b: {  	v49 =	vshrl.u32 v32, $0x10;
	v35 =	vmul.f32 v35, v35;
	v29 =	vand.u32 $0x1, v54  }
0x22c: {  	v62 =	vand.u32 $0x1, v60;
	v33 =	vadd.s32 v29, v33;
	v29 =	vor.u32 v1, v37  }
0x22d: {  	v31 =	vadd.s32 v62, v31;
	v37 =	vand.u32 $0x1, v49;
	v63 =	vor.u32 $0x1, v29  }
0x22e: {  	v33 =	vadd.s32 $0x7FFF, v33;
	v31 =	vadd.s32 $0x7FFF, v31;
	v51 =	vld.idx.msk [tilespmem:v28+s16+$0x0], $0xffff;
	v44 =	vor.u32 $0x2, v29  }
0x22f: {  	v32 =	vadd.s32 v37, v32;
	v33 =	vand.u32 $0xFFFF0000, v33;
	v31 =	vand.u32 $0xFFFF0000, v31;
	v52 =	vld.idx.msk [tilespmem:v59+s16+$0x0], $0xffff  }
0x230: {  	v32 =	vadd.s32 $0x7FFF, v32;
	v42 =	vld.idx.msk [tilespmem:v50+s16+$0x0], $0xffff;
	v50 =	vor.u32 $0x3, v26;
	v53 =	vmul.f32 v33, v12  }
0x231: {  	v26 =	vor.u32 $0x4, v26;
	v45 =	vmul.f32 v31, v13;
	v56 =	vmul.f32 v33, v15;
	v46 =	vld.idx.msk [tilespmem:v29+s16+$0x0], $0xffff  }
0x232: {  	v54 =	vand.u32 $0xFFFF0000, v32;
	v57 =	vmul.f32 v31, v16;
	v33 =	vmul.f32 v33, v18;
	v38 =	vld.idx.msk [tilespmem:v63+s16+$0x0], $0xffff  }
0x233: {  	v32 =	vadd.f32 v34, v35;
	v31 =	vmul.f32 v31, v19;
	v55 =	vmul.f32 v54, v14  }
0x234: {  	v58 =	vmul.f32 v54, v17;
	v24 =	vadd.f32 v45, v53;
	v34 =	vadd.f32 v57, v56;
	v44 =	vld.idx.msk [tilespmem:v44+s16+$0x0], $0xffff  }
0x235: {  	v60 =	vmul.f32 v54, v20;
	v54 =	vor.u32 $0x3, v27;
	v31 =	vadd.f32 v31, v33  }
0x236: {  	v27 =	vor.u32 $0x4, v27;
	v24 =	vadd.f32 v24, v55;
	v34 =	vadd.f32 v34, v58  }
0x237: {  	(erf) = vrcp.f32 v32;
	v59 =	vsub.f32 v51, v46;
	v37 =	vsub.f32 v52, v38  }
0x238: {  	v31 =	vadd.f32 v31, v60;
	v24 =	vmul.f32 v24, v24;
	v34 =	vmul.f32 v34, v34  }
0x239: {  	v63 =	vsub.f32 v42, v44;
	v61 =	vshrl.u32 v59, $0x10;
	v62 =	vshrl.u32 v37, $0x10  }
0x23a: {  	v31 =	vmul.f32 v31, v31;
	v42 =	vand.u32 $0x1, v61;
	v43 =	vand.u32 $0x1, v62  }
0x23b: {  	v45 =	vshrl.u32 v63, $0x10;
	v33 =	vadd.s32 v42, v59;
	v44 =	vadd.s32 v43, v37  }
0x23c: {  	v33 =	vadd.s32 $0x7FFF, v33;
	v37 =	vand.u32 $0x1, v45;
	v35 =	vadd.s32 $0x7FFF, v44  }
0x23d: {  	v33 =	vand.u32 $0xFFFF0000, v33;
	v37 =	vadd.s32 v37, v63;
	v35 =	vand.u32 $0xFFFF0000, v35  }
0x23e: {  	v37 =	vadd.s32 $0x7FFF, v37;
	v46 =	vmul.f32 v33, v3;
	v48 =	vmul.f32 v35, v4  }
0x23f: {  	v30 =	vld.idx.msk [tilespmem:v30+s16+$0x0], $0xffff;
	v24 =	vadd.f32 v34, v24;
	v52 =	vmul.f32 v33, v6;
	v37 =	vand.u32 $0xFFFF0000, v37  }
0x240: {  	v58 =	vld.idx.msk [tilespmem:v47+s16+$0x0], $0xffff;
	v53 =	vmul.f32 v35, v7;
	v49 =	vmul.f32 v37, v5;
	v38 =	vadd.f32 v48, v46  }
0x241: {  	v26 =	vld.idx.msk [tilespmem:v26+s16+$0x0], $0xffff;
	v24 =	vadd.f32 v24, v31;
	v33 =	vmul.f32 v33, v9;
	v35 =	vmul.f32 v35, v10  }
0x242: {  	v27 =	vld.idx.msk [tilespmem:v27+s16+$0x0], $0xffff;
	v56 =	vmul.f32 v37, v8;
	v55 =	vadd.f32 v53, v52;
	v38 =	vadd.f32 v49, v38  }
0x243: {  	v36 =	vmul.f32 v36, v36;
	(erf) = vrcp.f32 v24;
	v33 =	vadd.f32 v35, v33  }
0x244: {  	v40 =	vld.idx.msk [tilespmem:v50+s16+$0x0], $0xffff;
	v51 =	vpop (erf);
	v60 =	vmul.f32 v37, v11;
	v31 =	vadd.f32 v56, v55;
	v57 =	vadd.f32 $5.000000000e-01, v38  }
0x245: {  	v30 =	vmul.f32 v58, v30;
	v34 =	vmul.f32 v51, v36;
	v36 =	vld.idx.msk [tilespmem:v54+s16+$0x0], $0xffff  }
0x246: {  	v33 =	vadd.f32 v60, v33;
	v45 =	vadd.f32 $5.000000000e-01, v31;
	v59 =	vtrunc.f32 v57  }
0x247: {  	v26 =	vmul.f32 v27, v26;
	v61 =	vcvt.f32.s32 v59  }
0x248: {  	v62 =	vmul.f32 v34, v34;
	v47 =	vadd.f32 $5.000000000e-01, v33;
	v46 =	vtrunc.f32 v45  }
0x249: {  	v39 =	vcvt.f32.s32 v46;
	v63 =	vcvt.s32.f32 v61  }
0x24a: {  	v34 =	vmul.f32 v62, v34;
	v36 =	vadd.f32 v36, v40;
	v49 =	vtrunc.f32 v47  }
0x24b: {  	v35 =	vcvt.f32.s32 v49;
	v39 =	vcvt.s32.f32 v39;
	vm15 =	vlt.f32 v57, v63  }
0x24c: {  	v42 =	vmul.f32 v34, v30;
	v36 =	vmul.f32 v36, v36;
	v48 =	vsel vm15, $0x3F800000, v2  }
0x24d: {  	s21 =	sadd.s32 $0xFFFFFFC0, s19;
	v50 =	vpop (erf);
	v35 =	vcvt.s32.f32 v35;
	vm4 =	vlt.f32 v45, v39;
	v30 =	vsub.f32 v63, v48  }
0x24e: {  	v53 =	vmov s21;
	v36 =	vmul.f32 v50, v36;
	v52 =	vsel vm4, $0x3F800000, v2  }
0x24f: {  	vm5 =	vlt.f32 v47, v35;
	v30 =	vsub.f32 v38, v30;
	v38 =	vsub.f32 v39, v52  }
0x250: {  	v55 =	vmul.f32 v36, v36;
	v54 =	vsel vm5, $0x3F800000, v2;
	v39 =	vshll.u32 v53, $0x3  }
0x251: {  	v35 =	vsub.f32 v35, v54;
	v38 =	vsub.f32 v31, v38;
	v31 =	vor.u32 v0, v39  }
0x252: {  	v36 =	vmul.f32 v55, v36;
	v51 =	vshrl.u32 v30, $0x10;
	v56 =	vor.u32 $0x1, v31  }
0x253: {  	v33 =	vsub.f32 v33, v35;
	v37 =	vand.u32 $0x1, v51;
	v61 =	vor.u32 $0x2, v31  }
0x254: {  	v37 =	vadd.s32 v37, v30;
	v57 =	vshrl.u32 v38, $0x10;
	v30 =	vor.u32 v1, v39  }
0x255: {  	v60 =	vshrl.u32 v33, $0x10;
	v59 =	vand.u32 $0x1, v57;
	v39 =	vor.u32 $0x1, v30  }
0x256: {  	v58 =	vadd.s32 $0x7FFF, v37;
	v63 =	vor.u32 $0x2, v30;
	v37 =	vadd.s32 v59, v38;
	v62 =	vld.idx.msk [tilespmem:v31+s16+$0x0], $0xffff  }
0x257: {  	v38 =	vand.u32 $0x1, v60;
	v35 =	vand.u32 $0xFFFF0000, v58;
	v37 =	vadd.s32 $0x7FFF, v37;
	v48 =	vld.idx.msk [tilespmem:v56+s16+$0x0], $0xffff  }
0x258: {  	v33 =	vadd.s32 v38, v33;
	v49 =	vmul.f32 v35, v12;
	v37 =	vand.u32 $0xFFFF0000, v37;
	v55 =	vld.idx.msk [tilespmem:v61+s16+$0x0], $0xffff  }
0x259: {  	v33 =	vadd.s32 $0x7FFF, v33;
	v56 =	vmul.f32 v35, v15;
	v35 =	vmul.f32 v35, v18;
	v51 =	vld.idx.msk [tilespmem:v30+s16+$0x0], $0xffff  }
0x25a: {  	v50 =	vmul.f32 v37, v13;
	v27 =	vand.u32 $0xFFFF0000, v33;
	v57 =	vmul.f32 v37, v16;
	v52 =	vld.idx.msk [tilespmem:v39+s16+$0x0], $0xffff  }
0x25b: {  	vm6 =	vle.f32 v32, v21;
	v37 =	vmul.f32 v37, v19;
	v54 =	vmul.f32 v27, v14;
	v58 =	vld.idx.msk [tilespmem:v63+s16+$0x0], $0xffff  }
0x25c: {  	v60 =	vmul.f32 v27, v17;
	v53 =	vadd.f32 v50, v49;
	v32 =	vadd.f32 v57, v56  }
0x25d: {  	v34 =	vadd.f32 $-1.000000000e+00, v34;
	v27 =	vmul.f32 v27, v20;
	v35 =	vadd.f32 v37, v35  }
0x25e: {  	v59 =	vor.u32 $0x3, v28;
	v39 =	vadd.f32 v53, v54;
	v32 =	vadd.f32 v32, v60  }
0x25f: {  	v61 =	vor.u32 $0x3, v29;
	v27 =	vadd.f32 v35, v27;
	v44 =	vsub.f32 v62, v51  }
0x260: {  	v54 =	vmul.f32 v36, v26;
	v33 =	vsub.f32 v48, v52;
	v63 =	vsub.f32 v55, v58  }
0x261: {  	v39 =	vmul.f32 v39, v39;
	v32 =	vmul.f32 v32, v32;
	v62 =	vshrl.u32 v44, $0x10  }
0x262: {  	v27 =	vmul.f32 v27, v27;
	v38 =	vshrl.u32 v33, $0x10;
	v46 =	vand.u32 $0x1, v62  }
0x263: {  	v48 =	vshrl.u32 v63, $0x10;
	v32 =	vadd.f32 v32, v39;
	v47 =	vand.u32 $0x1, v38  }
0x264: {  	v35 =	vadd.s32 v46, v44;
	v37 =	vand.u32 $0x1, v48;
	v33 =	vadd.s32 v47, v33  }
0x265: {  	v35 =	vadd.s32 $0x7FFF, v35;
	v37 =	vadd.s32 v37, v63;
	v33 =	vadd.s32 $0x7FFF, v33  }
0x266: {  	v26 =	vadd.f32 v32, v27;
	v35 =	vand.u32 $0xFFFF0000, v35;
	v33 =	vand.u32 $0xFFFF0000, v33  }
0x267: {  	v57 =	vld.idx.msk [tilespmem:v61+s16+$0x0], $0xffff;
	v37 =	vadd.s32 $0x7FFF, v37;
	v49 =	vmul.f32 v35, v3;
	v50 =	vmul.f32 v33, v4  }
0x268: {  	v55 =	vld.idx.msk [tilespmem:v59+s16+$0x0], $0xffff;
	v37 =	vand.u32 $0xFFFF0000, v37;
	v52 =	vmul.f32 v35, v6;
	v53 =	vmul.f32 v33, v7  }
0x269: {  	v35 =	vmul.f32 v35, v9;
	v51 =	vmul.f32 v37, v5;
	v38 =	vadd.f32 v50, v49  }
0x26a: {  	v56 =	vmul.f32 v37, v8;
	v33 =	vmul.f32 v33, v10;
	v27 =	vadd.f32 v53, v52  }
0x26b: {  	v34 =	vmul.f32 v34, v42;
	v36 =	vadd.f32 $-1.000000000e+00, v36;
	v38 =	vadd.f32 v51, v38  }
0x26c: {  	v61 =	vmul.f32 v37, v11;
	v60 =	vadd.f32 v33, v35;
	v59 =	vadd.f32 v56, v27  }
0x26d: {  	v44 =	vadd.f32 v57, v55;
	v58 =	vadd.f32 $5.000000000e-01, v38  }
0x26e: {  	s21 =	sadd.s32 $0xFFFFFFD0, s19;
	v34 =	vnsel vm6, $0x0, v34;
	v33 =	vadd.f32 v61, v60;
	v63 =	vadd.f32 $5.000000000e-01, v59  }
0x26f: {  	(erf) = vrcp.f32 v26;
	v49 =	vmov s21;
	v27 =	vtrunc.f32 v58  }
0x270: {  	v48 =	vadd.f32 $5.000000000e-01, v33;
	v46 =	vtrunc.f32 v63;
	v62 =	vcvt.f32.s32 v27  }
0x271: {  	v27 =	vmul.f32 v36, v54;
	v36 =	vor.u32 $0x4, v28;
	v28 =	vshll.u32 v49, $0x3  }
0x272: {  	v37 =	vor.u32 $0x4, v29;
	v47 =	vcvt.f32.s32 v46;
	v29 =	vor.u32 v0, v28  }
0x273: {  	v51 =	vtrunc.f32 v48;
	v28 =	vor.u32 v1, v28;
	v45 =	vcvt.s32.f32 v62  }
0x274: {  	v52 =	vcvt.f32.s32 v51;
	v50 =	vcvt.s32.f32 v47;
	v53 =	vor.u32 $0x1, v29  }
0x275: {  	v39 =	vmul.f32 v44, v44;
	v57 =	vor.u32 $0x1, v28;
	vm7 =	vlt.f32 v58, v45  }
0x276: {  	v43 =	vcvt.s32.f32 v52;
	vm8 =	vlt.f32 v63, v50;
	v41 =	vsel vm7, $0x3F800000, v2  }
0x277: {  	v61 =	vor.u32 $0x2, v28;
	v55 =	vsel vm8, $0x3F800000, v2;
	v41 =	vsub.f32 v45, v41;
	v60 =	vld.idx.msk [tilespmem:v29+s16+$0x0], $0xffff  }
0x278: {  	vm9 =	vlt.f32 v48, v43;
	v58 =	vor.u32 $0x2, v29;
	v56 =	vsub.f32 v50, v55;
	v48 =	vld.idx.msk [tilespmem:v28+s16+$0x0], $0xffff  }
0x279: {  	v25 =	vadd.f32 v34, v25;
	v54 =	vpop (erf);
	v46 =	vor.u32 $0x3, v31;
	v35 =	vld.idx.msk [tilespmem:v53+s16+$0x0], $0xffff;
	v38 =	vsub.f32 v38, v41  }
0x27a: {  	v32 =	vmul.f32 v54, v39;
	v40 =	vld.idx.msk [tilespmem:v57+s16+$0x0], $0xffff;
	v39 =	vsub.f32 v59, v56;
	v59 =	vsel vm9, $0x3F800000, v2  }
0x27b: {  	v31 =	vor.u32 $0x4, v31;
	v41 =	vsub.f32 v43, v59;
	v62 =	vshrl.u32 v38, $0x10  }
0x27c: {  	v45 =	vmul.f32 v32, v32;
	v44 =	vld.idx.msk [tilespmem:v61+s16+$0x0], $0xffff;
	v63 =	vshrl.u32 v39, $0x10;
	v43 =	vand.u32 $0x1, v62  }
0x27d: {  	v34 =	vld.idx.msk [tilespmem:v58+s16+$0x0], $0xffff;
	v47 =	vand.u32 $0x1, v63;
	v33 =	vsub.f32 v33, v41;
	v41 =	vor.u32 $0x3, v30  }
0x27e: {  	v42 =	vsub.f32 v60, v48;
	v38 =	vadd.s32 v43, v38;
	v39 =	vadd.s32 v47, v39  }
0x27f: {  	v35 =	vsub.f32 v35, v40;
	v38 =	vadd.s32 $0x7FFF, v38;
	v39 =	vadd.s32 $0x7FFF, v39  }
0x280: {  	v50 =	vshrl.u32 v33, $0x10;
	v54 =	vshrl.u32 v42, $0x10;
	v38 =	vand.u32 $0xFFFF0000, v38  }
0x281: {  	v39 =	vand.u32 $0xFFFF0000, v39;
	v43 =	vand.u32 $0x1, v50;
	v55 =	vshrl.u32 v35, $0x10  }
0x282: {  	v34 =	vsub.f32 v34, v44;
	v33 =	vadd.s32 v43, v33;
	v51 =	vmul.f32 v38, v12  }
0x283: {  	v52 =	vmul.f32 v39, v13;
	v43 =	vand.u32 $0x1, v54;
	v47 =	vand.u32 $0x1, v55  }
0x284: {  	v60 =	vmul.f32 v38, v15;
	v33 =	vadd.s32 $0x7FFF, v33;
	v42 =	vadd.s32 v43, v42  }
0x285: {  	v35 =	vadd.s32 v47, v35;
	v57 =	vshrl.u32 v34, $0x10;
	v33 =	vand.u32 $0xFFFF0000, v33  }
0x286: {  	v53 =	vadd.f32 v52, v51;
	v42 =	vadd.s32 $0x7FFF, v42;
	v35 =	vadd.s32 $0x7FFF, v35  }
0x287: {  	v43 =	vand.u32 $0x1, v57;
	v56 =	vmul.f32 v33, v14;
	v42 =	vand.u32 $0xFFFF0000, v42  }
0x288: {  	v35 =	vand.u32 $0xFFFF0000, v35;
	v34 =	vadd.s32 v43, v34;
	v58 =	vmul.f32 v42, v3  }
0x289: {  	v34 =	vadd.s32 $0x7FFF, v34;
	v59 =	vmul.f32 v35, v4;
	v63 =	vmul.f32 v42, v6  }
0x28a: {  	v52 =	vmul.f32 v35, v7;
	v42 =	vmul.f32 v42, v9;
	v34 =	vand.u32 $0xFFFF0000, v34  }
0x28b: {  	v35 =	vmul.f32 v35, v10;
	v43 =	vadd.f32 v59, v58;
	v61 =	vmul.f32 v34, v5  }
0x28c: {  	v40 =	vadd.f32 v53, v56;
	v53 =	vmul.f32 v34, v8;
	v48 =	vadd.f32 v52, v63  }
0x28d: {  	v35 =	vadd.f32 v35, v42;
	v34 =	vmul.f32 v34, v11;
	v43 =	vadd.f32 v61, v43  }
0x28e: {  	v49 =	vmul.f32 v39, v16;
	v38 =	vmul.f32 v38, v18;
	v44 =	vadd.f32 v53, v48  }
0x28f: {  	v39 =	vmul.f32 v39, v19;
	v35 =	vadd.f32 v34, v35;
	v54 =	vadd.f32 $5.000000000e-01, v43  }
0x290: {  	v62 =	vadd.f32 v49, v60;
	v50 =	vmul.f32 v33, v17;
	v33 =	vmul.f32 v33, v20  }
0x291: {  	v58 =	vadd.f32 $5.000000000e-01, v44;
	v63 =	vadd.f32 $5.000000000e-01, v35;
	v56 =	vtrunc.f32 v54  }
0x292: {  	v38 =	vadd.f32 v39, v38;
	v59 =	vmul.f32 v40, v40;
	v57 =	vcvt.f32.s32 v56  }
0x293: {  	v55 =	vadd.f32 v62, v50;
	v62 =	vtrunc.f32 v58;
	v53 =	vtrunc.f32 v63  }
0x294: {  	v30 =	vor.u32 $0x4, v30;
	v34 =	vcvt.f32.s32 v62;
	v61 =	vcvt.s32.f32 v57  }
0x295: {  	s21 =	sadd.s32 $0xFFFFFFE0, s19;
	v33 =	vadd.f32 v38, v33;
	v60 =	vmul.f32 v55, v55;
	v39 =	vcvt.f32.s32 v53  }
0x296: {  	v37 =	vld.idx.msk [tilespmem:v37+s16+$0x0], $0xffff;
	v55 =	vcvt.s32.f32 v34;
	vm10 =	vlt.f32 v54, v61;
	v54 =	vmov s21  }
0x297: {  	v46 =	vld.idx.msk [tilespmem:v46+s16+$0x0], $0xffff;
	v50 =	vmul.f32 v33, v33;
	v39 =	vcvt.s32.f32 v39;
	v40 =	vshll.u32 v54, $0x3  }
0x298: {  	v51 =	vld.idx.msk [tilespmem:v31+s16+$0x0], $0xffff;
	v38 =	vadd.f32 v60, v59;
	vm11 =	vlt.f32 v58, v55;
	v34 =	vor.u32 v0, v40  }
0x299: {  	v59 =	vld.idx.msk [tilespmem:v41+s16+$0x0], $0xffff;
	vm12 =	vlt.f32 v63, v39;
	v56 =	vsel vm10, $0x3F800000, v2;
	v31 =	vor.u32 v1, v40  }
0x29a: {  	v36 =	vld.idx.msk [tilespmem:v36+s16+$0x0], $0xffff;
	v58 =	vsel vm11, $0x3F800000, v2;
	v62 =	vsel vm12, $0x3F800000, v2;
	v57 =	vor.u32 $0x1, v34  }
0x29b: {  	v33 =	vsub.f32 v61, v56;
	v60 =	vsub.f32 v55, v58;
	v61 =	vor.u32 $0x1, v31  }
0x29c: {  	v48 =	vld.idx.msk [tilespmem:v30+s16+$0x0], $0xffff;
	v30 =	vadd.f32 v38, v50;
	v39 =	vsub.f32 v39, v62;
	v63 =	vor.u32 $0x2, v34  }
0x29d: {  	v52 =	vor.u32 $0x2, v31;
	v43 =	vsub.f32 v43, v33;
	v41 =	vsub.f32 v44, v60;
	v44 =	vld.idx.msk [tilespmem:v34+s16+$0x0], $0xffff  }
0x29e: {  	v32 =	vmul.f32 v45, v32;
	v40 =	vadd.f32 v59, v46;
	v35 =	vsub.f32 v35, v39;
	v58 =	vld.idx.msk [tilespmem:v31+s16+$0x0], $0xffff  }
0x29f: {  	v33 =	vmul.f32 v37, v36;
	v56 =	vshrl.u32 v43, $0x10;
	v55 =	vld.idx.msk [tilespmem:v57+s16+$0x0], $0xffff;
	v57 =	vshrl.u32 v41, $0x10  }
0x2a0: {  	v59 =	vshrl.u32 v35, $0x10;
	v37 =	vand.u32 $0x1, v56;
	v42 =	vld.idx.msk [tilespmem:v61+s16+$0x0], $0xffff;
	v38 =	vand.u32 $0x1, v57  }
0x2a1: {  	v37 =	vadd.s32 v37, v43;
	v60 =	vld.idx.msk [tilespmem:v63+s16+$0x0], $0xffff;
	v38 =	vadd.s32 v38, v41;
	v41 =	vand.u32 $0x1, v59  }
0x2a2: {  	v61 =	vld.idx.msk [tilespmem:v52+s16+$0x0], $0xffff;
	v37 =	vadd.s32 $0x7FFF, v37;
	v38 =	vadd.s32 $0x7FFF, v38;
	v35 =	vadd.s32 v41, v35  }
0x2a3: {  	v37 =	vand.u32 $0xFFFF0000, v37;
	v38 =	vand.u32 $0xFFFF0000, v38;
	v35 =	vadd.s32 $0x7FFF, v35  }
0x2a4: {  	v62 =	vmul.f32 v37, v12;
	v63 =	vmul.f32 v38, v13;
	v47 =	vand.u32 $0xFFFF0000, v35  }
0x2a5: {  	v36 =	vsub.f32 v55, v42;
	v35 =	vmul.f32 v48, v51;
	v55 =	vmul.f32 v37, v15  }
0x2a6: {  	v39 =	vsub.f32 v44, v58;
	v56 =	vmul.f32 v38, v16;
	v37 =	vmul.f32 v37, v18  }
0x2a7: {  	v43 =	vsub.f32 v60, v61;
	v38 =	vmul.f32 v38, v19;
	v48 =	vmul.f32 v47, v14  }
0x2a8: {  	v44 =	vshrl.u32 v39, $0x10;
	v41 =	vadd.f32 v63, v62;
	v49 =	vshrl.u32 v36, $0x10  }
0x2a9: {  	v50 =	vand.u32 $0x1, v44;
	v52 =	vshrl.u32 v43, $0x10;
	v45 =	vadd.f32 v56, v55  }
0x2aa: {  	v37 =	vadd.f32 v38, v37;
	v51 =	vand.u32 $0x1, v49;
	v39 =	vadd.s32 v50, v39  }
0x2ab: {  	v42 =	vand.u32 $0x1, v52;
	v36 =	vadd.s32 v51, v36;
	v39 =	vadd.s32 $0x7FFF, v39  }
0x2ac: {  	v42 =	vadd.s32 v42, v43;
	v36 =	vadd.s32 $0x7FFF, v36;
	v39 =	vand.u32 $0xFFFF0000, v39  }
0x2ad: {  	v36 =	vand.u32 $0xFFFF0000, v36;
	v53 =	vmul.f32 v39, v3;
	v58 =	vmul.f32 v39, v6  }
0x2ae: {  	v42 =	vadd.s32 $0x7FFF, v42;
	v39 =	vmul.f32 v39, v9;
	v54 =	vmul.f32 v36, v4  }
0x2af: {  	v42 =	vand.u32 $0xFFFF0000, v42;
	v59 =	vmul.f32 v36, v7;
	v36 =	vmul.f32 v36, v10  }
0x2b0: {  	v57 =	vmul.f32 v42, v5;
	v61 =	vmul.f32 v42, v8;
	v43 =	vadd.f32 v54, v53  }
0x2b1: {  	v62 =	vmul.f32 v42, v11;
	v60 =	vadd.f32 v59, v58;
	v36 =	vadd.f32 v36, v39  }
0x2b2: {  	v52 =	vmul.f32 v47, v17;
	v41 =	vadd.f32 v41, v48;
	v43 =	vadd.f32 v57, v43  }
0x2b3: {  	v44 =	vadd.f32 v61, v60;
	v36 =	vadd.f32 v62, v36  }
0x2b4: {  	v45 =	vadd.f32 v45, v52;
	v63 =	vadd.f32 $5.000000000e-01, v43  }
0x2b5: {  	s21 =	sadd.s32 $0xFFFFFFF0, s19;
	v41 =	vmul.f32 v41, v41;
	v46 =	vadd.f32 $5.000000000e-01, v44;
	v55 =	vadd.f32 $5.000000000e-01, v36  }
0x2b6: {  	v53 =	vmul.f32 v47, v20;
	v58 =	vmov s21;
	v54 =	vtrunc.f32 v63  }
0x2b7: {  	v38 =	vshll.u32 v58, $0x3;
	v57 =	vtrunc.f32 v46;
	v60 =	vtrunc.f32 v55  }
0x2b8: {  	v47 =	vadd.f32 v37, v53;
	v39 =	vcvt.f32.s32 v54;
	v59 =	vcvt.f32.s32 v57  }
0x2b9: {  	v37 =	vor.u32 v0, v38;
	v38 =	vor.u32 v1, v38;
	v61 =	vcvt.f32.s32 v60  }
0x2ba: {  	v39 =	vcvt.s32.f32 v39;
	v62 =	vcvt.s32.f32 v59;
	v59 =	vor.u32 $0x2, v37  }
0x2bb: {  	v45 =	vmul.f32 v45, v45;
	v53 =	vor.u32 $0x2, v38;
	v50 =	vcvt.s32.f32 v61  }
0x2bc: {  	v57 =	vor.u32 $0x1, v38;
	vm13 =	vlt.f32 v63, v39;
	v63 =	vor.u32 $0x1, v37  }
0x2bd: {  	vm14 =	vlt.f32 v46, v62;
	vm15 =	vlt.f32 v55, v50;
	v56 =	vsel vm13, $0x3F800000, v2  }
0x2be: {  	v52 =	vld.idx.msk [tilespmem:v37+s16+$0x0], $0xffff;
	v58 =	vsel vm14, $0x3F800000, v2;
	v60 =	vsel vm15, $0x3F800000, v2;
	v39 =	vsub.f32 v39, v56  }
0x2bf: {  	v42 =	vsub.f32 v62, v58;
	v61 =	vsub.f32 v50, v60;
	v56 =	vld.idx.msk [tilespmem:v59+s16+$0x0], $0xffff  }
0x2c0: {  	v41 =	vadd.f32 v45, v41;
	v62 =	vmul.f32 v47, v47;
	v59 =	vld.idx.msk [tilespmem:v53+s16+$0x0], $0xffff;
	v39 =	vsub.f32 v43, v39  }
0x2c1: {  	v54 =	vmul.f32 v40, v40;
	v42 =	vsub.f32 v44, v42;
	v40 =	vsub.f32 v36, v61;
	v43 =	vld.idx.msk [tilespmem:v63+s16+$0x0], $0xffff  }
0x2c2: {  	v36 =	vadd.f32 v41, v62;
	v63 =	vld.idx.msk [tilespmem:v38+s16+$0x0], $0xffff  }
0x2c3: {  	v46 =	vld.idx.msk [tilespmem:v57+s16+$0x0], $0xffff;
	v50 =	vshrl.u32 v39, $0x10;
	v55 =	vshrl.u32 v42, $0x10;
	v58 =	vshrl.u32 v40, $0x10  }
0x2c4: {  	v51 =	vand.u32 $0x1, v50;
	v57 =	vand.u32 $0x1, v55;
	v60 =	vand.u32 $0x1, v58  }
0x2c5: {  	v39 =	vadd.s32 v51, v39;
	v41 =	vadd.s32 v57, v42;
	v40 =	vadd.s32 v60, v40  }
0x2c6: {  	v47 =	vsub.f32 v56, v59;
	v39 =	vadd.s32 $0x7FFF, v39;
	v41 =	vadd.s32 $0x7FFF, v41  }
0x2c7: {  	v40 =	vadd.s32 $0x7FFF, v40;
	v39 =	vand.u32 $0xFFFF0000, v39;
	v61 =	vsub.f32 v52, v63  }
0x2c8: {  	v43 =	vsub.f32 v43, v46;
	v41 =	vand.u32 $0xFFFF0000, v41;
	v44 =	vand.u32 $0xFFFF0000, v40  }
0x2c9: {  	v55 =	vshrl.u32 v47, $0x10;
	v40 =	vmul.f32 v39, v12;
	v63 =	vmul.f32 v41, v13  }
0x2ca: {  	v58 =	vmul.f32 v44, v14;
	v62 =	vshrl.u32 v61, $0x10;
	v46 =	vshrl.u32 v43, $0x10  }
0x2cb: {  	v59 =	vmul.f32 v39, v15;
	v45 =	vand.u32 $0x1, v62;
	v46 =	vand.u32 $0x1, v46  }
0x2cc: {  	v40 =	vadd.f32 v63, v40;
	v42 =	vadd.s32 v45, v61;
	v43 =	vadd.s32 v46, v43  }
0x2cd: {  	v45 =	vand.u32 $0x1, v55;
	v42 =	vadd.s32 $0x7FFF, v42;
	v43 =	vadd.s32 $0x7FFF, v43  }
0x2ce: {  	v45 =	vadd.s32 v45, v47;
	v42 =	vand.u32 $0xFFFF0000, v42;
	v43 =	vand.u32 $0xFFFF0000, v43  }
0x2cf: {  	v45 =	vadd.s32 $0x7FFF, v45;
	v56 =	vmul.f32 v42, v3;
	v57 =	vmul.f32 v43, v4  }
0x2d0: {  	v45 =	vand.u32 $0xFFFF0000, v45;
	v62 =	vmul.f32 v42, v6;
	v63 =	vmul.f32 v43, v7  }
0x2d1: {  	v60 =	vmul.f32 v41, v16;
	v47 =	vadd.f32 v40, v58;
	v61 =	vmul.f32 v45, v5  }
0x2d2: {  	v58 =	vmul.f32 v45, v8;
	v46 =	vadd.f32 v57, v56;
	v57 =	vadd.f32 v63, v62  }
0x2d3: {  	(erf) = vrcp.f32 v30;
	v50 =	vadd.f32 v60, v59;
	v56 =	vmul.f32 v44, v17  }
0x2d4: {  	(erf) = vrcp.f32 v36;
	v46 =	vadd.f32 v61, v46;
	v48 =	vadd.f32 v58, v57  }
0x2d5: {  	v60 =	vmov s19;
	v59 =	vmul.f32 v42, v9;
	v49 =	vadd.f32 v50, v56  }
0x2d6: {  	v63 =	vshll.u32 v60, $0x3;
	v51 =	vadd.f32 $5.000000000e-01, v46;
	v53 =	vadd.f32 $5.000000000e-01, v48  }
0x2d7: {  	v50 =	vmul.f32 v39, v18;
	v61 =	vmul.f32 v43, v10;
	v39 =	vor.u32 v0, v63  }
0x2d8: {  	v40 =	vor.u32 v1, v63;
	v62 =	vtrunc.f32 v51;
	v56 =	vtrunc.f32 v53  }
0x2d9: {  	v55 =	vor.u32 $0x1, v39;
	v43 =	vcvt.f32.s32 v62;
	v60 =	vcvt.f32.s32 v56  }
0x2da: {  	v45 =	vmul.f32 v45, v11;
	v42 =	vadd.f32 v61, v59;
	v56 =	vor.u32 $0x1, v40  }
0x2db: {  	v43 =	vcvt.s32.f32 v43;
	v58 =	vcvt.s32.f32 v60  }
0x2dc: {  	v52 =	vmul.f32 v41, v19;
	v42 =	vadd.f32 v45, v42;
	v45 =	vor.u32 $0x2, v39;
	v59 =	vld.idx.msk [tilespmem:v39+s16+$0x0], $0xffff  }
0x2dd: {  	v60 =	vor.u32 $0x2, v40;
	vm4 =	vlt.f32 v51, v43;
	v51 =	vpop (erf);
	vm5 =	vlt.f32 v53, v58;
	v53 =	vld.idx.msk [tilespmem:v40+s16+$0x0], $0xffff  }
0x2de: {  	v50 =	vadd.f32 v52, v50;
	v57 =	vsel vm4, $0x3F800000, v2;
	v41 =	vmul.f32 v51, v54;
	v51 =	vld.idx.msk [tilespmem:v55+s16+$0x0], $0xffff  }
0x2df: {  	v47 =	vmul.f32 v47, v47;
	v52 =	vadd.f32 $5.000000000e-01, v42;
	v54 =	vld.idx.msk [tilespmem:v56+s16+$0x0], $0xffff;
	v43 =	vsub.f32 v43, v57  }
0x2e0: {  	v44 =	vmul.f32 v44, v20;
	v49 =	vmul.f32 v49, v49;
	v61 =	vsel vm5, $0x3F800000, v2  }
0x2e1: {  	v62 =	vtrunc.f32 v52;
	v45 =	vld.idx.msk [tilespmem:v45+s16+$0x0], $0xffff;
	v43 =	vsub.f32 v46, v43;
	v46 =	vsub.f32 v58, v61  }
0x2e2: {  	v44 =	vadd.f32 v50, v44;
	v47 =	vadd.f32 v49, v47;
	v55 =	vcvt.f32.s32 v62;
	v56 =	vld.idx.msk [tilespmem:v60+s16+$0x0], $0xffff  }
0x2e3: {  	v61 =	vsub.f32 v59, v53;
	v63 =	vshrl.u32 v43, $0x10;
	v46 =	vsub.f32 v48, v46  }
0x2e4: {  	v48 =	vcvt.s32.f32 v55;
	v51 =	vsub.f32 v51, v54;
	v58 =	vand.u32 $0x1, v63  }
0x2e5: {  	v44 =	vmul.f32 v44, v44;
	v62 =	vshrl.u32 v61, $0x10;
	v43 =	vadd.s32 v58, v43  }
0x2e6: {  	v60 =	vshrl.u32 v46, $0x10;
	vm6 =	vlt.f32 v52, v48;
	v63 =	vshrl.u32 v51, $0x10  }
0x2e7: {  	v45 =	vsub.f32 v45, v56;
	v52 =	vand.u32 $0x1, v62;
	v43 =	vadd.s32 $0x7FFF, v43  }
0x2e8: {  	v49 =	vand.u32 $0x1, v60;
	v57 =	vsel vm6, $0x3F800000, v2;
	v53 =	vand.u32 $0x1, v63  }
0x2e9: {  	v50 =	vadd.s32 v52, v61;
	v51 =	vadd.s32 v53, v51;
	v58 =	vshrl.u32 v45, $0x10  }
0x2ea: {  	v50 =	vadd.s32 $0x7FFF, v50;
	v46 =	vadd.s32 v49, v46;
	v48 =	vsub.f32 v48, v57  }
0x2eb: {  	v43 =	vand.u32 $0xFFFF0000, v43;
	v51 =	vadd.s32 $0x7FFF, v51;
	v52 =	vand.u32 $0x1, v58  }
0x2ec: {  	v50 =	vand.u32 $0xFFFF0000, v50;
	v51 =	vand.u32 $0xFFFF0000, v51;
	v45 =	vadd.s32 v52, v45  }
0x2ed: {  	v59 =	vmul.f32 v50, v3;
	v45 =	vadd.s32 $0x7FFF, v45;
	v60 =	vmul.f32 v51, v4  }
0x2ee: {  	v42 =	vsub.f32 v42, v48;
	v63 =	vmul.f32 v50, v6;
	v45 =	vand.u32 $0xFFFF0000, v45  }
0x2ef: {  	v56 =	vmul.f32 v51, v7;
	v61 =	vadd.f32 v60, v59;
	v62 =	vmul.f32 v45, v5  }
0x2f0: {  	v46 =	vadd.s32 $0x7FFF, v46;
	v50 =	vmul.f32 v50, v9;
	v51 =	vmul.f32 v51, v10  }
0x2f1: {  	v57 =	vshrl.u32 v42, $0x10;
	v49 =	vadd.f32 v56, v63;
	v48 =	vadd.f32 v62, v61  }
0x2f2: {  	v58 =	vmul.f32 v45, v8;
	v53 =	vand.u32 $0x1, v57;
	v50 =	vadd.f32 v51, v50  }
0x2f3: {  	v45 =	vmul.f32 v45, v11;
	v42 =	vadd.s32 v53, v42;
	v54 =	vadd.f32 $5.000000000e-01, v48  }
0x2f4: {  	v46 =	vand.u32 $0xFFFF0000, v46;
	v49 =	vadd.f32 v58, v49;
	v42 =	vadd.s32 $0x7FFF, v42  }
0x2f5: {  	v45 =	vadd.f32 v45, v50;
	v61 =	vmul.f32 v43, v12;
	v59 =	vtrunc.f32 v54  }
0x2f6: {  	v62 =	vmul.f32 v46, v13;
	v55 =	vand.u32 $0xFFFF0000, v42;
	v60 =	vcvt.f32.s32 v59  }
0x2f7: {  	v53 =	vadd.f32 $5.000000000e-01, v49;
	v50 =	vadd.f32 $5.000000000e-01, v45;
	v52 =	vmul.f32 v55, v14  }
0x2f8: {  	v51 =	vadd.f32 v62, v61;
	v61 =	vmul.f32 v43, v15;
	v42 =	vcvt.s32.f32 v60  }
0x2f9: {  	vm10 =	vle.f32 v24, v21;
	v43 =	vmul.f32 v43, v18;
	v60 =	vtrunc.f32 v50  }
0x2fa: {  	v63 =	vtrunc.f32 v53;
	v56 =	vcvt.f32.s32 v60;
	vm7 =	vlt.f32 v54, v42  }
0x2fb: {  	v54 =	vcvt.f32.s32 v63;
	v63 =	vmul.f32 v46, v16;
	v62 =	vsel vm7, $0x3F800000, v2  }
0x2fc: {  	v46 =	vmul.f32 v46, v19;
	v60 =	vcvt.s32.f32 v56;
	v58 =	vsub.f32 v42, v62  }
0x2fd: {  	v54 =	vcvt.s32.f32 v54;
	v42 =	vadd.f32 v47, v44;
	v44 =	vadd.f32 v51, v52  }
0x2fe: {  	v51 =	vadd.f32 v63, v61;
	v63 =	vmul.f32 v55, v17;
	v43 =	vadd.f32 v46, v43  }
0x2ff: {  	v55 =	vmul.f32 v55, v20;
	vm9 =	vlt.f32 v50, v60;
	v48 =	vsub.f32 v48, v58  }
0x300: {  	vm8 =	vlt.f32 v53, v54;
	v62 =	vsel vm9, $0x3F800000, v2;
	v50 =	vadd.f32 v51, v63  }
0x301: {  	v43 =	vadd.f32 v43, v55;
	(erf) = vrcp.f32 v42;
	v53 =	vsel vm8, $0x3F800000, v2  }
0x302: {  	v44 =	vmul.f32 v44, v44;
	v47 =	vsub.f32 v60, v62;
	v61 =	vsub.f32 v54, v53  }
0x303: {  	v53 =	vor.u32 $0x3, v29;
	v29 =	vor.u32 $0x4, v29;
	v56 =	vshrl.u32 v48, $0x10  }
0x304: {  	v45 =	vsub.f32 v45, v47;
	v57 =	vand.u32 $0x1, v56;
	v49 =	vsub.f32 v49, v61  }
0x305: {  	v54 =	vor.u32 $0x3, v28;
	v28 =	vor.u32 $0x4, v28;
	v46 =	vadd.s32 v57, v48  }
0x306: {  	v59 =	vshrl.u32 v45, $0x10;
	v46 =	vadd.s32 $0x7FFF, v46;
	v58 =	vshrl.u32 v49, $0x10  }
0x307: {  	v48 =	vand.u32 $0x1, v59;
	v46 =	vand.u32 $0xFFFF0000, v46;
	v47 =	vand.u32 $0x1, v58  }
0x308: {  	v59 =	vor.u32 $0x3, v31;
	v45 =	vadd.s32 v48, v45;
	v47 =	vadd.s32 v47, v49  }
0x309: {  	v60 =	vmul.f32 v46, v12;
	v63 =	vmul.f32 v46, v15;
	v47 =	vadd.s32 $0x7FFF, v47  }
0x30a: {  	v46 =	vmul.f32 v46, v18;
	v45 =	vadd.s32 $0x7FFF, v45;
	v47 =	vand.u32 $0xFFFF0000, v47  }
0x30b: {  	v45 =	vand.u32 $0xFFFF0000, v45;
	v61 =	vmul.f32 v47, v13;
	v57 =	vmul.f32 v47, v16  }
0x30c: {  	v58 =	vor.u32 $0x3, v34;
	v62 =	vmul.f32 v45, v14;
	v47 =	vmul.f32 v47, v19  }
0x30d: {  	v53 =	vld.idx.msk [tilespmem:v53+s16+$0x0], $0xffff;
	v48 =	vadd.f32 v61, v60;
	v49 =	vadd.f32 v57, v63;
	v60 =	vmul.f32 v45, v17  }
0x30e: {  	v31 =	vor.u32 $0x4, v31;
	v34 =	vor.u32 $0x4, v34;
	v54 =	vld.idx.msk [tilespmem:v54+s16+$0x0], $0xffff;
	v46 =	vadd.f32 v47, v46  }
0x30f: {  	v29 =	vld.idx.msk [tilespmem:v29+s16+$0x0], $0xffff;
	v45 =	vmul.f32 v45, v20;
	v48 =	vadd.f32 v48, v62;
	v47 =	vadd.f32 v49, v60  }
0x310: {  	v50 =	vmul.f32 v50, v50;
	v28 =	vld.idx.msk [tilespmem:v28+s16+$0x0], $0xffff;
	v61 =	vor.u32 $0x3, v37;
	v63 =	vor.u32 $0x3, v38  }
0x311: {  	v55 =	vld.idx.msk [tilespmem:v59+s16+$0x0], $0xffff;
	v45 =	vadd.f32 v46, v45;
	v48 =	vmul.f32 v48, v48;
	v47 =	vmul.f32 v47, v47  }
0x312: {  	v43 =	vmul.f32 v43, v43;
	v44 =	vadd.f32 v50, v44;
	v57 =	vor.u32 $0x3, v39;
	v62 =	vld.idx.msk [tilespmem:v58+s16+$0x0], $0xffff  }
0x313: {  	v31 =	vld.idx.msk [tilespmem:v31+s16+$0x0], $0xffff;
	v58 =	vor.u32 $0x3, v40;
	v45 =	vmul.f32 v45, v45;
	v47 =	vadd.f32 v47, v48  }
0x314: {  	v27 =	vnsel vm10, $0x0, v27;
	v52 =	vmul.f32 v41, v41;
	v43 =	vadd.f32 v44, v43;
	v34 =	vld.idx.msk [tilespmem:v34+s16+$0x0], $0xffff  }
0x315: {  	v23 =	vadd.f32 v27, v23;
	v33 =	vmul.f32 v32, v33;
	v59 =	vld.idx.msk [tilespmem:v61+s16+$0x0], $0xffff;
	v44 =	vadd.f32 v47, v45  }
0x316: {  	v41 =	vmul.f32 v52, v41;
	(erf) = vrcp.f32 v43;
	v53 =	vadd.f32 v54, v53;
	v60 =	vld.idx.msk [tilespmem:v63+s16+$0x0], $0xffff  }
0x317: {  	v37 =	vor.u32 $0x4, v37;
	v61 =	vpop (erf);
	v50 =	vld.idx.msk [tilespmem:v57+s16+$0x0], $0xffff;
	v46 =	vadd.f32 v55, v62;
	(erf) = vrcp.f32 v44  }
0x318: {  	v32 =	vadd.f32 $-1.000000000e+00, v32;
	v38 =	vor.u32 $0x4, v38;
	v24 =	vmul.f32 v53, v53;
	v48 =	vld.idx.msk [tilespmem:v58+s16+$0x0], $0xffff  }
0x319: {  	v35 =	vmul.f32 v41, v35;
	v41 =	vadd.f32 $-1.000000000e+00, v41;
	v46 =	vmul.f32 v46, v46  }
0x31a: {  	v32 =	vmul.f32 v32, v33;
	v39 =	vor.u32 $0x4, v39;
	v24 =	vmul.f32 v61, v24;
	v62 =	vpop (erf)  }
0x31b: {  	v35 =	vmul.f32 v41, v35;
	v40 =	vor.u32 $0x4, v40;
	v51 =	vmul.f32 v62, v46  }
0x31c: {  	v28 =	vmul.f32 v28, v29;
	v37 =	vld.idx.msk [tilespmem:v37+s16+$0x0], $0xffff;
	v63 =	vmul.f32 v24, v24;
	v52 =	vadd.f32 v60, v59  }
0x31d: {  	v27 =	vmul.f32 v31, v34;
	v55 =	vld.idx.msk [tilespmem:v38+s16+$0x0], $0xffff;
	v53 =	vadd.f32 v48, v50;
	v54 =	vmul.f32 v51, v51  }
0x31e: {  	v24 =	vmul.f32 v63, v24;
	v29 =	vmul.f32 v52, v52  }
0x31f: {  	vm11 =	vle.f32 v26, v21;
	v57 =	vld.idx.msk [tilespmem:v39+s16+$0x0], $0xffff;
	v56 =	vpop (erf);
	v33 =	vmul.f32 v53, v53;
	v26 =	vmul.f32 v54, v51  }
0x320: {  	vm12 =	vle.f32 v30, v21;
	v58 =	vld.idx.msk [tilespmem:v40+s16+$0x0], $0xffff;
	v28 =	vmul.f32 v24, v28;
	v29 =	vmul.f32 v56, v29;
	v59 =	vpop (erf)  }
0x321: {  	v27 =	vmul.f32 v26, v27;
	v26 =	vadd.f32 $-1.000000000e+00, v26;
	v33 =	vmul.f32 v59, v33  }
0x322: {  	v24 =	vadd.f32 $-1.000000000e+00, v24;
	v61 =	vmul.f32 v55, v37;
	v60 =	vmul.f32 v29, v29  }
0x323: {  	v32 =	vnsel vm11, $0x0, v32;
	v26 =	vmul.f32 v26, v27;
	v27 =	vmul.f32 v33, v33  }
0x324: {  	v25 =	vadd.f32 v32, v25;
	v24 =	vmul.f32 v24, v28;
	v28 =	vmul.f32 v60, v29  }
0x325: {  	vm1 =	vle.f32 v36, v21;
	v62 =	vmul.f32 v58, v57;
	v27 =	vmul.f32 v27, v33  }
0x326: {  	v63 =	vnsel vm12, $0x0, v35;
	v24 =	vnsel vm1, $0x0, v24;
	v30 =	vmul.f32 v28, v61  }
0x327: {  	p1 =	sne.s32 s19, $0xF70;
	v28 =	vadd.f32 $-1.000000000e+00, v28;
	v29 =	vmul.f32 v27, v62;
	v27 =	vadd.f32 $-1.000000000e+00, v27  }
.Ltmp1:
0x328: {  	vm13 =	vle.f32 v42, v21;
	v23 =	vadd.f32 v63, v23;
	v24 =	vadd.f32 v24, v25;
	(pc) =	sbr.rel @p1 .LBB2_5-.Ltmp1, $4  }
0x329: {  	v25 =	vnsel vm13, $0x0, v26;
	v26 =	vmul.f32 v28, v30;
	v27 =	vmul.f32 v27, v29  }
0x32a: {  	vm14 =	vle.f32 v43, v21;
	vm15 =	vle.f32 v44, v21;
	v23 =	vadd.f32 v25, v23  }
0x32b: {  	v25 =	vnsel vm14, $0x0, v26;
	v26 =	vnsel vm15, $0x0, v27  }
0x32c: {  	s19 =	sadd.s32 $0x100, s19;
	v25 =	vadd.f32 v25, v24;
	v23 =	vadd.f32 v26, v23  }
0x32d: {  	_ = 	snop  }
0x32e: {  	v23 =	vadd.f32 v23, v25  }
0x32f: {  	p1 =	slt.u32 s18, s8;
	s17 =	sadd.s32 $0x1, s17  }
0x330: {  	v23 =	vpsel !p1, $0x0, v23;
	p1 =	sne.s32 s17, $0x62  }
.Ltmp2:
0x331: {  	_ = 	snop;
	(pc) =	sbr.rel @p1 .LBB2_2-.Ltmp2, $2  }
0x332: {  	_ =	sdelay $0x2  }
0x333: {  	v22 =	vadd.f32 v23, v22  }
0x334: {  	_ = 	snop  }
0x335: {  	[tilespmem:$0x9020] =	vst v22  }
0x336: {  	[spmem:s9] =	stream.linear.scatter [tilespmem:s0], [sflag:$0x5], $0x10, $0x38;
	[tilespmem:$0x9140] =	vst v63  }
0x337: {  	_ =	swait.ge [sflag:s13], $0x10  }
0x338: {  	[sflag:s13] =	ssyncset.done $0x0  }
0x339: {  	[sflag:s13] =	ssyncadd.s32 $0xFFFFFFF0  }
0x33a: {  	s17 =	simm.s32 @!p0 $0x9040;
	[bflag:$0x0] =	sbarrier.arrive $0xFFFF  }
0x33b: {  	[tilespmem:s17], [sflag:$0x5] =	stream.linear.gather @!p0 [spmem:s1], $0x100, $0x38;
	[tilespmem:$0x9140] =	vst v63  }
0x33c: {  	s17 =	simm.s32 @!p0 $0x5  }
0x33d: {  	_ =	swait.ge @!p0 [sflag:s17], $0x100  }
0x33e: {  	[sflag:s17] =	ssyncset.done @!p0 $0x0  }
0x33f: {  	[sflag:s17] =	ssyncadd.s32 @!p0 $0xFFFFFF00  }
0x340: {  	v3 =	vld @!p0 [tilespmem:$0x9040]  }
0x341: {  	v4 =	vld @!p0 [tilespmem:$0x9050];
	_ =	sdelay $0x1  }
0x342: {  	v5 =	vld @!p0 [tilespmem:$0x9060];
	_ =	sdelay $0x1  }
0x343: {  	v6 =	vld @!p0 [tilespmem:$0x9070]  }
0x344: {  	v3 =	vadd.f32 @!p0 v4, v3  }
0x345: {  	v4 =	vld @!p0 [tilespmem:$0x9080]  }
0x346: {  	v3 =	vadd.f32 @!p0 v5, v3  }
0x347: {  	v5 =	vld @!p0 [tilespmem:$0x9090]  }
0x348: {  	v3 =	vadd.f32 @!p0 v6, v3  }
0x349: {  	v6 =	vld @!p0 [tilespmem:$0x90A0]  }
0x34a: {  	v3 =	vadd.f32 @!p0 v4, v3  }
0x34b: {  	v4 =	vld @!p0 [tilespmem:$0x90B0]  }
0x34c: {  	v3 =	vadd.f32 @!p0 v5, v3  }
0x34d: {  	v5 =	vld @!p0 [tilespmem:$0x90C0]  }
0x34e: {  	v3 =	vadd.f32 @!p0 v6, v3  }
0x34f: {  	v6 =	vld @!p0 [tilespmem:$0x90D0]  }
0x350: {  	v3 =	vadd.f32 @!p0 v4, v3  }
0x351: {  	v4 =	vld @!p0 [tilespmem:$0x90E0]  }
0x352: {  	v3 =	vadd.f32 @!p0 v5, v3  }
0x353: {  	v5 =	vld @!p0 [tilespmem:$0x90F0]  }
0x354: {  	v3 =	vadd.f32 @!p0 v6, v3  }
0x355: {  	v6 =	vld @!p0 [tilespmem:$0x9100]  }
0x356: {  	v3 =	vadd.f32 @!p0 v4, v3  }
0x357: {  	v4 =	vld @!p0 [tilespmem:$0x9110]  }
0x358: {  	v3 =	vadd.f32 @!p0 v5, v3  }
0x359: {  	v5 =	vld @!p0 [tilespmem:$0x9120]  }
0x35a: {  	v3 =	vadd.f32 @!p0 v6, v3  }
0x35b: {  	v6 =	vld @!p0 [tilespmem:$0x9130]  }
0x35c: {  	v3 =	vadd.f32 @!p0 v4, v3;
	_ =	sdelay $0x1  }
0x35d: {  	v3 =	vadd.f32 @!p0 v5, v3;
	_ =	sdelay $0x1  }
0x35e: {  	v3 =	vadd.f32 @!p0 v6, v3;
	_ =	sdelay $0x1  }
0x35f: {  	(xrf2) =	vadd.scan.msk.f32 @!p0 $0xffff, v3;
	_ =	sdelay $0x9  }
0x360: {  	v3, _, _ =	vpop @!p0 (xrf2)  }
0x361: {  	v3 =	vbroadcast @!p0 v3, $0xF  }
0x362: {  	vm0 =	vmmov @!p0 $0x1;
	s12 =	sadd.s32 $0x1, s12  }
0x363: {  	p1 =	sne.s32 s12, s11;
	v3 =	vnsel @!p0 vm0, $0x0, v3  }
.Ltmp3:
0x364: {  	s18 =	simm.s32 @!p0 $0x0;
	s19 =	simm.s32 @!p0 $0x9020;
	[tilespmem:$0x9020] =	vst @!p0 v3;
	(pc) =	sbr.rel @p1 .LBB2_1-.Ltmp3, $4  }
0x365: {  	[hbm4b:s10+s18] =	stream.linear.scatter @!p0 [tilespmem:s19], [sflag:$0x5], $0x8, $0x38;
	[tilespmem:$0x9140] =	vst v63  }
0x366: {  	_ =	swait.ge @!p0 [sflag:s17], $0x8  }
0x367: {  	[sflag:s17] =	ssyncset.done @!p0 $0x0  }
0x368: {  	[sflag:s17] =	ssyncadd.s32 @!p0 $0xFFFFFFF8  }
0x369: {  	_ =	sfence.sel $0x180000  }
0x36a: {  	[bflag:$0x0] =	sbarrier.arrive $0xFFFF  }
0x36b: {  	_ =	strace $0x90000047  }
0x36c: {  	[bflag:$0x2] =	sbarrier.arrive $0xFFFF  }
0x36d: {  	s0 =	rddreg [dreg:$0x3]  }
0x36e: {  	s0 =	sadd.s32 @!p0 $0x100000, s0  }
0x36f: {  	[sflag:s0] =	ssyncadd.tile.s32 @!p0 $0x1;
	_ =	shalt  }
.Lfunc_end2:
_tile_overlayer_lowered:
.L_overlay_start_2:
0x370: {  	(tag) =	ssettag $0x2  }
0x371: {  	s0 =	rddreg [dreg:$0x0];
	s2 =	stileid.u32  }
0x372: {  	s1 =	rddreg [dreg:$0x1];
	p0 =	sne.s32 s2, $0x0  }
0x373: {  	s3 =	rddreg [dreg:$0x2];
	[bflag:$0x3] =	sbarrier.arrive $0xFFFF;
	s2 =	simm.s32 @!p0 $0x1C05  }
0x374: {  	[timem:s3], [sflag:s2] =	dma.local @!p0 [hbm:s0], s1  }
0x375: {  	s0 =	simm.s32 @!p0 $0x5  }
0x376: {  	_ =	swait.ge @!p0 [sflag:s0], s1  }
0x377: {  	s1 =	ssub.s32 @!p0 $0x0, s1;
	[sflag:s0] =	ssyncset.done @!p0 $0x0  }
0x378: {  	[sflag:s0] =	ssyncadd.s32 @!p0 s1  }
0x379: {  	[bflag:$0x3] =	sbarrier.arrive $0xFFFF  }
0x37a: {  	_ =	shalt  }

</sc_bundles>
